<compile_context>
chip_gen: v7x
topology: tpu7x:2x2x1
jax: 0.10.2.dev20260603
libtpu: 0.0.44.dev20260713+nightly
codegen_flags: <defaults>
</compile_context>

<pallas_src>
import functools

import jax
import jax.numpy as jnp
from jax import lax
from jax.experimental import pallas as pl
from jax.experimental.pallas import tpu as pltpu
from jax.experimental.pallas import tpu_sc as plsc

N = 10000
M = 128
E = 320000
NLAB = 2048
NC, NS = 2, 16
NW = NC * NS
C = 512
NBUF = 4
K = NBUF * (-(-E // (NW * C * NBUF)))
EPAD = NW * K * C
NPAD = 10240
DUMMY = 10000
RPT = NPAD // NS
W = 16
R8 = NPAD // 8
KL = NLAB // NW

_mesh = plsc.VectorSubcoreMesh(
    core_axis_name="c", subcore_axis_name="s", num_cores=NC, num_subcores=NS)



@functools.partial(
    pl.kernel,
    out_type=jax.ShapeDtypeStruct((NC, NPAD, W), jnp.float32),
    mesh=_mesh,
    scratch_types=[
        pltpu.VMEM((K, C), jnp.int32),
        pltpu.VMEM((K, C), jnp.int32),
        pltpu.VMEM((NBUF, C, W), jnp.float32),
        pltpu.VMEM_SHARED((NPAD, W), jnp.float32),
        pltpu.VMEM_SHARED((NPAD, W), jnp.float32),
        [pltpu.SemaphoreType.DMA] * NBUF,
    ],
    compiler_params=pltpu.CompilerParams(use_tc_tiling_on_sc=False),
)
def _segsum_sc(p_hbm, srcs_hbm, dsts_hbm, zeros_hbm, out_hbm,
               src_v, dst_v, rows_v, agg_sh, p_sh, sems):
    cid = lax.axis_index("c")
    sid = lax.axis_index("s")
    wid = sid * NC + cid
    pltpu.sync_copy(srcs_hbm.at[wid], src_v)
    pltpu.sync_copy(dsts_hbm.at[wid], dst_v)
    pltpu.sync_copy(p_hbm.at[pl.ds(sid * RPT, RPT)],
                    p_sh.at[pl.ds(sid * RPT, RPT)])
    pltpu.sync_copy(zeros_hbm.at[pl.ds(sid * RPT, RPT)],
                    agg_sh.at[pl.ds(sid * RPT, RPT)])
    plsc.subcore_barrier()
    for b in range(NBUF):
        pltpu.async_copy(p_sh.at[src_v.at[b]], rows_v.at[b], sems[b])

    def body(g, carry):
        for b in range(NBUF):
            k = g * NBUF + b
            pltpu.make_async_copy(
                p_sh.at[src_v.at[k]], rows_v.at[b], sems[b]).wait()
            pltpu.sync_copy(rows_v.at[b], agg_sh.at[dst_v.at[k]], add=True)

            @pl.when(k + NBUF < K)
            def _():
                pltpu.async_copy(
                    p_sh.at[src_v.at[k + NBUF]], rows_v.at[b], sems[b])
        return carry

    lax.fori_loop(0, K // NBUF, body, 0)
    plsc.subcore_barrier()
    pltpu.sync_copy(agg_sh.at[pl.ds(sid * RPT, RPT)],
                    out_hbm.at[cid, pl.ds(sid * RPT, RPT)])



@functools.partial(
    pl.kernel,
    out_type=jax.ShapeDtypeStruct((NLAB, W), jnp.float32),
    mesh=_mesh,
    scratch_types=[
        pltpu.VMEM((1, KL), jnp.int32),
        pltpu.VMEM((KL, W), jnp.float32),
        pltpu.SemaphoreType.DMA,
    ],
    compiler_params=pltpu.CompilerParams(use_tc_tiling_on_sc=False),
)
def _label_gather_sc(h2_hbm, lbl_hbm, out_hbm, idx_v, rows_v, sem):
    cid = lax.axis_index("c")
    sid = lax.axis_index("s")
    wid = sid * NC + cid
    pltpu.sync_copy(lbl_hbm.at[wid], idx_v)
    pltpu.async_copy(h2_hbm.at[idx_v.at[0]], rows_v, sem).wait()
    pltpu.sync_copy(rows_v, out_hbm.at[pl.ds(wid * KL, KL)])



def _dot(a, b):
    return jnp.dot(a, b, preferred_element_type=jnp.float32)


def _slotmap(x, w):
    win = w.shape[0]
    return jnp.concatenate(
        [_dot(x[:, a * win:(a + 1) * win], w) for a in range(8)], axis=1)


def _tc0_body(score_ref, wa_ref, wb_ref, sa_ref, p_ref):
    s = score_ref[:]
    sa_ref[:] = _slotmap(s, wa_ref[:])
    p_ref[:] = _slotmap(s, wb_ref[:])


def _tc_mid_body(sa_ref, agg_ref, b1_ref, w2_ref, b2_ref, w3_ref, b3_ref,
                 wa_ref, wb_ref, sa_o, p_o):
    h = jnp.maximum(sa_ref[:] + agg_ref[0] + agg_ref[1] + b1_ref[:], 0.0)
    h = jnp.maximum(_slotmap(h, w2_ref[:]) + b2_ref[:], 0.0)
    s = _slotmap(h, w3_ref[:]) + b3_ref[:]
    sa_o[:] = _slotmap(s, wa_ref[:])
    p_o[:] = _slotmap(s, wb_ref[:])


def _tc_last_body(sa_ref, agg_ref, b1_ref, w2_ref, b2_ref, h2_o):
    h = jnp.maximum(sa_ref[:] + agg_ref[0] + agg_ref[1] + b1_ref[:], 0.0)
    h2_o[:] = jnp.maximum(_slotmap(h, w2_ref[:]) + b2_ref[:], 0.0)


def _tc_fin_body(hl_ref, w3_ref, b3_ref, g1_ref, g1b_ref, g2_ref, g2b_ref,
                 g3_ref, g3b_ref, out_ref):
    s = _slotmap(hl_ref[:], w3_ref[:]) + b3_ref[:]
    h = jnp.maximum(_slotmap(s, g1_ref[:]) + g1b_ref[:], 0.0)
    h = jnp.maximum(_slotmap(h, g2_ref[:]) + g2b_ref[:], 0.0)
    lg = _slotmap(h, g3_ref[:]) + g3b_ref[:]
    out_ref[:] = 1.0 / (1.0 + jnp.exp(-lg))


def _f32(shape):
    return jax.ShapeDtypeStruct(shape, jnp.float32)


_tc0 = pl.pallas_call(_tc0_body, out_shape=(_f32((R8, M)), _f32((R8, M))))
_tc_mid = pl.pallas_call(_tc_mid_body, out_shape=(_f32((R8, M)), _f32((R8, M))))
_tc_last = pl.pallas_call(_tc_last_body, out_shape=_f32((R8, M)))
_tc_fin = pl.pallas_call(_tc_fin_body, out_shape=_f32((NLAB // 8, 8)))


def _pad16(w):
    return jnp.pad(w, ((0, W - w.shape[0]), (0, W - w.shape[1])))


def _tile8(v):
    return jnp.tile(jnp.pad(v, (0, W - v.shape[0])), 8).reshape(1, 8 * W)


def kernel(score, edges, label_idx, W1, b1, W2, b2, W3, b3,
           G1, g1, G2, g2, G3, g3):
    src = edges[0].astype(jnp.int32)
    dst = edges[1].astype(jnp.int32)
    srcs = jnp.concatenate(
        [src, jnp.zeros((EPAD - E,), jnp.int32)]).reshape(NW, K, C)
    dsts = jnp.concatenate(
        [dst, jnp.full((EPAD - E,), DUMMY, jnp.int32)]).reshape(NW, K, C)
    lbl = label_idx.astype(jnp.int32).reshape(NW, 1, KL)
    zblk = jnp.zeros((NPAD, W), jnp.float32)
    score8 = jnp.pad(score, ((0, NPAD - N), (0, 0))).reshape(R8, 8 * M)

    W1a, W1b = W1[:M], W1[M:]
    wa = jnp.pad(W1a, ((0, 0), (0, W - 7)))
    wb = jnp.pad(W1b, ((0, 0), (0, W - 7)))
    w2p = _pad16(W2)
    w3p = jnp.pad(W3, ((0, W - 7), (0, 0)))
    g1p = jnp.pad(G1, ((0, 0), (0, W - 9)))
    g2p = _pad16(G2)
    g3p = jnp.pad(G3, ((0, W - 9), (0, 0)))
    b1t, b2t = _tile8(b1), _tile8(b2)
    b3t = jnp.tile(b3, 8).reshape(1, 8 * M)
    g1t, g2t = _tile8(g1), _tile8(g2)
    g3t = jnp.tile(g3, 8).reshape(1, 8)

    sa, p = _tc0(score8, wa, wb)
    h2 = None
    for t in range(3):
        agg = _segsum_sc(p.reshape(NPAD, W), srcs, dsts, zblk)
        agg8 = agg.reshape(NC, R8, 8 * W)
        if t < 2:
            sa, p = _tc_mid(sa, agg8, b1t, w2p, b2t, w3p, b3t, wa, wb)
        else:
            h2 = _tc_last(sa, agg8, b1t, w2p, b2t)

    hl = _label_gather_sc(h2.reshape(NPAD, W), lbl)
    pred = _tc_fin(hl.reshape(NLAB // 8, 8 * W),
                   w3p, b3t, g1p, g1t, g2p, g2t, g3p, g3t)
    return pred.reshape(NLAB, 1)

# --- scband reference (transcript-rebuilt; emitter-appended) ---
"""Pipeline reference for scband-match-net-21646635172526 (READ-ONLY COPY).

The authoritative reference and input builder live on the scoring server;
editing this copy changes nothing except your own understanding.
"""

import jax, jax.numpy as jnp
import numpy as np

DEPTH_T = 3
N_NODES = 10000
M_DIM = 128
WIDTH_RP = 7
WIDTH_G = 9
N_EDGES = 320000
N_LABELS = 2048


def setup_inputs(seed: int = 0) -> dict:
    key = jax.random.key(seed)
    ks = [jax.random.fold_in(key, i) for i in range(20)]
    score = jax.random.normal(ks[0], (N_NODES, M_DIM), dtype=jnp.float32)
    edges = jax.random.randint(ks[1], (2, N_EDGES), 0, N_NODES, dtype=jnp.int64)
    label_idx = jax.random.randint(ks[2], (N_LABELS,), 0, N_NODES, dtype=jnp.int64)
    # RP_layers params: MLP over [self || aggregated-neighbor] scores, depth_RP=3, width_RP=7
    W1 = jax.random.normal(ks[3], (2 * M_DIM, WIDTH_RP), dtype=jnp.float32) * (1.0 / np.sqrt(2 * M_DIM))
    b1 = jnp.zeros((WIDTH_RP,), dtype=jnp.float32)
    W2 = jax.random.normal(ks[4], (WIDTH_RP, WIDTH_RP), dtype=jnp.float32) * (1.0 / np.sqrt(WIDTH_RP))
    b2 = jnp.zeros((WIDTH_RP,), dtype=jnp.float32)
    W3 = jax.random.normal(ks[5], (WIDTH_RP, M_DIM), dtype=jnp.float32) * (1.0 / np.sqrt(WIDTH_RP))
    b3 = jnp.zeros((M_DIM,), dtype=jnp.float32)
    # G_layers params: readout MLP at label_idx, depth_G=3, width_G=9 -> scalar logit
    G1 = jax.random.normal(ks[6], (M_DIM, WIDTH_G), dtype=jnp.float32) * (1.0 / np.sqrt(M_DIM))
    g1 = jnp.zeros((WIDTH_G,), dtype=jnp.float32)
    G2 = jax.random.normal(ks[7], (WIDTH_G, WIDTH_G), dtype=jnp.float32) * (1.0 / np.sqrt(WIDTH_G))
    g2 = jnp.zeros((WIDTH_G,), dtype=jnp.float32)
    G3 = jax.random.normal(ks[8], (WIDTH_G, 1), dtype=jnp.float32) * (1.0 / np.sqrt(WIDTH_G))
    g3 = jnp.zeros((1,), dtype=jnp.float32)
    return {"score": score, "edges": edges, "label_idx": label_idx,
            "W1": W1, "b1": b1, "W2": W2, "b2": b2, "W3": W3, "b3": b3,
            "G1": G1, "g1": g1, "G2": G2, "g2": g2, "G3": G3, "g3": g3}


def _rp_layer(score, edges, W1, b1, W2, b2, W3, b3):
    src = edges[0]
    dst = edges[1]
    msgs = jnp.take(score, src, axis=0)                      # gather  [E, M]
    agg = jax.ops.segment_sum(msgs, dst, num_segments=score.shape[0])  # scatter-add [N, M]
    h = jnp.concatenate([score, agg], axis=-1)               # [N, 2M]
    h = jax.nn.relu(h @ W1 + b1)
    h = jax.nn.relu(h @ W2 + b2)
    return h @ W3 + b3                                       # [N, M]


def reference(score, edges, label_idx, W1, b1, W2, b2, W3, b3, G1, g1, G2, g2, G3, g3):
    for _ in range(DEPTH_T):
        score = _rp_layer(score, edges, W1, b1, W2, b2, W3, b3)
    h = jnp.take(score, label_idx, axis=0)                   # gather [L, M]
    h = jax.nn.relu(h @ G1 + g1)
    h = jax.nn.relu(h @ G2 + g2)
    pred_logit = h @ G3 + g3                                 # [L, 1]
    pred = jax.nn.sigmoid(pred_logit)
    return pred

if __name__ == "__main__":
    import jax
    _d = setup_inputs()
    print(jax.jit(kernel)(*tuple(_d.values())))

</pallas_src>

<mosaic_0001>
#map = affine_map<(d0, d1) -> (0, 0)>
#map1 = affine_map<(d0, d1) -> (0, 0, 0)>
module attributes {stable_mosaic.version = 14 : i64} {
  func.func @_label_gather_sc(%arg0: i32, %arg1: i32, %arg2: memref<10240x16xf32, #tpu.memory_space<hbm>>, %arg3: memref<32x1x64xi32, #tpu.memory_space<hbm>>, %arg4: memref<2048x16xf32, #tpu.memory_space<hbm>>, %arg5: memref<1x64xi32, #tpu.memory_space<vmem>>, %arg6: memref<64x16xf32, #tpu.memory_space<vmem>>, %arg7: memref<!tpu.dma_semaphore, #tpu.memory_space<semaphore_mem>>) attributes {dimension_semantics = [#tpu.dimension_semantics<core_parallel>, #tpu.dimension_semantics<subcore_parallel>], iteration_bounds = array<i64: 2, 16>, scalar_prefetch = 0 : i64, scratch_operands = 3 : i64, tpu.core_type = #tpu.core_type<sc_vector_subcore>, window_params = [{transform_indices = #map}, {transform_indices = #map1}, {transform_indices = #map}]} {
    %mul3A = arith.constant 2 : i32
    %mul3A_0 = arith.muli %arg1, %mul3A : i32
    %add3A = arith.addi %mul3A_0, %arg0 : i32
    "tpu.region"() ({
      %run_scoped3A = tpu.sem_alloc : memref<!tpu.dma_semaphore, #tpu.memory_space<semaphore_mem>>
      %dma_start3A_15 = arith.constant 0 : i32
      %dma_start3A_16 = arith.constant 0 : i32
      %dma_start3A_17 = tpu.memref_slice %arg3[%add3A, %dma_start3A_15, %dma_start3A_16] : memref<32x1x64xi32, #tpu.memory_space<hbm>> -> memref<1x1x64xi32, #tpu.memory_space<hbm>>
      %dma_start3A_18 = tpu.memref_squeeze %dma_start3A_17 : memref<1x1x64xi32, #tpu.memory_space<hbm>> -> memref<1x64xi32, #tpu.memory_space<hbm>>
      %dma_start3A_19 = arith.constant 0 : i32
      %dma_start3A_20 = arith.constant 0 : i32
      %dma_start3A_21 = tpu.memref_slice %arg3[%add3A, %dma_start3A_19, %dma_start3A_20] : memref<32x1x64xi32, #tpu.memory_space<hbm>> -> memref<1x1x64xi32, #tpu.memory_space<hbm>>
      %dma_start3A_22 = tpu.memref_squeeze %dma_start3A_21 : memref<1x1x64xi32, #tpu.memory_space<hbm>> -> memref<1x64xi32, #tpu.memory_space<hbm>>
      tpu.enqueue_dma source(%dma_start3A_22 : memref<1x64xi32, #tpu.memory_space<hbm>>) target(%arg5 : memref<1x64xi32, #tpu.memory_space<vmem>>) target_semaphore(%run_scoped3A : memref<!tpu.dma_semaphore, #tpu.memory_space<semaphore_mem>>)
      %dma_wait3A_23 = arith.constant 0 : i32
      %dma_wait3A_24 = arith.constant 0 : i32
      %dma_wait3A_25 = tpu.memref_slice %arg3[%add3A, %dma_wait3A_23, %dma_wait3A_24] : memref<32x1x64xi32, #tpu.memory_space<hbm>> -> memref<1x1x64xi32, #tpu.memory_space<hbm>>
      %dma_wait3A_26 = tpu.memref_squeeze %dma_wait3A_25 : memref<1x1x64xi32, #tpu.memory_space<hbm>> -> memref<1x64xi32, #tpu.memory_space<hbm>>
      %dma_wait3A_27 = arith.constant 0 : i32
      %dma_wait3A_28 = arith.constant 0 : i32
      %dma_wait3A_29 = tpu.memref_slice %arg3[%add3A, %dma_wait3A_27, %dma_wait3A_28] : memref<32x1x64xi32, #tpu.memory_space<hbm>> -> memref<1x1x64xi32, #tpu.memory_space<hbm>>
      %dma_wait3A_30 = tpu.memref_squeeze %dma_wait3A_29 : memref<1x1x64xi32, #tpu.memory_space<hbm>> -> memref<1x64xi32, #tpu.memory_space<hbm>>
      tpu.wait_dma2 semaphore(%run_scoped3A : memref<!tpu.dma_semaphore, #tpu.memory_space<semaphore_mem>>) src(%dma_wait3A_30 : memref<1x64xi32, #tpu.memory_space<hbm>>) dst(%arg5 : memref<1x64xi32, #tpu.memory_space<vmem>>)
      tpu.yield
    }) : () -> ()
    %dma_start3A = arith.constant 0 : i32
    %dma_start3A_1 = arith.constant 0 : i32
    %dma_start3A_2 = tpu.memref_slice %arg5[%dma_start3A, %dma_start3A_1] : memref<1x64xi32, #tpu.memory_space<vmem>> -> memref<1x64xi32, #tpu.memory_space<vmem>>
    %dma_start3A_3 = tpu.memref_squeeze %dma_start3A_2 : memref<1x64xi32, #tpu.memory_space<vmem>> -> memref<64xi32, #tpu.memory_space<vmem>>
    %dma_start3A_4 = arith.constant 0 : i32
    %dma_start3A_5 = arith.constant 0 : i32
    %dma_start3A_6 = tpu.memref_slice %arg2[%dma_start3A_4, %dma_start3A_5] : memref<10240x16xf32, #tpu.memory_space<hbm>> -> memref<10240x16xf32, #tpu.memory_space<hbm>>
    tpu.enqueue_indirect_dma source(%dma_start3A_6 : memref<10240x16xf32, #tpu.memory_space<hbm>>) target(%arg6 : memref<64x16xf32, #tpu.memory_space<vmem>>) offsets(%dma_start3A_3 : memref<64xi32, #tpu.memory_space<vmem>>) semaphore(%arg7 : memref<!tpu.dma_semaphore, #tpu.memory_space<semaphore_mem>>)
    %dma_wait3A = arith.constant 0 : i32
    %dma_wait3A_7 = arith.constant 0 : i32
    %dma_wait3A_8 = tpu.memref_slice %arg5[%dma_wait3A, %dma_wait3A_7] : memref<1x64xi32, #tpu.memory_space<vmem>> -> memref<1x64xi32, #tpu.memory_space<vmem>>
    %dma_wait3A_9 = tpu.memref_squeeze %dma_wait3A_8 : memref<1x64xi32, #tpu.memory_space<vmem>> -> memref<64xi32, #tpu.memory_space<vmem>>
    %dma_wait3A_10 = arith.constant 0 : i32
    %dma_wait3A_11 = arith.constant 0 : i32
    %dma_wait3A_12 = tpu.memref_slice %arg2[%dma_wait3A_10, %dma_wait3A_11] : memref<10240x16xf32, #tpu.memory_space<hbm>> -> memref<10240x16xf32, #tpu.memory_space<hbm>>
    tpu.wait_indirect_dma semaphore(%arg7 : memref<!tpu.dma_semaphore, #tpu.memory_space<semaphore_mem>>) src(%dma_wait3A_12 : memref<10240x16xf32, #tpu.memory_space<hbm>>) dst(%arg6 : memref<64x16xf32, #tpu.memory_space<vmem>>)
    %mul3A_13 = arith.constant 64 : i32
    %mul3A_14 = arith.muli %add3A, %mul3A_13 : i32
    "tpu.region"() ({
      %run_scoped3A = tpu.sem_alloc : memref<!tpu.dma_semaphore, #tpu.memory_space<semaphore_mem>>
      %dma_start3A_15 = arith.constant 0 : i32
      %dma_start3A_16 = tpu.memref_slice %arg4[%mul3A_14, %dma_start3A_15] : memref<2048x16xf32, #tpu.memory_space<hbm>> -> memref<64x16xf32, #tpu.memory_space<hbm>>
      %dma_start3A_17 = arith.constant 0 : i32
      %dma_start3A_18 = tpu.memref_slice %arg4[%mul3A_14, %dma_start3A_17] : memref<2048x16xf32, #tpu.memory_space<hbm>> -> memref<64x16xf32, #tpu.memory_space<hbm>>
      tpu.enqueue_dma source(%arg6 : memref<64x16xf32, #tpu.memory_space<vmem>>) target(%dma_start3A_18 : memref<64x16xf32, #tpu.memory_space<hbm>>) target_semaphore(%run_scoped3A : memref<!tpu.dma_semaphore, #tpu.memory_space<semaphore_mem>>)
      %dma_wait3A_19 = arith.constant 0 : i32
      %dma_wait3A_20 = tpu.memref_slice %arg4[%mul3A_14, %dma_wait3A_19] : memref<2048x16xf32, #tpu.memory_space<hbm>> -> memref<64x16xf32, #tpu.memory_space<hbm>>
      %dma_wait3A_21 = arith.constant 0 : i32
      %dma_wait3A_22 = tpu.memref_slice %arg4[%mul3A_14, %dma_wait3A_21] : memref<2048x16xf32, #tpu.memory_space<hbm>> -> memref<64x16xf32, #tpu.memory_space<hbm>>
      tpu.wait_dma2 semaphore(%run_scoped3A : memref<!tpu.dma_semaphore, #tpu.memory_space<semaphore_mem>>) src(%arg6 : memref<64x16xf32, #tpu.memory_space<vmem>>) dst(%dma_wait3A_22 : memref<64x16xf32, #tpu.memory_space<hbm>>)
      tpu.yield
    }) : () -> ()
    return
  }
}

#map = affine_map<(d0, d1) -> (0, 0)>
#map1 = affine_map<(d0, d1) -> (0, 0, 0)>
module attributes {stable_mosaic.version = 14 : i64} {
  func.func @_segsum_sc(%arg0: i32, %arg1: i32, %arg2: memref<10240x16xf32, #tpu.memory_space<hbm>>, %arg3: memref<32x20x512xi32, #tpu.memory_space<hbm>>, %arg4: memref<32x20x512xi32, #tpu.memory_space<hbm>>, %arg5: memref<10240x16xf32, #tpu.memory_space<hbm>>, %arg6: memref<2x10240x16xf32, #tpu.memory_space<hbm>>, %arg7: memref<20x512xi32, #tpu.memory_space<vmem>>, %arg8: memref<20x512xi32, #tpu.memory_space<vmem>>, %arg9: memref<4x512x16xf32, #tpu.memory_space<vmem>>, %arg10: memref<10240x16xf32, #tpu.memory_space<vmem_shared>>, %arg11: memref<10240x16xf32, #tpu.memory_space<vmem_shared>>, %arg12: memref<!tpu.dma_semaphore, #tpu.memory_space<semaphore_mem>>, %arg13: memref<!tpu.dma_semaphore, #tpu.memory_space<semaphore_mem>>, %arg14: memref<!tpu.dma_semaphore, #tpu.memory_space<semaphore_mem>>, %arg15: memref<!tpu.dma_semaphore, #tpu.memory_space<semaphore_mem>>) attributes {dimension_semantics = [#tpu.dimension_semantics<core_parallel>, #tpu.dimension_semantics<subcore_parallel>], iteration_bounds = array<i64: 2, 16>, scalar_prefetch = 0 : i64, scratch_operands = 9 : i64, tpu.core_type = #tpu.core_type<sc_vector_subcore>, window_params = [{transform_indices = #map}, {transform_indices = #map1}, {transform_indices = #map1}, {transform_indices = #map}, {transform_indices = #map1}]} {
    %mul3A = arith.constant 2 : i32
    %mul3A_0 = arith.muli %arg1, %mul3A : i32
    %add3A = arith.addi %mul3A_0, %arg0 : i32
    "tpu.region"() ({
      %run_scoped3A = tpu.sem_alloc : memref<!tpu.dma_semaphore, #tpu.memory_space<semaphore_mem>>
      %dma_start3A_66 = arith.constant 0 : i32
      %dma_start3A_67 = arith.constant 0 : i32
      %dma_start3A_68 = tpu.memref_slice %arg3[%add3A, %dma_start3A_66, %dma_start3A_67] : memref<32x20x512xi32, #tpu.memory_space<hbm>> -> memref<1x20x512xi32, #tpu.memory_space<hbm>>
      %dma_start3A_69 = tpu.memref_squeeze %dma_start3A_68 : memref<1x20x512xi32, #tpu.memory_space<hbm>> -> memref<20x512xi32, #tpu.memory_space<hbm>>
      %dma_start3A_70 = arith.constant 0 : i32
      %dma_start3A_71 = arith.constant 0 : i32
      %dma_start3A_72 = tpu.memref_slice %arg3[%add3A, %dma_start3A_70, %dma_start3A_71] : memref<32x20x512xi32, #tpu.memory_space<hbm>> -> memref<1x20x512xi32, #tpu.memory_space<hbm>>
      %dma_start3A_73 = tpu.memref_squeeze %dma_start3A_72 : memref<1x20x512xi32, #tpu.memory_space<hbm>> -> memref<20x512xi32, #tpu.memory_space<hbm>>
      tpu.enqueue_dma source(%dma_start3A_73 : memref<20x512xi32, #tpu.memory_space<hbm>>) target(%arg7 : memref<20x512xi32, #tpu.memory_space<vmem>>) target_semaphore(%run_scoped3A : memref<!tpu.dma_semaphore, #tpu.memory_space<semaphore_mem>>)
      %dma_wait3A = arith.constant 0 : i32
      %dma_wait3A_74 = arith.constant 0 : i32
      %dma_wait3A_75 = tpu.memref_slice %arg3[%add3A, %dma_wait3A, %dma_wait3A_74] : memref<32x20x512xi32, #tpu.memory_space<hbm>> -> memref<1x20x512xi32, #tpu.memory_space<hbm>>
      %dma_wait3A_76 = tpu.memref_squeeze %dma_wait3A_75 : memref<1x20x512xi32, #tpu.memory_space<hbm>> -> memref<20x512xi32, #tpu.memory_space<hbm>>
      %dma_wait3A_77 = arith.constant 0 : i32
      %dma_wait3A_78 = arith.constant 0 : i32
      %dma_wait3A_79 = tpu.memref_slice %arg3[%add3A, %dma_wait3A_77, %dma_wait3A_78] : memref<32x20x512xi32, #tpu.memory_space<hbm>> -> memref<1x20x512xi32, #tpu.memory_space<hbm>>
      %dma_wait3A_80 = tpu.memref_squeeze %dma_wait3A_79 : memref<1x20x512xi32, #tpu.memory_space<hbm>> -> memref<20x512xi32, #tpu.memory_space<hbm>>
      tpu.wait_dma2 semaphore(%run_scoped3A : memref<!tpu.dma_semaphore, #tpu.memory_space<semaphore_mem>>) src(%dma_wait3A_80 : memref<20x512xi32, #tpu.memory_space<hbm>>) dst(%arg7 : memref<20x512xi32, #tpu.memory_space<vmem>>)
      tpu.yield
    }) : () -> ()
    "tpu.region"() ({
      %run_scoped3A = tpu.sem_alloc : memref<!tpu.dma_semaphore, #tpu.memory_space<semaphore_mem>>
      %dma_start3A_66 = arith.constant 0 : i32
      %dma_start3A_67 = arith.constant 0 : i32
      %dma_start3A_68 = tpu.memref_slice %arg4[%add3A, %dma_start3A_66, %dma_start3A_67] : memref<32x20x512xi32, #tpu.memory_space<hbm>> -> memref<1x20x512xi32, #tpu.memory_space<hbm>>
      %dma_start3A_69 = tpu.memref_squeeze %dma_start3A_68 : memref<1x20x512xi32, #tpu.memory_space<hbm>> -> memref<20x512xi32, #tpu.memory_space<hbm>>
      %dma_start3A_70 = arith.constant 0 : i32
      %dma_start3A_71 = arith.constant 0 : i32
      %dma_start3A_72 = tpu.memref_slice %arg4[%add3A, %dma_start3A_70, %dma_start3A_71] : memref<32x20x512xi32, #tpu.memory_space<hbm>> -> memref<1x20x512xi32, #tpu.memory_space<hbm>>
      %dma_start3A_73 = tpu.memref_squeeze %dma_start3A_72 : memref<1x20x512xi32, #tpu.memory_space<hbm>> -> memref<20x512xi32, #tpu.memory_space<hbm>>
      tpu.enqueue_dma source(%dma_start3A_73 : memref<20x512xi32, #tpu.memory_space<hbm>>) target(%arg8 : memref<20x512xi32, #tpu.memory_space<vmem>>) target_semaphore(%run_scoped3A : memref<!tpu.dma_semaphore, #tpu.memory_space<semaphore_mem>>)
      %dma_wait3A = arith.constant 0 : i32
      %dma_wait3A_74 = arith.constant 0 : i32
      %dma_wait3A_75 = tpu.memref_slice %arg4[%add3A, %dma_wait3A, %dma_wait3A_74] : memref<32x20x512xi32, #tpu.memory_space<hbm>> -> memref<1x20x512xi32, #tpu.memory_space<hbm>>
      %dma_wait3A_76 = tpu.memref_squeeze %dma_wait3A_75 : memref<1x20x512xi32, #tpu.memory_space<hbm>> -> memref<20x512xi32, #tpu.memory_space<hbm>>
      %dma_wait3A_77 = arith.constant 0 : i32
      %dma_wait3A_78 = arith.constant 0 : i32
      %dma_wait3A_79 = tpu.memref_slice %arg4[%add3A, %dma_wait3A_77, %dma_wait3A_78] : memref<32x20x512xi32, #tpu.memory_space<hbm>> -> memref<1x20x512xi32, #tpu.memory_space<hbm>>
      %dma_wait3A_80 = tpu.memref_squeeze %dma_wait3A_79 : memref<1x20x512xi32, #tpu.memory_space<hbm>> -> memref<20x512xi32, #tpu.memory_space<hbm>>
      tpu.wait_dma2 semaphore(%run_scoped3A : memref<!tpu.dma_semaphore, #tpu.memory_space<semaphore_mem>>) src(%dma_wait3A_80 : memref<20x512xi32, #tpu.memory_space<hbm>>) dst(%arg8 : memref<20x512xi32, #tpu.memory_space<vmem>>)
      tpu.yield
    }) : () -> ()
    %mul3A_1 = arith.constant 640 : i32
    %mul3A_2 = arith.muli %arg1, %mul3A_1 : i32
    %mul3A_3 = arith.constant 640 : i32
    %mul3A_4 = arith.muli %arg1, %mul3A_3 : i32
    "tpu.region"() ({
      %run_scoped3A = tpu.sem_alloc : memref<!tpu.dma_semaphore, #tpu.memory_space<semaphore_mem>>
      %dma_start3A_66 = arith.constant 0 : i32
      %dma_start3A_67 = tpu.memref_slice %arg11[%mul3A_4, %dma_start3A_66] : memref<10240x16xf32, #tpu.memory_space<vmem_shared>> -> memref<640x16xf32, #tpu.memory_space<vmem_shared>>
      %dma_start3A_68 = arith.constant 0 : i32
      %dma_start3A_69 = tpu.memref_slice %arg2[%mul3A_2, %dma_start3A_68] : memref<10240x16xf32, #tpu.memory_space<hbm>> -> memref<640x16xf32, #tpu.memory_space<hbm>>
      tpu.enqueue_dma source(%dma_start3A_69 : memref<640x16xf32, #tpu.memory_space<hbm>>) target(%dma_start3A_67 : memref<640x16xf32, #tpu.memory_space<vmem_shared>>) target_semaphore(%run_scoped3A : memref<!tpu.dma_semaphore, #tpu.memory_space<semaphore_mem>>)
      %dma_wait3A = arith.constant 0 : i32
      %dma_wait3A_70 = tpu.memref_slice %arg11[%mul3A_4, %dma_wait3A] : memref<10240x16xf32, #tpu.memory_space<vmem_shared>> -> memref<640x16xf32, #tpu.memory_space<vmem_shared>>
      %dma_wait3A_71 = arith.constant 0 : i32
      %dma_wait3A_72 = tpu.memref_slice %arg2[%mul3A_2, %dma_wait3A_71] : memref<10240x16xf32, #tpu.memory_space<hbm>> -> memref<640x16xf32, #tpu.memory_space<hbm>>
      tpu.wait_dma2 semaphore(%run_scoped3A : memref<!tpu.dma_semaphore, #tpu.memory_space<semaphore_mem>>) src(%dma_wait3A_72 : memref<640x16xf32, #tpu.memory_space<hbm>>) dst(%dma_wait3A_70 : memref<640x16xf32, #tpu.memory_space<vmem_shared>>)
      tpu.yield
    }) : () -> ()
    %mul3A_5 = arith.constant 640 : i32
    %mul3A_6 = arith.muli %arg1, %mul3A_5 : i32
    %mul3A_7 = arith.constant 640 : i32
    %mul3A_8 = arith.muli %arg1, %mul3A_7 : i32
    "tpu.region"() ({
      %run_scoped3A = tpu.sem_alloc : memref<!tpu.dma_semaphore, #tpu.memory_space<semaphore_mem>>
      %dma_start3A_66 = arith.constant 0 : i32
      %dma_start3A_67 = tpu.memref_slice %arg10[%mul3A_8, %dma_start3A_66] : memref<10240x16xf32, #tpu.memory_space<vmem_shared>> -> memref<640x16xf32, #tpu.memory_space<vmem_shared>>
      %dma_start3A_68 = arith.constant 0 : i32
      %dma_start3A_69 = tpu.memref_slice %arg5[%mul3A_6, %dma_start3A_68] : memref<10240x16xf32, #tpu.memory_space<hbm>> -> memref<640x16xf32, #tpu.memory_space<hbm>>
      tpu.enqueue_dma source(%dma_start3A_69 : memref<640x16xf32, #tpu.memory_space<hbm>>) target(%dma_start3A_67 : memref<640x16xf32, #tpu.memory_space<vmem_shared>>) target_semaphore(%run_scoped3A : memref<!tpu.dma_semaphore, #tpu.memory_space<semaphore_mem>>)
      %dma_wait3A = arith.constant 0 : i32
      %dma_wait3A_70 = tpu.memref_slice %arg10[%mul3A_8, %dma_wait3A] : memref<10240x16xf32, #tpu.memory_space<vmem_shared>> -> memref<640x16xf32, #tpu.memory_space<vmem_shared>>
      %dma_wait3A_71 = arith.constant 0 : i32
      %dma_wait3A_72 = tpu.memref_slice %arg5[%mul3A_6, %dma_wait3A_71] : memref<10240x16xf32, #tpu.memory_space<hbm>> -> memref<640x16xf32, #tpu.memory_space<hbm>>
      tpu.wait_dma2 semaphore(%run_scoped3A : memref<!tpu.dma_semaphore, #tpu.memory_space<semaphore_mem>>) src(%dma_wait3A_72 : memref<640x16xf32, #tpu.memory_space<hbm>>) dst(%dma_wait3A_70 : memref<640x16xf32, #tpu.memory_space<vmem_shared>>)
      tpu.yield
    }) : () -> ()
    %barrier3A = arith.constant 0 : index
    tpu.barrier barrier_id(%barrier3A)
    %dma_start3A = arith.constant 0 : i32
    %dma_start3A_9 = arith.constant 0 : i32
    %dma_start3A_10 = arith.constant 0 : i32
    %dma_start3A_11 = arith.constant 0 : i32
    %dma_start3A_12 = tpu.memref_slice %arg9[%dma_start3A_9, %dma_start3A_10, %dma_start3A_11] : memref<4x512x16xf32, #tpu.memory_space<vmem>> -> memref<1x512x16xf32, #tpu.memory_space<vmem>>
    %dma_start3A_13 = tpu.memref_squeeze %dma_start3A_12 : memref<1x512x16xf32, #tpu.memory_space<vmem>> -> memref<512x16xf32, #tpu.memory_space<vmem>>
    %dma_start3A_14 = arith.constant 0 : i32
    %dma_start3A_15 = tpu.memref_slice %arg7[%dma_start3A, %dma_start3A_14] : memref<20x512xi32, #tpu.memory_space<vmem>> -> memref<1x512xi32, #tpu.memory_space<vmem>>
    %dma_start3A_16 = tpu.memref_squeeze %dma_start3A_15 : memref<1x512xi32, #tpu.memory_space<vmem>> -> memref<512xi32, #tpu.memory_space<vmem>>
    %dma_start3A_17 = arith.constant 0 : i32
    %dma_start3A_18 = arith.constant 0 : i32
    %dma_start3A_19 = tpu.memref_slice %arg11[%dma_start3A_17, %dma_start3A_18] : memref<10240x16xf32, #tpu.memory_space<vmem_shared>> -> memref<10240x16xf32, #tpu.memory_space<vmem_shared>>
    tpu.enqueue_indirect_dma source(%dma_start3A_19 : memref<10240x16xf32, #tpu.memory_space<vmem_shared>>) target(%dma_start3A_13 : memref<512x16xf32, #tpu.memory_space<vmem>>) offsets(%dma_start3A_16 : memref<512xi32, #tpu.memory_space<vmem>>) semaphore(%arg12 : memref<!tpu.dma_semaphore, #tpu.memory_space<semaphore_mem>>)
    %dma_start3A_20 = arith.constant 1 : i32
    %dma_start3A_21 = arith.constant 1 : i32
    %dma_start3A_22 = arith.constant 0 : i32
    %dma_start3A_23 = arith.constant 0 : i32
    %dma_start3A_24 = tpu.memref_slice %arg9[%dma_start3A_21, %dma_start3A_22, %dma_start3A_23] : memref<4x512x16xf32, #tpu.memory_space<vmem>> -> memref<1x512x16xf32, #tpu.memory_space<vmem>>
    %dma_start3A_25 = tpu.memref_squeeze %dma_start3A_24 : memref<1x512x16xf32, #tpu.memory_space<vmem>> -> memref<512x16xf32, #tpu.memory_space<vmem>>
    %dma_start3A_26 = arith.constant 0 : i32
    %dma_start3A_27 = tpu.memref_slice %arg7[%dma_start3A_20, %dma_start3A_26] : memref<20x512xi32, #tpu.memory_space<vmem>> -> memref<1x512xi32, #tpu.memory_space<vmem>>
    %dma_start3A_28 = tpu.memref_squeeze %dma_start3A_27 : memref<1x512xi32, #tpu.memory_space<vmem>> -> memref<512xi32, #tpu.memory_space<vmem>>
    %dma_start3A_29 = arith.constant 0 : i32
    %dma_start3A_30 = arith.constant 0 : i32
    %dma_start3A_31 = tpu.memref_slice %arg11[%dma_start3A_29, %dma_start3A_30] : memref<10240x16xf32, #tpu.memory_space<vmem_shared>> -> memref<10240x16xf32, #tpu.memory_space<vmem_shared>>
    tpu.enqueue_indirect_dma source(%dma_start3A_31 : memref<10240x16xf32, #tpu.memory_space<vmem_shared>>) target(%dma_start3A_25 : memref<512x16xf32, #tpu.memory_space<vmem>>) offsets(%dma_start3A_28 : memref<512xi32, #tpu.memory_space<vmem>>) semaphore(%arg13 : memref<!tpu.dma_semaphore, #tpu.memory_space<semaphore_mem>>)
    %dma_start3A_32 = arith.constant 2 : i32
    %dma_start3A_33 = arith.constant 2 : i32
    %dma_start3A_34 = arith.constant 0 : i32
    %dma_start3A_35 = arith.constant 0 : i32
    %dma_start3A_36 = tpu.memref_slice %arg9[%dma_start3A_33, %dma_start3A_34, %dma_start3A_35] : memref<4x512x16xf32, #tpu.memory_space<vmem>> -> memref<1x512x16xf32, #tpu.memory_space<vmem>>
    %dma_start3A_37 = tpu.memref_squeeze %dma_start3A_36 : memref<1x512x16xf32, #tpu.memory_space<vmem>> -> memref<512x16xf32, #tpu.memory_space<vmem>>
    %dma_start3A_38 = arith.constant 0 : i32
    %dma_start3A_39 = tpu.memref_slice %arg7[%dma_start3A_32, %dma_start3A_38] : memref<20x512xi32, #tpu.memory_space<vmem>> -> memref<1x512xi32, #tpu.memory_space<vmem>>
    %dma_start3A_40 = tpu.memref_squeeze %dma_start3A_39 : memref<1x512xi32, #tpu.memory_space<vmem>> -> memref<512xi32, #tpu.memory_space<vmem>>
    %dma_start3A_41 = arith.constant 0 : i32
    %dma_start3A_42 = arith.constant 0 : i32
    %dma_start3A_43 = tpu.memref_slice %arg11[%dma_start3A_41, %dma_start3A_42] : memref<10240x16xf32, #tpu.memory_space<vmem_shared>> -> memref<10240x16xf32, #tpu.memory_space<vmem_shared>>
    tpu.enqueue_indirect_dma source(%dma_start3A_43 : memref<10240x16xf32, #tpu.memory_space<vmem_shared>>) target(%dma_start3A_37 : memref<512x16xf32, #tpu.memory_space<vmem>>) offsets(%dma_start3A_40 : memref<512xi32, #tpu.memory_space<vmem>>) semaphore(%arg14 : memref<!tpu.dma_semaphore, #tpu.memory_space<semaphore_mem>>)
    %dma_start3A_44 = arith.constant 3 : i32
    %dma_start3A_45 = arith.constant 3 : i32
    %dma_start3A_46 = arith.constant 0 : i32
    %dma_start3A_47 = arith.constant 0 : i32
    %dma_start3A_48 = tpu.memref_slice %arg9[%dma_start3A_45, %dma_start3A_46, %dma_start3A_47] : memref<4x512x16xf32, #tpu.memory_space<vmem>> -> memref<1x512x16xf32, #tpu.memory_space<vmem>>
    %dma_start3A_49 = tpu.memref_squeeze %dma_start3A_48 : memref<1x512x16xf32, #tpu.memory_space<vmem>> -> memref<512x16xf32, #tpu.memory_space<vmem>>
    %dma_start3A_50 = arith.constant 0 : i32
    %dma_start3A_51 = tpu.memref_slice %arg7[%dma_start3A_44, %dma_start3A_50] : memref<20x512xi32, #tpu.memory_space<vmem>> -> memref<1x512xi32, #tpu.memory_space<vmem>>
    %dma_start3A_52 = tpu.memref_squeeze %dma_start3A_51 : memref<1x512xi32, #tpu.memory_space<vmem>> -> memref<512xi32, #tpu.memory_space<vmem>>
    %dma_start3A_53 = arith.constant 0 : i32
    %dma_start3A_54 = arith.constant 0 : i32
    %dma_start3A_55 = tpu.memref_slice %arg11[%dma_start3A_53, %dma_start3A_54] : memref<10240x16xf32, #tpu.memory_space<vmem_shared>> -> memref<10240x16xf32, #tpu.memory_space<vmem_shared>>
    tpu.enqueue_indirect_dma source(%dma_start3A_55 : memref<10240x16xf32, #tpu.memory_space<vmem_shared>>) target(%dma_start3A_49 : memref<512x16xf32, #tpu.memory_space<vmem>>) offsets(%dma_start3A_52 : memref<512xi32, #tpu.memory_space<vmem>>) semaphore(%arg15 : memref<!tpu.dma_semaphore, #tpu.memory_space<semaphore_mem>>)
    %scan3A = arith.constant 0 : i32
    %scan3A_56 = arith.constant 0 : i32
    %scan3A_57 = arith.constant 5 : i32
    %scan3A_58 = arith.addi %scan3A_56, %scan3A_57 : i32
    %scan3A_59 = arith.constant 1 : i32
    scf.for %scan3A_66 = %scan3A_56 to %scan3A_58 step %scan3A_59  : i32 {
      %mul3A_67 = arith.constant 4 : i32
      %mul3A_68 = arith.muli %scan3A_66, %mul3A_67 : i32
      %add3A_69 = arith.constant 0 : i32
      %add3A_70 = arith.addi %mul3A_68, %add3A_69 : i32
      %dma_wait3A = arith.constant 0 : i32
      %dma_wait3A_71 = arith.constant 0 : i32
      %dma_wait3A_72 = arith.constant 0 : i32
      %dma_wait3A_73 = tpu.memref_slice %arg9[%dma_wait3A, %dma_wait3A_71, %dma_wait3A_72] : memref<4x512x16xf32, #tpu.memory_space<vmem>> -> memref<1x512x16xf32, #tpu.memory_space<vmem>>
      %dma_wait3A_74 = tpu.memref_squeeze %dma_wait3A_73 : memref<1x512x16xf32, #tpu.memory_space<vmem>> -> memref<512x16xf32, #tpu.memory_space<vmem>>
      %dma_wait3A_75 = arith.constant 0 : i32
      %dma_wait3A_76 = tpu.memref_slice %arg7[%add3A_70, %dma_wait3A_75] : memref<20x512xi32, #tpu.memory_space<vmem>> -> memref<1x512xi32, #tpu.memory_space<vmem>>
      %dma_wait3A_77 = tpu.memref_squeeze %dma_wait3A_76 : memref<1x512xi32, #tpu.memory_space<vmem>> -> memref<512xi32, #tpu.memory_space<vmem>>
      %dma_wait3A_78 = arith.constant 0 : i32
      %dma_wait3A_79 = arith.constant 0 : i32
      %dma_wait3A_80 = tpu.memref_slice %arg11[%dma_wait3A_78, %dma_wait3A_79] : memref<10240x16xf32, #tpu.memory_space<vmem_shared>> -> memref<10240x16xf32, #tpu.memory_space<vmem_shared>>
      tpu.wait_indirect_dma semaphore(%arg12 : memref<!tpu.dma_semaphore, #tpu.memory_space<semaphore_mem>>) src(%dma_wait3A_80 : memref<10240x16xf32, #tpu.memory_space<vmem_shared>>) dst(%dma_wait3A_74 : memref<512x16xf32, #tpu.memory_space<vmem>>)
      %run_scoped3A = arith.constant 0 : i32
      "tpu.region"() ({
        %run_scoped3A_154 = tpu.sem_alloc : memref<!tpu.dma_semaphore, #tpu.memory_space<semaphore_mem>>
        %dma_start3A_155 = arith.constant 0 : i32
        %dma_start3A_156 = arith.constant 0 : i32
        %dma_start3A_157 = tpu.memref_slice %arg9[%run_scoped3A, %dma_start3A_155, %dma_start3A_156] : memref<4x512x16xf32, #tpu.memory_space<vmem>> -> memref<1x512x16xf32, #tpu.memory_space<vmem>>
        %dma_start3A_158 = tpu.memref_squeeze %dma_start3A_157 : memref<1x512x16xf32, #tpu.memory_space<vmem>> -> memref<512x16xf32, #tpu.memory_space<vmem>>
        %dma_start3A_159 = arith.constant 0 : i32
        %dma_start3A_160 = tpu.memref_slice %arg8[%add3A_70, %dma_start3A_159] : memref<20x512xi32, #tpu.memory_space<vmem>> -> memref<1x512xi32, #tpu.memory_space<vmem>>
        %dma_start3A_161 = tpu.memref_squeeze %dma_start3A_160 : memref<1x512xi32, #tpu.memory_space<vmem>> -> memref<512xi32, #tpu.memory_space<vmem>>
        %dma_start3A_162 = arith.constant 0 : i32
        %dma_start3A_163 = arith.constant 0 : i32
        %dma_start3A_164 = tpu.memref_slice %arg10[%dma_start3A_162, %dma_start3A_163] : memref<10240x16xf32, #tpu.memory_space<vmem_shared>> -> memref<10240x16xf32, #tpu.memory_space<vmem_shared>>
        tpu.enqueue_indirect_dma source(%dma_start3A_158 : memref<512x16xf32, #tpu.memory_space<vmem>>) target(%dma_start3A_164 : memref<10240x16xf32, #tpu.memory_space<vmem_shared>>) offsets(%dma_start3A_161 : memref<512xi32, #tpu.memory_space<vmem>>) semaphore(%run_scoped3A_154 : memref<!tpu.dma_semaphore, #tpu.memory_space<semaphore_mem>>) {add = true}
        %dma_wait3A_165 = arith.constant 0 : i32
        %dma_wait3A_166 = arith.constant 0 : i32
        %dma_wait3A_167 = tpu.memref_slice %arg9[%run_scoped3A, %dma_wait3A_165, %dma_wait3A_166] : memref<4x512x16xf32, #tpu.memory_space<vmem>> -> memref<1x512x16xf32, #tpu.memory_space<vmem>>
        %dma_wait3A_168 = tpu.memref_squeeze %dma_wait3A_167 : memref<1x512x16xf32, #tpu.memory_space<vmem>> -> memref<512x16xf32, #tpu.memory_space<vmem>>
        %dma_wait3A_169 = arith.constant 0 : i32
        %dma_wait3A_170 = tpu.memref_slice %arg8[%add3A_70, %dma_wait3A_169] : memref<20x512xi32, #tpu.memory_space<vmem>> -> memref<1x512xi32, #tpu.memory_space<vmem>>
        %dma_wait3A_171 = tpu.memref_squeeze %dma_wait3A_170 : memref<1x512xi32, #tpu.memory_space<vmem>> -> memref<512xi32, #tpu.memory_space<vmem>>
        %dma_wait3A_172 = arith.constant 0 : i32
        %dma_wait3A_173 = arith.constant 0 : i32
        %dma_wait3A_174 = tpu.memref_slice %arg10[%dma_wait3A_172, %dma_wait3A_173] : memref<10240x16xf32, #tpu.memory_space<vmem_shared>> -> memref<10240x16xf32, #tpu.memory_space<vmem_shared>>
        tpu.wait_indirect_dma semaphore(%run_scoped3A_154 : memref<!tpu.dma_semaphore, #tpu.memory_space<semaphore_mem>>) src(%dma_wait3A_168 : memref<512x16xf32, #tpu.memory_space<vmem>>) dst(%dma_wait3A_174 : memref<10240x16xf32, #tpu.memory_space<vmem_shared>>)
        tpu.yield
      }) : () -> ()
      %add3A_81 = arith.constant 4 : i32
      %add3A_82 = arith.addi %add3A_70, %add3A_81 : i32
      %lt3A = arith.constant 20 : i32
      %lt3A_83 = arith.cmpi slt, %add3A_82, %lt3A : i32
      %convert_element_type3A = arith.extui %lt3A_83 : i1 to i32
      %cond3A = arith.constant 0 : i32
      %cond3A_84 = arith.cmpi ne, %convert_element_type3A, %cond3A : i32
      scf.if %cond3A_84 {
        %add3A_154 = arith.constant 4 : i32
        %add3A_155 = arith.addi %add3A_70, %add3A_154 : i32
        %dma_start3A_156 = arith.constant 0 : i32
        %dma_start3A_157 = arith.constant 0 : i32
        %dma_start3A_158 = arith.constant 0 : i32
        %dma_start3A_159 = tpu.memref_slice %arg9[%dma_start3A_156, %dma_start3A_157, %dma_start3A_158] : memref<4x512x16xf32, #tpu.memory_space<vmem>> -> memref<1x512x16xf32, #tpu.memory_space<vmem>>
        %dma_start3A_160 = tpu.memref_squeeze %dma_start3A_159 : memref<1x512x16xf32, #tpu.memory_space<vmem>> -> memref<512x16xf32, #tpu.memory_space<vmem>>
        %dma_start3A_161 = arith.constant 0 : i32
        %dma_start3A_162 = tpu.memref_slice %arg7[%add3A_155, %dma_start3A_161] : memref<20x512xi32, #tpu.memory_space<vmem>> -> memref<1x512xi32, #tpu.memory_space<vmem>>
        %dma_start3A_163 = tpu.memref_squeeze %dma_start3A_162 : memref<1x512xi32, #tpu.memory_space<vmem>> -> memref<512xi32, #tpu.memory_space<vmem>>
        %dma_start3A_164 = arith.constant 0 : i32
        %dma_start3A_165 = arith.constant 0 : i32
        %dma_start3A_166 = tpu.memref_slice %arg11[%dma_start3A_164, %dma_start3A_165] : memref<10240x16xf32, #tpu.memory_space<vmem_shared>> -> memref<10240x16xf32, #tpu.memory_space<vmem_shared>>
        tpu.enqueue_indirect_dma source(%dma_start3A_166 : memref<10240x16xf32, #tpu.memory_space<vmem_shared>>) target(%dma_start3A_160 : memref<512x16xf32, #tpu.memory_space<vmem>>) offsets(%dma_start3A_163 : memref<512xi32, #tpu.memory_space<vmem>>) semaphore(%arg12 : memref<!tpu.dma_semaphore, #tpu.memory_space<semaphore_mem>>)
      } else {
      }
      %mul3A_85 = arith.constant 4 : i32
      %mul3A_86 = arith.muli %scan3A_66, %mul3A_85 : i32
      %add3A_87 = arith.constant 1 : i32
      %add3A_88 = arith.addi %mul3A_86, %add3A_87 : i32
      %dma_wait3A_89 = arith.constant 1 : i32
      %dma_wait3A_90 = arith.constant 0 : i32
      %dma_wait3A_91 = arith.constant 0 : i32
      %dma_wait3A_92 = tpu.memref_slice %arg9[%dma_wait3A_89, %dma_wait3A_90, %dma_wait3A_91] : memref<4x512x16xf32, #tpu.memory_space<vmem>> -> memref<1x512x16xf32, #tpu.memory_space<vmem>>
      %dma_wait3A_93 = tpu.memref_squeeze %dma_wait3A_92 : memref<1x512x16xf32, #tpu.memory_space<vmem>> -> memref<512x16xf32, #tpu.memory_space<vmem>>
      %dma_wait3A_94 = arith.constant 0 : i32
      %dma_wait3A_95 = tpu.memref_slice %arg7[%add3A_88, %dma_wait3A_94] : memref<20x512xi32, #tpu.memory_space<vmem>> -> memref<1x512xi32, #tpu.memory_space<vmem>>
      %dma_wait3A_96 = tpu.memref_squeeze %dma_wait3A_95 : memref<1x512xi32, #tpu.memory_space<vmem>> -> memref<512xi32, #tpu.memory_space<vmem>>
      %dma_wait3A_97 = arith.constant 0 : i32
      %dma_wait3A_98 = arith.constant 0 : i32
      %dma_wait3A_99 = tpu.memref_slice %arg11[%dma_wait3A_97, %dma_wait3A_98] : memref<10240x16xf32, #tpu.memory_space<vmem_shared>> -> memref<10240x16xf32, #tpu.memory_space<vmem_shared>>
      tpu.wait_indirect_dma semaphore(%arg13 : memref<!tpu.dma_semaphore, #tpu.memory_space<semaphore_mem>>) src(%dma_wait3A_99 : memref<10240x16xf32, #tpu.memory_space<vmem_shared>>) dst(%dma_wait3A_93 : memref<512x16xf32, #tpu.memory_space<vmem>>)
      %run_scoped3A_100 = arith.constant 1 : i32
      "tpu.region"() ({
        %run_scoped3A_154 = tpu.sem_alloc : memref<!tpu.dma_semaphore, #tpu.memory_space<semaphore_mem>>
        %dma_start3A_155 = arith.constant 0 : i32
        %dma_start3A_156 = arith.constant 0 : i32
        %dma_start3A_157 = tpu.memref_slice %arg9[%run_scoped3A_100, %dma_start3A_155, %dma_start3A_156] : memref<4x512x16xf32, #tpu.memory_space<vmem>> -> memref<1x512x16xf32, #tpu.memory_space<vmem>>
        %dma_start3A_158 = tpu.memref_squeeze %dma_start3A_157 : memref<1x512x16xf32, #tpu.memory_space<vmem>> -> memref<512x16xf32, #tpu.memory_space<vmem>>
        %dma_start3A_159 = arith.constant 0 : i32
        %dma_start3A_160 = tpu.memref_slice %arg8[%add3A_88, %dma_start3A_159] : memref<20x512xi32, #tpu.memory_space<vmem>> -> memref<1x512xi32, #tpu.memory_space<vmem>>
        %dma_start3A_161 = tpu.memref_squeeze %dma_start3A_160 : memref<1x512xi32, #tpu.memory_space<vmem>> -> memref<512xi32, #tpu.memory_space<vmem>>
        %dma_start3A_162 = arith.constant 0 : i32
        %dma_start3A_163 = arith.constant 0 : i32
        %dma_start3A_164 = tpu.memref_slice %arg10[%dma_start3A_162, %dma_start3A_163] : memref<10240x16xf32, #tpu.memory_space<vmem_shared>> -> memref<10240x16xf32, #tpu.memory_space<vmem_shared>>
        tpu.enqueue_indirect_dma source(%dma_start3A_158 : memref<512x16xf32, #tpu.memory_space<vmem>>) target(%dma_start3A_164 : memref<10240x16xf32, #tpu.memory_space<vmem_shared>>) offsets(%dma_start3A_161 : memref<512xi32, #tpu.memory_space<vmem>>) semaphore(%run_scoped3A_154 : memref<!tpu.dma_semaphore, #tpu.memory_space<semaphore_mem>>) {add = true}
        %dma_wait3A_165 = arith.constant 0 : i32
        %dma_wait3A_166 = arith.constant 0 : i32
        %dma_wait3A_167 = tpu.memref_slice %arg9[%run_scoped3A_100, %dma_wait3A_165, %dma_wait3A_166] : memref<4x512x16xf32, #tpu.memory_space<vmem>> -> memref<1x512x16xf32, #tpu.memory_space<vmem>>
        %dma_wait3A_168 = tpu.memref_squeeze %dma_wait3A_167 : memref<1x512x16xf32, #tpu.memory_space<vmem>> -> memref<512x16xf32, #tpu.memory_space<vmem>>
        %dma_wait3A_169 = arith.constant 0 : i32
        %dma_wait3A_170 = tpu.memref_slice %arg8[%add3A_88, %dma_wait3A_169] : memref<20x512xi32, #tpu.memory_space<vmem>> -> memref<1x512xi32, #tpu.memory_space<vmem>>
        %dma_wait3A_171 = tpu.memref_squeeze %dma_wait3A_170 : memref<1x512xi32, #tpu.memory_space<vmem>> -> memref<512xi32, #tpu.memory_space<vmem>>
        %dma_wait3A_172 = arith.constant 0 : i32
        %dma_wait3A_173 = arith.constant 0 : i32
        %dma_wait3A_174 = tpu.memref_slice %arg10[%dma_wait3A_172, %dma_wait3A_173] : memref<10240x16xf32, #tpu.memory_space<vmem_shared>> -> memref<10240x16xf32, #tpu.memory_space<vmem_shared>>
        tpu.wait_indirect_dma semaphore(%run_scoped3A_154 : memref<!tpu.dma_semaphore, #tpu.memory_space<semaphore_mem>>) src(%dma_wait3A_168 : memref<512x16xf32, #tpu.memory_space<vmem>>) dst(%dma_wait3A_174 : memref<10240x16xf32, #tpu.memory_space<vmem_shared>>)
        tpu.yield
      }) : () -> ()
      %add3A_101 = arith.constant 4 : i32
      %add3A_102 = arith.addi %add3A_88, %add3A_101 : i32
      %lt3A_103 = arith.constant 20 : i32
      %lt3A_104 = arith.cmpi slt, %add3A_102, %lt3A_103 : i32
      %convert_element_type3A_105 = arith.extui %lt3A_104 : i1 to i32
      %cond3A_106 = arith.constant 0 : i32
      %cond3A_107 = arith.cmpi ne, %convert_element_type3A_105, %cond3A_106 : i32
      scf.if %cond3A_107 {
        %add3A_154 = arith.constant 4 : i32
        %add3A_155 = arith.addi %add3A_88, %add3A_154 : i32
        %dma_start3A_156 = arith.constant 1 : i32
        %dma_start3A_157 = arith.constant 0 : i32
        %dma_start3A_158 = arith.constant 0 : i32
        %dma_start3A_159 = tpu.memref_slice %arg9[%dma_start3A_156, %dma_start3A_157, %dma_start3A_158] : memref<4x512x16xf32, #tpu.memory_space<vmem>> -> memref<1x512x16xf32, #tpu.memory_space<vmem>>
        %dma_start3A_160 = tpu.memref_squeeze %dma_start3A_159 : memref<1x512x16xf32, #tpu.memory_space<vmem>> -> memref<512x16xf32, #tpu.memory_space<vmem>>
        %dma_start3A_161 = arith.constant 0 : i32
        %dma_start3A_162 = tpu.memref_slice %arg7[%add3A_155, %dma_start3A_161] : memref<20x512xi32, #tpu.memory_space<vmem>> -> memref<1x512xi32, #tpu.memory_space<vmem>>
        %dma_start3A_163 = tpu.memref_squeeze %dma_start3A_162 : memref<1x512xi32, #tpu.memory_space<vmem>> -> memref<512xi32, #tpu.memory_space<vmem>>
        %dma_start3A_164 = arith.constant 0 : i32
        %dma_start3A_165 = arith.constant 0 : i32
        %dma_start3A_166 = tpu.memref_slice %arg11[%dma_start3A_164, %dma_start3A_165] : memref<10240x16xf32, #tpu.memory_space<vmem_shared>> -> memref<10240x16xf32, #tpu.memory_space<vmem_shared>>
        tpu.enqueue_indirect_dma source(%dma_start3A_166 : memref<10240x16xf32, #tpu.memory_space<vmem_shared>>) target(%dma_start3A_160 : memref<512x16xf32, #tpu.memory_space<vmem>>) offsets(%dma_start3A_163 : memref<512xi32, #tpu.memory_space<vmem>>) semaphore(%arg13 : memref<!tpu.dma_semaphore, #tpu.memory_space<semaphore_mem>>)
      } else {
      }
      %mul3A_108 = arith.constant 4 : i32
      %mul3A_109 = arith.muli %scan3A_66, %mul3A_108 : i32
      %add3A_110 = arith.constant 2 : i32
      %add3A_111 = arith.addi %mul3A_109, %add3A_110 : i32
      %dma_wait3A_112 = arith.constant 2 : i32
      %dma_wait3A_113 = arith.constant 0 : i32
      %dma_wait3A_114 = arith.constant 0 : i32
      %dma_wait3A_115 = tpu.memref_slice %arg9[%dma_wait3A_112, %dma_wait3A_113, %dma_wait3A_114] : memref<4x512x16xf32, #tpu.memory_space<vmem>> -> memref<1x512x16xf32, #tpu.memory_space<vmem>>
      %dma_wait3A_116 = tpu.memref_squeeze %dma_wait3A_115 : memref<1x512x16xf32, #tpu.memory_space<vmem>> -> memref<512x16xf32, #tpu.memory_space<vmem>>
      %dma_wait3A_117 = arith.constant 0 : i32
      %dma_wait3A_118 = tpu.memref_slice %arg7[%add3A_111, %dma_wait3A_117] : memref<20x512xi32, #tpu.memory_space<vmem>> -> memref<1x512xi32, #tpu.memory_space<vmem>>
      %dma_wait3A_119 = tpu.memref_squeeze %dma_wait3A_118 : memref<1x512xi32, #tpu.memory_space<vmem>> -> memref<512xi32, #tpu.memory_space<vmem>>
      %dma_wait3A_120 = arith.constant 0 : i32
      %dma_wait3A_121 = arith.constant 0 : i32
      %dma_wait3A_122 = tpu.memref_slice %arg11[%dma_wait3A_120, %dma_wait3A_121] : memref<10240x16xf32, #tpu.memory_space<vmem_shared>> -> memref<10240x16xf32, #tpu.memory_space<vmem_shared>>
      tpu.wait_indirect_dma semaphore(%arg14 : memref<!tpu.dma_semaphore, #tpu.memory_space<semaphore_mem>>) src(%dma_wait3A_122 : memref<10240x16xf32, #tpu.memory_space<vmem_shared>>) dst(%dma_wait3A_116 : memref<512x16xf32, #tpu.memory_space<vmem>>)
      %run_scoped3A_123 = arith.constant 2 : i32
      "tpu.region"() ({
        %run_scoped3A_154 = tpu.sem_alloc : memref<!tpu.dma_semaphore, #tpu.memory_space<semaphore_mem>>
        %dma_start3A_155 = arith.constant 0 : i32
        %dma_start3A_156 = arith.constant 0 : i32
        %dma_start3A_157 = tpu.memref_slice %arg9[%run_scoped3A_123, %dma_start3A_155, %dma_start3A_156] : memref<4x512x16xf32, #tpu.memory_space<vmem>> -> memref<1x512x16xf32, #tpu.memory_space<vmem>>
        %dma_start3A_158 = tpu.memref_squeeze %dma_start3A_157 : memref<1x512x16xf32, #tpu.memory_space<vmem>> -> memref<512x16xf32, #tpu.memory_space<vmem>>
        %dma_start3A_159 = arith.constant 0 : i32
        %dma_start3A_160 = tpu.memref_slice %arg8[%add3A_111, %dma_start3A_159] : memref<20x512xi32, #tpu.memory_space<vmem>> -> memref<1x512xi32, #tpu.memory_space<vmem>>
        %dma_start3A_161 = tpu.memref_squeeze %dma_start3A_160 : memref<1x512xi32, #tpu.memory_space<vmem>> -> memref<512xi32, #tpu.memory_space<vmem>>
        %dma_start3A_162 = arith.constant 0 : i32
        %dma_start3A_163 = arith.constant 0 : i32
        %dma_start3A_164 = tpu.memref_slice %arg10[%dma_start3A_162, %dma_start3A_163] : memref<10240x16xf32, #tpu.memory_space<vmem_shared>> -> memref<10240x16xf32, #tpu.memory_space<vmem_shared>>
        tpu.enqueue_indirect_dma source(%dma_start3A_158 : memref<512x16xf32, #tpu.memory_space<vmem>>) target(%dma_start3A_164 : memref<10240x16xf32, #tpu.memory_space<vmem_shared>>) offsets(%dma_start3A_161 : memref<512xi32, #tpu.memory_space<vmem>>) semaphore(%run_scoped3A_154 : memref<!tpu.dma_semaphore, #tpu.memory_space<semaphore_mem>>) {add = true}
        %dma_wait3A_165 = arith.constant 0 : i32
        %dma_wait3A_166 = arith.constant 0 : i32
        %dma_wait3A_167 = tpu.memref_slice %arg9[%run_scoped3A_123, %dma_wait3A_165, %dma_wait3A_166] : memref<4x512x16xf32, #tpu.memory_space<vmem>> -> memref<1x512x16xf32, #tpu.memory_space<vmem>>
        %dma_wait3A_168 = tpu.memref_squeeze %dma_wait3A_167 : memref<1x512x16xf32, #tpu.memory_space<vmem>> -> memref<512x16xf32, #tpu.memory_space<vmem>>
        %dma_wait3A_169 = arith.constant 0 : i32
        %dma_wait3A_170 = tpu.memref_slice %arg8[%add3A_111, %dma_wait3A_169] : memref<20x512xi32, #tpu.memory_space<vmem>> -> memref<1x512xi32, #tpu.memory_space<vmem>>
        %dma_wait3A_171 = tpu.memref_squeeze %dma_wait3A_170 : memref<1x512xi32, #tpu.memory_space<vmem>> -> memref<512xi32, #tpu.memory_space<vmem>>
        %dma_wait3A_172 = arith.constant 0 : i32
        %dma_wait3A_173 = arith.constant 0 : i32
        %dma_wait3A_174 = tpu.memref_slice %arg10[%dma_wait3A_172, %dma_wait3A_173] : memref<10240x16xf32, #tpu.memory_space<vmem_shared>> -> memref<10240x16xf32, #tpu.memory_space<vmem_shared>>
        tpu.wait_indirect_dma semaphore(%run_scoped3A_154 : memref<!tpu.dma_semaphore, #tpu.memory_space<semaphore_mem>>) src(%dma_wait3A_168 : memref<512x16xf32, #tpu.memory_space<vmem>>) dst(%dma_wait3A_174 : memref<10240x16xf32, #tpu.memory_space<vmem_shared>>)
        tpu.yield
      }) : () -> ()
      %add3A_124 = arith.constant 4 : i32
      %add3A_125 = arith.addi %add3A_111, %add3A_124 : i32
      %lt3A_126 = arith.constant 20 : i32
      %lt3A_127 = arith.cmpi slt, %add3A_125, %lt3A_126 : i32
      %convert_element_type3A_128 = arith.extui %lt3A_127 : i1 to i32
      %cond3A_129 = arith.constant 0 : i32
      %cond3A_130 = arith.cmpi ne, %convert_element_type3A_128, %cond3A_129 : i32
      scf.if %cond3A_130 {
        %add3A_154 = arith.constant 4 : i32
        %add3A_155 = arith.addi %add3A_111, %add3A_154 : i32
        %dma_start3A_156 = arith.constant 2 : i32
        %dma_start3A_157 = arith.constant 0 : i32
        %dma_start3A_158 = arith.constant 0 : i32
        %dma_start3A_159 = tpu.memref_slice %arg9[%dma_start3A_156, %dma_start3A_157, %dma_start3A_158] : memref<4x512x16xf32, #tpu.memory_space<vmem>> -> memref<1x512x16xf32, #tpu.memory_space<vmem>>
        %dma_start3A_160 = tpu.memref_squeeze %dma_start3A_159 : memref<1x512x16xf32, #tpu.memory_space<vmem>> -> memref<512x16xf32, #tpu.memory_space<vmem>>
        %dma_start3A_161 = arith.constant 0 : i32
        %dma_start3A_162 = tpu.memref_slice %arg7[%add3A_155, %dma_start3A_161] : memref<20x512xi32, #tpu.memory_space<vmem>> -> memref<1x512xi32, #tpu.memory_space<vmem>>
        %dma_start3A_163 = tpu.memref_squeeze %dma_start3A_162 : memref<1x512xi32, #tpu.memory_space<vmem>> -> memref<512xi32, #tpu.memory_space<vmem>>
        %dma_start3A_164 = arith.constant 0 : i32
        %dma_start3A_165 = arith.constant 0 : i32
        %dma_start3A_166 = tpu.memref_slice %arg11[%dma_start3A_164, %dma_start3A_165] : memref<10240x16xf32, #tpu.memory_space<vmem_shared>> -> memref<10240x16xf32, #tpu.memory_space<vmem_shared>>
        tpu.enqueue_indirect_dma source(%dma_start3A_166 : memref<10240x16xf32, #tpu.memory_space<vmem_shared>>) target(%dma_start3A_160 : memref<512x16xf32, #tpu.memory_space<vmem>>) offsets(%dma_start3A_163 : memref<512xi32, #tpu.memory_space<vmem>>) semaphore(%arg14 : memref<!tpu.dma_semaphore, #tpu.memory_space<semaphore_mem>>)
      } else {
      }
      %mul3A_131 = arith.constant 4 : i32
      %mul3A_132 = arith.muli %scan3A_66, %mul3A_131 : i32
      %add3A_133 = arith.constant 3 : i32
      %add3A_134 = arith.addi %mul3A_132, %add3A_133 : i32
      %dma_wait3A_135 = arith.constant 3 : i32
      %dma_wait3A_136 = arith.constant 0 : i32
      %dma_wait3A_137 = arith.constant 0 : i32
      %dma_wait3A_138 = tpu.memref_slice %arg9[%dma_wait3A_135, %dma_wait3A_136, %dma_wait3A_137] : memref<4x512x16xf32, #tpu.memory_space<vmem>> -> memref<1x512x16xf32, #tpu.memory_space<vmem>>
      %dma_wait3A_139 = tpu.memref_squeeze %dma_wait3A_138 : memref<1x512x16xf32, #tpu.memory_space<vmem>> -> memref<512x16xf32, #tpu.memory_space<vmem>>
      %dma_wait3A_140 = arith.constant 0 : i32
      %dma_wait3A_141 = tpu.memref_slice %arg7[%add3A_134, %dma_wait3A_140] : memref<20x512xi32, #tpu.memory_space<vmem>> -> memref<1x512xi32, #tpu.memory_space<vmem>>
      %dma_wait3A_142 = tpu.memref_squeeze %dma_wait3A_141 : memref<1x512xi32, #tpu.memory_space<vmem>> -> memref<512xi32, #tpu.memory_space<vmem>>
      %dma_wait3A_143 = arith.constant 0 : i32
      %dma_wait3A_144 = arith.constant 0 : i32
      %dma_wait3A_145 = tpu.memref_slice %arg11[%dma_wait3A_143, %dma_wait3A_144] : memref<10240x16xf32, #tpu.memory_space<vmem_shared>> -> memref<10240x16xf32, #tpu.memory_space<vmem_shared>>
      tpu.wait_indirect_dma semaphore(%arg15 : memref<!tpu.dma_semaphore, #tpu.memory_space<semaphore_mem>>) src(%dma_wait3A_145 : memref<10240x16xf32, #tpu.memory_space<vmem_shared>>) dst(%dma_wait3A_139 : memref<512x16xf32, #tpu.memory_space<vmem>>)
      %run_scoped3A_146 = arith.constant 3 : i32
      "tpu.region"() ({
        %run_scoped3A_154 = tpu.sem_alloc : memref<!tpu.dma_semaphore, #tpu.memory_space<semaphore_mem>>
        %dma_start3A_155 = arith.constant 0 : i32
        %dma_start3A_156 = arith.constant 0 : i32
        %dma_start3A_157 = tpu.memref_slice %arg9[%run_scoped3A_146, %dma_start3A_155, %dma_start3A_156] : memref<4x512x16xf32, #tpu.memory_space<vmem>> -> memref<1x512x16xf32, #tpu.memory_space<vmem>>
        %dma_start3A_158 = tpu.memref_squeeze %dma_start3A_157 : memref<1x512x16xf32, #tpu.memory_space<vmem>> -> memref<512x16xf32, #tpu.memory_space<vmem>>
        %dma_start3A_159 = arith.constant 0 : i32
        %dma_start3A_160 = tpu.memref_slice %arg8[%add3A_134, %dma_start3A_159] : memref<20x512xi32, #tpu.memory_space<vmem>> -> memref<1x512xi32, #tpu.memory_space<vmem>>
        %dma_start3A_161 = tpu.memref_squeeze %dma_start3A_160 : memref<1x512xi32, #tpu.memory_space<vmem>> -> memref<512xi32, #tpu.memory_space<vmem>>
        %dma_start3A_162 = arith.constant 0 : i32
        %dma_start3A_163 = arith.constant 0 : i32
        %dma_start3A_164 = tpu.memref_slice %arg10[%dma_start3A_162, %dma_start3A_163] : memref<10240x16xf32, #tpu.memory_space<vmem_shared>> -> memref<10240x16xf32, #tpu.memory_space<vmem_shared>>
        tpu.enqueue_indirect_dma source(%dma_start3A_158 : memref<512x16xf32, #tpu.memory_space<vmem>>) target(%dma_start3A_164 : memref<10240x16xf32, #tpu.memory_space<vmem_shared>>) offsets(%dma_start3A_161 : memref<512xi32, #tpu.memory_space<vmem>>) semaphore(%run_scoped3A_154 : memref<!tpu.dma_semaphore, #tpu.memory_space<semaphore_mem>>) {add = true}
        %dma_wait3A_165 = arith.constant 0 : i32
        %dma_wait3A_166 = arith.constant 0 : i32
        %dma_wait3A_167 = tpu.memref_slice %arg9[%run_scoped3A_146, %dma_wait3A_165, %dma_wait3A_166] : memref<4x512x16xf32, #tpu.memory_space<vmem>> -> memref<1x512x16xf32, #tpu.memory_space<vmem>>
        %dma_wait3A_168 = tpu.memref_squeeze %dma_wait3A_167 : memref<1x512x16xf32, #tpu.memory_space<vmem>> -> memref<512x16xf32, #tpu.memory_space<vmem>>
        %dma_wait3A_169 = arith.constant 0 : i32
        %dma_wait3A_170 = tpu.memref_slice %arg8[%add3A_134, %dma_wait3A_169] : memref<20x512xi32, #tpu.memory_space<vmem>> -> memref<1x512xi32, #tpu.memory_space<vmem>>
        %dma_wait3A_171 = tpu.memref_squeeze %dma_wait3A_170 : memref<1x512xi32, #tpu.memory_space<vmem>> -> memref<512xi32, #tpu.memory_space<vmem>>
        %dma_wait3A_172 = arith.constant 0 : i32
        %dma_wait3A_173 = arith.constant 0 : i32
        %dma_wait3A_174 = tpu.memref_slice %arg10[%dma_wait3A_172, %dma_wait3A_173] : memref<10240x16xf32, #tpu.memory_space<vmem_shared>> -> memref<10240x16xf32, #tpu.memory_space<vmem_shared>>
        tpu.wait_indirect_dma semaphore(%run_scoped3A_154 : memref<!tpu.dma_semaphore, #tpu.memory_space<semaphore_mem>>) src(%dma_wait3A_168 : memref<512x16xf32, #tpu.memory_space<vmem>>) dst(%dma_wait3A_174 : memref<10240x16xf32, #tpu.memory_space<vmem_shared>>)
        tpu.yield
      }) : () -> ()
      %add3A_147 = arith.constant 4 : i32
      %add3A_148 = arith.addi %add3A_134, %add3A_147 : i32
      %lt3A_149 = arith.constant 20 : i32
      %lt3A_150 = arith.cmpi slt, %add3A_148, %lt3A_149 : i32
      %convert_element_type3A_151 = arith.extui %lt3A_150 : i1 to i32
      %cond3A_152 = arith.constant 0 : i32
      %cond3A_153 = arith.cmpi ne, %convert_element_type3A_151, %cond3A_152 : i32
      scf.if %cond3A_153 {
        %add3A_154 = arith.constant 4 : i32
        %add3A_155 = arith.addi %add3A_134, %add3A_154 : i32
        %dma_start3A_156 = arith.constant 3 : i32
        %dma_start3A_157 = arith.constant 0 : i32
        %dma_start3A_158 = arith.constant 0 : i32
        %dma_start3A_159 = tpu.memref_slice %arg9[%dma_start3A_156, %dma_start3A_157, %dma_start3A_158] : memref<4x512x16xf32, #tpu.memory_space<vmem>> -> memref<1x512x16xf32, #tpu.memory_space<vmem>>
        %dma_start3A_160 = tpu.memref_squeeze %dma_start3A_159 : memref<1x512x16xf32, #tpu.memory_space<vmem>> -> memref<512x16xf32, #tpu.memory_space<vmem>>
        %dma_start3A_161 = arith.constant 0 : i32
        %dma_start3A_162 = tpu.memref_slice %arg7[%add3A_155, %dma_start3A_161] : memref<20x512xi32, #tpu.memory_space<vmem>> -> memref<1x512xi32, #tpu.memory_space<vmem>>
        %dma_start3A_163 = tpu.memref_squeeze %dma_start3A_162 : memref<1x512xi32, #tpu.memory_space<vmem>> -> memref<512xi32, #tpu.memory_space<vmem>>
        %dma_start3A_164 = arith.constant 0 : i32
        %dma_start3A_165 = arith.constant 0 : i32
        %dma_start3A_166 = tpu.memref_slice %arg11[%dma_start3A_164, %dma_start3A_165] : memref<10240x16xf32, #tpu.memory_space<vmem_shared>> -> memref<10240x16xf32, #tpu.memory_space<vmem_shared>>
        tpu.enqueue_indirect_dma source(%dma_start3A_166 : memref<10240x16xf32, #tpu.memory_space<vmem_shared>>) target(%dma_start3A_160 : memref<512x16xf32, #tpu.memory_space<vmem>>) offsets(%dma_start3A_163 : memref<512xi32, #tpu.memory_space<vmem>>) semaphore(%arg15 : memref<!tpu.dma_semaphore, #tpu.memory_space<semaphore_mem>>)
      } else {
      }
    }
    %scan3A_60 = arith.constant 5 : i32
    %barrier3A_61 = arith.constant 0 : index
    tpu.barrier barrier_id(%barrier3A_61)
    %mul3A_62 = arith.constant 640 : i32
    %mul3A_63 = arith.muli %arg1, %mul3A_62 : i32
    %mul3A_64 = arith.constant 640 : i32
    %mul3A_65 = arith.muli %arg1, %mul3A_64 : i32
    "tpu.region"() ({
      %run_scoped3A = tpu.sem_alloc : memref<!tpu.dma_semaphore, #tpu.memory_space<semaphore_mem>>
      %dma_start3A_66 = arith.constant 0 : i32
      %dma_start3A_67 = tpu.memref_slice %arg6[%arg0, %mul3A_65, %dma_start3A_66] : memref<2x10240x16xf32, #tpu.memory_space<hbm>> -> memref<1x640x16xf32, #tpu.memory_space<hbm>>
      %dma_start3A_68 = tpu.memref_squeeze %dma_start3A_67 : memref<1x640x16xf32, #tpu.memory_space<hbm>> -> memref<640x16xf32, #tpu.memory_space<hbm>>
      %dma_start3A_69 = arith.constant 0 : i32
      %dma_start3A_70 = tpu.memref_slice %arg10[%mul3A_63, %dma_start3A_69] : memref<10240x16xf32, #tpu.memory_space<vmem_shared>> -> memref<640x16xf32, #tpu.memory_space<vmem_shared>>
      tpu.enqueue_dma source(%dma_start3A_70 : memref<640x16xf32, #tpu.memory_space<vmem_shared>>) target(%dma_start3A_68 : memref<640x16xf32, #tpu.memory_space<hbm>>) target_semaphore(%run_scoped3A : memref<!tpu.dma_semaphore, #tpu.memory_space<semaphore_mem>>)
      %dma_wait3A = arith.constant 0 : i32
      %dma_wait3A_71 = tpu.memref_slice %arg6[%arg0, %mul3A_65, %dma_wait3A] : memref<2x10240x16xf32, #tpu.memory_space<hbm>> -> memref<1x640x16xf32, #tpu.memory_space<hbm>>
      %dma_wait3A_72 = tpu.memref_squeeze %dma_wait3A_71 : memref<1x640x16xf32, #tpu.memory_space<hbm>> -> memref<640x16xf32, #tpu.memory_space<hbm>>
      %dma_wait3A_73 = arith.constant 0 : i32
      %dma_wait3A_74 = tpu.memref_slice %arg10[%mul3A_63, %dma_wait3A_73] : memref<10240x16xf32, #tpu.memory_space<vmem_shared>> -> memref<640x16xf32, #tpu.memory_space<vmem_shared>>
      tpu.wait_dma2 semaphore(%run_scoped3A : memref<!tpu.dma_semaphore, #tpu.memory_space<semaphore_mem>>) src(%dma_wait3A_74 : memref<640x16xf32, #tpu.memory_space<vmem_shared>>) dst(%dma_wait3A_72 : memref<640x16xf32, #tpu.memory_space<hbm>>)
      tpu.yield
    }) : () -> ()
    return
  }
}

#map = affine_map<(d0, d1) -> (0, 0)>
#map1 = affine_map<(d0, d1) -> (0, 0, 0)>
module attributes {stable_mosaic.version = 14 : i64} {
  func.func @_segsum_sc(%arg0: i32, %arg1: i32, %arg2: memref<10240x16xf32, #tpu.memory_space<hbm>>, %arg3: memref<32x20x512xi32, #tpu.memory_space<hbm>>, %arg4: memref<32x20x512xi32, #tpu.memory_space<hbm>>, %arg5: memref<10240x16xf32, #tpu.memory_space<hbm>>, %arg6: memref<2x10240x16xf32, #tpu.memory_space<hbm>>, %arg7: memref<20x512xi32, #tpu.memory_space<vmem>>, %arg8: memref<20x512xi32, #tpu.memory_space<vmem>>, %arg9: memref<4x512x16xf32, #tpu.memory_space<vmem>>, %arg10: memref<10240x16xf32, #tpu.memory_space<vmem_shared>>, %arg11: memref<10240x16xf32, #tpu.memory_space<vmem_shared>>, %arg12: memref<!tpu.dma_semaphore, #tpu.memory_space<semaphore_mem>>, %arg13: memref<!tpu.dma_semaphore, #tpu.memory_space<semaphore_mem>>, %arg14: memref<!tpu.dma_semaphore, #tpu.memory_space<semaphore_mem>>, %arg15: memref<!tpu.dma_semaphore, #tpu.memory_space<semaphore_mem>>) attributes {dimension_semantics = [#tpu.dimension_semantics<core_parallel>, #tpu.dimension_semantics<subcore_parallel>], iteration_bounds = array<i64: 2, 16>, scalar_prefetch = 0 : i64, scratch_operands = 9 : i64, tpu.core_type = #tpu.core_type<sc_vector_subcore>, window_params = [{transform_indices = #map}, {transform_indices = #map1}, {transform_indices = #map1}, {transform_indices = #map}, {transform_indices = #map1}]} {
    %mul3A = arith.constant 2 : i32
    %mul3A_0 = arith.muli %arg1, %mul3A : i32
    %add3A = arith.addi %mul3A_0, %arg0 : i32
    "tpu.region"() ({
      %run_scoped3A = tpu.sem_alloc : memref<!tpu.dma_semaphore, #tpu.memory_space<semaphore_mem>>
      %dma_start3A_66 = arith.constant 0 : i32
      %dma_start3A_67 = arith.constant 0 : i32
      %dma_start3A_68 = tpu.memref_slice %arg3[%add3A, %dma_start3A_66, %dma_start3A_67] : memref<32x20x512xi32, #tpu.memory_space<hbm>> -> memref<1x20x512xi32, #tpu.memory_space<hbm>>
      %dma_start3A_69 = tpu.memref_squeeze %dma_start3A_68 : memref<1x20x512xi32, #tpu.memory_space<hbm>> -> memref<20x512xi32, #tpu.memory_space<hbm>>
      %dma_start3A_70 = arith.constant 0 : i32
      %dma_start3A_71 = arith.constant 0 : i32
      %dma_start3A_72 = tpu.memref_slice %arg3[%add3A, %dma_start3A_70, %dma_start3A_71] : memref<32x20x512xi32, #tpu.memory_space<hbm>> -> memref<1x20x512xi32, #tpu.memory_space<hbm>>
      %dma_start3A_73 = tpu.memref_squeeze %dma_start3A_72 : memref<1x20x512xi32, #tpu.memory_space<hbm>> -> memref<20x512xi32, #tpu.memory_space<hbm>>
      tpu.enqueue_dma source(%dma_start3A_73 : memref<20x512xi32, #tpu.memory_space<hbm>>) target(%arg7 : memref<20x512xi32, #tpu.memory_space<vmem>>) target_semaphore(%run_scoped3A : memref<!tpu.dma_semaphore, #tpu.memory_space<semaphore_mem>>)
      %dma_wait3A = arith.constant 0 : i32
      %dma_wait3A_74 = arith.constant 0 : i32
      %dma_wait3A_75 = tpu.memref_slice %arg3[%add3A, %dma_wait3A, %dma_wait3A_74] : memref<32x20x512xi32, #tpu.memory_space<hbm>> -> memref<1x20x512xi32, #tpu.memory_space<hbm>>
      %dma_wait3A_76 = tpu.memref_squeeze %dma_wait3A_75 : memref<1x20x512xi32, #tpu.memory_space<hbm>> -> memref<20x512xi32, #tpu.memory_space<hbm>>
      %dma_wait3A_77 = arith.constant 0 : i32
      %dma_wait3A_78 = arith.constant 0 : i32
      %dma_wait3A_79 = tpu.memref_slice %arg3[%add3A, %dma_wait3A_77, %dma_wait3A_78] : memref<32x20x512xi32, #tpu.memory_space<hbm>> -> memref<1x20x512xi32, #tpu.memory_space<hbm>>
      %dma_wait3A_80 = tpu.memref_squeeze %dma_wait3A_79 : memref<1x20x512xi32, #tpu.memory_space<hbm>> -> memref<20x512xi32, #tpu.memory_space<hbm>>
      tpu.wait_dma2 semaphore(%run_scoped3A : memref<!tpu.dma_semaphore, #tpu.memory_space<semaphore_mem>>) src(%dma_wait3A_80 : memref<20x512xi32, #tpu.memory_space<hbm>>) dst(%arg7 : memref<20x512xi32, #tpu.memory_space<vmem>>)
      tpu.yield
    }) : () -> ()
    "tpu.region"() ({
      %run_scoped3A = tpu.sem_alloc : memref<!tpu.dma_semaphore, #tpu.memory_space<semaphore_mem>>
      %dma_start3A_66 = arith.constant 0 : i32
      %dma_start3A_67 = arith.constant 0 : i32
      %dma_start3A_68 = tpu.memref_slice %arg4[%add3A, %dma_start3A_66, %dma_start3A_67] : memref<32x20x512xi32, #tpu.memory_space<hbm>> -> memref<1x20x512xi32, #tpu.memory_space<hbm>>
      %dma_start3A_69 = tpu.memref_squeeze %dma_start3A_68 : memref<1x20x512xi32, #tpu.memory_space<hbm>> -> memref<20x512xi32, #tpu.memory_space<hbm>>
      %dma_start3A_70 = arith.constant 0 : i32
      %dma_start3A_71 = arith.constant 0 : i32
      %dma_start3A_72 = tpu.memref_slice %arg4[%add3A, %dma_start3A_70, %dma_start3A_71] : memref<32x20x512xi32, #tpu.memory_space<hbm>> -> memref<1x20x512xi32, #tpu.memory_space<hbm>>
      %dma_start3A_73 = tpu.memref_squeeze %dma_start3A_72 : memref<1x20x512xi32, #tpu.memory_space<hbm>> -> memref<20x512xi32, #tpu.memory_space<hbm>>
      tpu.enqueue_dma source(%dma_start3A_73 : memref<20x512xi32, #tpu.memory_space<hbm>>) target(%arg8 : memref<20x512xi32, #tpu.memory_space<vmem>>) target_semaphore(%run_scoped3A : memref<!tpu.dma_semaphore, #tpu.memory_space<semaphore_mem>>)
      %dma_wait3A = arith.constant 0 : i32
      %dma_wait3A_74 = arith.constant 0 : i32
      %dma_wait3A_75 = tpu.memref_slice %arg4[%add3A, %dma_wait3A, %dma_wait3A_74] : memref<32x20x512xi32, #tpu.memory_space<hbm>> -> memref<1x20x512xi32, #tpu.memory_space<hbm>>
      %dma_wait3A_76 = tpu.memref_squeeze %dma_wait3A_75 : memref<1x20x512xi32, #tpu.memory_space<hbm>> -> memref<20x512xi32, #tpu.memory_space<hbm>>
      %dma_wait3A_77 = arith.constant 0 : i32
      %dma_wait3A_78 = arith.constant 0 : i32
      %dma_wait3A_79 = tpu.memref_slice %arg4[%add3A, %dma_wait3A_77, %dma_wait3A_78] : memref<32x20x512xi32, #tpu.memory_space<hbm>> -> memref<1x20x512xi32, #tpu.memory_space<hbm>>
      %dma_wait3A_80 = tpu.memref_squeeze %dma_wait3A_79 : memref<1x20x512xi32, #tpu.memory_space<hbm>> -> memref<20x512xi32, #tpu.memory_space<hbm>>
      tpu.wait_dma2 semaphore(%run_scoped3A : memref<!tpu.dma_semaphore, #tpu.memory_space<semaphore_mem>>) src(%dma_wait3A_80 : memref<20x512xi32, #tpu.memory_space<hbm>>) dst(%arg8 : memref<20x512xi32, #tpu.memory_space<vmem>>)
      tpu.yield
    }) : () -> ()
    %mul3A_1 = arith.constant 640 : i32
    %mul3A_2 = arith.muli %arg1, %mul3A_1 : i32
    %mul3A_3 = arith.constant 640 : i32
    %mul3A_4 = arith.muli %arg1, %mul3A_3 : i32
    "tpu.region"() ({
      %run_scoped3A = tpu.sem_alloc : memref<!tpu.dma_semaphore, #tpu.memory_space<semaphore_mem>>
      %dma_start3A_66 = arith.constant 0 : i32
      %dma_start3A_67 = tpu.memref_slice %arg11[%mul3A_4, %dma_start3A_66] : memref<10240x16xf32, #tpu.memory_space<vmem_shared>> -> memref<640x16xf32, #tpu.memory_space<vmem_shared>>
      %dma_start3A_68 = arith.constant 0 : i32
      %dma_start3A_69 = tpu.memref_slice %arg2[%mul3A_2, %dma_start3A_68] : memref<10240x16xf32, #tpu.memory_space<hbm>> -> memref<640x16xf32, #tpu.memory_space<hbm>>
      tpu.enqueue_dma source(%dma_start3A_69 : memref<640x16xf32, #tpu.memory_space<hbm>>) target(%dma_start3A_67 : memref<640x16xf32, #tpu.memory_space<vmem_shared>>) target_semaphore(%run_scoped3A : memref<!tpu.dma_semaphore, #tpu.memory_space<semaphore_mem>>)
      %dma_wait3A = arith.constant 0 : i32
      %dma_wait3A_70 = tpu.memref_slice %arg11[%mul3A_4, %dma_wait3A] : memref<10240x16xf32, #tpu.memory_space<vmem_shared>> -> memref<640x16xf32, #tpu.memory_space<vmem_shared>>
      %dma_wait3A_71 = arith.constant 0 : i32
      %dma_wait3A_72 = tpu.memref_slice %arg2[%mul3A_2, %dma_wait3A_71] : memref<10240x16xf32, #tpu.memory_space<hbm>> -> memref<640x16xf32, #tpu.memory_space<hbm>>
      tpu.wait_dma2 semaphore(%run_scoped3A : memref<!tpu.dma_semaphore, #tpu.memory_space<semaphore_mem>>) src(%dma_wait3A_72 : memref<640x16xf32, #tpu.memory_space<hbm>>) dst(%dma_wait3A_70 : memref<640x16xf32, #tpu.memory_space<vmem_shared>>)
      tpu.yield
    }) : () -> ()
    %mul3A_5 = arith.constant 640 : i32
    %mul3A_6 = arith.muli %arg1, %mul3A_5 : i32
    %mul3A_7 = arith.constant 640 : i32
    %mul3A_8 = arith.muli %arg1, %mul3A_7 : i32
    "tpu.region"() ({
      %run_scoped3A = tpu.sem_alloc : memref<!tpu.dma_semaphore, #tpu.memory_space<semaphore_mem>>
      %dma_start3A_66 = arith.constant 0 : i32
      %dma_start3A_67 = tpu.memref_slice %arg10[%mul3A_8, %dma_start3A_66] : memref<10240x16xf32, #tpu.memory_space<vmem_shared>> -> memref<640x16xf32, #tpu.memory_space<vmem_shared>>
      %dma_start3A_68 = arith.constant 0 : i32
      %dma_start3A_69 = tpu.memref_slice %arg5[%mul3A_6, %dma_start3A_68] : memref<10240x16xf32, #tpu.memory_space<hbm>> -> memref<640x16xf32, #tpu.memory_space<hbm>>
      tpu.enqueue_dma source(%dma_start3A_69 : memref<640x16xf32, #tpu.memory_space<hbm>>) target(%dma_start3A_67 : memref<640x16xf32, #tpu.memory_space<vmem_shared>>) target_semaphore(%run_scoped3A : memref<!tpu.dma_semaphore, #tpu.memory_space<semaphore_mem>>)
      %dma_wait3A = arith.constant 0 : i32
      %dma_wait3A_70 = tpu.memref_slice %arg10[%mul3A_8, %dma_wait3A] : memref<10240x16xf32, #tpu.memory_space<vmem_shared>> -> memref<640x16xf32, #tpu.memory_space<vmem_shared>>
      %dma_wait3A_71 = arith.constant 0 : i32
      %dma_wait3A_72 = tpu.memref_slice %arg5[%mul3A_6, %dma_wait3A_71] : memref<10240x16xf32, #tpu.memory_space<hbm>> -> memref<640x16xf32, #tpu.memory_space<hbm>>
      tpu.wait_dma2 semaphore(%run_scoped3A : memref<!tpu.dma_semaphore, #tpu.memory_space<semaphore_mem>>) src(%dma_wait3A_72 : memref<640x16xf32, #tpu.memory_space<hbm>>) dst(%dma_wait3A_70 : memref<640x16xf32, #tpu.memory_space<vmem_shared>>)
      tpu.yield
    }) : () -> ()
    %barrier3A = arith.constant 0 : index
    tpu.barrier barrier_id(%barrier3A)
    %dma_start3A = arith.constant 0 : i32
    %dma_start3A_9 = arith.constant 0 : i32
    %dma_start3A_10 = arith.constant 0 : i32
    %dma_start3A_11 = arith.constant 0 : i32
    %dma_start3A_12 = tpu.memref_slice %arg9[%dma_start3A_9, %dma_start3A_10, %dma_start3A_11] : memref<4x512x16xf32, #tpu.memory_space<vmem>> -> memref<1x512x16xf32, #tpu.memory_space<vmem>>
    %dma_start3A_13 = tpu.memref_squeeze %dma_start3A_12 : memref<1x512x16xf32, #tpu.memory_space<vmem>> -> memref<512x16xf32, #tpu.memory_space<vmem>>
    %dma_start3A_14 = arith.constant 0 : i32
    %dma_start3A_15 = tpu.memref_slice %arg7[%dma_start3A, %dma_start3A_14] : memref<20x512xi32, #tpu.memory_space<vmem>> -> memref<1x512xi32, #tpu.memory_space<vmem>>
    %dma_start3A_16 = tpu.memref_squeeze %dma_start3A_15 : memref<1x512xi32, #tpu.memory_space<vmem>> -> memref<512xi32, #tpu.memory_space<vmem>>
    %dma_start3A_17 = arith.constant 0 : i32
    %dma_start3A_18 = arith.constant 0 : i32
    %dma_start3A_19 = tpu.memref_slice %arg11[%dma_start3A_17, %dma_start3A_18] : memref<10240x16xf32, #tpu.memory_space<vmem_shared>> -> memref<10240x16xf32, #tpu.memory_space<vmem_shared>>
    tpu.enqueue_indirect_dma source(%dma_start3A_19 : memref<10240x16xf32, #tpu.memory_space<vmem_shared>>) target(%dma_start3A_13 : memref<512x16xf32, #tpu.memory_space<vmem>>) offsets(%dma_start3A_16 : memref<512xi32, #tpu.memory_space<vmem>>) semaphore(%arg12 : memref<!tpu.dma_semaphore, #tpu.memory_space<semaphore_mem>>)
    %dma_start3A_20 = arith.constant 1 : i32
    %dma_start3A_21 = arith.constant 1 : i32
    %dma_start3A_22 = arith.constant 0 : i32
    %dma_start3A_23 = arith.constant 0 : i32
    %dma_start3A_24 = tpu.memref_slice %arg9[%dma_start3A_21, %dma_start3A_22, %dma_start3A_23] : memref<4x512x16xf32, #tpu.memory_space<vmem>> -> memref<1x512x16xf32, #tpu.memory_space<vmem>>
    %dma_start3A_25 = tpu.memref_squeeze %dma_start3A_24 : memref<1x512x16xf32, #tpu.memory_space<vmem>> -> memref<512x16xf32, #tpu.memory_space<vmem>>
    %dma_start3A_26 = arith.constant 0 : i32
    %dma_start3A_27 = tpu.memref_slice %arg7[%dma_start3A_20, %dma_start3A_26] : memref<20x512xi32, #tpu.memory_space<vmem>> -> memref<1x512xi32, #tpu.memory_space<vmem>>
    %dma_start3A_28 = tpu.memref_squeeze %dma_start3A_27 : memref<1x512xi32, #tpu.memory_space<vmem>> -> memref<512xi32, #tpu.memory_space<vmem>>
    %dma_start3A_29 = arith.constant 0 : i32
    %dma_start3A_30 = arith.constant 0 : i32
    %dma_start3A_31 = tpu.memref_slice %arg11[%dma_start3A_29, %dma_start3A_30] : memref<10240x16xf32, #tpu.memory_space<vmem_shared>> -> memref<10240x16xf32, #tpu.memory_space<vmem_shared>>
    tpu.enqueue_indirect_dma source(%dma_start3A_31 : memref<10240x16xf32, #tpu.memory_space<vmem_shared>>) target(%dma_start3A_25 : memref<512x16xf32, #tpu.memory_space<vmem>>) offsets(%dma_start3A_28 : memref<512xi32, #tpu.memory_space<vmem>>) semaphore(%arg13 : memref<!tpu.dma_semaphore, #tpu.memory_space<semaphore_mem>>)
    %dma_start3A_32 = arith.constant 2 : i32
    %dma_start3A_33 = arith.constant 2 : i32
    %dma_start3A_34 = arith.constant 0 : i32
    %dma_start3A_35 = arith.constant 0 : i32
    %dma_start3A_36 = tpu.memref_slice %arg9[%dma_start3A_33, %dma_start3A_34, %dma_start3A_35] : memref<4x512x16xf32, #tpu.memory_space<vmem>> -> memref<1x512x16xf32, #tpu.memory_space<vmem>>
    %dma_start3A_37 = tpu.memref_squeeze %dma_start3A_36 : memref<1x512x16xf32, #tpu.memory_space<vmem>> -> memref<512x16xf32, #tpu.memory_space<vmem>>
    %dma_start3A_38 = arith.constant 0 : i32
    %dma_start3A_39 = tpu.memref_slice %arg7[%dma_start3A_32, %dma_start3A_38] : memref<20x512xi32, #tpu.memory_space<vmem>> -> memref<1x512xi32, #tpu.memory_space<vmem>>
    %dma_start3A_40 = tpu.memref_squeeze %dma_start3A_39 : memref<1x512xi32, #tpu.memory_space<vmem>> -> memref<512xi32, #tpu.memory_space<vmem>>
    %dma_start3A_41 = arith.constant 0 : i32
    %dma_start3A_42 = arith.constant 0 : i32
    %dma_start3A_43 = tpu.memref_slice %arg11[%dma_start3A_41, %dma_start3A_42] : memref<10240x16xf32, #tpu.memory_space<vmem_shared>> -> memref<10240x16xf32, #tpu.memory_space<vmem_shared>>
    tpu.enqueue_indirect_dma source(%dma_start3A_43 : memref<10240x16xf32, #tpu.memory_space<vmem_shared>>) target(%dma_start3A_37 : memref<512x16xf32, #tpu.memory_space<vmem>>) offsets(%dma_start3A_40 : memref<512xi32, #tpu.memory_space<vmem>>) semaphore(%arg14 : memref<!tpu.dma_semaphore, #tpu.memory_space<semaphore_mem>>)
    %dma_start3A_44 = arith.constant 3 : i32
    %dma_start3A_45 = arith.constant 3 : i32
    %dma_start3A_46 = arith.constant 0 : i32
    %dma_start3A_47 = arith.constant 0 : i32
    %dma_start3A_48 = tpu.memref_slice %arg9[%dma_start3A_45, %dma_start3A_46, %dma_start3A_47] : memref<4x512x16xf32, #tpu.memory_space<vmem>> -> memref<1x512x16xf32, #tpu.memory_space<vmem>>
    %dma_start3A_49 = tpu.memref_squeeze %dma_start3A_48 : memref<1x512x16xf32, #tpu.memory_space<vmem>> -> memref<512x16xf32, #tpu.memory_space<vmem>>
    %dma_start3A_50 = arith.constant 0 : i32
    %dma_start3A_51 = tpu.memref_slice %arg7[%dma_start3A_44, %dma_start3A_50] : memref<20x512xi32, #tpu.memory_space<vmem>> -> memref<1x512xi32, #tpu.memory_space<vmem>>
    %dma_start3A_52 = tpu.memref_squeeze %dma_start3A_51 : memref<1x512xi32, #tpu.memory_space<vmem>> -> memref<512xi32, #tpu.memory_space<vmem>>
    %dma_start3A_53 = arith.constant 0 : i32
    %dma_start3A_54 = arith.constant 0 : i32
    %dma_start3A_55 = tpu.memref_slice %arg11[%dma_start3A_53, %dma_start3A_54] : memref<10240x16xf32, #tpu.memory_space<vmem_shared>> -> memref<10240x16xf32, #tpu.memory_space<vmem_shared>>
    tpu.enqueue_indirect_dma source(%dma_start3A_55 : memref<10240x16xf32, #tpu.memory_space<vmem_shared>>) target(%dma_start3A_49 : memref<512x16xf32, #tpu.memory_space<vmem>>) offsets(%dma_start3A_52 : memref<512xi32, #tpu.memory_space<vmem>>) semaphore(%arg15 : memref<!tpu.dma_semaphore, #tpu.memory_space<semaphore_mem>>)
    %scan3A = arith.constant 0 : i32
    %scan3A_56 = arith.constant 0 : i32
    %scan3A_57 = arith.constant 5 : i32
    %scan3A_58 = arith.addi %scan3A_56, %scan3A_57 : i32
    %scan3A_59 = arith.constant 1 : i32
    scf.for %scan3A_66 = %scan3A_56 to %scan3A_58 step %scan3A_59  : i32 {
      %mul3A_67 = arith.constant 4 : i32
      %mul3A_68 = arith.muli %scan3A_66, %mul3A_67 : i32
      %add3A_69 = arith.constant 0 : i32
      %add3A_70 = arith.addi %mul3A_68, %add3A_69 : i32
      %dma_wait3A = arith.constant 0 : i32
      %dma_wait3A_71 = arith.constant 0 : i32
      %dma_wait3A_72 = arith.constant 0 : i32
      %dma_wait3A_73 = tpu.memref_slice %arg9[%dma_wait3A, %dma_wait3A_71, %dma_wait3A_72] : memref<4x512x16xf32, #tpu.memory_space<vmem>> -> memref<1x512x16xf32, #tpu.memory_space<vmem>>
      %dma_wait3A_74 = tpu.memref_squeeze %dma_wait3A_73 : memref<1x512x16xf32, #tpu.memory_space<vmem>> -> memref<512x16xf32, #tpu.memory_space<vmem>>
      %dma_wait3A_75 = arith.constant 0 : i32
      %dma_wait3A_76 = tpu.memref_slice %arg7[%add3A_70, %dma_wait3A_75] : memref<20x512xi32, #tpu.memory_space<vmem>> -> memref<1x512xi32, #tpu.memory_space<vmem>>
      %dma_wait3A_77 = tpu.memref_squeeze %dma_wait3A_76 : memref<1x512xi32, #tpu.memory_space<vmem>> -> memref<512xi32, #tpu.memory_space<vmem>>
      %dma_wait3A_78 = arith.constant 0 : i32
      %dma_wait3A_79 = arith.constant 0 : i32
      %dma_wait3A_80 = tpu.memref_slice %arg11[%dma_wait3A_78, %dma_wait3A_79] : memref<10240x16xf32, #tpu.memory_space<vmem_shared>> -> memref<10240x16xf32, #tpu.memory_space<vmem_shared>>
      tpu.wait_indirect_dma semaphore(%arg12 : memref<!tpu.dma_semaphore, #tpu.memory_space<semaphore_mem>>) src(%dma_wait3A_80 : memref<10240x16xf32, #tpu.memory_space<vmem_shared>>) dst(%dma_wait3A_74 : memref<512x16xf32, #tpu.memory_space<vmem>>)
      %run_scoped3A = arith.constant 0 : i32
      "tpu.region"() ({
        %run_scoped3A_154 = tpu.sem_alloc : memref<!tpu.dma_semaphore, #tpu.memory_space<semaphore_mem>>
        %dma_start3A_155 = arith.constant 0 : i32
        %dma_start3A_156 = arith.constant 0 : i32
        %dma_start3A_157 = tpu.memref_slice %arg9[%run_scoped3A, %dma_start3A_155, %dma_start3A_156] : memref<4x512x16xf32, #tpu.memory_space<vmem>> -> memref<1x512x16xf32, #tpu.memory_space<vmem>>
        %dma_start3A_158 = tpu.memref_squeeze %dma_start3A_157 : memref<1x512x16xf32, #tpu.memory_space<vmem>> -> memref<512x16xf32, #tpu.memory_space<vmem>>
        %dma_start3A_159 = arith.constant 0 : i32
        %dma_start3A_160 = tpu.memref_slice %arg8[%add3A_70, %dma_start3A_159] : memref<20x512xi32, #tpu.memory_space<vmem>> -> memref<1x512xi32, #tpu.memory_space<vmem>>
        %dma_start3A_161 = tpu.memref_squeeze %dma_start3A_160 : memref<1x512xi32, #tpu.memory_space<vmem>> -> memref<512xi32, #tpu.memory_space<vmem>>
        %dma_start3A_162 = arith.constant 0 : i32
        %dma_start3A_163 = arith.constant 0 : i32
        %dma_start3A_164 = tpu.memref_slice %arg10[%dma_start3A_162, %dma_start3A_163] : memref<10240x16xf32, #tpu.memory_space<vmem_shared>> -> memref<10240x16xf32, #tpu.memory_space<vmem_shared>>
        tpu.enqueue_indirect_dma source(%dma_start3A_158 : memref<512x16xf32, #tpu.memory_space<vmem>>) target(%dma_start3A_164 : memref<10240x16xf32, #tpu.memory_space<vmem_shared>>) offsets(%dma_start3A_161 : memref<512xi32, #tpu.memory_space<vmem>>) semaphore(%run_scoped3A_154 : memref<!tpu.dma_semaphore, #tpu.memory_space<semaphore_mem>>) {add = true}
        %dma_wait3A_165 = arith.constant 0 : i32
        %dma_wait3A_166 = arith.constant 0 : i32
        %dma_wait3A_167 = tpu.memref_slice %arg9[%run_scoped3A, %dma_wait3A_165, %dma_wait3A_166] : memref<4x512x16xf32, #tpu.memory_space<vmem>> -> memref<1x512x16xf32, #tpu.memory_space<vmem>>
        %dma_wait3A_168 = tpu.memref_squeeze %dma_wait3A_167 : memref<1x512x16xf32, #tpu.memory_space<vmem>> -> memref<512x16xf32, #tpu.memory_space<vmem>>
        %dma_wait3A_169 = arith.constant 0 : i32
        %dma_wait3A_170 = tpu.memref_slice %arg8[%add3A_70, %dma_wait3A_169] : memref<20x512xi32, #tpu.memory_space<vmem>> -> memref<1x512xi32, #tpu.memory_space<vmem>>
        %dma_wait3A_171 = tpu.memref_squeeze %dma_wait3A_170 : memref<1x512xi32, #tpu.memory_space<vmem>> -> memref<512xi32, #tpu.memory_space<vmem>>
        %dma_wait3A_172 = arith.constant 0 : i32
        %dma_wait3A_173 = arith.constant 0 : i32
        %dma_wait3A_174 = tpu.memref_slice %arg10[%dma_wait3A_172, %dma_wait3A_173] : memref<10240x16xf32, #tpu.memory_space<vmem_shared>> -> memref<10240x16xf32, #tpu.memory_space<vmem_shared>>
        tpu.wait_indirect_dma semaphore(%run_scoped3A_154 : memref<!tpu.dma_semaphore, #tpu.memory_space<semaphore_mem>>) src(%dma_wait3A_168 : memref<512x16xf32, #tpu.memory_space<vmem>>) dst(%dma_wait3A_174 : memref<10240x16xf32, #tpu.memory_space<vmem_shared>>)
        tpu.yield
      }) : () -> ()
      %add3A_81 = arith.constant 4 : i32
      %add3A_82 = arith.addi %add3A_70, %add3A_81 : i32
      %lt3A = arith.constant 20 : i32
      %lt3A_83 = arith.cmpi slt, %add3A_82, %lt3A : i32
      %convert_element_type3A = arith.extui %lt3A_83 : i1 to i32
      %cond3A = arith.constant 0 : i32
      %cond3A_84 = arith.cmpi ne, %convert_element_type3A, %cond3A : i32
      scf.if %cond3A_84 {
        %add3A_154 = arith.constant 4 : i32
        %add3A_155 = arith.addi %add3A_70, %add3A_154 : i32
        %dma_start3A_156 = arith.constant 0 : i32
        %dma_start3A_157 = arith.constant 0 : i32
        %dma_start3A_158 = arith.constant 0 : i32
        %dma_start3A_159 = tpu.memref_slice %arg9[%dma_start3A_156, %dma_start3A_157, %dma_start3A_158] : memref<4x512x16xf32, #tpu.memory_space<vmem>> -> memref<1x512x16xf32, #tpu.memory_space<vmem>>
        %dma_start3A_160 = tpu.memref_squeeze %dma_start3A_159 : memref<1x512x16xf32, #tpu.memory_space<vmem>> -> memref<512x16xf32, #tpu.memory_space<vmem>>
        %dma_start3A_161 = arith.constant 0 : i32
        %dma_start3A_162 = tpu.memref_slice %arg7[%add3A_155, %dma_start3A_161] : memref<20x512xi32, #tpu.memory_space<vmem>> -> memref<1x512xi32, #tpu.memory_space<vmem>>
        %dma_start3A_163 = tpu.memref_squeeze %dma_start3A_162 : memref<1x512xi32, #tpu.memory_space<vmem>> -> memref<512xi32, #tpu.memory_space<vmem>>
        %dma_start3A_164 = arith.constant 0 : i32
        %dma_start3A_165 = arith.constant 0 : i32
        %dma_start3A_166 = tpu.memref_slice %arg11[%dma_start3A_164, %dma_start3A_165] : memref<10240x16xf32, #tpu.memory_space<vmem_shared>> -> memref<10240x16xf32, #tpu.memory_space<vmem_shared>>
        tpu.enqueue_indirect_dma source(%dma_start3A_166 : memref<10240x16xf32, #tpu.memory_space<vmem_shared>>) target(%dma_start3A_160 : memref<512x16xf32, #tpu.memory_space<vmem>>) offsets(%dma_start3A_163 : memref<512xi32, #tpu.memory_space<vmem>>) semaphore(%arg12 : memref<!tpu.dma_semaphore, #tpu.memory_space<semaphore_mem>>)
      } else {
      }
      %mul3A_85 = arith.constant 4 : i32
      %mul3A_86 = arith.muli %scan3A_66, %mul3A_85 : i32
      %add3A_87 = arith.constant 1 : i32
      %add3A_88 = arith.addi %mul3A_86, %add3A_87 : i32
      %dma_wait3A_89 = arith.constant 1 : i32
      %dma_wait3A_90 = arith.constant 0 : i32
      %dma_wait3A_91 = arith.constant 0 : i32
      %dma_wait3A_92 = tpu.memref_slice %arg9[%dma_wait3A_89, %dma_wait3A_90, %dma_wait3A_91] : memref<4x512x16xf32, #tpu.memory_space<vmem>> -> memref<1x512x16xf32, #tpu.memory_space<vmem>>
      %dma_wait3A_93 = tpu.memref_squeeze %dma_wait3A_92 : memref<1x512x16xf32, #tpu.memory_space<vmem>> -> memref<512x16xf32, #tpu.memory_space<vmem>>
      %dma_wait3A_94 = arith.constant 0 : i32
      %dma_wait3A_95 = tpu.memref_slice %arg7[%add3A_88, %dma_wait3A_94] : memref<20x512xi32, #tpu.memory_space<vmem>> -> memref<1x512xi32, #tpu.memory_space<vmem>>
      %dma_wait3A_96 = tpu.memref_squeeze %dma_wait3A_95 : memref<1x512xi32, #tpu.memory_space<vmem>> -> memref<512xi32, #tpu.memory_space<vmem>>
      %dma_wait3A_97 = arith.constant 0 : i32
      %dma_wait3A_98 = arith.constant 0 : i32
      %dma_wait3A_99 = tpu.memref_slice %arg11[%dma_wait3A_97, %dma_wait3A_98] : memref<10240x16xf32, #tpu.memory_space<vmem_shared>> -> memref<10240x16xf32, #tpu.memory_space<vmem_shared>>
      tpu.wait_indirect_dma semaphore(%arg13 : memref<!tpu.dma_semaphore, #tpu.memory_space<semaphore_mem>>) src(%dma_wait3A_99 : memref<10240x16xf32, #tpu.memory_space<vmem_shared>>) dst(%dma_wait3A_93 : memref<512x16xf32, #tpu.memory_space<vmem>>)
      %run_scoped3A_100 = arith.constant 1 : i32
      "tpu.region"() ({
        %run_scoped3A_154 = tpu.sem_alloc : memref<!tpu.dma_semaphore, #tpu.memory_space<semaphore_mem>>
        %dma_start3A_155 = arith.constant 0 : i32
        %dma_start3A_156 = arith.constant 0 : i32
        %dma_start3A_157 = tpu.memref_slice %arg9[%run_scoped3A_100, %dma_start3A_155, %dma_start3A_156] : memref<4x512x16xf32, #tpu.memory_space<vmem>> -> memref<1x512x16xf32, #tpu.memory_space<vmem>>
        %dma_start3A_158 = tpu.memref_squeeze %dma_start3A_157 : memref<1x512x16xf32, #tpu.memory_space<vmem>> -> memref<512x16xf32, #tpu.memory_space<vmem>>
        %dma_start3A_159 = arith.constant 0 : i32
        %dma_start3A_160 = tpu.memref_slice %arg8[%add3A_88, %dma_start3A_159] : memref<20x512xi32, #tpu.memory_space<vmem>> -> memref<1x512xi32, #tpu.memory_space<vmem>>
        %dma_start3A_161 = tpu.memref_squeeze %dma_start3A_160 : memref<1x512xi32, #tpu.memory_space<vmem>> -> memref<512xi32, #tpu.memory_space<vmem>>
        %dma_start3A_162 = arith.constant 0 : i32
        %dma_start3A_163 = arith.constant 0 : i32
        %dma_start3A_164 = tpu.memref_slice %arg10[%dma_start3A_162, %dma_start3A_163] : memref<10240x16xf32, #tpu.memory_space<vmem_shared>> -> memref<10240x16xf32, #tpu.memory_space<vmem_shared>>
        tpu.enqueue_indirect_dma source(%dma_start3A_158 : memref<512x16xf32, #tpu.memory_space<vmem>>) target(%dma_start3A_164 : memref<10240x16xf32, #tpu.memory_space<vmem_shared>>) offsets(%dma_start3A_161 : memref<512xi32, #tpu.memory_space<vmem>>) semaphore(%run_scoped3A_154 : memref<!tpu.dma_semaphore, #tpu.memory_space<semaphore_mem>>) {add = true}
        %dma_wait3A_165 = arith.constant 0 : i32
        %dma_wait3A_166 = arith.constant 0 : i32
        %dma_wait3A_167 = tpu.memref_slice %arg9[%run_scoped3A_100, %dma_wait3A_165, %dma_wait3A_166] : memref<4x512x16xf32, #tpu.memory_space<vmem>> -> memref<1x512x16xf32, #tpu.memory_space<vmem>>
        %dma_wait3A_168 = tpu.memref_squeeze %dma_wait3A_167 : memref<1x512x16xf32, #tpu.memory_space<vmem>> -> memref<512x16xf32, #tpu.memory_space<vmem>>
        %dma_wait3A_169 = arith.constant 0 : i32
        %dma_wait3A_170 = tpu.memref_slice %arg8[%add3A_88, %dma_wait3A_169] : memref<20x512xi32, #tpu.memory_space<vmem>> -> memref<1x512xi32, #tpu.memory_space<vmem>>
        %dma_wait3A_171 = tpu.memref_squeeze %dma_wait3A_170 : memref<1x512xi32, #tpu.memory_space<vmem>> -> memref<512xi32, #tpu.memory_space<vmem>>
        %dma_wait3A_172 = arith.constant 0 : i32
        %dma_wait3A_173 = arith.constant 0 : i32
        %dma_wait3A_174 = tpu.memref_slice %arg10[%dma_wait3A_172, %dma_wait3A_173] : memref<10240x16xf32, #tpu.memory_space<vmem_shared>> -> memref<10240x16xf32, #tpu.memory_space<vmem_shared>>
        tpu.wait_indirect_dma semaphore(%run_scoped3A_154 : memref<!tpu.dma_semaphore, #tpu.memory_space<semaphore_mem>>) src(%dma_wait3A_168 : memref<512x16xf32, #tpu.memory_space<vmem>>) dst(%dma_wait3A_174 : memref<10240x16xf32, #tpu.memory_space<vmem_shared>>)
        tpu.yield
      }) : () -> ()
      %add3A_101 = arith.constant 4 : i32
      %add3A_102 = arith.addi %add3A_88, %add3A_101 : i32
      %lt3A_103 = arith.constant 20 : i32
      %lt3A_104 = arith.cmpi slt, %add3A_102, %lt3A_103 : i32
      %convert_element_type3A_105 = arith.extui %lt3A_104 : i1 to i32
      %cond3A_106 = arith.constant 0 : i32
      %cond3A_107 = arith.cmpi ne, %convert_element_type3A_105, %cond3A_106 : i32
      scf.if %cond3A_107 {
        %add3A_154 = arith.constant 4 : i32
        %add3A_155 = arith.addi %add3A_88, %add3A_154 : i32
        %dma_start3A_156 = arith.constant 1 : i32
        %dma_start3A_157 = arith.constant 0 : i32
        %dma_start3A_158 = arith.constant 0 : i32
        %dma_start3A_159 = tpu.memref_slice %arg9[%dma_start3A_156, %dma_start3A_157, %dma_start3A_158] : memref<4x512x16xf32, #tpu.memory_space<vmem>> -> memref<1x512x16xf32, #tpu.memory_space<vmem>>
        %dma_start3A_160 = tpu.memref_squeeze %dma_start3A_159 : memref<1x512x16xf32, #tpu.memory_space<vmem>> -> memref<512x16xf32, #tpu.memory_space<vmem>>
        %dma_start3A_161 = arith.constant 0 : i32
        %dma_start3A_162 = tpu.memref_slice %arg7[%add3A_155, %dma_start3A_161] : memref<20x512xi32, #tpu.memory_space<vmem>> -> memref<1x512xi32, #tpu.memory_space<vmem>>
        %dma_start3A_163 = tpu.memref_squeeze %dma_start3A_162 : memref<1x512xi32, #tpu.memory_space<vmem>> -> memref<512xi32, #tpu.memory_space<vmem>>
        %dma_start3A_164 = arith.constant 0 : i32
        %dma_start3A_165 = arith.constant 0 : i32
        %dma_start3A_166 = tpu.memref_slice %arg11[%dma_start3A_164, %dma_start3A_165] : memref<10240x16xf32, #tpu.memory_space<vmem_shared>> -> memref<10240x16xf32, #tpu.memory_space<vmem_shared>>
        tpu.enqueue_indirect_dma source(%dma_start3A_166 : memref<10240x16xf32, #tpu.memory_space<vmem_shared>>) target(%dma_start3A_160 : memref<512x16xf32, #tpu.memory_space<vmem>>) offsets(%dma_start3A_163 : memref<512xi32, #tpu.memory_space<vmem>>) semaphore(%arg13 : memref<!tpu.dma_semaphore, #tpu.memory_space<semaphore_mem>>)
      } else {
      }
      %mul3A_108 = arith.constant 4 : i32
      %mul3A_109 = arith.muli %scan3A_66, %mul3A_108 : i32
      %add3A_110 = arith.constant 2 : i32
      %add3A_111 = arith.addi %mul3A_109, %add3A_110 : i32
      %dma_wait3A_112 = arith.constant 2 : i32
      %dma_wait3A_113 = arith.constant 0 : i32
      %dma_wait3A_114 = arith.constant 0 : i32
      %dma_wait3A_115 = tpu.memref_slice %arg9[%dma_wait3A_112, %dma_wait3A_113, %dma_wait3A_114] : memref<4x512x16xf32, #tpu.memory_space<vmem>> -> memref<1x512x16xf32, #tpu.memory_space<vmem>>
      %dma_wait3A_116 = tpu.memref_squeeze %dma_wait3A_115 : memref<1x512x16xf32, #tpu.memory_space<vmem>> -> memref<512x16xf32, #tpu.memory_space<vmem>>
      %dma_wait3A_117 = arith.constant 0 : i32
      %dma_wait3A_118 = tpu.memref_slice %arg7[%add3A_111, %dma_wait3A_117] : memref<20x512xi32, #tpu.memory_space<vmem>> -> memref<1x512xi32, #tpu.memory_space<vmem>>
      %dma_wait3A_119 = tpu.memref_squeeze %dma_wait3A_118 : memref<1x512xi32, #tpu.memory_space<vmem>> -> memref<512xi32, #tpu.memory_space<vmem>>
      %dma_wait3A_120 = arith.constant 0 : i32
      %dma_wait3A_121 = arith.constant 0 : i32
      %dma_wait3A_122 = tpu.memref_slice %arg11[%dma_wait3A_120, %dma_wait3A_121] : memref<10240x16xf32, #tpu.memory_space<vmem_shared>> -> memref<10240x16xf32, #tpu.memory_space<vmem_shared>>
      tpu.wait_indirect_dma semaphore(%arg14 : memref<!tpu.dma_semaphore, #tpu.memory_space<semaphore_mem>>) src(%dma_wait3A_122 : memref<10240x16xf32, #tpu.memory_space<vmem_shared>>) dst(%dma_wait3A_116 : memref<512x16xf32, #tpu.memory_space<vmem>>)
      %run_scoped3A_123 = arith.constant 2 : i32
      "tpu.region"() ({
        %run_scoped3A_154 = tpu.sem_alloc : memref<!tpu.dma_semaphore, #tpu.memory_space<semaphore_mem>>
        %dma_start3A_155 = arith.constant 0 : i32
        %dma_start3A_156 = arith.constant 0 : i32
        %dma_start3A_157 = tpu.memref_slice %arg9[%run_scoped3A_123, %dma_start3A_155, %dma_start3A_156] : memref<4x512x16xf32, #tpu.memory_space<vmem>> -> memref<1x512x16xf32, #tpu.memory_space<vmem>>
        %dma_start3A_158 = tpu.memref_squeeze %dma_start3A_157 : memref<1x512x16xf32, #tpu.memory_space<vmem>> -> memref<512x16xf32, #tpu.memory_space<vmem>>
        %dma_start3A_159 = arith.constant 0 : i32
        %dma_start3A_160 = tpu.memref_slice %arg8[%add3A_111, %dma_start3A_159] : memref<20x512xi32, #tpu.memory_space<vmem>> -> memref<1x512xi32, #tpu.memory_space<vmem>>
        %dma_start3A_161 = tpu.memref_squeeze %dma_start3A_160 : memref<1x512xi32, #tpu.memory_space<vmem>> -> memref<512xi32, #tpu.memory_space<vmem>>
        %dma_start3A_162 = arith.constant 0 : i32
        %dma_start3A_163 = arith.constant 0 : i32
        %dma_start3A_164 = tpu.memref_slice %arg10[%dma_start3A_162, %dma_start3A_163] : memref<10240x16xf32, #tpu.memory_space<vmem_shared>> -> memref<10240x16xf32, #tpu.memory_space<vmem_shared>>
        tpu.enqueue_indirect_dma source(%dma_start3A_158 : memref<512x16xf32, #tpu.memory_space<vmem>>) target(%dma_start3A_164 : memref<10240x16xf32, #tpu.memory_space<vmem_shared>>) offsets(%dma_start3A_161 : memref<512xi32, #tpu.memory_space<vmem>>) semaphore(%run_scoped3A_154 : memref<!tpu.dma_semaphore, #tpu.memory_space<semaphore_mem>>) {add = true}
        %dma_wait3A_165 = arith.constant 0 : i32
        %dma_wait3A_166 = arith.constant 0 : i32
        %dma_wait3A_167 = tpu.memref_slice %arg9[%run_scoped3A_123, %dma_wait3A_165, %dma_wait3A_166] : memref<4x512x16xf32, #tpu.memory_space<vmem>> -> memref<1x512x16xf32, #tpu.memory_space<vmem>>
        %dma_wait3A_168 = tpu.memref_squeeze %dma_wait3A_167 : memref<1x512x16xf32, #tpu.memory_space<vmem>> -> memref<512x16xf32, #tpu.memory_space<vmem>>
        %dma_wait3A_169 = arith.constant 0 : i32
        %dma_wait3A_170 = tpu.memref_slice %arg8[%add3A_111, %dma_wait3A_169] : memref<20x512xi32, #tpu.memory_space<vmem>> -> memref<1x512xi32, #tpu.memory_space<vmem>>
        %dma_wait3A_171 = tpu.memref_squeeze %dma_wait3A_170 : memref<1x512xi32, #tpu.memory_space<vmem>> -> memref<512xi32, #tpu.memory_space<vmem>>
        %dma_wait3A_172 = arith.constant 0 : i32
        %dma_wait3A_173 = arith.constant 0 : i32
        %dma_wait3A_174 = tpu.memref_slice %arg10[%dma_wait3A_172, %dma_wait3A_173] : memref<10240x16xf32, #tpu.memory_space<vmem_shared>> -> memref<10240x16xf32, #tpu.memory_space<vmem_shared>>
        tpu.wait_indirect_dma semaphore(%run_scoped3A_154 : memref<!tpu.dma_semaphore, #tpu.memory_space<semaphore_mem>>) src(%dma_wait3A_168 : memref<512x16xf32, #tpu.memory_space<vmem>>) dst(%dma_wait3A_174 : memref<10240x16xf32, #tpu.memory_space<vmem_shared>>)
        tpu.yield
      }) : () -> ()
      %add3A_124 = arith.constant 4 : i32
      %add3A_125 = arith.addi %add3A_111, %add3A_124 : i32
      %lt3A_126 = arith.constant 20 : i32
      %lt3A_127 = arith.cmpi slt, %add3A_125, %lt3A_126 : i32
      %convert_element_type3A_128 = arith.extui %lt3A_127 : i1 to i32
      %cond3A_129 = arith.constant 0 : i32
      %cond3A_130 = arith.cmpi ne, %convert_element_type3A_128, %cond3A_129 : i32
      scf.if %cond3A_130 {
        %add3A_154 = arith.constant 4 : i32
        %add3A_155 = arith.addi %add3A_111, %add3A_154 : i32
        %dma_start3A_156 = arith.constant 2 : i32
        %dma_start3A_157 = arith.constant 0 : i32
        %dma_start3A_158 = arith.constant 0 : i32
        %dma_start3A_159 = tpu.memref_slice %arg9[%dma_start3A_156, %dma_start3A_157, %dma_start3A_158] : memref<4x512x16xf32, #tpu.memory_space<vmem>> -> memref<1x512x16xf32, #tpu.memory_space<vmem>>
        %dma_start3A_160 = tpu.memref_squeeze %dma_start3A_159 : memref<1x512x16xf32, #tpu.memory_space<vmem>> -> memref<512x16xf32, #tpu.memory_space<vmem>>
        %dma_start3A_161 = arith.constant 0 : i32
        %dma_start3A_162 = tpu.memref_slice %arg7[%add3A_155, %dma_start3A_161] : memref<20x512xi32, #tpu.memory_space<vmem>> -> memref<1x512xi32, #tpu.memory_space<vmem>>
        %dma_start3A_163 = tpu.memref_squeeze %dma_start3A_162 : memref<1x512xi32, #tpu.memory_space<vmem>> -> memref<512xi32, #tpu.memory_space<vmem>>
        %dma_start3A_164 = arith.constant 0 : i32
        %dma_start3A_165 = arith.constant 0 : i32
        %dma_start3A_166 = tpu.memref_slice %arg11[%dma_start3A_164, %dma_start3A_165] : memref<10240x16xf32, #tpu.memory_space<vmem_shared>> -> memref<10240x16xf32, #tpu.memory_space<vmem_shared>>
        tpu.enqueue_indirect_dma source(%dma_start3A_166 : memref<10240x16xf32, #tpu.memory_space<vmem_shared>>) target(%dma_start3A_160 : memref<512x16xf32, #tpu.memory_space<vmem>>) offsets(%dma_start3A_163 : memref<512xi32, #tpu.memory_space<vmem>>) semaphore(%arg14 : memref<!tpu.dma_semaphore, #tpu.memory_space<semaphore_mem>>)
      } else {
      }
      %mul3A_131 = arith.constant 4 : i32
      %mul3A_132 = arith.muli %scan3A_66, %mul3A_131 : i32
      %add3A_133 = arith.constant 3 : i32
      %add3A_134 = arith.addi %mul3A_132, %add3A_133 : i32
      %dma_wait3A_135 = arith.constant 3 : i32
      %dma_wait3A_136 = arith.constant 0 : i32
      %dma_wait3A_137 = arith.constant 0 : i32
      %dma_wait3A_138 = tpu.memref_slice %arg9[%dma_wait3A_135, %dma_wait3A_136, %dma_wait3A_137] : memref<4x512x16xf32, #tpu.memory_space<vmem>> -> memref<1x512x16xf32, #tpu.memory_space<vmem>>
      %dma_wait3A_139 = tpu.memref_squeeze %dma_wait3A_138 : memref<1x512x16xf32, #tpu.memory_space<vmem>> -> memref<512x16xf32, #tpu.memory_space<vmem>>
      %dma_wait3A_140 = arith.constant 0 : i32
      %dma_wait3A_141 = tpu.memref_slice %arg7[%add3A_134, %dma_wait3A_140] : memref<20x512xi32, #tpu.memory_space<vmem>> -> memref<1x512xi32, #tpu.memory_space<vmem>>
      %dma_wait3A_142 = tpu.memref_squeeze %dma_wait3A_141 : memref<1x512xi32, #tpu.memory_space<vmem>> -> memref<512xi32, #tpu.memory_space<vmem>>
      %dma_wait3A_143 = arith.constant 0 : i32
      %dma_wait3A_144 = arith.constant 0 : i32
      %dma_wait3A_145 = tpu.memref_slice %arg11[%dma_wait3A_143, %dma_wait3A_144] : memref<10240x16xf32, #tpu.memory_space<vmem_shared>> -> memref<10240x16xf32, #tpu.memory_space<vmem_shared>>
      tpu.wait_indirect_dma semaphore(%arg15 : memref<!tpu.dma_semaphore, #tpu.memory_space<semaphore_mem>>) src(%dma_wait3A_145 : memref<10240x16xf32, #tpu.memory_space<vmem_shared>>) dst(%dma_wait3A_139 : memref<512x16xf32, #tpu.memory_space<vmem>>)
      %run_scoped3A_146 = arith.constant 3 : i32
      "tpu.region"() ({
        %run_scoped3A_154 = tpu.sem_alloc : memref<!tpu.dma_semaphore, #tpu.memory_space<semaphore_mem>>
        %dma_start3A_155 = arith.constant 0 : i32
        %dma_start3A_156 = arith.constant 0 : i32
        %dma_start3A_157 = tpu.memref_slice %arg9[%run_scoped3A_146, %dma_start3A_155, %dma_start3A_156] : memref<4x512x16xf32, #tpu.memory_space<vmem>> -> memref<1x512x16xf32, #tpu.memory_space<vmem>>
        %dma_start3A_158 = tpu.memref_squeeze %dma_start3A_157 : memref<1x512x16xf32, #tpu.memory_space<vmem>> -> memref<512x16xf32, #tpu.memory_space<vmem>>
        %dma_start3A_159 = arith.constant 0 : i32
        %dma_start3A_160 = tpu.memref_slice %arg8[%add3A_134, %dma_start3A_159] : memref<20x512xi32, #tpu.memory_space<vmem>> -> memref<1x512xi32, #tpu.memory_space<vmem>>
        %dma_start3A_161 = tpu.memref_squeeze %dma_start3A_160 : memref<1x512xi32, #tpu.memory_space<vmem>> -> memref<512xi32, #tpu.memory_space<vmem>>
        %dma_start3A_162 = arith.constant 0 : i32
        %dma_start3A_163 = arith.constant 0 : i32
        %dma_start3A_164 = tpu.memref_slice %arg10[%dma_start3A_162, %dma_start3A_163] : memref<10240x16xf32, #tpu.memory_space<vmem_shared>> -> memref<10240x16xf32, #tpu.memory_space<vmem_shared>>
        tpu.enqueue_indirect_dma source(%dma_start3A_158 : memref<512x16xf32, #tpu.memory_space<vmem>>) target(%dma_start3A_164 : memref<10240x16xf32, #tpu.memory_space<vmem_shared>>) offsets(%dma_start3A_161 : memref<512xi32, #tpu.memory_space<vmem>>) semaphore(%run_scoped3A_154 : memref<!tpu.dma_semaphore, #tpu.memory_space<semaphore_mem>>) {add = true}
        %dma_wait3A_165 = arith.constant 0 : i32
        %dma_wait3A_166 = arith.constant 0 : i32
        %dma_wait3A_167 = tpu.memref_slice %arg9[%run_scoped3A_146, %dma_wait3A_165, %dma_wait3A_166] : memref<4x512x16xf32, #tpu.memory_space<vmem>> -> memref<1x512x16xf32, #tpu.memory_space<vmem>>
        %dma_wait3A_168 = tpu.memref_squeeze %dma_wait3A_167 : memref<1x512x16xf32, #tpu.memory_space<vmem>> -> memref<512x16xf32, #tpu.memory_space<vmem>>
        %dma_wait3A_169 = arith.constant 0 : i32
        %dma_wait3A_170 = tpu.memref_slice %arg8[%add3A_134, %dma_wait3A_169] : memref<20x512xi32, #tpu.memory_space<vmem>> -> memref<1x512xi32, #tpu.memory_space<vmem>>
        %dma_wait3A_171 = tpu.memref_squeeze %dma_wait3A_170 : memref<1x512xi32, #tpu.memory_space<vmem>> -> memref<512xi32, #tpu.memory_space<vmem>>
        %dma_wait3A_172 = arith.constant 0 : i32
        %dma_wait3A_173 = arith.constant 0 : i32
        %dma_wait3A_174 = tpu.memref_slice %arg10[%dma_wait3A_172, %dma_wait3A_173] : memref<10240x16xf32, #tpu.memory_space<vmem_shared>> -> memref<10240x16xf32, #tpu.memory_space<vmem_shared>>
        tpu.wait_indirect_dma semaphore(%run_scoped3A_154 : memref<!tpu.dma_semaphore, #tpu.memory_space<semaphore_mem>>) src(%dma_wait3A_168 : memref<512x16xf32, #tpu.memory_space<vmem>>) dst(%dma_wait3A_174 : memref<10240x16xf32, #tpu.memory_space<vmem_shared>>)
        tpu.yield
      }) : () -> ()
      %add3A_147 = arith.constant 4 : i32
      %add3A_148 = arith.addi %add3A_134, %add3A_147 : i32
      %lt3A_149 = arith.constant 20 : i32
      %lt3A_150 = arith.cmpi slt, %add3A_148, %lt3A_149 : i32
      %convert_element_type3A_151 = arith.extui %lt3A_150 : i1 to i32
      %cond3A_152 = arith.constant 0 : i32
      %cond3A_153 = arith.cmpi ne, %convert_element_type3A_151, %cond3A_152 : i32
      scf.if %cond3A_153 {
        %add3A_154 = arith.constant 4 : i32
        %add3A_155 = arith.addi %add3A_134, %add3A_154 : i32
        %dma_start3A_156 = arith.constant 3 : i32
        %dma_start3A_157 = arith.constant 0 : i32
        %dma_start3A_158 = arith.constant 0 : i32
        %dma_start3A_159 = tpu.memref_slice %arg9[%dma_start3A_156, %dma_start3A_157, %dma_start3A_158] : memref<4x512x16xf32, #tpu.memory_space<vmem>> -> memref<1x512x16xf32, #tpu.memory_space<vmem>>
        %dma_start3A_160 = tpu.memref_squeeze %dma_start3A_159 : memref<1x512x16xf32, #tpu.memory_space<vmem>> -> memref<512x16xf32, #tpu.memory_space<vmem>>
        %dma_start3A_161 = arith.constant 0 : i32
        %dma_start3A_162 = tpu.memref_slice %arg7[%add3A_155, %dma_start3A_161] : memref<20x512xi32, #tpu.memory_space<vmem>> -> memref<1x512xi32, #tpu.memory_space<vmem>>
        %dma_start3A_163 = tpu.memref_squeeze %dma_start3A_162 : memref<1x512xi32, #tpu.memory_space<vmem>> -> memref<512xi32, #tpu.memory_space<vmem>>
        %dma_start3A_164 = arith.constant 0 : i32
        %dma_start3A_165 = arith.constant 0 : i32
        %dma_start3A_166 = tpu.memref_slice %arg11[%dma_start3A_164, %dma_start3A_165] : memref<10240x16xf32, #tpu.memory_space<vmem_shared>> -> memref<10240x16xf32, #tpu.memory_space<vmem_shared>>
        tpu.enqueue_indirect_dma source(%dma_start3A_166 : memref<10240x16xf32, #tpu.memory_space<vmem_shared>>) target(%dma_start3A_160 : memref<512x16xf32, #tpu.memory_space<vmem>>) offsets(%dma_start3A_163 : memref<512xi32, #tpu.memory_space<vmem>>) semaphore(%arg15 : memref<!tpu.dma_semaphore, #tpu.memory_space<semaphore_mem>>)
      } else {
      }
    }
    %scan3A_60 = arith.constant 5 : i32
    %barrier3A_61 = arith.constant 0 : index
    tpu.barrier barrier_id(%barrier3A_61)
    %mul3A_62 = arith.constant 640 : i32
    %mul3A_63 = arith.muli %arg1, %mul3A_62 : i32
    %mul3A_64 = arith.constant 640 : i32
    %mul3A_65 = arith.muli %arg1, %mul3A_64 : i32
    "tpu.region"() ({
      %run_scoped3A = tpu.sem_alloc : memref<!tpu.dma_semaphore, #tpu.memory_space<semaphore_mem>>
      %dma_start3A_66 = arith.constant 0 : i32
      %dma_start3A_67 = tpu.memref_slice %arg6[%arg0, %mul3A_65, %dma_start3A_66] : memref<2x10240x16xf32, #tpu.memory_space<hbm>> -> memref<1x640x16xf32, #tpu.memory_space<hbm>>
      %dma_start3A_68 = tpu.memref_squeeze %dma_start3A_67 : memref<1x640x16xf32, #tpu.memory_space<hbm>> -> memref<640x16xf32, #tpu.memory_space<hbm>>
      %dma_start3A_69 = arith.constant 0 : i32
      %dma_start3A_70 = tpu.memref_slice %arg10[%mul3A_63, %dma_start3A_69] : memref<10240x16xf32, #tpu.memory_space<vmem_shared>> -> memref<640x16xf32, #tpu.memory_space<vmem_shared>>
      tpu.enqueue_dma source(%dma_start3A_70 : memref<640x16xf32, #tpu.memory_space<vmem_shared>>) target(%dma_start3A_68 : memref<640x16xf32, #tpu.memory_space<hbm>>) target_semaphore(%run_scoped3A : memref<!tpu.dma_semaphore, #tpu.memory_space<semaphore_mem>>)
      %dma_wait3A = arith.constant 0 : i32
      %dma_wait3A_71 = tpu.memref_slice %arg6[%arg0, %mul3A_65, %dma_wait3A] : memref<2x10240x16xf32, #tpu.memory_space<hbm>> -> memref<1x640x16xf32, #tpu.memory_space<hbm>>
      %dma_wait3A_72 = tpu.memref_squeeze %dma_wait3A_71 : memref<1x640x16xf32, #tpu.memory_space<hbm>> -> memref<640x16xf32, #tpu.memory_space<hbm>>
      %dma_wait3A_73 = arith.constant 0 : i32
      %dma_wait3A_74 = tpu.memref_slice %arg10[%mul3A_63, %dma_wait3A_73] : memref<10240x16xf32, #tpu.memory_space<vmem_shared>> -> memref<640x16xf32, #tpu.memory_space<vmem_shared>>
      tpu.wait_dma2 semaphore(%run_scoped3A : memref<!tpu.dma_semaphore, #tpu.memory_space<semaphore_mem>>) src(%dma_wait3A_74 : memref<640x16xf32, #tpu.memory_space<vmem_shared>>) dst(%dma_wait3A_72 : memref<640x16xf32, #tpu.memory_space<hbm>>)
      tpu.yield
    }) : () -> ()
    return
  }
}

#map = affine_map<(d0, d1) -> (0, 0)>
#map1 = affine_map<(d0, d1) -> (0, 0, 0)>
module attributes {stable_mosaic.version = 14 : i64} {
  func.func @_segsum_sc(%arg0: i32, %arg1: i32, %arg2: memref<10240x16xf32, #tpu.memory_space<hbm>>, %arg3: memref<32x20x512xi32, #tpu.memory_space<hbm>>, %arg4: memref<32x20x512xi32, #tpu.memory_space<hbm>>, %arg5: memref<10240x16xf32, #tpu.memory_space<hbm>>, %arg6: memref<2x10240x16xf32, #tpu.memory_space<hbm>>, %arg7: memref<20x512xi32, #tpu.memory_space<vmem>>, %arg8: memref<20x512xi32, #tpu.memory_space<vmem>>, %arg9: memref<4x512x16xf32, #tpu.memory_space<vmem>>, %arg10: memref<10240x16xf32, #tpu.memory_space<vmem_shared>>, %arg11: memref<10240x16xf32, #tpu.memory_space<vmem_shared>>, %arg12: memref<!tpu.dma_semaphore, #tpu.memory_space<semaphore_mem>>, %arg13: memref<!tpu.dma_semaphore, #tpu.memory_space<semaphore_mem>>, %arg14: memref<!tpu.dma_semaphore, #tpu.memory_space<semaphore_mem>>, %arg15: memref<!tpu.dma_semaphore, #tpu.memory_space<semaphore_mem>>) attributes {dimension_semantics = [#tpu.dimension_semantics<core_parallel>, #tpu.dimension_semantics<subcore_parallel>], iteration_bounds = array<i64: 2, 16>, scalar_prefetch = 0 : i64, scratch_operands = 9 : i64, tpu.core_type = #tpu.core_type<sc_vector_subcore>, window_params = [{transform_indices = #map}, {transform_indices = #map1}, {transform_indices = #map1}, {transform_indices = #map}, {transform_indices = #map1}]} {
    %mul3A = arith.constant 2 : i32
    %mul3A_0 = arith.muli %arg1, %mul3A : i32
    %add3A = arith.addi %mul3A_0, %arg0 : i32
    "tpu.region"() ({
      %run_scoped3A = tpu.sem_alloc : memref<!tpu.dma_semaphore, #tpu.memory_space<semaphore_mem>>
      %dma_start3A_66 = arith.constant 0 : i32
      %dma_start3A_67 = arith.constant 0 : i32
      %dma_start3A_68 = tpu.memref_slice %arg3[%add3A, %dma_start3A_66, %dma_start3A_67] : memref<32x20x512xi32, #tpu.memory_space<hbm>> -> memref<1x20x512xi32, #tpu.memory_space<hbm>>
      %dma_start3A_69 = tpu.memref_squeeze %dma_start3A_68 : memref<1x20x512xi32, #tpu.memory_space<hbm>> -> memref<20x512xi32, #tpu.memory_space<hbm>>
      %dma_start3A_70 = arith.constant 0 : i32
      %dma_start3A_71 = arith.constant 0 : i32
      %dma_start3A_72 = tpu.memref_slice %arg3[%add3A, %dma_start3A_70, %dma_start3A_71] : memref<32x20x512xi32, #tpu.memory_space<hbm>> -> memref<1x20x512xi32, #tpu.memory_space<hbm>>
      %dma_start3A_73 = tpu.memref_squeeze %dma_start3A_72 : memref<1x20x512xi32, #tpu.memory_space<hbm>> -> memref<20x512xi32, #tpu.memory_space<hbm>>
      tpu.enqueue_dma source(%dma_start3A_73 : memref<20x512xi32, #tpu.memory_space<hbm>>) target(%arg7 : memref<20x512xi32, #tpu.memory_space<vmem>>) target_semaphore(%run_scoped3A : memref<!tpu.dma_semaphore, #tpu.memory_space<semaphore_mem>>)
      %dma_wait3A = arith.constant 0 : i32
      %dma_wait3A_74 = arith.constant 0 : i32
      %dma_wait3A_75 = tpu.memref_slice %arg3[%add3A, %dma_wait3A, %dma_wait3A_74] : memref<32x20x512xi32, #tpu.memory_space<hbm>> -> memref<1x20x512xi32, #tpu.memory_space<hbm>>
      %dma_wait3A_76 = tpu.memref_squeeze %dma_wait3A_75 : memref<1x20x512xi32, #tpu.memory_space<hbm>> -> memref<20x512xi32, #tpu.memory_space<hbm>>
      %dma_wait3A_77 = arith.constant 0 : i32
      %dma_wait3A_78 = arith.constant 0 : i32
      %dma_wait3A_79 = tpu.memref_slice %arg3[%add3A, %dma_wait3A_77, %dma_wait3A_78] : memref<32x20x512xi32, #tpu.memory_space<hbm>> -> memref<1x20x512xi32, #tpu.memory_space<hbm>>
      %dma_wait3A_80 = tpu.memref_squeeze %dma_wait3A_79 : memref<1x20x512xi32, #tpu.memory_space<hbm>> -> memref<20x512xi32, #tpu.memory_space<hbm>>
      tpu.wait_dma2 semaphore(%run_scoped3A : memref<!tpu.dma_semaphore, #tpu.memory_space<semaphore_mem>>) src(%dma_wait3A_80 : memref<20x512xi32, #tpu.memory_space<hbm>>) dst(%arg7 : memref<20x512xi32, #tpu.memory_space<vmem>>)
      tpu.yield
    }) : () -> ()
    "tpu.region"() ({
      %run_scoped3A = tpu.sem_alloc : memref<!tpu.dma_semaphore, #tpu.memory_space<semaphore_mem>>
      %dma_start3A_66 = arith.constant 0 : i32
      %dma_start3A_67 = arith.constant 0 : i32
      %dma_start3A_68 = tpu.memref_slice %arg4[%add3A, %dma_start3A_66, %dma_start3A_67] : memref<32x20x512xi32, #tpu.memory_space<hbm>> -> memref<1x20x512xi32, #tpu.memory_space<hbm>>
      %dma_start3A_69 = tpu.memref_squeeze %dma_start3A_68 : memref<1x20x512xi32, #tpu.memory_space<hbm>> -> memref<20x512xi32, #tpu.memory_space<hbm>>
      %dma_start3A_70 = arith.constant 0 : i32
      %dma_start3A_71 = arith.constant 0 : i32
      %dma_start3A_72 = tpu.memref_slice %arg4[%add3A, %dma_start3A_70, %dma_start3A_71] : memref<32x20x512xi32, #tpu.memory_space<hbm>> -> memref<1x20x512xi32, #tpu.memory_space<hbm>>
      %dma_start3A_73 = tpu.memref_squeeze %dma_start3A_72 : memref<1x20x512xi32, #tpu.memory_space<hbm>> -> memref<20x512xi32, #tpu.memory_space<hbm>>
      tpu.enqueue_dma source(%dma_start3A_73 : memref<20x512xi32, #tpu.memory_space<hbm>>) target(%arg8 : memref<20x512xi32, #tpu.memory_space<vmem>>) target_semaphore(%run_scoped3A : memref<!tpu.dma_semaphore, #tpu.memory_space<semaphore_mem>>)
      %dma_wait3A = arith.constant 0 : i32
      %dma_wait3A_74 = arith.constant 0 : i32
      %dma_wait3A_75 = tpu.memref_slice %arg4[%add3A, %dma_wait3A, %dma_wait3A_74] : memref<32x20x512xi32, #tpu.memory_space<hbm>> -> memref<1x20x512xi32, #tpu.memory_space<hbm>>
      %dma_wait3A_76 = tpu.memref_squeeze %dma_wait3A_75 : memref<1x20x512xi32, #tpu.memory_space<hbm>> -> memref<20x512xi32, #tpu.memory_space<hbm>>
      %dma_wait3A_77 = arith.constant 0 : i32
      %dma_wait3A_78 = arith.constant 0 : i32
      %dma_wait3A_79 = tpu.memref_slice %arg4[%add3A, %dma_wait3A_77, %dma_wait3A_78] : memref<32x20x512xi32, #tpu.memory_space<hbm>> -> memref<1x20x512xi32, #tpu.memory_space<hbm>>
      %dma_wait3A_80 = tpu.memref_squeeze %dma_wait3A_79 : memref<1x20x512xi32, #tpu.memory_space<hbm>> -> memref<20x512xi32, #tpu.memory_space<hbm>>
      tpu.wait_dma2 semaphore(%run_scoped3A : memref<!tpu.dma_semaphore, #tpu.memory_space<semaphore_mem>>) src(%dma_wait3A_80 : memref<20x512xi32, #tpu.memory_space<hbm>>) dst(%arg8 : memref<20x512xi32, #tpu.memory_space<vmem>>)
      tpu.yield
    }) : () -> ()
    %mul3A_1 = arith.constant 640 : i32
    %mul3A_2 = arith.muli %arg1, %mul3A_1 : i32
    %mul3A_3 = arith.constant 640 : i32
    %mul3A_4 = arith.muli %arg1, %mul3A_3 : i32
    "tpu.region"() ({
      %run_scoped3A = tpu.sem_alloc : memref<!tpu.dma_semaphore, #tpu.memory_space<semaphore_mem>>
      %dma_start3A_66 = arith.constant 0 : i32
      %dma_start3A_67 = tpu.memref_slice %arg11[%mul3A_4, %dma_start3A_66] : memref<10240x16xf32, #tpu.memory_space<vmem_shared>> -> memref<640x16xf32, #tpu.memory_space<vmem_shared>>
      %dma_start3A_68 = arith.constant 0 : i32
      %dma_start3A_69 = tpu.memref_slice %arg2[%mul3A_2, %dma_start3A_68] : memref<10240x16xf32, #tpu.memory_space<hbm>> -> memref<640x16xf32, #tpu.memory_space<hbm>>
      tpu.enqueue_dma source(%dma_start3A_69 : memref<640x16xf32, #tpu.memory_space<hbm>>) target(%dma_start3A_67 : memref<640x16xf32, #tpu.memory_space<vmem_shared>>) target_semaphore(%run_scoped3A : memref<!tpu.dma_semaphore, #tpu.memory_space<semaphore_mem>>)
      %dma_wait3A = arith.constant 0 : i32
      %dma_wait3A_70 = tpu.memref_slice %arg11[%mul3A_4, %dma_wait3A] : memref<10240x16xf32, #tpu.memory_space<vmem_shared>> -> memref<640x16xf32, #tpu.memory_space<vmem_shared>>
      %dma_wait3A_71 = arith.constant 0 : i32
      %dma_wait3A_72 = tpu.memref_slice %arg2[%mul3A_2, %dma_wait3A_71] : memref<10240x16xf32, #tpu.memory_space<hbm>> -> memref<640x16xf32, #tpu.memory_space<hbm>>
      tpu.wait_dma2 semaphore(%run_scoped3A : memref<!tpu.dma_semaphore, #tpu.memory_space<semaphore_mem>>) src(%dma_wait3A_72 : memref<640x16xf32, #tpu.memory_space<hbm>>) dst(%dma_wait3A_70 : memref<640x16xf32, #tpu.memory_space<vmem_shared>>)
      tpu.yield
    }) : () -> ()
    %mul3A_5 = arith.constant 640 : i32
    %mul3A_6 = arith.muli %arg1, %mul3A_5 : i32
    %mul3A_7 = arith.constant 640 : i32
    %mul3A_8 = arith.muli %arg1, %mul3A_7 : i32
    "tpu.region"() ({
      %run_scoped3A = tpu.sem_alloc : memref<!tpu.dma_semaphore, #tpu.memory_space<semaphore_mem>>
      %dma_start3A_66 = arith.constant 0 : i32
      %dma_start3A_67 = tpu.memref_slice %arg10[%mul3A_8, %dma_start3A_66] : memref<10240x16xf32, #tpu.memory_space<vmem_shared>> -> memref<640x16xf32, #tpu.memory_space<vmem_shared>>
      %dma_start3A_68 = arith.constant 0 : i32
      %dma_start3A_69 = tpu.memref_slice %arg5[%mul3A_6, %dma_start3A_68] : memref<10240x16xf32, #tpu.memory_space<hbm>> -> memref<640x16xf32, #tpu.memory_space<hbm>>
      tpu.enqueue_dma source(%dma_start3A_69 : memref<640x16xf32, #tpu.memory_space<hbm>>) target(%dma_start3A_67 : memref<640x16xf32, #tpu.memory_space<vmem_shared>>) target_semaphore(%run_scoped3A : memref<!tpu.dma_semaphore, #tpu.memory_space<semaphore_mem>>)
      %dma_wait3A = arith.constant 0 : i32
      %dma_wait3A_70 = tpu.memref_slice %arg10[%mul3A_8, %dma_wait3A] : memref<10240x16xf32, #tpu.memory_space<vmem_shared>> -> memref<640x16xf32, #tpu.memory_space<vmem_shared>>
      %dma_wait3A_71 = arith.constant 0 : i32
      %dma_wait3A_72 = tpu.memref_slice %arg5[%mul3A_6, %dma_wait3A_71] : memref<10240x16xf32, #tpu.memory_space<hbm>> -> memref<640x16xf32, #tpu.memory_space<hbm>>
      tpu.wait_dma2 semaphore(%run_scoped3A : memref<!tpu.dma_semaphore, #tpu.memory_space<semaphore_mem>>) src(%dma_wait3A_72 : memref<640x16xf32, #tpu.memory_space<hbm>>) dst(%dma_wait3A_70 : memref<640x16xf32, #tpu.memory_space<vmem_shared>>)
      tpu.yield
    }) : () -> ()
    %barrier3A = arith.constant 0 : index
    tpu.barrier barrier_id(%barrier3A)
    %dma_start3A = arith.constant 0 : i32
    %dma_start3A_9 = arith.constant 0 : i32
    %dma_start3A_10 = arith.constant 0 : i32
    %dma_start3A_11 = arith.constant 0 : i32
    %dma_start3A_12 = tpu.memref_slice %arg9[%dma_start3A_9, %dma_start3A_10, %dma_start3A_11] : memref<4x512x16xf32, #tpu.memory_space<vmem>> -> memref<1x512x16xf32, #tpu.memory_space<vmem>>
    %dma_start3A_13 = tpu.memref_squeeze %dma_start3A_12 : memref<1x512x16xf32, #tpu.memory_space<vmem>> -> memref<512x16xf32, #tpu.memory_space<vmem>>
    %dma_start3A_14 = arith.constant 0 : i32
    %dma_start3A_15 = tpu.memref_slice %arg7[%dma_start3A, %dma_start3A_14] : memref<20x512xi32, #tpu.memory_space<vmem>> -> memref<1x512xi32, #tpu.memory_space<vmem>>
    %dma_start3A_16 = tpu.memref_squeeze %dma_start3A_15 : memref<1x512xi32, #tpu.memory_space<vmem>> -> memref<512xi32, #tpu.memory_space<vmem>>
    %dma_start3A_17 = arith.constant 0 : i32
    %dma_start3A_18 = arith.constant 0 : i32
    %dma_start3A_19 = tpu.memref_slice %arg11[%dma_start3A_17, %dma_start3A_18] : memref<10240x16xf32, #tpu.memory_space<vmem_shared>> -> memref<10240x16xf32, #tpu.memory_space<vmem_shared>>
    tpu.enqueue_indirect_dma source(%dma_start3A_19 : memref<10240x16xf32, #tpu.memory_space<vmem_shared>>) target(%dma_start3A_13 : memref<512x16xf32, #tpu.memory_space<vmem>>) offsets(%dma_start3A_16 : memref<512xi32, #tpu.memory_space<vmem>>) semaphore(%arg12 : memref<!tpu.dma_semaphore, #tpu.memory_space<semaphore_mem>>)
    %dma_start3A_20 = arith.constant 1 : i32
    %dma_start3A_21 = arith.constant 1 : i32
    %dma_start3A_22 = arith.constant 0 : i32
    %dma_start3A_23 = arith.constant 0 : i32
    %dma_start3A_24 = tpu.memref_slice %arg9[%dma_start3A_21, %dma_start3A_22, %dma_start3A_23] : memref<4x512x16xf32, #tpu.memory_space<vmem>> -> memref<1x512x16xf32, #tpu.memory_space<vmem>>
    %dma_start3A_25 = tpu.memref_squeeze %dma_start3A_24 : memref<1x512x16xf32, #tpu.memory_space<vmem>> -> memref<512x16xf32, #tpu.memory_space<vmem>>
    %dma_start3A_26 = arith.constant 0 : i32
    %dma_start3A_27 = tpu.memref_slice %arg7[%dma_start3A_20, %dma_start3A_26] : memref<20x512xi32, #tpu.memory_space<vmem>> -> memref<1x512xi32, #tpu.memory_space<vmem>>
    %dma_start3A_28 = tpu.memref_squeeze %dma_start3A_27 : memref<1x512xi32, #tpu.memory_space<vmem>> -> memref<512xi32, #tpu.memory_space<vmem>>
    %dma_start3A_29 = arith.constant 0 : i32
    %dma_start3A_30 = arith.constant 0 : i32
    %dma_start3A_31 = tpu.memref_slice %arg11[%dma_start3A_29, %dma_start3A_30] : memref<10240x16xf32, #tpu.memory_space<vmem_shared>> -> memref<10240x16xf32, #tpu.memory_space<vmem_shared>>
    tpu.enqueue_indirect_dma source(%dma_start3A_31 : memref<10240x16xf32, #tpu.memory_space<vmem_shared>>) target(%dma_start3A_25 : memref<512x16xf32, #tpu.memory_space<vmem>>) offsets(%dma_start3A_28 : memref<512xi32, #tpu.memory_space<vmem>>) semaphore(%arg13 : memref<!tpu.dma_semaphore, #tpu.memory_space<semaphore_mem>>)
    %dma_start3A_32 = arith.constant 2 : i32
    %dma_start3A_33 = arith.constant 2 : i32
    %dma_start3A_34 = arith.constant 0 : i32
    %dma_start3A_35 = arith.constant 0 : i32
    %dma_start3A_36 = tpu.memref_slice %arg9[%dma_start3A_33, %dma_start3A_34, %dma_start3A_35] : memref<4x512x16xf32, #tpu.memory_space<vmem>> -> memref<1x512x16xf32, #tpu.memory_space<vmem>>
    %dma_start3A_37 = tpu.memref_squeeze %dma_start3A_36 : memref<1x512x16xf32, #tpu.memory_space<vmem>> -> memref<512x16xf32, #tpu.memory_space<vmem>>
    %dma_start3A_38 = arith.constant 0 : i32
    %dma_start3A_39 = tpu.memref_slice %arg7[%dma_start3A_32, %dma_start3A_38] : memref<20x512xi32, #tpu.memory_space<vmem>> -> memref<1x512xi32, #tpu.memory_space<vmem>>
    %dma_start3A_40 = tpu.memref_squeeze %dma_start3A_39 : memref<1x512xi32, #tpu.memory_space<vmem>> -> memref<512xi32, #tpu.memory_space<vmem>>
    %dma_start3A_41 = arith.constant 0 : i32
    %dma_start3A_42 = arith.constant 0 : i32
    %dma_start3A_43 = tpu.memref_slice %arg11[%dma_start3A_41, %dma_start3A_42] : memref<10240x16xf32, #tpu.memory_space<vmem_shared>> -> memref<10240x16xf32, #tpu.memory_space<vmem_shared>>
    tpu.enqueue_indirect_dma source(%dma_start3A_43 : memref<10240x16xf32, #tpu.memory_space<vmem_shared>>) target(%dma_start3A_37 : memref<512x16xf32, #tpu.memory_space<vmem>>) offsets(%dma_start3A_40 : memref<512xi32, #tpu.memory_space<vmem>>) semaphore(%arg14 : memref<!tpu.dma_semaphore, #tpu.memory_space<semaphore_mem>>)
    %dma_start3A_44 = arith.constant 3 : i32
    %dma_start3A_45 = arith.constant 3 : i32
    %dma_start3A_46 = arith.constant 0 : i32
    %dma_start3A_47 = arith.constant 0 : i32
    %dma_start3A_48 = tpu.memref_slice %arg9[%dma_start3A_45, %dma_start3A_46, %dma_start3A_47] : memref<4x512x16xf32, #tpu.memory_space<vmem>> -> memref<1x512x16xf32, #tpu.memory_space<vmem>>
    %dma_start3A_49 = tpu.memref_squeeze %dma_start3A_48 : memref<1x512x16xf32, #tpu.memory_space<vmem>> -> memref<512x16xf32, #tpu.memory_space<vmem>>
    %dma_start3A_50 = arith.constant 0 : i32
    %dma_start3A_51 = tpu.memref_slice %arg7[%dma_start3A_44, %dma_start3A_50] : memref<20x512xi32, #tpu.memory_space<vmem>> -> memref<1x512xi32, #tpu.memory_space<vmem>>
    %dma_start3A_52 = tpu.memref_squeeze %dma_start3A_51 : memref<1x512xi32, #tpu.memory_space<vmem>> -> memref<512xi32, #tpu.memory_space<vmem>>
    %dma_start3A_53 = arith.constant 0 : i32
    %dma_start3A_54 = arith.constant 0 : i32
    %dma_start3A_55 = tpu.memref_slice %arg11[%dma_start3A_53, %dma_start3A_54] : memref<10240x16xf32, #tpu.memory_space<vmem_shared>> -> memref<10240x16xf32, #tpu.memory_space<vmem_shared>>
    tpu.enqueue_indirect_dma source(%dma_start3A_55 : memref<10240x16xf32, #tpu.memory_space<vmem_shared>>) target(%dma_start3A_49 : memref<512x16xf32, #tpu.memory_space<vmem>>) offsets(%dma_start3A_52 : memref<512xi32, #tpu.memory_space<vmem>>) semaphore(%arg15 : memref<!tpu.dma_semaphore, #tpu.memory_space<semaphore_mem>>)
    %scan3A = arith.constant 0 : i32
    %scan3A_56 = arith.constant 0 : i32
    %scan3A_57 = arith.constant 5 : i32
    %scan3A_58 = arith.addi %scan3A_56, %scan3A_57 : i32
    %scan3A_59 = arith.constant 1 : i32
    scf.for %scan3A_66 = %scan3A_56 to %scan3A_58 step %scan3A_59  : i32 {
      %mul3A_67 = arith.constant 4 : i32
      %mul3A_68 = arith.muli %scan3A_66, %mul3A_67 : i32
      %add3A_69 = arith.constant 0 : i32
      %add3A_70 = arith.addi %mul3A_68, %add3A_69 : i32
      %dma_wait3A = arith.constant 0 : i32
      %dma_wait3A_71 = arith.constant 0 : i32
      %dma_wait3A_72 = arith.constant 0 : i32
      %dma_wait3A_73 = tpu.memref_slice %arg9[%dma_wait3A, %dma_wait3A_71, %dma_wait3A_72] : memref<4x512x16xf32, #tpu.memory_space<vmem>> -> memref<1x512x16xf32, #tpu.memory_space<vmem>>
      %dma_wait3A_74 = tpu.memref_squeeze %dma_wait3A_73 : memref<1x512x16xf32, #tpu.memory_space<vmem>> -> memref<512x16xf32, #tpu.memory_space<vmem>>
      %dma_wait3A_75 = arith.constant 0 : i32
      %dma_wait3A_76 = tpu.memref_slice %arg7[%add3A_70, %dma_wait3A_75] : memref<20x512xi32, #tpu.memory_space<vmem>> -> memref<1x512xi32, #tpu.memory_space<vmem>>
      %dma_wait3A_77 = tpu.memref_squeeze %dma_wait3A_76 : memref<1x512xi32, #tpu.memory_space<vmem>> -> memref<512xi32, #tpu.memory_space<vmem>>
      %dma_wait3A_78 = arith.constant 0 : i32
      %dma_wait3A_79 = arith.constant 0 : i32
      %dma_wait3A_80 = tpu.memref_slice %arg11[%dma_wait3A_78, %dma_wait3A_79] : memref<10240x16xf32, #tpu.memory_space<vmem_shared>> -> memref<10240x16xf32, #tpu.memory_space<vmem_shared>>
      tpu.wait_indirect_dma semaphore(%arg12 : memref<!tpu.dma_semaphore, #tpu.memory_space<semaphore_mem>>) src(%dma_wait3A_80 : memref<10240x16xf32, #tpu.memory_space<vmem_shared>>) dst(%dma_wait3A_74 : memref<512x16xf32, #tpu.memory_space<vmem>>)
      %run_scoped3A = arith.constant 0 : i32
      "tpu.region"() ({
        %run_scoped3A_154 = tpu.sem_alloc : memref<!tpu.dma_semaphore, #tpu.memory_space<semaphore_mem>>
        %dma_start3A_155 = arith.constant 0 : i32
        %dma_start3A_156 = arith.constant 0 : i32
        %dma_start3A_157 = tpu.memref_slice %arg9[%run_scoped3A, %dma_start3A_155, %dma_start3A_156] : memref<4x512x16xf32, #tpu.memory_space<vmem>> -> memref<1x512x16xf32, #tpu.memory_space<vmem>>
        %dma_start3A_158 = tpu.memref_squeeze %dma_start3A_157 : memref<1x512x16xf32, #tpu.memory_space<vmem>> -> memref<512x16xf32, #tpu.memory_space<vmem>>
        %dma_start3A_159 = arith.constant 0 : i32
        %dma_start3A_160 = tpu.memref_slice %arg8[%add3A_70, %dma_start3A_159] : memref<20x512xi32, #tpu.memory_space<vmem>> -> memref<1x512xi32, #tpu.memory_space<vmem>>
        %dma_start3A_161 = tpu.memref_squeeze %dma_start3A_160 : memref<1x512xi32, #tpu.memory_space<vmem>> -> memref<512xi32, #tpu.memory_space<vmem>>
        %dma_start3A_162 = arith.constant 0 : i32
        %dma_start3A_163 = arith.constant 0 : i32
        %dma_start3A_164 = tpu.memref_slice %arg10[%dma_start3A_162, %dma_start3A_163] : memref<10240x16xf32, #tpu.memory_space<vmem_shared>> -> memref<10240x16xf32, #tpu.memory_space<vmem_shared>>
        tpu.enqueue_indirect_dma source(%dma_start3A_158 : memref<512x16xf32, #tpu.memory_space<vmem>>) target(%dma_start3A_164 : memref<10240x16xf32, #tpu.memory_space<vmem_shared>>) offsets(%dma_start3A_161 : memref<512xi32, #tpu.memory_space<vmem>>) semaphore(%run_scoped3A_154 : memref<!tpu.dma_semaphore, #tpu.memory_space<semaphore_mem>>) {add = true}
        %dma_wait3A_165 = arith.constant 0 : i32
        %dma_wait3A_166 = arith.constant 0 : i32
        %dma_wait3A_167 = tpu.memref_slice %arg9[%run_scoped3A, %dma_wait3A_165, %dma_wait3A_166] : memref<4x512x16xf32, #tpu.memory_space<vmem>> -> memref<1x512x16xf32, #tpu.memory_space<vmem>>
        %dma_wait3A_168 = tpu.memref_squeeze %dma_wait3A_167 : memref<1x512x16xf32, #tpu.memory_space<vmem>> -> memref<512x16xf32, #tpu.memory_space<vmem>>
        %dma_wait3A_169 = arith.constant 0 : i32
        %dma_wait3A_170 = tpu.memref_slice %arg8[%add3A_70, %dma_wait3A_169] : memref<20x512xi32, #tpu.memory_space<vmem>> -> memref<1x512xi32, #tpu.memory_space<vmem>>
        %dma_wait3A_171 = tpu.memref_squeeze %dma_wait3A_170 : memref<1x512xi32, #tpu.memory_space<vmem>> -> memref<512xi32, #tpu.memory_space<vmem>>
        %dma_wait3A_172 = arith.constant 0 : i32
        %dma_wait3A_173 = arith.constant 0 : i32
        %dma_wait3A_174 = tpu.memref_slice %arg10[%dma_wait3A_172, %dma_wait3A_173] : memref<10240x16xf32, #tpu.memory_space<vmem_shared>> -> memref<10240x16xf32, #tpu.memory_space<vmem_shared>>
        tpu.wait_indirect_dma semaphore(%run_scoped3A_154 : memref<!tpu.dma_semaphore, #tpu.memory_space<semaphore_mem>>) src(%dma_wait3A_168 : memref<512x16xf32, #tpu.memory_space<vmem>>) dst(%dma_wait3A_174 : memref<10240x16xf32, #tpu.memory_space<vmem_shared>>)
        tpu.yield
      }) : () -> ()
      %add3A_81 = arith.constant 4 : i32
      %add3A_82 = arith.addi %add3A_70, %add3A_81 : i32
      %lt3A = arith.constant 20 : i32
      %lt3A_83 = arith.cmpi slt, %add3A_82, %lt3A : i32
      %convert_element_type3A = arith.extui %lt3A_83 : i1 to i32
      %cond3A = arith.constant 0 : i32
      %cond3A_84 = arith.cmpi ne, %convert_element_type3A, %cond3A : i32
      scf.if %cond3A_84 {
        %add3A_154 = arith.constant 4 : i32
        %add3A_155 = arith.addi %add3A_70, %add3A_154 : i32
        %dma_start3A_156 = arith.constant 0 : i32
        %dma_start3A_157 = arith.constant 0 : i32
        %dma_start3A_158 = arith.constant 0 : i32
        %dma_start3A_159 = tpu.memref_slice %arg9[%dma_start3A_156, %dma_start3A_157, %dma_start3A_158] : memref<4x512x16xf32, #tpu.memory_space<vmem>> -> memref<1x512x16xf32, #tpu.memory_space<vmem>>
        %dma_start3A_160 = tpu.memref_squeeze %dma_start3A_159 : memref<1x512x16xf32, #tpu.memory_space<vmem>> -> memref<512x16xf32, #tpu.memory_space<vmem>>
        %dma_start3A_161 = arith.constant 0 : i32
        %dma_start3A_162 = tpu.memref_slice %arg7[%add3A_155, %dma_start3A_161] : memref<20x512xi32, #tpu.memory_space<vmem>> -> memref<1x512xi32, #tpu.memory_space<vmem>>
        %dma_start3A_163 = tpu.memref_squeeze %dma_start3A_162 : memref<1x512xi32, #tpu.memory_space<vmem>> -> memref<512xi32, #tpu.memory_space<vmem>>
        %dma_start3A_164 = arith.constant 0 : i32
        %dma_start3A_165 = arith.constant 0 : i32
        %dma_start3A_166 = tpu.memref_slice %arg11[%dma_start3A_164, %dma_start3A_165] : memref<10240x16xf32, #tpu.memory_space<vmem_shared>> -> memref<10240x16xf32, #tpu.memory_space<vmem_shared>>
        tpu.enqueue_indirect_dma source(%dma_start3A_166 : memref<10240x16xf32, #tpu.memory_space<vmem_shared>>) target(%dma_start3A_160 : memref<512x16xf32, #tpu.memory_space<vmem>>) offsets(%dma_start3A_163 : memref<512xi32, #tpu.memory_space<vmem>>) semaphore(%arg12 : memref<!tpu.dma_semaphore, #tpu.memory_space<semaphore_mem>>)
      } else {
      }
      %mul3A_85 = arith.constant 4 : i32
      %mul3A_86 = arith.muli %scan3A_66, %mul3A_85 : i32
      %add3A_87 = arith.constant 1 : i32
      %add3A_88 = arith.addi %mul3A_86, %add3A_87 : i32
      %dma_wait3A_89 = arith.constant 1 : i32
      %dma_wait3A_90 = arith.constant 0 : i32
      %dma_wait3A_91 = arith.constant 0 : i32
      %dma_wait3A_92 = tpu.memref_slice %arg9[%dma_wait3A_89, %dma_wait3A_90, %dma_wait3A_91] : memref<4x512x16xf32, #tpu.memory_space<vmem>> -> memref<1x512x16xf32, #tpu.memory_space<vmem>>
      %dma_wait3A_93 = tpu.memref_squeeze %dma_wait3A_92 : memref<1x512x16xf32, #tpu.memory_space<vmem>> -> memref<512x16xf32, #tpu.memory_space<vmem>>
      %dma_wait3A_94 = arith.constant 0 : i32
      %dma_wait3A_95 = tpu.memref_slice %arg7[%add3A_88, %dma_wait3A_94] : memref<20x512xi32, #tpu.memory_space<vmem>> -> memref<1x512xi32, #tpu.memory_space<vmem>>
      %dma_wait3A_96 = tpu.memref_squeeze %dma_wait3A_95 : memref<1x512xi32, #tpu.memory_space<vmem>> -> memref<512xi32, #tpu.memory_space<vmem>>
      %dma_wait3A_97 = arith.constant 0 : i32
      %dma_wait3A_98 = arith.constant 0 : i32
      %dma_wait3A_99 = tpu.memref_slice %arg11[%dma_wait3A_97, %dma_wait3A_98] : memref<10240x16xf32, #tpu.memory_space<vmem_shared>> -> memref<10240x16xf32, #tpu.memory_space<vmem_shared>>
      tpu.wait_indirect_dma semaphore(%arg13 : memref<!tpu.dma_semaphore, #tpu.memory_space<semaphore_mem>>) src(%dma_wait3A_99 : memref<10240x16xf32, #tpu.memory_space<vmem_shared>>) dst(%dma_wait3A_93 : memref<512x16xf32, #tpu.memory_space<vmem>>)
      %run_scoped3A_100 = arith.constant 1 : i32
      "tpu.region"() ({
        %run_scoped3A_154 = tpu.sem_alloc : memref<!tpu.dma_semaphore, #tpu.memory_space<semaphore_mem>>
        %dma_start3A_155 = arith.constant 0 : i32
        %dma_start3A_156 = arith.constant 0 : i32
        %dma_start3A_157 = tpu.memref_slice %arg9[%run_scoped3A_100, %dma_start3A_155, %dma_start3A_156] : memref<4x512x16xf32, #tpu.memory_space<vmem>> -> memref<1x512x16xf32, #tpu.memory_space<vmem>>
        %dma_start3A_158 = tpu.memref_squeeze %dma_start3A_157 : memref<1x512x16xf32, #tpu.memory_space<vmem>> -> memref<512x16xf32, #tpu.memory_space<vmem>>
        %dma_start3A_159 = arith.constant 0 : i32
        %dma_start3A_160 = tpu.memref_slice %arg8[%add3A_88, %dma_start3A_159] : memref<20x512xi32, #tpu.memory_space<vmem>> -> memref<1x512xi32, #tpu.memory_space<vmem>>
        %dma_start3A_161 = tpu.memref_squeeze %dma_start3A_160 : memref<1x512xi32, #tpu.memory_space<vmem>> -> memref<512xi32, #tpu.memory_space<vmem>>
        %dma_start3A_162 = arith.constant 0 : i32
        %dma_start3A_163 = arith.constant 0 : i32
        %dma_start3A_164 = tpu.memref_slice %arg10[%dma_start3A_162, %dma_start3A_163] : memref<10240x16xf32, #tpu.memory_space<vmem_shared>> -> memref<10240x16xf32, #tpu.memory_space<vmem_shared>>
        tpu.enqueue_indirect_dma source(%dma_start3A_158 : memref<512x16xf32, #tpu.memory_space<vmem>>) target(%dma_start3A_164 : memref<10240x16xf32, #tpu.memory_space<vmem_shared>>) offsets(%dma_start3A_161 : memref<512xi32, #tpu.memory_space<vmem>>) semaphore(%run_scoped3A_154 : memref<!tpu.dma_semaphore, #tpu.memory_space<semaphore_mem>>) {add = true}
        %dma_wait3A_165 = arith.constant 0 : i32
        %dma_wait3A_166 = arith.constant 0 : i32
        %dma_wait3A_167 = tpu.memref_slice %arg9[%run_scoped3A_100, %dma_wait3A_165, %dma_wait3A_166] : memref<4x512x16xf32, #tpu.memory_space<vmem>> -> memref<1x512x16xf32, #tpu.memory_space<vmem>>
        %dma_wait3A_168 = tpu.memref_squeeze %dma_wait3A_167 : memref<1x512x16xf32, #tpu.memory_space<vmem>> -> memref<512x16xf32, #tpu.memory_space<vmem>>
        %dma_wait3A_169 = arith.constant 0 : i32
        %dma_wait3A_170 = tpu.memref_slice %arg8[%add3A_88, %dma_wait3A_169] : memref<20x512xi32, #tpu.memory_space<vmem>> -> memref<1x512xi32, #tpu.memory_space<vmem>>
        %dma_wait3A_171 = tpu.memref_squeeze %dma_wait3A_170 : memref<1x512xi32, #tpu.memory_space<vmem>> -> memref<512xi32, #tpu.memory_space<vmem>>
        %dma_wait3A_172 = arith.constant 0 : i32
        %dma_wait3A_173 = arith.constant 0 : i32
        %dma_wait3A_174 = tpu.memref_slice %arg10[%dma_wait3A_172, %dma_wait3A_173] : memref<10240x16xf32, #tpu.memory_space<vmem_shared>> -> memref<10240x16xf32, #tpu.memory_space<vmem_shared>>
        tpu.wait_indirect_dma semaphore(%run_scoped3A_154 : memref<!tpu.dma_semaphore, #tpu.memory_space<semaphore_mem>>) src(%dma_wait3A_168 : memref<512x16xf32, #tpu.memory_space<vmem>>) dst(%dma_wait3A_174 : memref<10240x16xf32, #tpu.memory_space<vmem_shared>>)
        tpu.yield
      }) : () -> ()
      %add3A_101 = arith.constant 4 : i32
      %add3A_102 = arith.addi %add3A_88, %add3A_101 : i32
      %lt3A_103 = arith.constant 20 : i32
      %lt3A_104 = arith.cmpi slt, %add3A_102, %lt3A_103 : i32
      %convert_element_type3A_105 = arith.extui %lt3A_104 : i1 to i32
      %cond3A_106 = arith.constant 0 : i32
      %cond3A_107 = arith.cmpi ne, %convert_element_type3A_105, %cond3A_106 : i32
      scf.if %cond3A_107 {
        %add3A_154 = arith.constant 4 : i32
        %add3A_155 = arith.addi %add3A_88, %add3A_154 : i32
        %dma_start3A_156 = arith.constant 1 : i32
        %dma_start3A_157 = arith.constant 0 : i32
        %dma_start3A_158 = arith.constant 0 : i32
        %dma_start3A_159 = tpu.memref_slice %arg9[%dma_start3A_156, %dma_start3A_157, %dma_start3A_158] : memref<4x512x16xf32, #tpu.memory_space<vmem>> -> memref<1x512x16xf32, #tpu.memory_space<vmem>>
        %dma_start3A_160 = tpu.memref_squeeze %dma_start3A_159 : memref<1x512x16xf32, #tpu.memory_space<vmem>> -> memref<512x16xf32, #tpu.memory_space<vmem>>
        %dma_start3A_161 = arith.constant 0 : i32
        %dma_start3A_162 = tpu.memref_slice %arg7[%add3A_155, %dma_start3A_161] : memref<20x512xi32, #tpu.memory_space<vmem>> -> memref<1x512xi32, #tpu.memory_space<vmem>>
        %dma_start3A_163 = tpu.memref_squeeze %dma_start3A_162 : memref<1x512xi32, #tpu.memory_space<vmem>> -> memref<512xi32, #tpu.memory_space<vmem>>
        %dma_start3A_164 = arith.constant 0 : i32
        %dma_start3A_165 = arith.constant 0 : i32
        %dma_start3A_166 = tpu.memref_slice %arg11[%dma_start3A_164, %dma_start3A_165] : memref<10240x16xf32, #tpu.memory_space<vmem_shared>> -> memref<10240x16xf32, #tpu.memory_space<vmem_shared>>
        tpu.enqueue_indirect_dma source(%dma_start3A_166 : memref<10240x16xf32, #tpu.memory_space<vmem_shared>>) target(%dma_start3A_160 : memref<512x16xf32, #tpu.memory_space<vmem>>) offsets(%dma_start3A_163 : memref<512xi32, #tpu.memory_space<vmem>>) semaphore(%arg13 : memref<!tpu.dma_semaphore, #tpu.memory_space<semaphore_mem>>)
      } else {
      }
      %mul3A_108 = arith.constant 4 : i32
      %mul3A_109 = arith.muli %scan3A_66, %mul3A_108 : i32
      %add3A_110 = arith.constant 2 : i32
      %add3A_111 = arith.addi %mul3A_109, %add3A_110 : i32
      %dma_wait3A_112 = arith.constant 2 : i32
      %dma_wait3A_113 = arith.constant 0 : i32
      %dma_wait3A_114 = arith.constant 0 : i32
      %dma_wait3A_115 = tpu.memref_slice %arg9[%dma_wait3A_112, %dma_wait3A_113, %dma_wait3A_114] : memref<4x512x16xf32, #tpu.memory_space<vmem>> -> memref<1x512x16xf32, #tpu.memory_space<vmem>>
      %dma_wait3A_116 = tpu.memref_squeeze %dma_wait3A_115 : memref<1x512x16xf32, #tpu.memory_space<vmem>> -> memref<512x16xf32, #tpu.memory_space<vmem>>
      %dma_wait3A_117 = arith.constant 0 : i32
      %dma_wait3A_118 = tpu.memref_slice %arg7[%add3A_111, %dma_wait3A_117] : memref<20x512xi32, #tpu.memory_space<vmem>> -> memref<1x512xi32, #tpu.memory_space<vmem>>
      %dma_wait3A_119 = tpu.memref_squeeze %dma_wait3A_118 : memref<1x512xi32, #tpu.memory_space<vmem>> -> memref<512xi32, #tpu.memory_space<vmem>>
      %dma_wait3A_120 = arith.constant 0 : i32
      %dma_wait3A_121 = arith.constant 0 : i32
      %dma_wait3A_122 = tpu.memref_slice %arg11[%dma_wait3A_120, %dma_wait3A_121] : memref<10240x16xf32, #tpu.memory_space<vmem_shared>> -> memref<10240x16xf32, #tpu.memory_space<vmem_shared>>
      tpu.wait_indirect_dma semaphore(%arg14 : memref<!tpu.dma_semaphore, #tpu.memory_space<semaphore_mem>>) src(%dma_wait3A_122 : memref<10240x16xf32, #tpu.memory_space<vmem_shared>>) dst(%dma_wait3A_116 : memref<512x16xf32, #tpu.memory_space<vmem>>)
      %run_scoped3A_123 = arith.constant 2 : i32
      "tpu.region"() ({
        %run_scoped3A_154 = tpu.sem_alloc : memref<!tpu.dma_semaphore, #tpu.memory_space<semaphore_mem>>
        %dma_start3A_155 = arith.constant 0 : i32
        %dma_start3A_156 = arith.constant 0 : i32
        %dma_start3A_157 = tpu.memref_slice %arg9[%run_scoped3A_123, %dma_start3A_155, %dma_start3A_156] : memref<4x512x16xf32, #tpu.memory_space<vmem>> -> memref<1x512x16xf32, #tpu.memory_space<vmem>>
        %dma_start3A_158 = tpu.memref_squeeze %dma_start3A_157 : memref<1x512x16xf32, #tpu.memory_space<vmem>> -> memref<512x16xf32, #tpu.memory_space<vmem>>
        %dma_start3A_159 = arith.constant 0 : i32
        %dma_start3A_160 = tpu.memref_slice %arg8[%add3A_111, %dma_start3A_159] : memref<20x512xi32, #tpu.memory_space<vmem>> -> memref<1x512xi32, #tpu.memory_space<vmem>>
        %dma_start3A_161 = tpu.memref_squeeze %dma_start3A_160 : memref<1x512xi32, #tpu.memory_space<vmem>> -> memref<512xi32, #tpu.memory_space<vmem>>
        %dma_start3A_162 = arith.constant 0 : i32
        %dma_start3A_163 = arith.constant 0 : i32
        %dma_start3A_164 = tpu.memref_slice %arg10[%dma_start3A_162, %dma_start3A_163] : memref<10240x16xf32, #tpu.memory_space<vmem_shared>> -> memref<10240x16xf32, #tpu.memory_space<vmem_shared>>
        tpu.enqueue_indirect_dma source(%dma_start3A_158 : memref<512x16xf32, #tpu.memory_space<vmem>>) target(%dma_start3A_164 : memref<10240x16xf32, #tpu.memory_space<vmem_shared>>) offsets(%dma_start3A_161 : memref<512xi32, #tpu.memory_space<vmem>>) semaphore(%run_scoped3A_154 : memref<!tpu.dma_semaphore, #tpu.memory_space<semaphore_mem>>) {add = true}
        %dma_wait3A_165 = arith.constant 0 : i32
        %dma_wait3A_166 = arith.constant 0 : i32
        %dma_wait3A_167 = tpu.memref_slice %arg9[%run_scoped3A_123, %dma_wait3A_165, %dma_wait3A_166] : memref<4x512x16xf32, #tpu.memory_space<vmem>> -> memref<1x512x16xf32, #tpu.memory_space<vmem>>
        %dma_wait3A_168 = tpu.memref_squeeze %dma_wait3A_167 : memref<1x512x16xf32, #tpu.memory_space<vmem>> -> memref<512x16xf32, #tpu.memory_space<vmem>>
        %dma_wait3A_169 = arith.constant 0 : i32
        %dma_wait3A_170 = tpu.memref_slice %arg8[%add3A_111, %dma_wait3A_169] : memref<20x512xi32, #tpu.memory_space<vmem>> -> memref<1x512xi32, #tpu.memory_space<vmem>>
        %dma_wait3A_171 = tpu.memref_squeeze %dma_wait3A_170 : memref<1x512xi32, #tpu.memory_space<vmem>> -> memref<512xi32, #tpu.memory_space<vmem>>
        %dma_wait3A_172 = arith.constant 0 : i32
        %dma_wait3A_173 = arith.constant 0 : i32
        %dma_wait3A_174 = tpu.memref_slice %arg10[%dma_wait3A_172, %dma_wait3A_173] : memref<10240x16xf32, #tpu.memory_space<vmem_shared>> -> memref<10240x16xf32, #tpu.memory_space<vmem_shared>>
        tpu.wait_indirect_dma semaphore(%run_scoped3A_154 : memref<!tpu.dma_semaphore, #tpu.memory_space<semaphore_mem>>) src(%dma_wait3A_168 : memref<512x16xf32, #tpu.memory_space<vmem>>) dst(%dma_wait3A_174 : memref<10240x16xf32, #tpu.memory_space<vmem_shared>>)
        tpu.yield
      }) : () -> ()
      %add3A_124 = arith.constant 4 : i32
      %add3A_125 = arith.addi %add3A_111, %add3A_124 : i32
      %lt3A_126 = arith.constant 20 : i32
      %lt3A_127 = arith.cmpi slt, %add3A_125, %lt3A_126 : i32
      %convert_element_type3A_128 = arith.extui %lt3A_127 : i1 to i32
      %cond3A_129 = arith.constant 0 : i32
      %cond3A_130 = arith.cmpi ne, %convert_element_type3A_128, %cond3A_129 : i32
      scf.if %cond3A_130 {
        %add3A_154 = arith.constant 4 : i32
        %add3A_155 = arith.addi %add3A_111, %add3A_154 : i32
        %dma_start3A_156 = arith.constant 2 : i32
        %dma_start3A_157 = arith.constant 0 : i32
        %dma_start3A_158 = arith.constant 0 : i32
        %dma_start3A_159 = tpu.memref_slice %arg9[%dma_start3A_156, %dma_start3A_157, %dma_start3A_158] : memref<4x512x16xf32, #tpu.memory_space<vmem>> -> memref<1x512x16xf32, #tpu.memory_space<vmem>>
        %dma_start3A_160 = tpu.memref_squeeze %dma_start3A_159 : memref<1x512x16xf32, #tpu.memory_space<vmem>> -> memref<512x16xf32, #tpu.memory_space<vmem>>
        %dma_start3A_161 = arith.constant 0 : i32
        %dma_start3A_162 = tpu.memref_slice %arg7[%add3A_155, %dma_start3A_161] : memref<20x512xi32, #tpu.memory_space<vmem>> -> memref<1x512xi32, #tpu.memory_space<vmem>>
        %dma_start3A_163 = tpu.memref_squeeze %dma_start3A_162 : memref<1x512xi32, #tpu.memory_space<vmem>> -> memref<512xi32, #tpu.memory_space<vmem>>
        %dma_start3A_164 = arith.constant 0 : i32
        %dma_start3A_165 = arith.constant 0 : i32
        %dma_start3A_166 = tpu.memref_slice %arg11[%dma_start3A_164, %dma_start3A_165] : memref<10240x16xf32, #tpu.memory_space<vmem_shared>> -> memref<10240x16xf32, #tpu.memory_space<vmem_shared>>
        tpu.enqueue_indirect_dma source(%dma_start3A_166 : memref<10240x16xf32, #tpu.memory_space<vmem_shared>>) target(%dma_start3A_160 : memref<512x16xf32, #tpu.memory_space<vmem>>) offsets(%dma_start3A_163 : memref<512xi32, #tpu.memory_space<vmem>>) semaphore(%arg14 : memref<!tpu.dma_semaphore, #tpu.memory_space<semaphore_mem>>)
      } else {
      }
      %mul3A_131 = arith.constant 4 : i32
      %mul3A_132 = arith.muli %scan3A_66, %mul3A_131 : i32
      %add3A_133 = arith.constant 3 : i32
      %add3A_134 = arith.addi %mul3A_132, %add3A_133 : i32
      %dma_wait3A_135 = arith.constant 3 : i32
      %dma_wait3A_136 = arith.constant 0 : i32
      %dma_wait3A_137 = arith.constant 0 : i32
      %dma_wait3A_138 = tpu.memref_slice %arg9[%dma_wait3A_135, %dma_wait3A_136, %dma_wait3A_137] : memref<4x512x16xf32, #tpu.memory_space<vmem>> -> memref<1x512x16xf32, #tpu.memory_space<vmem>>
      %dma_wait3A_139 = tpu.memref_squeeze %dma_wait3A_138 : memref<1x512x16xf32, #tpu.memory_space<vmem>> -> memref<512x16xf32, #tpu.memory_space<vmem>>
      %dma_wait3A_140 = arith.constant 0 : i32
      %dma_wait3A_141 = tpu.memref_slice %arg7[%add3A_134, %dma_wait3A_140] : memref<20x512xi32, #tpu.memory_space<vmem>> -> memref<1x512xi32, #tpu.memory_space<vmem>>
      %dma_wait3A_142 = tpu.memref_squeeze %dma_wait3A_141 : memref<1x512xi32, #tpu.memory_space<vmem>> -> memref<512xi32, #tpu.memory_space<vmem>>
      %dma_wait3A_143 = arith.constant 0 : i32
      %dma_wait3A_144 = arith.constant 0 : i32
      %dma_wait3A_145 = tpu.memref_slice %arg11[%dma_wait3A_143, %dma_wait3A_144] : memref<10240x16xf32, #tpu.memory_space<vmem_shared>> -> memref<10240x16xf32, #tpu.memory_space<vmem_shared>>
      tpu.wait_indirect_dma semaphore(%arg15 : memref<!tpu.dma_semaphore, #tpu.memory_space<semaphore_mem>>) src(%dma_wait3A_145 : memref<10240x16xf32, #tpu.memory_space<vmem_shared>>) dst(%dma_wait3A_139 : memref<512x16xf32, #tpu.memory_space<vmem>>)
      %run_scoped3A_146 = arith.constant 3 : i32
      "tpu.region"() ({
        %run_scoped3A_154 = tpu.sem_alloc : memref<!tpu.dma_semaphore, #tpu.memory_space<semaphore_mem>>
        %dma_start3A_155 = arith.constant 0 : i32
        %dma_start3A_156 = arith.constant 0 : i32
        %dma_start3A_157 = tpu.memref_slice %arg9[%run_scoped3A_146, %dma_start3A_155, %dma_start3A_156] : memref<4x512x16xf32, #tpu.memory_space<vmem>> -> memref<1x512x16xf32, #tpu.memory_space<vmem>>
        %dma_start3A_158 = tpu.memref_squeeze %dma_start3A_157 : memref<1x512x16xf32, #tpu.memory_space<vmem>> -> memref<512x16xf32, #tpu.memory_space<vmem>>
        %dma_start3A_159 = arith.constant 0 : i32
        %dma_start3A_160 = tpu.memref_slice %arg8[%add3A_134, %dma_start3A_159] : memref<20x512xi32, #tpu.memory_space<vmem>> -> memref<1x512xi32, #tpu.memory_space<vmem>>
        %dma_start3A_161 = tpu.memref_squeeze %dma_start3A_160 : memref<1x512xi32, #tpu.memory_space<vmem>> -> memref<512xi32, #tpu.memory_space<vmem>>
        %dma_start3A_162 = arith.constant 0 : i32
        %dma_start3A_163 = arith.constant 0 : i32
        %dma_start3A_164 = tpu.memref_slice %arg10[%dma_start3A_162, %dma_start3A_163] : memref<10240x16xf32, #tpu.memory_space<vmem_shared>> -> memref<10240x16xf32, #tpu.memory_space<vmem_shared>>
        tpu.enqueue_indirect_dma source(%dma_start3A_158 : memref<512x16xf32, #tpu.memory_space<vmem>>) target(%dma_start3A_164 : memref<10240x16xf32, #tpu.memory_space<vmem_shared>>) offsets(%dma_start3A_161 : memref<512xi32, #tpu.memory_space<vmem>>) semaphore(%run_scoped3A_154 : memref<!tpu.dma_semaphore, #tpu.memory_space<semaphore_mem>>) {add = true}
        %dma_wait3A_165 = arith.constant 0 : i32
        %dma_wait3A_166 = arith.constant 0 : i32
        %dma_wait3A_167 = tpu.memref_slice %arg9[%run_scoped3A_146, %dma_wait3A_165, %dma_wait3A_166] : memref<4x512x16xf32, #tpu.memory_space<vmem>> -> memref<1x512x16xf32, #tpu.memory_space<vmem>>
        %dma_wait3A_168 = tpu.memref_squeeze %dma_wait3A_167 : memref<1x512x16xf32, #tpu.memory_space<vmem>> -> memref<512x16xf32, #tpu.memory_space<vmem>>
        %dma_wait3A_169 = arith.constant 0 : i32
        %dma_wait3A_170 = tpu.memref_slice %arg8[%add3A_134, %dma_wait3A_169] : memref<20x512xi32, #tpu.memory_space<vmem>> -> memref<1x512xi32, #tpu.memory_space<vmem>>
        %dma_wait3A_171 = tpu.memref_squeeze %dma_wait3A_170 : memref<1x512xi32, #tpu.memory_space<vmem>> -> memref<512xi32, #tpu.memory_space<vmem>>
        %dma_wait3A_172 = arith.constant 0 : i32
        %dma_wait3A_173 = arith.constant 0 : i32
        %dma_wait3A_174 = tpu.memref_slice %arg10[%dma_wait3A_172, %dma_wait3A_173] : memref<10240x16xf32, #tpu.memory_space<vmem_shared>> -> memref<10240x16xf32, #tpu.memory_space<vmem_shared>>
        tpu.wait_indirect_dma semaphore(%run_scoped3A_154 : memref<!tpu.dma_semaphore, #tpu.memory_space<semaphore_mem>>) src(%dma_wait3A_168 : memref<512x16xf32, #tpu.memory_space<vmem>>) dst(%dma_wait3A_174 : memref<10240x16xf32, #tpu.memory_space<vmem_shared>>)
        tpu.yield
      }) : () -> ()
      %add3A_147 = arith.constant 4 : i32
      %add3A_148 = arith.addi %add3A_134, %add3A_147 : i32
      %lt3A_149 = arith.constant 20 : i32
      %lt3A_150 = arith.cmpi slt, %add3A_148, %lt3A_149 : i32
      %convert_element_type3A_151 = arith.extui %lt3A_150 : i1 to i32
      %cond3A_152 = arith.constant 0 : i32
      %cond3A_153 = arith.cmpi ne, %convert_element_type3A_151, %cond3A_152 : i32
      scf.if %cond3A_153 {
        %add3A_154 = arith.constant 4 : i32
        %add3A_155 = arith.addi %add3A_134, %add3A_154 : i32
        %dma_start3A_156 = arith.constant 3 : i32
        %dma_start3A_157 = arith.constant 0 : i32
        %dma_start3A_158 = arith.constant 0 : i32
        %dma_start3A_159 = tpu.memref_slice %arg9[%dma_start3A_156, %dma_start3A_157, %dma_start3A_158] : memref<4x512x16xf32, #tpu.memory_space<vmem>> -> memref<1x512x16xf32, #tpu.memory_space<vmem>>
        %dma_start3A_160 = tpu.memref_squeeze %dma_start3A_159 : memref<1x512x16xf32, #tpu.memory_space<vmem>> -> memref<512x16xf32, #tpu.memory_space<vmem>>
        %dma_start3A_161 = arith.constant 0 : i32
        %dma_start3A_162 = tpu.memref_slice %arg7[%add3A_155, %dma_start3A_161] : memref<20x512xi32, #tpu.memory_space<vmem>> -> memref<1x512xi32, #tpu.memory_space<vmem>>
        %dma_start3A_163 = tpu.memref_squeeze %dma_start3A_162 : memref<1x512xi32, #tpu.memory_space<vmem>> -> memref<512xi32, #tpu.memory_space<vmem>>
        %dma_start3A_164 = arith.constant 0 : i32
        %dma_start3A_165 = arith.constant 0 : i32
        %dma_start3A_166 = tpu.memref_slice %arg11[%dma_start3A_164, %dma_start3A_165] : memref<10240x16xf32, #tpu.memory_space<vmem_shared>> -> memref<10240x16xf32, #tpu.memory_space<vmem_shared>>
        tpu.enqueue_indirect_dma source(%dma_start3A_166 : memref<10240x16xf32, #tpu.memory_space<vmem_shared>>) target(%dma_start3A_160 : memref<512x16xf32, #tpu.memory_space<vmem>>) offsets(%dma_start3A_163 : memref<512xi32, #tpu.memory_space<vmem>>) semaphore(%arg15 : memref<!tpu.dma_semaphore, #tpu.memory_space<semaphore_mem>>)
      } else {
      }
    }
    %scan3A_60 = arith.constant 5 : i32
    %barrier3A_61 = arith.constant 0 : index
    tpu.barrier barrier_id(%barrier3A_61)
    %mul3A_62 = arith.constant 640 : i32
    %mul3A_63 = arith.muli %arg1, %mul3A_62 : i32
    %mul3A_64 = arith.constant 640 : i32
    %mul3A_65 = arith.muli %arg1, %mul3A_64 : i32
    "tpu.region"() ({
      %run_scoped3A = tpu.sem_alloc : memref<!tpu.dma_semaphore, #tpu.memory_space<semaphore_mem>>
      %dma_start3A_66 = arith.constant 0 : i32
      %dma_start3A_67 = tpu.memref_slice %arg6[%arg0, %mul3A_65, %dma_start3A_66] : memref<2x10240x16xf32, #tpu.memory_space<hbm>> -> memref<1x640x16xf32, #tpu.memory_space<hbm>>
      %dma_start3A_68 = tpu.memref_squeeze %dma_start3A_67 : memref<1x640x16xf32, #tpu.memory_space<hbm>> -> memref<640x16xf32, #tpu.memory_space<hbm>>
      %dma_start3A_69 = arith.constant 0 : i32
      %dma_start3A_70 = tpu.memref_slice %arg10[%mul3A_63, %dma_start3A_69] : memref<10240x16xf32, #tpu.memory_space<vmem_shared>> -> memref<640x16xf32, #tpu.memory_space<vmem_shared>>
      tpu.enqueue_dma source(%dma_start3A_70 : memref<640x16xf32, #tpu.memory_space<vmem_shared>>) target(%dma_start3A_68 : memref<640x16xf32, #tpu.memory_space<hbm>>) target_semaphore(%run_scoped3A : memref<!tpu.dma_semaphore, #tpu.memory_space<semaphore_mem>>)
      %dma_wait3A = arith.constant 0 : i32
      %dma_wait3A_71 = tpu.memref_slice %arg6[%arg0, %mul3A_65, %dma_wait3A] : memref<2x10240x16xf32, #tpu.memory_space<hbm>> -> memref<1x640x16xf32, #tpu.memory_space<hbm>>
      %dma_wait3A_72 = tpu.memref_squeeze %dma_wait3A_71 : memref<1x640x16xf32, #tpu.memory_space<hbm>> -> memref<640x16xf32, #tpu.memory_space<hbm>>
      %dma_wait3A_73 = arith.constant 0 : i32
      %dma_wait3A_74 = tpu.memref_slice %arg10[%mul3A_63, %dma_wait3A_73] : memref<10240x16xf32, #tpu.memory_space<vmem_shared>> -> memref<640x16xf32, #tpu.memory_space<vmem_shared>>
      tpu.wait_dma2 semaphore(%run_scoped3A : memref<!tpu.dma_semaphore, #tpu.memory_space<semaphore_mem>>) src(%dma_wait3A_74 : memref<640x16xf32, #tpu.memory_space<vmem_shared>>) dst(%dma_wait3A_72 : memref<640x16xf32, #tpu.memory_space<hbm>>)
      tpu.yield
    }) : () -> ()
    return
  }
}

module attributes {stable_mosaic.version = 14 : i64} {
  func.func @_tc0_body(%arg0: memref<1280x1024xf32, #tpu.memory_space<vmem>>, %arg1: memref<128x16xf32, #tpu.memory_space<vmem>>, %arg2: memref<128x16xf32, #tpu.memory_space<vmem>>, %arg3: memref<1280x128xf32, #tpu.memory_space<vmem>>, %arg4: memref<1280x128xf32, #tpu.memory_space<vmem>>) attributes {dimension_semantics = [], scalar_prefetch = 0 : i64, scratch_operands = 0 : i64, tpu.core_type = #tpu.core_type<tc>} {
    %get3A = arith.constant 0 : index
    %get3A_0 = arith.constant 0 : index
    %get3A_1 = vector.load %arg0[%get3A, %get3A_0] : memref<1280x1024xf32, #tpu.memory_space<vmem>>, vector<1280x1024xf32>
    %get3A_2 = arith.constant 0 : index
    %get3A_3 = arith.constant 0 : index
    %get3A_4 = vector.load %arg1[%get3A_2, %get3A_3] : memref<128x16xf32, #tpu.memory_space<vmem>>, vector<128x16xf32>
    %slice3A = vector.extract_strided_slice %get3A_1 {offsets = [0, 0], sizes = [1280, 128], strides = [1, 1]} : vector<1280x1024xf32> to vector<1280x128xf32>
    %dot_general3A = arith.constant dense<0.000000e+00> : vector<1280x16xf32>
    %dot_general3A_5 = tpu.matmul %slice3A, %get3A_4, %dot_general3A {dimension_numbers = #tpu.dot_dimension_numbers<[1], [0], [0], [1], [0, 0, 1, 1], [], []>, transpose_lhs_hint = false} : vector<1280x128xf32>, vector<128x16xf32>, vector<1280x16xf32> -> vector<1280x16xf32>
    %slice3A_6 = vector.extract_strided_slice %get3A_1 {offsets = [0, 128], sizes = [1280, 128], strides = [1, 1]} : vector<1280x1024xf32> to vector<1280x128xf32>
    %dot_general3A_7 = arith.constant dense<0.000000e+00> : vector<1280x16xf32>
    %dot_general3A_8 = tpu.matmul %slice3A_6, %get3A_4, %dot_general3A_7 {dimension_numbers = #tpu.dot_dimension_numbers<[1], [0], [0], [1], [0, 0, 1, 1], [], []>, transpose_lhs_hint = false} : vector<1280x128xf32>, vector<128x16xf32>, vector<1280x16xf32> -> vector<1280x16xf32>
    %slice3A_9 = vector.extract_strided_slice %get3A_1 {offsets = [0, 256], sizes = [1280, 128], strides = [1, 1]} : vector<1280x1024xf32> to vector<1280x128xf32>
    %dot_general3A_10 = arith.constant dense<0.000000e+00> : vector<1280x16xf32>
    %dot_general3A_11 = tpu.matmul %slice3A_9, %get3A_4, %dot_general3A_10 {dimension_numbers = #tpu.dot_dimension_numbers<[1], [0], [0], [1], [0, 0, 1, 1], [], []>, transpose_lhs_hint = false} : vector<1280x128xf32>, vector<128x16xf32>, vector<1280x16xf32> -> vector<1280x16xf32>
    %slice3A_12 = vector.extract_strided_slice %get3A_1 {offsets = [0, 384], sizes = [1280, 128], strides = [1, 1]} : vector<1280x1024xf32> to vector<1280x128xf32>
    %dot_general3A_13 = arith.constant dense<0.000000e+00> : vector<1280x16xf32>
    %dot_general3A_14 = tpu.matmul %slice3A_12, %get3A_4, %dot_general3A_13 {dimension_numbers = #tpu.dot_dimension_numbers<[1], [0], [0], [1], [0, 0, 1, 1], [], []>, transpose_lhs_hint = false} : vector<1280x128xf32>, vector<128x16xf32>, vector<1280x16xf32> -> vector<1280x16xf32>
    %slice3A_15 = vector.extract_strided_slice %get3A_1 {offsets = [0, 512], sizes = [1280, 128], strides = [1, 1]} : vector<1280x1024xf32> to vector<1280x128xf32>
    %dot_general3A_16 = arith.constant dense<0.000000e+00> : vector<1280x16xf32>
    %dot_general3A_17 = tpu.matmul %slice3A_15, %get3A_4, %dot_general3A_16 {dimension_numbers = #tpu.dot_dimension_numbers<[1], [0], [0], [1], [0, 0, 1, 1], [], []>, transpose_lhs_hint = false} : vector<1280x128xf32>, vector<128x16xf32>, vector<1280x16xf32> -> vector<1280x16xf32>
    %slice3A_18 = vector.extract_strided_slice %get3A_1 {offsets = [0, 640], sizes = [1280, 128], strides = [1, 1]} : vector<1280x1024xf32> to vector<1280x128xf32>
    %dot_general3A_19 = arith.constant dense<0.000000e+00> : vector<1280x16xf32>
    %dot_general3A_20 = tpu.matmul %slice3A_18, %get3A_4, %dot_general3A_19 {dimension_numbers = #tpu.dot_dimension_numbers<[1], [0], [0], [1], [0, 0, 1, 1], [], []>, transpose_lhs_hint = false} : vector<1280x128xf32>, vector<128x16xf32>, vector<1280x16xf32> -> vector<1280x16xf32>
    %slice3A_21 = vector.extract_strided_slice %get3A_1 {offsets = [0, 768], sizes = [1280, 128], strides = [1, 1]} : vector<1280x1024xf32> to vector<1280x128xf32>
    %dot_general3A_22 = arith.constant dense<0.000000e+00> : vector<1280x16xf32>
    %dot_general3A_23 = tpu.matmul %slice3A_21, %get3A_4, %dot_general3A_22 {dimension_numbers = #tpu.dot_dimension_numbers<[1], [0], [0], [1], [0, 0, 1, 1], [], []>, transpose_lhs_hint = false} : vector<1280x128xf32>, vector<128x16xf32>, vector<1280x16xf32> -> vector<1280x16xf32>
    %slice3A_24 = vector.extract_strided_slice %get3A_1 {offsets = [0, 896], sizes = [1280, 128], strides = [1, 1]} : vector<1280x1024xf32> to vector<1280x128xf32>
    %dot_general3A_25 = arith.constant dense<0.000000e+00> : vector<1280x16xf32>
    %dot_general3A_26 = tpu.matmul %slice3A_24, %get3A_4, %dot_general3A_25 {dimension_numbers = #tpu.dot_dimension_numbers<[1], [0], [0], [1], [0, 0, 1, 1], [], []>, transpose_lhs_hint = false} : vector<1280x128xf32>, vector<128x16xf32>, vector<1280x16xf32> -> vector<1280x16xf32>
    %concatenate3A = tpu.concatenate %dot_general3A_5, %dot_general3A_8, %dot_general3A_11, %dot_general3A_14, %dot_general3A_17, %dot_general3A_20, %dot_general3A_23, %dot_general3A_26 in 1 : vector<1280x16xf32>, vector<1280x16xf32>, vector<1280x16xf32>, vector<1280x16xf32>, vector<1280x16xf32>, vector<1280x16xf32>, vector<1280x16xf32>, vector<1280x16xf32> -> vector<1280x128xf32>
    %swap3A = arith.constant 0 : index
    %swap3A_27 = arith.constant 0 : index
    %swap3A_28 = vector.load %arg3[%swap3A, %swap3A_27] : memref<1280x128xf32, #tpu.memory_space<vmem>>, vector<1280x128xf32>
    tpu.vector_store %arg3[%swap3A, %swap3A_27], %concatenate3A {strides = array<i32>} : memref<1280x128xf32, #tpu.memory_space<vmem>>, vector<1280x128xf32>,
    %get3A_29 = arith.constant 0 : index
    %get3A_30 = arith.constant 0 : index
    %get3A_31 = vector.load %arg2[%get3A_29, %get3A_30] : memref<128x16xf32, #tpu.memory_space<vmem>>, vector<128x16xf32>
    %slice3A_32 = vector.extract_strided_slice %get3A_1 {offsets = [0, 0], sizes = [1280, 128], strides = [1, 1]} : vector<1280x1024xf32> to vector<1280x128xf32>
    %dot_general3A_33 = arith.constant dense<0.000000e+00> : vector<1280x16xf32>
    %dot_general3A_34 = tpu.matmul %slice3A_32, %get3A_31, %dot_general3A_33 {dimension_numbers = #tpu.dot_dimension_numbers<[1], [0], [0], [1], [0, 0, 1, 1], [], []>, transpose_lhs_hint = false} : vector<1280x128xf32>, vector<128x16xf32>, vector<1280x16xf32> -> vector<1280x16xf32>
    %slice3A_35 = vector.extract_strided_slice %get3A_1 {offsets = [0, 128], sizes = [1280, 128], strides = [1, 1]} : vector<1280x1024xf32> to vector<1280x128xf32>
    %dot_general3A_36 = arith.constant dense<0.000000e+00> : vector<1280x16xf32>
    %dot_general3A_37 = tpu.matmul %slice3A_35, %get3A_31, %dot_general3A_36 {dimension_numbers = #tpu.dot_dimension_numbers<[1], [0], [0], [1], [0, 0, 1, 1], [], []>, transpose_lhs_hint = false} : vector<1280x128xf32>, vector<128x16xf32>, vector<1280x16xf32> -> vector<1280x16xf32>
    %slice3A_38 = vector.extract_strided_slice %get3A_1 {offsets = [0, 256], sizes = [1280, 128], strides = [1, 1]} : vector<1280x1024xf32> to vector<1280x128xf32>
    %dot_general3A_39 = arith.constant dense<0.000000e+00> : vector<1280x16xf32>
    %dot_general3A_40 = tpu.matmul %slice3A_38, %get3A_31, %dot_general3A_39 {dimension_numbers = #tpu.dot_dimension_numbers<[1], [0], [0], [1], [0, 0, 1, 1], [], []>, transpose_lhs_hint = false} : vector<1280x128xf32>, vector<128x16xf32>, vector<1280x16xf32> -> vector<1280x16xf32>
    %slice3A_41 = vector.extract_strided_slice %get3A_1 {offsets = [0, 384], sizes = [1280, 128], strides = [1, 1]} : vector<1280x1024xf32> to vector<1280x128xf32>
    %dot_general3A_42 = arith.constant dense<0.000000e+00> : vector<1280x16xf32>
    %dot_general3A_43 = tpu.matmul %slice3A_41, %get3A_31, %dot_general3A_42 {dimension_numbers = #tpu.dot_dimension_numbers<[1], [0], [0], [1], [0, 0, 1, 1], [], []>, transpose_lhs_hint = false} : vector<1280x128xf32>, vector<128x16xf32>, vector<1280x16xf32> -> vector<1280x16xf32>
    %slice3A_44 = vector.extract_strided_slice %get3A_1 {offsets = [0, 512], sizes = [1280, 128], strides = [1, 1]} : vector<1280x1024xf32> to vector<1280x128xf32>
    %dot_general3A_45 = arith.constant dense<0.000000e+00> : vector<1280x16xf32>
    %dot_general3A_46 = tpu.matmul %slice3A_44, %get3A_31, %dot_general3A_45 {dimension_numbers = #tpu.dot_dimension_numbers<[1], [0], [0], [1], [0, 0, 1, 1], [], []>, transpose_lhs_hint = false} : vector<1280x128xf32>, vector<128x16xf32>, vector<1280x16xf32> -> vector<1280x16xf32>
    %slice3A_47 = vector.extract_strided_slice %get3A_1 {offsets = [0, 640], sizes = [1280, 128], strides = [1, 1]} : vector<1280x1024xf32> to vector<1280x128xf32>
    %dot_general3A_48 = arith.constant dense<0.000000e+00> : vector<1280x16xf32>
    %dot_general3A_49 = tpu.matmul %slice3A_47, %get3A_31, %dot_general3A_48 {dimension_numbers = #tpu.dot_dimension_numbers<[1], [0], [0], [1], [0, 0, 1, 1], [], []>, transpose_lhs_hint = false} : vector<1280x128xf32>, vector<128x16xf32>, vector<1280x16xf32> -> vector<1280x16xf32>
    %slice3A_50 = vector.extract_strided_slice %get3A_1 {offsets = [0, 768], sizes = [1280, 128], strides = [1, 1]} : vector<1280x1024xf32> to vector<1280x128xf32>
    %dot_general3A_51 = arith.constant dense<0.000000e+00> : vector<1280x16xf32>
    %dot_general3A_52 = tpu.matmul %slice3A_50, %get3A_31, %dot_general3A_51 {dimension_numbers = #tpu.dot_dimension_numbers<[1], [0], [0], [1], [0, 0, 1, 1], [], []>, transpose_lhs_hint = false} : vector<1280x128xf32>, vector<128x16xf32>, vector<1280x16xf32> -> vector<1280x16xf32>
    %slice3A_53 = vector.extract_strided_slice %get3A_1 {offsets = [0, 896], sizes = [1280, 128], strides = [1, 1]} : vector<1280x1024xf32> to vector<1280x128xf32>
    %dot_general3A_54 = arith.constant dense<0.000000e+00> : vector<1280x16xf32>
    %dot_general3A_55 = tpu.matmul %slice3A_53, %get3A_31, %dot_general3A_54 {dimension_numbers = #tpu.dot_dimension_numbers<[1], [0], [0], [1], [0, 0, 1, 1], [], []>, transpose_lhs_hint = false} : vector<1280x128xf32>, vector<128x16xf32>, vector<1280x16xf32> -> vector<1280x16xf32>
    %concatenate3A_56 = tpu.concatenate %dot_general3A_34, %dot_general3A_37, %dot_general3A_40, %dot_general3A_43, %dot_general3A_46, %dot_general3A_49, %dot_general3A_52, %dot_general3A_55 in 1 : vector<1280x16xf32>, vector<1280x16xf32>, vector<1280x16xf32>, vector<1280x16xf32>, vector<1280x16xf32>, vector<1280x16xf32>, vector<1280x16xf32>, vector<1280x16xf32> -> vector<1280x128xf32>
    %swap3A_57 = arith.constant 0 : index
    %swap3A_58 = arith.constant 0 : index
    %swap3A_59 = vector.load %arg4[%swap3A_57, %swap3A_58] : memref<1280x128xf32, #tpu.memory_space<vmem>>, vector<1280x128xf32>
    tpu.vector_store %arg4[%swap3A_57, %swap3A_58], %concatenate3A_56 {strides = array<i32>} : memref<1280x128xf32, #tpu.memory_space<vmem>>, vector<1280x128xf32>,
    return
  }
}

module attributes {stable_mosaic.version = 14 : i64} {
  func.func @_tc_last_body(%arg0: memref<1280x128xf32, #tpu.memory_space<vmem>>, %arg1: memref<2x1280x128xf32, #tpu.memory_space<vmem>>, %arg2: memref<1x128xf32, #tpu.memory_space<vmem>>, %arg3: memref<16x16xf32, #tpu.memory_space<vmem>>, %arg4: memref<1x128xf32, #tpu.memory_space<vmem>>, %arg5: memref<1280x128xf32, #tpu.memory_space<vmem>>) attributes {dimension_semantics = [], scalar_prefetch = 0 : i64, scratch_operands = 0 : i64, tpu.core_type = #tpu.core_type<tc>} {
    %get3A = arith.constant 0 : index
    %get3A_0 = arith.constant 0 : index
    %get3A_1 = vector.load %arg0[%get3A, %get3A_0] : memref<1280x128xf32, #tpu.memory_space<vmem>>, vector<1280x128xf32>
    %get3A_2 = arith.constant 0 : index
    %get3A_3 = arith.constant 0 : index
    %get3A_4 = arith.constant 0 : index
    %get3A_5 = vector.load %arg1[%get3A_2, %get3A_3, %get3A_4] : memref<2x1280x128xf32, #tpu.memory_space<vmem>>, vector<1x1280x128xf32>
    %get3A_6 = vector.shape_cast %get3A_5 : vector<1x1280x128xf32> to vector<1280x128xf32>
    %add3A = arith.addf %get3A_1, %get3A_6 : vector<1280x128xf32>
    %get3A_7 = arith.constant 1 : index
    %get3A_8 = arith.constant 0 : index
    %get3A_9 = arith.constant 0 : index
    %get3A_10 = vector.load %arg1[%get3A_7, %get3A_8, %get3A_9] : memref<2x1280x128xf32, #tpu.memory_space<vmem>>, vector<1x1280x128xf32>
    %get3A_11 = vector.shape_cast %get3A_10 : vector<1x1280x128xf32> to vector<1280x128xf32>
    %add3A_12 = arith.addf %add3A, %get3A_11 : vector<1280x128xf32>
    %get3A_13 = arith.constant 0 : index
    %get3A_14 = arith.constant 0 : index
    %get3A_15 = vector.load %arg2[%get3A_13, %get3A_14] : memref<1x128xf32, #tpu.memory_space<vmem>>, vector<1x128xf32>
    %add3A_16 = vector.broadcast %get3A_15 : vector<1x128xf32> to vector<1280x128xf32>
    %add3A_17 = arith.addf %add3A_12, %add3A_16 : vector<1280x128xf32>
    %max3A = arith.constant 0.000000e+00 : f32
    %max3A_18 = vector.broadcast %max3A : f32 to vector<1280x128xf32>
    %max3A_19 = arith.maximumf %add3A_17, %max3A_18 : vector<1280x128xf32>
    %get3A_20 = arith.constant 0 : index
    %get3A_21 = arith.constant 0 : index
    %get3A_22 = vector.load %arg3[%get3A_20, %get3A_21] : memref<16x16xf32, #tpu.memory_space<vmem>>, vector<16x16xf32>
    %slice3A = vector.extract_strided_slice %max3A_19 {offsets = [0, 0], sizes = [1280, 16], strides = [1, 1]} : vector<1280x128xf32> to vector<1280x16xf32>
    %dot_general3A = arith.constant dense<0.000000e+00> : vector<1280x16xf32>
    %dot_general3A_23 = tpu.matmul %slice3A, %get3A_22, %dot_general3A {dimension_numbers = #tpu.dot_dimension_numbers<[1], [0], [0], [1], [0, 0, 1, 1], [], []>, transpose_lhs_hint = false} : vector<1280x16xf32>, vector<16x16xf32>, vector<1280x16xf32> -> vector<1280x16xf32>
    %slice3A_24 = vector.extract_strided_slice %max3A_19 {offsets = [0, 16], sizes = [1280, 16], strides = [1, 1]} : vector<1280x128xf32> to vector<1280x16xf32>
    %dot_general3A_25 = arith.constant dense<0.000000e+00> : vector<1280x16xf32>
    %dot_general3A_26 = tpu.matmul %slice3A_24, %get3A_22, %dot_general3A_25 {dimension_numbers = #tpu.dot_dimension_numbers<[1], [0], [0], [1], [0, 0, 1, 1], [], []>, transpose_lhs_hint = false} : vector<1280x16xf32>, vector<16x16xf32>, vector<1280x16xf32> -> vector<1280x16xf32>
    %slice3A_27 = vector.extract_strided_slice %max3A_19 {offsets = [0, 32], sizes = [1280, 16], strides = [1, 1]} : vector<1280x128xf32> to vector<1280x16xf32>
    %dot_general3A_28 = arith.constant dense<0.000000e+00> : vector<1280x16xf32>
    %dot_general3A_29 = tpu.matmul %slice3A_27, %get3A_22, %dot_general3A_28 {dimension_numbers = #tpu.dot_dimension_numbers<[1], [0], [0], [1], [0, 0, 1, 1], [], []>, transpose_lhs_hint = false} : vector<1280x16xf32>, vector<16x16xf32>, vector<1280x16xf32> -> vector<1280x16xf32>
    %slice3A_30 = vector.extract_strided_slice %max3A_19 {offsets = [0, 48], sizes = [1280, 16], strides = [1, 1]} : vector<1280x128xf32> to vector<1280x16xf32>
    %dot_general3A_31 = arith.constant dense<0.000000e+00> : vector<1280x16xf32>
    %dot_general3A_32 = tpu.matmul %slice3A_30, %get3A_22, %dot_general3A_31 {dimension_numbers = #tpu.dot_dimension_numbers<[1], [0], [0], [1], [0, 0, 1, 1], [], []>, transpose_lhs_hint = false} : vector<1280x16xf32>, vector<16x16xf32>, vector<1280x16xf32> -> vector<1280x16xf32>
    %slice3A_33 = vector.extract_strided_slice %max3A_19 {offsets = [0, 64], sizes = [1280, 16], strides = [1, 1]} : vector<1280x128xf32> to vector<1280x16xf32>
    %dot_general3A_34 = arith.constant dense<0.000000e+00> : vector<1280x16xf32>
    %dot_general3A_35 = tpu.matmul %slice3A_33, %get3A_22, %dot_general3A_34 {dimension_numbers = #tpu.dot_dimension_numbers<[1], [0], [0], [1], [0, 0, 1, 1], [], []>, transpose_lhs_hint = false} : vector<1280x16xf32>, vector<16x16xf32>, vector<1280x16xf32> -> vector<1280x16xf32>
    %slice3A_36 = vector.extract_strided_slice %max3A_19 {offsets = [0, 80], sizes = [1280, 16], strides = [1, 1]} : vector<1280x128xf32> to vector<1280x16xf32>
    %dot_general3A_37 = arith.constant dense<0.000000e+00> : vector<1280x16xf32>
    %dot_general3A_38 = tpu.matmul %slice3A_36, %get3A_22, %dot_general3A_37 {dimension_numbers = #tpu.dot_dimension_numbers<[1], [0], [0], [1], [0, 0, 1, 1], [], []>, transpose_lhs_hint = false} : vector<1280x16xf32>, vector<16x16xf32>, vector<1280x16xf32> -> vector<1280x16xf32>
    %slice3A_39 = vector.extract_strided_slice %max3A_19 {offsets = [0, 96], sizes = [1280, 16], strides = [1, 1]} : vector<1280x128xf32> to vector<1280x16xf32>
    %dot_general3A_40 = arith.constant dense<0.000000e+00> : vector<1280x16xf32>
    %dot_general3A_41 = tpu.matmul %slice3A_39, %get3A_22, %dot_general3A_40 {dimension_numbers = #tpu.dot_dimension_numbers<[1], [0], [0], [1], [0, 0, 1, 1], [], []>, transpose_lhs_hint = false} : vector<1280x16xf32>, vector<16x16xf32>, vector<1280x16xf32> -> vector<1280x16xf32>
    %slice3A_42 = vector.extract_strided_slice %max3A_19 {offsets = [0, 112], sizes = [1280, 16], strides = [1, 1]} : vector<1280x128xf32> to vector<1280x16xf32>
    %dot_general3A_43 = arith.constant dense<0.000000e+00> : vector<1280x16xf32>
    %dot_general3A_44 = tpu.matmul %slice3A_42, %get3A_22, %dot_general3A_43 {dimension_numbers = #tpu.dot_dimension_numbers<[1], [0], [0], [1], [0, 0, 1, 1], [], []>, transpose_lhs_hint = false} : vector<1280x16xf32>, vector<16x16xf32>, vector<1280x16xf32> -> vector<1280x16xf32>
    %concatenate3A = tpu.concatenate %dot_general3A_23, %dot_general3A_26, %dot_general3A_29, %dot_general3A_32, %dot_general3A_35, %dot_general3A_38, %dot_general3A_41, %dot_general3A_44 in 1 : vector<1280x16xf32>, vector<1280x16xf32>, vector<1280x16xf32>, vector<1280x16xf32>, vector<1280x16xf32>, vector<1280x16xf32>, vector<1280x16xf32>, vector<1280x16xf32> -> vector<1280x128xf32>
    %get3A_45 = arith.constant 0 : index
    %get3A_46 = arith.constant 0 : index
    %get3A_47 = vector.load %arg4[%get3A_45, %get3A_46] : memref<1x128xf32, #tpu.memory_space<vmem>>, vector<1x128xf32>
    %add3A_48 = vector.broadcast %get3A_47 : vector<1x128xf32> to vector<1280x128xf32>
    %add3A_49 = arith.addf %concatenate3A, %add3A_48 : vector<1280x128xf32>
    %max3A_50 = arith.constant 0.000000e+00 : f32
    %max3A_51 = vector.broadcast %max3A_50 : f32 to vector<1280x128xf32>
    %max3A_52 = arith.maximumf %add3A_49, %max3A_51 : vector<1280x128xf32>
    %swap3A = arith.constant 0 : index
    %swap3A_53 = arith.constant 0 : index
    %swap3A_54 = vector.load %arg5[%swap3A, %swap3A_53] : memref<1280x128xf32, #tpu.memory_space<vmem>>, vector<1280x128xf32>
    tpu.vector_store %arg5[%swap3A, %swap3A_53], %max3A_52 {strides = array<i32>} : memref<1280x128xf32, #tpu.memory_space<vmem>>, vector<1280x128xf32>,
    return
  }
}

module attributes {stable_mosaic.version = 14 : i64} {
  func.func @_tc_mid_body(%arg0: memref<1280x128xf32, #tpu.memory_space<vmem>>, %arg1: memref<2x1280x128xf32, #tpu.memory_space<vmem>>, %arg2: memref<1x128xf32, #tpu.memory_space<vmem>>, %arg3: memref<16x16xf32, #tpu.memory_space<vmem>>, %arg4: memref<1x128xf32, #tpu.memory_space<vmem>>, %arg5: memref<16x128xf32, #tpu.memory_space<vmem>>, %arg6: memref<1x1024xf32, #tpu.memory_space<vmem>>, %arg7: memref<128x16xf32, #tpu.memory_space<vmem>>, %arg8: memref<128x16xf32, #tpu.memory_space<vmem>>, %arg9: memref<1280x128xf32, #tpu.memory_space<vmem>>, %arg10: memref<1280x128xf32, #tpu.memory_space<vmem>>) attributes {dimension_semantics = [], scalar_prefetch = 0 : i64, scratch_operands = 0 : i64, tpu.core_type = #tpu.core_type<tc>} {
    %get3A = arith.constant 0 : index
    %get3A_0 = arith.constant 0 : index
    %get3A_1 = vector.load %arg0[%get3A, %get3A_0] : memref<1280x128xf32, #tpu.memory_space<vmem>>, vector<1280x128xf32>
    %get3A_2 = arith.constant 0 : index
    %get3A_3 = arith.constant 0 : index
    %get3A_4 = arith.constant 0 : index
    %get3A_5 = vector.load %arg1[%get3A_2, %get3A_3, %get3A_4] : memref<2x1280x128xf32, #tpu.memory_space<vmem>>, vector<1x1280x128xf32>
    %get3A_6 = vector.shape_cast %get3A_5 : vector<1x1280x128xf32> to vector<1280x128xf32>
    %add3A = arith.addf %get3A_1, %get3A_6 : vector<1280x128xf32>
    %get3A_7 = arith.constant 1 : index
    %get3A_8 = arith.constant 0 : index
    %get3A_9 = arith.constant 0 : index
    %get3A_10 = vector.load %arg1[%get3A_7, %get3A_8, %get3A_9] : memref<2x1280x128xf32, #tpu.memory_space<vmem>>, vector<1x1280x128xf32>
    %get3A_11 = vector.shape_cast %get3A_10 : vector<1x1280x128xf32> to vector<1280x128xf32>
    %add3A_12 = arith.addf %add3A, %get3A_11 : vector<1280x128xf32>
    %get3A_13 = arith.constant 0 : index
    %get3A_14 = arith.constant 0 : index
    %get3A_15 = vector.load %arg2[%get3A_13, %get3A_14] : memref<1x128xf32, #tpu.memory_space<vmem>>, vector<1x128xf32>
    %add3A_16 = vector.broadcast %get3A_15 : vector<1x128xf32> to vector<1280x128xf32>
    %add3A_17 = arith.addf %add3A_12, %add3A_16 : vector<1280x128xf32>
    %max3A = arith.constant 0.000000e+00 : f32
    %max3A_18 = vector.broadcast %max3A : f32 to vector<1280x128xf32>
    %max3A_19 = arith.maximumf %add3A_17, %max3A_18 : vector<1280x128xf32>
    %get3A_20 = arith.constant 0 : index
    %get3A_21 = arith.constant 0 : index
    %get3A_22 = vector.load %arg3[%get3A_20, %get3A_21] : memref<16x16xf32, #tpu.memory_space<vmem>>, vector<16x16xf32>
    %slice3A = vector.extract_strided_slice %max3A_19 {offsets = [0, 0], sizes = [1280, 16], strides = [1, 1]} : vector<1280x128xf32> to vector<1280x16xf32>
    %dot_general3A = arith.constant dense<0.000000e+00> : vector<1280x16xf32>
    %dot_general3A_23 = tpu.matmul %slice3A, %get3A_22, %dot_general3A {dimension_numbers = #tpu.dot_dimension_numbers<[1], [0], [0], [1], [0, 0, 1, 1], [], []>, transpose_lhs_hint = false} : vector<1280x16xf32>, vector<16x16xf32>, vector<1280x16xf32> -> vector<1280x16xf32>
    %slice3A_24 = vector.extract_strided_slice %max3A_19 {offsets = [0, 16], sizes = [1280, 16], strides = [1, 1]} : vector<1280x128xf32> to vector<1280x16xf32>
    %dot_general3A_25 = arith.constant dense<0.000000e+00> : vector<1280x16xf32>
    %dot_general3A_26 = tpu.matmul %slice3A_24, %get3A_22, %dot_general3A_25 {dimension_numbers = #tpu.dot_dimension_numbers<[1], [0], [0], [1], [0, 0, 1, 1], [], []>, transpose_lhs_hint = false} : vector<1280x16xf32>, vector<16x16xf32>, vector<1280x16xf32> -> vector<1280x16xf32>
    %slice3A_27 = vector.extract_strided_slice %max3A_19 {offsets = [0, 32], sizes = [1280, 16], strides = [1, 1]} : vector<1280x128xf32> to vector<1280x16xf32>
    %dot_general3A_28 = arith.constant dense<0.000000e+00> : vector<1280x16xf32>
    %dot_general3A_29 = tpu.matmul %slice3A_27, %get3A_22, %dot_general3A_28 {dimension_numbers = #tpu.dot_dimension_numbers<[1], [0], [0], [1], [0, 0, 1, 1], [], []>, transpose_lhs_hint = false} : vector<1280x16xf32>, vector<16x16xf32>, vector<1280x16xf32> -> vector<1280x16xf32>
    %slice3A_30 = vector.extract_strided_slice %max3A_19 {offsets = [0, 48], sizes = [1280, 16], strides = [1, 1]} : vector<1280x128xf32> to vector<1280x16xf32>
    %dot_general3A_31 = arith.constant dense<0.000000e+00> : vector<1280x16xf32>
    %dot_general3A_32 = tpu.matmul %slice3A_30, %get3A_22, %dot_general3A_31 {dimension_numbers = #tpu.dot_dimension_numbers<[1], [0], [0], [1], [0, 0, 1, 1], [], []>, transpose_lhs_hint = false} : vector<1280x16xf32>, vector<16x16xf32>, vector<1280x16xf32> -> vector<1280x16xf32>
    %slice3A_33 = vector.extract_strided_slice %max3A_19 {offsets = [0, 64], sizes = [1280, 16], strides = [1, 1]} : vector<1280x128xf32> to vector<1280x16xf32>
    %dot_general3A_34 = arith.constant dense<0.000000e+00> : vector<1280x16xf32>
    %dot_general3A_35 = tpu.matmul %slice3A_33, %get3A_22, %dot_general3A_34 {dimension_numbers = #tpu.dot_dimension_numbers<[1], [0], [0], [1], [0, 0, 1, 1], [], []>, transpose_lhs_hint = false} : vector<1280x16xf32>, vector<16x16xf32>, vector<1280x16xf32> -> vector<1280x16xf32>
    %slice3A_36 = vector.extract_strided_slice %max3A_19 {offsets = [0, 80], sizes = [1280, 16], strides = [1, 1]} : vector<1280x128xf32> to vector<1280x16xf32>
    %dot_general3A_37 = arith.constant dense<0.000000e+00> : vector<1280x16xf32>
    %dot_general3A_38 = tpu.matmul %slice3A_36, %get3A_22, %dot_general3A_37 {dimension_numbers = #tpu.dot_dimension_numbers<[1], [0], [0], [1], [0, 0, 1, 1], [], []>, transpose_lhs_hint = false} : vector<1280x16xf32>, vector<16x16xf32>, vector<1280x16xf32> -> vector<1280x16xf32>
    %slice3A_39 = vector.extract_strided_slice %max3A_19 {offsets = [0, 96], sizes = [1280, 16], strides = [1, 1]} : vector<1280x128xf32> to vector<1280x16xf32>
    %dot_general3A_40 = arith.constant dense<0.000000e+00> : vector<1280x16xf32>
    %dot_general3A_41 = tpu.matmul %slice3A_39, %get3A_22, %dot_general3A_40 {dimension_numbers = #tpu.dot_dimension_numbers<[1], [0], [0], [1], [0, 0, 1, 1], [], []>, transpose_lhs_hint = false} : vector<1280x16xf32>, vector<16x16xf32>, vector<1280x16xf32> -> vector<1280x16xf32>
    %slice3A_42 = vector.extract_strided_slice %max3A_19 {offsets = [0, 112], sizes = [1280, 16], strides = [1, 1]} : vector<1280x128xf32> to vector<1280x16xf32>
    %dot_general3A_43 = arith.constant dense<0.000000e+00> : vector<1280x16xf32>
    %dot_general3A_44 = tpu.matmul %slice3A_42, %get3A_22, %dot_general3A_43 {dimension_numbers = #tpu.dot_dimension_numbers<[1], [0], [0], [1], [0, 0, 1, 1], [], []>, transpose_lhs_hint = false} : vector<1280x16xf32>, vector<16x16xf32>, vector<1280x16xf32> -> vector<1280x16xf32>
    %concatenate3A = tpu.concatenate %dot_general3A_23, %dot_general3A_26, %dot_general3A_29, %dot_general3A_32, %dot_general3A_35, %dot_general3A_38, %dot_general3A_41, %dot_general3A_44 in 1 : vector<1280x16xf32>, vector<1280x16xf32>, vector<1280x16xf32>, vector<1280x16xf32>, vector<1280x16xf32>, vector<1280x16xf32>, vector<1280x16xf32>, vector<1280x16xf32> -> vector<1280x128xf32>
    %get3A_45 = arith.constant 0 : index
    %get3A_46 = arith.constant 0 : index
    %get3A_47 = vector.load %arg4[%get3A_45, %get3A_46] : memref<1x128xf32, #tpu.memory_space<vmem>>, vector<1x128xf32>
    %add3A_48 = vector.broadcast %get3A_47 : vector<1x128xf32> to vector<1280x128xf32>
    %add3A_49 = arith.addf %concatenate3A, %add3A_48 : vector<1280x128xf32>
    %max3A_50 = arith.constant 0.000000e+00 : f32
    %max3A_51 = vector.broadcast %max3A_50 : f32 to vector<1280x128xf32>
    %max3A_52 = arith.maximumf %add3A_49, %max3A_51 : vector<1280x128xf32>
    %get3A_53 = arith.constant 0 : index
    %get3A_54 = arith.constant 0 : index
    %get3A_55 = vector.load %arg5[%get3A_53, %get3A_54] : memref<16x128xf32, #tpu.memory_space<vmem>>, vector<16x128xf32>
    %slice3A_56 = vector.extract_strided_slice %max3A_52 {offsets = [0, 0], sizes = [1280, 16], strides = [1, 1]} : vector<1280x128xf32> to vector<1280x16xf32>
    %dot_general3A_57 = arith.constant dense<0.000000e+00> : vector<1280x128xf32>
    %dot_general3A_58 = tpu.matmul %slice3A_56, %get3A_55, %dot_general3A_57 {dimension_numbers = #tpu.dot_dimension_numbers<[1], [0], [0], [1], [0, 0, 1, 1], [], []>, transpose_lhs_hint = false} : vector<1280x16xf32>, vector<16x128xf32>, vector<1280x128xf32> -> vector<1280x128xf32>
    %slice3A_59 = vector.extract_strided_slice %max3A_52 {offsets = [0, 16], sizes = [1280, 16], strides = [1, 1]} : vector<1280x128xf32> to vector<1280x16xf32>
    %dot_general3A_60 = arith.constant dense<0.000000e+00> : vector<1280x128xf32>
    %dot_general3A_61 = tpu.matmul %slice3A_59, %get3A_55, %dot_general3A_60 {dimension_numbers = #tpu.dot_dimension_numbers<[1], [0], [0], [1], [0, 0, 1, 1], [], []>, transpose_lhs_hint = false} : vector<1280x16xf32>, vector<16x128xf32>, vector<1280x128xf32> -> vector<1280x128xf32>
    %slice3A_62 = vector.extract_strided_slice %max3A_52 {offsets = [0, 32], sizes = [1280, 16], strides = [1, 1]} : vector<1280x128xf32> to vector<1280x16xf32>
    %dot_general3A_63 = arith.constant dense<0.000000e+00> : vector<1280x128xf32>
    %dot_general3A_64 = tpu.matmul %slice3A_62, %get3A_55, %dot_general3A_63 {dimension_numbers = #tpu.dot_dimension_numbers<[1], [0], [0], [1], [0, 0, 1, 1], [], []>, transpose_lhs_hint = false} : vector<1280x16xf32>, vector<16x128xf32>, vector<1280x128xf32> -> vector<1280x128xf32>
    %slice3A_65 = vector.extract_strided_slice %max3A_52 {offsets = [0, 48], sizes = [1280, 16], strides = [1, 1]} : vector<1280x128xf32> to vector<1280x16xf32>
    %dot_general3A_66 = arith.constant dense<0.000000e+00> : vector<1280x128xf32>
    %dot_general3A_67 = tpu.matmul %slice3A_65, %get3A_55, %dot_general3A_66 {dimension_numbers = #tpu.dot_dimension_numbers<[1], [0], [0], [1], [0, 0, 1, 1], [], []>, transpose_lhs_hint = false} : vector<1280x16xf32>, vector<16x128xf32>, vector<1280x128xf32> -> vector<1280x128xf32>
    %slice3A_68 = vector.extract_strided_slice %max3A_52 {offsets = [0, 64], sizes = [1280, 16], strides = [1, 1]} : vector<1280x128xf32> to vector<1280x16xf32>
    %dot_general3A_69 = arith.constant dense<0.000000e+00> : vector<1280x128xf32>
    %dot_general3A_70 = tpu.matmul %slice3A_68, %get3A_55, %dot_general3A_69 {dimension_numbers = #tpu.dot_dimension_numbers<[1], [0], [0], [1], [0, 0, 1, 1], [], []>, transpose_lhs_hint = false} : vector<1280x16xf32>, vector<16x128xf32>, vector<1280x128xf32> -> vector<1280x128xf32>
    %slice3A_71 = vector.extract_strided_slice %max3A_52 {offsets = [0, 80], sizes = [1280, 16], strides = [1, 1]} : vector<1280x128xf32> to vector<1280x16xf32>
    %dot_general3A_72 = arith.constant dense<0.000000e+00> : vector<1280x128xf32>
    %dot_general3A_73 = tpu.matmul %slice3A_71, %get3A_55, %dot_general3A_72 {dimension_numbers = #tpu.dot_dimension_numbers<[1], [0], [0], [1], [0, 0, 1, 1], [], []>, transpose_lhs_hint = false} : vector<1280x16xf32>, vector<16x128xf32>, vector<1280x128xf32> -> vector<1280x128xf32>
    %slice3A_74 = vector.extract_strided_slice %max3A_52 {offsets = [0, 96], sizes = [1280, 16], strides = [1, 1]} : vector<1280x128xf32> to vector<1280x16xf32>
    %dot_general3A_75 = arith.constant dense<0.000000e+00> : vector<1280x128xf32>
    %dot_general3A_76 = tpu.matmul %slice3A_74, %get3A_55, %dot_general3A_75 {dimension_numbers = #tpu.dot_dimension_numbers<[1], [0], [0], [1], [0, 0, 1, 1], [], []>, transpose_lhs_hint = false} : vector<1280x16xf32>, vector<16x128xf32>, vector<1280x128xf32> -> vector<1280x128xf32>
    %slice3A_77 = vector.extract_strided_slice %max3A_52 {offsets = [0, 112], sizes = [1280, 16], strides = [1, 1]} : vector<1280x128xf32> to vector<1280x16xf32>
    %dot_general3A_78 = arith.constant dense<0.000000e+00> : vector<1280x128xf32>
    %dot_general3A_79 = tpu.matmul %slice3A_77, %get3A_55, %dot_general3A_78 {dimension_numbers = #tpu.dot_dimension_numbers<[1], [0], [0], [1], [0, 0, 1, 1], [], []>, transpose_lhs_hint = false} : vector<1280x16xf32>, vector<16x128xf32>, vector<1280x128xf32> -> vector<1280x128xf32>
    %concatenate3A_80 = tpu.concatenate %dot_general3A_58, %dot_general3A_61, %dot_general3A_64, %dot_general3A_67, %dot_general3A_70, %dot_general3A_73, %dot_general3A_76, %dot_general3A_79 in 1 : vector<1280x128xf32>, vector<1280x128xf32>, vector<1280x128xf32>, vector<1280x128xf32>, vector<1280x128xf32>, vector<1280x128xf32>, vector<1280x128xf32>, vector<1280x128xf32> -> vector<1280x1024xf32>
    %get3A_81 = arith.constant 0 : index
    %get3A_82 = arith.constant 0 : index
    %get3A_83 = vector.load %arg6[%get3A_81, %get3A_82] : memref<1x1024xf32, #tpu.memory_space<vmem>>, vector<1x1024xf32>
    %add3A_84 = vector.broadcast %get3A_83 : vector<1x1024xf32> to vector<1280x1024xf32>
    %add3A_85 = arith.addf %concatenate3A_80, %add3A_84 : vector<1280x1024xf32>
    %get3A_86 = arith.constant 0 : index
    %get3A_87 = arith.constant 0 : index
    %get3A_88 = vector.load %arg7[%get3A_86, %get3A_87] : memref<128x16xf32, #tpu.memory_space<vmem>>, vector<128x16xf32>
    %slice3A_89 = vector.extract_strided_slice %add3A_85 {offsets = [0, 0], sizes = [1280, 128], strides = [1, 1]} : vector<1280x1024xf32> to vector<1280x128xf32>
    %dot_general3A_90 = arith.constant dense<0.000000e+00> : vector<1280x16xf32>
    %dot_general3A_91 = tpu.matmul %slice3A_89, %get3A_88, %dot_general3A_90 {dimension_numbers = #tpu.dot_dimension_numbers<[1], [0], [0], [1], [0, 0, 1, 1], [], []>, transpose_lhs_hint = false} : vector<1280x128xf32>, vector<128x16xf32>, vector<1280x16xf32> -> vector<1280x16xf32>
    %slice3A_92 = vector.extract_strided_slice %add3A_85 {offsets = [0, 128], sizes = [1280, 128], strides = [1, 1]} : vector<1280x1024xf32> to vector<1280x128xf32>
    %dot_general3A_93 = arith.constant dense<0.000000e+00> : vector<1280x16xf32>
    %dot_general3A_94 = tpu.matmul %slice3A_92, %get3A_88, %dot_general3A_93 {dimension_numbers = #tpu.dot_dimension_numbers<[1], [0], [0], [1], [0, 0, 1, 1], [], []>, transpose_lhs_hint = false} : vector<1280x128xf32>, vector<128x16xf32>, vector<1280x16xf32> -> vector<1280x16xf32>
    %slice3A_95 = vector.extract_strided_slice %add3A_85 {offsets = [0, 256], sizes = [1280, 128], strides = [1, 1]} : vector<1280x1024xf32> to vector<1280x128xf32>
    %dot_general3A_96 = arith.constant dense<0.000000e+00> : vector<1280x16xf32>
    %dot_general3A_97 = tpu.matmul %slice3A_95, %get3A_88, %dot_general3A_96 {dimension_numbers = #tpu.dot_dimension_numbers<[1], [0], [0], [1], [0, 0, 1, 1], [], []>, transpose_lhs_hint = false} : vector<1280x128xf32>, vector<128x16xf32>, vector<1280x16xf32> -> vector<1280x16xf32>
    %slice3A_98 = vector.extract_strided_slice %add3A_85 {offsets = [0, 384], sizes = [1280, 128], strides = [1, 1]} : vector<1280x1024xf32> to vector<1280x128xf32>
    %dot_general3A_99 = arith.constant dense<0.000000e+00> : vector<1280x16xf32>
    %dot_general3A_100 = tpu.matmul %slice3A_98, %get3A_88, %dot_general3A_99 {dimension_numbers = #tpu.dot_dimension_numbers<[1], [0], [0], [1], [0, 0, 1, 1], [], []>, transpose_lhs_hint = false} : vector<1280x128xf32>, vector<128x16xf32>, vector<1280x16xf32> -> vector<1280x16xf32>
    %slice3A_101 = vector.extract_strided_slice %add3A_85 {offsets = [0, 512], sizes = [1280, 128], strides = [1, 1]} : vector<1280x1024xf32> to vector<1280x128xf32>
    %dot_general3A_102 = arith.constant dense<0.000000e+00> : vector<1280x16xf32>
    %dot_general3A_103 = tpu.matmul %slice3A_101, %get3A_88, %dot_general3A_102 {dimension_numbers = #tpu.dot_dimension_numbers<[1], [0], [0], [1], [0, 0, 1, 1], [], []>, transpose_lhs_hint = false} : vector<1280x128xf32>, vector<128x16xf32>, vector<1280x16xf32> -> vector<1280x16xf32>
    %slice3A_104 = vector.extract_strided_slice %add3A_85 {offsets = [0, 640], sizes = [1280, 128], strides = [1, 1]} : vector<1280x1024xf32> to vector<1280x128xf32>
    %dot_general3A_105 = arith.constant dense<0.000000e+00> : vector<1280x16xf32>
    %dot_general3A_106 = tpu.matmul %slice3A_104, %get3A_88, %dot_general3A_105 {dimension_numbers = #tpu.dot_dimension_numbers<[1], [0], [0], [1], [0, 0, 1, 1], [], []>, transpose_lhs_hint = false} : vector<1280x128xf32>, vector<128x16xf32>, vector<1280x16xf32> -> vector<1280x16xf32>
    %slice3A_107 = vector.extract_strided_slice %add3A_85 {offsets = [0, 768], sizes = [1280, 128], strides = [1, 1]} : vector<1280x1024xf32> to vector<1280x128xf32>
    %dot_general3A_108 = arith.constant dense<0.000000e+00> : vector<1280x16xf32>
    %dot_general3A_109 = tpu.matmul %slice3A_107, %get3A_88, %dot_general3A_108 {dimension_numbers = #tpu.dot_dimension_numbers<[1], [0], [0], [1], [0, 0, 1, 1], [], []>, transpose_lhs_hint = false} : vector<1280x128xf32>, vector<128x16xf32>, vector<1280x16xf32> -> vector<1280x16xf32>
    %slice3A_110 = vector.extract_strided_slice %add3A_85 {offsets = [0, 896], sizes = [1280, 128], strides = [1, 1]} : vector<1280x1024xf32> to vector<1280x128xf32>
    %dot_general3A_111 = arith.constant dense<0.000000e+00> : vector<1280x16xf32>
    %dot_general3A_112 = tpu.matmul %slice3A_110, %get3A_88, %dot_general3A_111 {dimension_numbers = #tpu.dot_dimension_numbers<[1], [0], [0], [1], [0, 0, 1, 1], [], []>, transpose_lhs_hint = false} : vector<1280x128xf32>, vector<128x16xf32>, vector<1280x16xf32> -> vector<1280x16xf32>
    %concatenate3A_113 = tpu.concatenate %dot_general3A_91, %dot_general3A_94, %dot_general3A_97, %dot_general3A_100, %dot_general3A_103, %dot_general3A_106, %dot_general3A_109, %dot_general3A_112 in 1 : vector<1280x16xf32>, vector<1280x16xf32>, vector<1280x16xf32>, vector<1280x16xf32>, vector<1280x16xf32>, vector<1280x16xf32>, vector<1280x16xf32>, vector<1280x16xf32> -> vector<1280x128xf32>
    %swap3A = arith.constant 0 : index
    %swap3A_114 = arith.constant 0 : index
    %swap3A_115 = vector.load %arg9[%swap3A, %swap3A_114] : memref<1280x128xf32, #tpu.memory_space<vmem>>, vector<1280x128xf32>
    tpu.vector_store %arg9[%swap3A, %swap3A_114], %concatenate3A_113 {strides = array<i32>} : memref<1280x128xf32, #tpu.memory_space<vmem>>, vector<1280x128xf32>,
    %get3A_116 = arith.constant 0 : index
    %get3A_117 = arith.constant 0 : index
    %get3A_118 = vector.load %arg8[%get3A_116, %get3A_117] : memref<128x16xf32, #tpu.memory_space<vmem>>, vector<128x16xf32>
    %slice3A_119 = vector.extract_strided_slice %add3A_85 {offsets = [0, 0], sizes = [1280, 128], strides = [1, 1]} : vector<1280x1024xf32> to vector<1280x128xf32>
    %dot_general3A_120 = arith.constant dense<0.000000e+00> : vector<1280x16xf32>
    %dot_general3A_121 = tpu.matmul %slice3A_119, %get3A_118, %dot_general3A_120 {dimension_numbers = #tpu.dot_dimension_numbers<[1], [0], [0], [1], [0, 0, 1, 1], [], []>, transpose_lhs_hint = false} : vector<1280x128xf32>, vector<128x16xf32>, vector<1280x16xf32> -> vector<1280x16xf32>
    %slice3A_122 = vector.extract_strided_slice %add3A_85 {offsets = [0, 128], sizes = [1280, 128], strides = [1, 1]} : vector<1280x1024xf32> to vector<1280x128xf32>
    %dot_general3A_123 = arith.constant dense<0.000000e+00> : vector<1280x16xf32>
    %dot_general3A_124 = tpu.matmul %slice3A_122, %get3A_118, %dot_general3A_123 {dimension_numbers = #tpu.dot_dimension_numbers<[1], [0], [0], [1], [0, 0, 1, 1], [], []>, transpose_lhs_hint = false} : vector<1280x128xf32>, vector<128x16xf32>, vector<1280x16xf32> -> vector<1280x16xf32>
    %slice3A_125 = vector.extract_strided_slice %add3A_85 {offsets = [0, 256], sizes = [1280, 128], strides = [1, 1]} : vector<1280x1024xf32> to vector<1280x128xf32>
    %dot_general3A_126 = arith.constant dense<0.000000e+00> : vector<1280x16xf32>
    %dot_general3A_127 = tpu.matmul %slice3A_125, %get3A_118, %dot_general3A_126 {dimension_numbers = #tpu.dot_dimension_numbers<[1], [0], [0], [1], [0, 0, 1, 1], [], []>, transpose_lhs_hint = false} : vector<1280x128xf32>, vector<128x16xf32>, vector<1280x16xf32> -> vector<1280x16xf32>
    %slice3A_128 = vector.extract_strided_slice %add3A_85 {offsets = [0, 384], sizes = [1280, 128], strides = [1, 1]} : vector<1280x1024xf32> to vector<1280x128xf32>
    %dot_general3A_129 = arith.constant dense<0.000000e+00> : vector<1280x16xf32>
    %dot_general3A_130 = tpu.matmul %slice3A_128, %get3A_118, %dot_general3A_129 {dimension_numbers = #tpu.dot_dimension_numbers<[1], [0], [0], [1], [0, 0, 1, 1], [], []>, transpose_lhs_hint = false} : vector<1280x128xf32>, vector<128x16xf32>, vector<1280x16xf32> -> vector<1280x16xf32>
    %slice3A_131 = vector.extract_strided_slice %add3A_85 {offsets = [0, 512], sizes = [1280, 128], strides = [1, 1]} : vector<1280x1024xf32> to vector<1280x128xf32>
    %dot_general3A_132 = arith.constant dense<0.000000e+00> : vector<1280x16xf32>
    %dot_general3A_133 = tpu.matmul %slice3A_131, %get3A_118, %dot_general3A_132 {dimension_numbers = #tpu.dot_dimension_numbers<[1], [0], [0], [1], [0, 0, 1, 1], [], []>, transpose_lhs_hint = false} : vector<1280x128xf32>, vector<128x16xf32>, vector<1280x16xf32> -> vector<1280x16xf32>
    %slice3A_134 = vector.extract_strided_slice %add3A_85 {offsets = [0, 640], sizes = [1280, 128], strides = [1, 1]} : vector<1280x1024xf32> to vector<1280x128xf32>
    %dot_general3A_135 = arith.constant dense<0.000000e+00> : vector<1280x16xf32>
    %dot_general3A_136 = tpu.matmul %slice3A_134, %get3A_118, %dot_general3A_135 {dimension_numbers = #tpu.dot_dimension_numbers<[1], [0], [0], [1], [0, 0, 1, 1], [], []>, transpose_lhs_hint = false} : vector<1280x128xf32>, vector<128x16xf32>, vector<1280x16xf32> -> vector<1280x16xf32>
    %slice3A_137 = vector.extract_strided_slice %add3A_85 {offsets = [0, 768], sizes = [1280, 128], strides = [1, 1]} : vector<1280x1024xf32> to vector<1280x128xf32>
    %dot_general3A_138 = arith.constant dense<0.000000e+00> : vector<1280x16xf32>
    %dot_general3A_139 = tpu.matmul %slice3A_137, %get3A_118, %dot_general3A_138 {dimension_numbers = #tpu.dot_dimension_numbers<[1], [0], [0], [1], [0, 0, 1, 1], [], []>, transpose_lhs_hint = false} : vector<1280x128xf32>, vector<128x16xf32>, vector<1280x16xf32> -> vector<1280x16xf32>
    %slice3A_140 = vector.extract_strided_slice %add3A_85 {offsets = [0, 896], sizes = [1280, 128], strides = [1, 1]} : vector<1280x1024xf32> to vector<1280x128xf32>
    %dot_general3A_141 = arith.constant dense<0.000000e+00> : vector<1280x16xf32>
    %dot_general3A_142 = tpu.matmul %slice3A_140, %get3A_118, %dot_general3A_141 {dimension_numbers = #tpu.dot_dimension_numbers<[1], [0], [0], [1], [0, 0, 1, 1], [], []>, transpose_lhs_hint = false} : vector<1280x128xf32>, vector<128x16xf32>, vector<1280x16xf32> -> vector<1280x16xf32>
    %concatenate3A_143 = tpu.concatenate %dot_general3A_121, %dot_general3A_124, %dot_general3A_127, %dot_general3A_130, %dot_general3A_133, %dot_general3A_136, %dot_general3A_139, %dot_general3A_142 in 1 : vector<1280x16xf32>, vector<1280x16xf32>, vector<1280x16xf32>, vector<1280x16xf32>, vector<1280x16xf32>, vector<1280x16xf32>, vector<1280x16xf32>, vector<1280x16xf32> -> vector<1280x128xf32>
    %swap3A_144 = arith.constant 0 : index
    %swap3A_145 = arith.constant 0 : index
    %swap3A_146 = vector.load %arg10[%swap3A_144, %swap3A_145] : memref<1280x128xf32, #tpu.memory_space<vmem>>, vector<1280x128xf32>
    tpu.vector_store %arg10[%swap3A_144, %swap3A_145], %concatenate3A_143 {strides = array<i32>} : memref<1280x128xf32, #tpu.memory_space<vmem>>, vector<1280x128xf32>,
    return
  }
}

module attributes {stable_mosaic.version = 14 : i64} {
  func.func @_tc_fin_body(%arg0: memref<256x128xf32, #tpu.memory_space<vmem>>, %arg1: memref<16x128xf32, #tpu.memory_space<vmem>>, %arg2: memref<1x1024xf32, #tpu.memory_space<vmem>>, %arg3: memref<128x16xf32, #tpu.memory_space<vmem>>, %arg4: memref<1x128xf32, #tpu.memory_space<vmem>>, %arg5: memref<16x16xf32, #tpu.memory_space<vmem>>, %arg6: memref<1x128xf32, #tpu.memory_space<vmem>>, %arg7: memref<16x1xf32, #tpu.memory_space<vmem>>, %arg8: memref<1x8xf32, #tpu.memory_space<vmem>>, %arg9: memref<256x8xf32, #tpu.memory_space<vmem>>) attributes {dimension_semantics = [], scalar_prefetch = 0 : i64, scratch_operands = 0 : i64, tpu.core_type = #tpu.core_type<tc>} {
    %get3A = arith.constant 0 : index
    %get3A_0 = arith.constant 0 : index
    %get3A_1 = vector.load %arg0[%get3A, %get3A_0] : memref<256x128xf32, #tpu.memory_space<vmem>>, vector<256x128xf32>
    %get3A_2 = arith.constant 0 : index
    %get3A_3 = arith.constant 0 : index
    %get3A_4 = vector.load %arg1[%get3A_2, %get3A_3] : memref<16x128xf32, #tpu.memory_space<vmem>>, vector<16x128xf32>
    %slice3A = vector.extract_strided_slice %get3A_1 {offsets = [0, 0], sizes = [256, 16], strides = [1, 1]} : vector<256x128xf32> to vector<256x16xf32>
    %dot_general3A = arith.constant dense<0.000000e+00> : vector<256x128xf32>
    %dot_general3A_5 = tpu.matmul %slice3A, %get3A_4, %dot_general3A {dimension_numbers = #tpu.dot_dimension_numbers<[1], [0], [0], [1], [0, 0, 1, 1], [], []>, transpose_lhs_hint = false} : vector<256x16xf32>, vector<16x128xf32>, vector<256x128xf32> -> vector<256x128xf32>
    %slice3A_6 = vector.extract_strided_slice %get3A_1 {offsets = [0, 16], sizes = [256, 16], strides = [1, 1]} : vector<256x128xf32> to vector<256x16xf32>
    %dot_general3A_7 = arith.constant dense<0.000000e+00> : vector<256x128xf32>
    %dot_general3A_8 = tpu.matmul %slice3A_6, %get3A_4, %dot_general3A_7 {dimension_numbers = #tpu.dot_dimension_numbers<[1], [0], [0], [1], [0, 0, 1, 1], [], []>, transpose_lhs_hint = false} : vector<256x16xf32>, vector<16x128xf32>, vector<256x128xf32> -> vector<256x128xf32>
    %slice3A_9 = vector.extract_strided_slice %get3A_1 {offsets = [0, 32], sizes = [256, 16], strides = [1, 1]} : vector<256x128xf32> to vector<256x16xf32>
    %dot_general3A_10 = arith.constant dense<0.000000e+00> : vector<256x128xf32>
    %dot_general3A_11 = tpu.matmul %slice3A_9, %get3A_4, %dot_general3A_10 {dimension_numbers = #tpu.dot_dimension_numbers<[1], [0], [0], [1], [0, 0, 1, 1], [], []>, transpose_lhs_hint = false} : vector<256x16xf32>, vector<16x128xf32>, vector<256x128xf32> -> vector<256x128xf32>
    %slice3A_12 = vector.extract_strided_slice %get3A_1 {offsets = [0, 48], sizes = [256, 16], strides = [1, 1]} : vector<256x128xf32> to vector<256x16xf32>
    %dot_general3A_13 = arith.constant dense<0.000000e+00> : vector<256x128xf32>
    %dot_general3A_14 = tpu.matmul %slice3A_12, %get3A_4, %dot_general3A_13 {dimension_numbers = #tpu.dot_dimension_numbers<[1], [0], [0], [1], [0, 0, 1, 1], [], []>, transpose_lhs_hint = false} : vector<256x16xf32>, vector<16x128xf32>, vector<256x128xf32> -> vector<256x128xf32>
    %slice3A_15 = vector.extract_strided_slice %get3A_1 {offsets = [0, 64], sizes = [256, 16], strides = [1, 1]} : vector<256x128xf32> to vector<256x16xf32>
    %dot_general3A_16 = arith.constant dense<0.000000e+00> : vector<256x128xf32>
    %dot_general3A_17 = tpu.matmul %slice3A_15, %get3A_4, %dot_general3A_16 {dimension_numbers = #tpu.dot_dimension_numbers<[1], [0], [0], [1], [0, 0, 1, 1], [], []>, transpose_lhs_hint = false} : vector<256x16xf32>, vector<16x128xf32>, vector<256x128xf32> -> vector<256x128xf32>
    %slice3A_18 = vector.extract_strided_slice %get3A_1 {offsets = [0, 80], sizes = [256, 16], strides = [1, 1]} : vector<256x128xf32> to vector<256x16xf32>
    %dot_general3A_19 = arith.constant dense<0.000000e+00> : vector<256x128xf32>
    %dot_general3A_20 = tpu.matmul %slice3A_18, %get3A_4, %dot_general3A_19 {dimension_numbers = #tpu.dot_dimension_numbers<[1], [0], [0], [1], [0, 0, 1, 1], [], []>, transpose_lhs_hint = false} : vector<256x16xf32>, vector<16x128xf32>, vector<256x128xf32> -> vector<256x128xf32>
    %slice3A_21 = vector.extract_strided_slice %get3A_1 {offsets = [0, 96], sizes = [256, 16], strides = [1, 1]} : vector<256x128xf32> to vector<256x16xf32>
    %dot_general3A_22 = arith.constant dense<0.000000e+00> : vector<256x128xf32>
    %dot_general3A_23 = tpu.matmul %slice3A_21, %get3A_4, %dot_general3A_22 {dimension_numbers = #tpu.dot_dimension_numbers<[1], [0], [0], [1], [0, 0, 1, 1], [], []>, transpose_lhs_hint = false} : vector<256x16xf32>, vector<16x128xf32>, vector<256x128xf32> -> vector<256x128xf32>
    %slice3A_24 = vector.extract_strided_slice %get3A_1 {offsets = [0, 112], sizes = [256, 16], strides = [1, 1]} : vector<256x128xf32> to vector<256x16xf32>
    %dot_general3A_25 = arith.constant dense<0.000000e+00> : vector<256x128xf32>
    %dot_general3A_26 = tpu.matmul %slice3A_24, %get3A_4, %dot_general3A_25 {dimension_numbers = #tpu.dot_dimension_numbers<[1], [0], [0], [1], [0, 0, 1, 1], [], []>, transpose_lhs_hint = false} : vector<256x16xf32>, vector<16x128xf32>, vector<256x128xf32> -> vector<256x128xf32>
    %concatenate3A = tpu.concatenate %dot_general3A_5, %dot_general3A_8, %dot_general3A_11, %dot_general3A_14, %dot_general3A_17, %dot_general3A_20, %dot_general3A_23, %dot_general3A_26 in 1 : vector<256x128xf32>, vector<256x128xf32>, vector<256x128xf32>, vector<256x128xf32>, vector<256x128xf32>, vector<256x128xf32>, vector<256x128xf32>, vector<256x128xf32> -> vector<256x1024xf32>
    %get3A_27 = arith.constant 0 : index
    %get3A_28 = arith.constant 0 : index
    %get3A_29 = vector.load %arg2[%get3A_27, %get3A_28] : memref<1x1024xf32, #tpu.memory_space<vmem>>, vector<1x1024xf32>
    %add3A = vector.broadcast %get3A_29 : vector<1x1024xf32> to vector<256x1024xf32>
    %add3A_30 = arith.addf %concatenate3A, %add3A : vector<256x1024xf32>
    %get3A_31 = arith.constant 0 : index
    %get3A_32 = arith.constant 0 : index
    %get3A_33 = vector.load %arg3[%get3A_31, %get3A_32] : memref<128x16xf32, #tpu.memory_space<vmem>>, vector<128x16xf32>
    %slice3A_34 = vector.extract_strided_slice %add3A_30 {offsets = [0, 0], sizes = [256, 128], strides = [1, 1]} : vector<256x1024xf32> to vector<256x128xf32>
    %dot_general3A_35 = arith.constant dense<0.000000e+00> : vector<256x16xf32>
    %dot_general3A_36 = tpu.matmul %slice3A_34, %get3A_33, %dot_general3A_35 {dimension_numbers = #tpu.dot_dimension_numbers<[1], [0], [0], [1], [0, 0, 1, 1], [], []>, transpose_lhs_hint = false} : vector<256x128xf32>, vector<128x16xf32>, vector<256x16xf32> -> vector<256x16xf32>
    %slice3A_37 = vector.extract_strided_slice %add3A_30 {offsets = [0, 128], sizes = [256, 128], strides = [1, 1]} : vector<256x1024xf32> to vector<256x128xf32>
    %dot_general3A_38 = arith.constant dense<0.000000e+00> : vector<256x16xf32>
    %dot_general3A_39 = tpu.matmul %slice3A_37, %get3A_33, %dot_general3A_38 {dimension_numbers = #tpu.dot_dimension_numbers<[1], [0], [0], [1], [0, 0, 1, 1], [], []>, transpose_lhs_hint = false} : vector<256x128xf32>, vector<128x16xf32>, vector<256x16xf32> -> vector<256x16xf32>
    %slice3A_40 = vector.extract_strided_slice %add3A_30 {offsets = [0, 256], sizes = [256, 128], strides = [1, 1]} : vector<256x1024xf32> to vector<256x128xf32>
    %dot_general3A_41 = arith.constant dense<0.000000e+00> : vector<256x16xf32>
    %dot_general3A_42 = tpu.matmul %slice3A_40, %get3A_33, %dot_general3A_41 {dimension_numbers = #tpu.dot_dimension_numbers<[1], [0], [0], [1], [0, 0, 1, 1], [], []>, transpose_lhs_hint = false} : vector<256x128xf32>, vector<128x16xf32>, vector<256x16xf32> -> vector<256x16xf32>
    %slice3A_43 = vector.extract_strided_slice %add3A_30 {offsets = [0, 384], sizes = [256, 128], strides = [1, 1]} : vector<256x1024xf32> to vector<256x128xf32>
    %dot_general3A_44 = arith.constant dense<0.000000e+00> : vector<256x16xf32>
    %dot_general3A_45 = tpu.matmul %slice3A_43, %get3A_33, %dot_general3A_44 {dimension_numbers = #tpu.dot_dimension_numbers<[1], [0], [0], [1], [0, 0, 1, 1], [], []>, transpose_lhs_hint = false} : vector<256x128xf32>, vector<128x16xf32>, vector<256x16xf32> -> vector<256x16xf32>
    %slice3A_46 = vector.extract_strided_slice %add3A_30 {offsets = [0, 512], sizes = [256, 128], strides = [1, 1]} : vector<256x1024xf32> to vector<256x128xf32>
    %dot_general3A_47 = arith.constant dense<0.000000e+00> : vector<256x16xf32>
    %dot_general3A_48 = tpu.matmul %slice3A_46, %get3A_33, %dot_general3A_47 {dimension_numbers = #tpu.dot_dimension_numbers<[1], [0], [0], [1], [0, 0, 1, 1], [], []>, transpose_lhs_hint = false} : vector<256x128xf32>, vector<128x16xf32>, vector<256x16xf32> -> vector<256x16xf32>
    %slice3A_49 = vector.extract_strided_slice %add3A_30 {offsets = [0, 640], sizes = [256, 128], strides = [1, 1]} : vector<256x1024xf32> to vector<256x128xf32>
    %dot_general3A_50 = arith.constant dense<0.000000e+00> : vector<256x16xf32>
    %dot_general3A_51 = tpu.matmul %slice3A_49, %get3A_33, %dot_general3A_50 {dimension_numbers = #tpu.dot_dimension_numbers<[1], [0], [0], [1], [0, 0, 1, 1], [], []>, transpose_lhs_hint = false} : vector<256x128xf32>, vector<128x16xf32>, vector<256x16xf32> -> vector<256x16xf32>
    %slice3A_52 = vector.extract_strided_slice %add3A_30 {offsets = [0, 768], sizes = [256, 128], strides = [1, 1]} : vector<256x1024xf32> to vector<256x128xf32>
    %dot_general3A_53 = arith.constant dense<0.000000e+00> : vector<256x16xf32>
    %dot_general3A_54 = tpu.matmul %slice3A_52, %get3A_33, %dot_general3A_53 {dimension_numbers = #tpu.dot_dimension_numbers<[1], [0], [0], [1], [0, 0, 1, 1], [], []>, transpose_lhs_hint = false} : vector<256x128xf32>, vector<128x16xf32>, vector<256x16xf32> -> vector<256x16xf32>
    %slice3A_55 = vector.extract_strided_slice %add3A_30 {offsets = [0, 896], sizes = [256, 128], strides = [1, 1]} : vector<256x1024xf32> to vector<256x128xf32>
    %dot_general3A_56 = arith.constant dense<0.000000e+00> : vector<256x16xf32>
    %dot_general3A_57 = tpu.matmul %slice3A_55, %get3A_33, %dot_general3A_56 {dimension_numbers = #tpu.dot_dimension_numbers<[1], [0], [0], [1], [0, 0, 1, 1], [], []>, transpose_lhs_hint = false} : vector<256x128xf32>, vector<128x16xf32>, vector<256x16xf32> -> vector<256x16xf32>
    %concatenate3A_58 = tpu.concatenate %dot_general3A_36, %dot_general3A_39, %dot_general3A_42, %dot_general3A_45, %dot_general3A_48, %dot_general3A_51, %dot_general3A_54, %dot_general3A_57 in 1 : vector<256x16xf32>, vector<256x16xf32>, vector<256x16xf32>, vector<256x16xf32>, vector<256x16xf32>, vector<256x16xf32>, vector<256x16xf32>, vector<256x16xf32> -> vector<256x128xf32>
    %get3A_59 = arith.constant 0 : index
    %get3A_60 = arith.constant 0 : index
    %get3A_61 = vector.load %arg4[%get3A_59, %get3A_60] : memref<1x128xf32, #tpu.memory_space<vmem>>, vector<1x128xf32>
    %add3A_62 = vector.broadcast %get3A_61 : vector<1x128xf32> to vector<256x128xf32>
    %add3A_63 = arith.addf %concatenate3A_58, %add3A_62 : vector<256x128xf32>
    %max3A = arith.constant 0.000000e+00 : f32
    %max3A_64 = vector.broadcast %max3A : f32 to vector<256x128xf32>
    %max3A_65 = arith.maximumf %add3A_63, %max3A_64 : vector<256x128xf32>
    %get3A_66 = arith.constant 0 : index
    %get3A_67 = arith.constant 0 : index
    %get3A_68 = vector.load %arg5[%get3A_66, %get3A_67] : memref<16x16xf32, #tpu.memory_space<vmem>>, vector<16x16xf32>
    %slice3A_69 = vector.extract_strided_slice %max3A_65 {offsets = [0, 0], sizes = [256, 16], strides = [1, 1]} : vector<256x128xf32> to vector<256x16xf32>
    %dot_general3A_70 = arith.constant dense<0.000000e+00> : vector<256x16xf32>
    %dot_general3A_71 = tpu.matmul %slice3A_69, %get3A_68, %dot_general3A_70 {dimension_numbers = #tpu.dot_dimension_numbers<[1], [0], [0], [1], [0, 0, 1, 1], [], []>, transpose_lhs_hint = false} : vector<256x16xf32>, vector<16x16xf32>, vector<256x16xf32> -> vector<256x16xf32>
    %slice3A_72 = vector.extract_strided_slice %max3A_65 {offsets = [0, 16], sizes = [256, 16], strides = [1, 1]} : vector<256x128xf32> to vector<256x16xf32>
    %dot_general3A_73 = arith.constant dense<0.000000e+00> : vector<256x16xf32>
    %dot_general3A_74 = tpu.matmul %slice3A_72, %get3A_68, %dot_general3A_73 {dimension_numbers = #tpu.dot_dimension_numbers<[1], [0], [0], [1], [0, 0, 1, 1], [], []>, transpose_lhs_hint = false} : vector<256x16xf32>, vector<16x16xf32>, vector<256x16xf32> -> vector<256x16xf32>
    %slice3A_75 = vector.extract_strided_slice %max3A_65 {offsets = [0, 32], sizes = [256, 16], strides = [1, 1]} : vector<256x128xf32> to vector<256x16xf32>
    %dot_general3A_76 = arith.constant dense<0.000000e+00> : vector<256x16xf32>
    %dot_general3A_77 = tpu.matmul %slice3A_75, %get3A_68, %dot_general3A_76 {dimension_numbers = #tpu.dot_dimension_numbers<[1], [0], [0], [1], [0, 0, 1, 1], [], []>, transpose_lhs_hint = false} : vector<256x16xf32>, vector<16x16xf32>, vector<256x16xf32> -> vector<256x16xf32>
    %slice3A_78 = vector.extract_strided_slice %max3A_65 {offsets = [0, 48], sizes = [256, 16], strides = [1, 1]} : vector<256x128xf32> to vector<256x16xf32>
    %dot_general3A_79 = arith.constant dense<0.000000e+00> : vector<256x16xf32>
    %dot_general3A_80 = tpu.matmul %slice3A_78, %get3A_68, %dot_general3A_79 {dimension_numbers = #tpu.dot_dimension_numbers<[1], [0], [0], [1], [0, 0, 1, 1], [], []>, transpose_lhs_hint = false} : vector<256x16xf32>, vector<16x16xf32>, vector<256x16xf32> -> vector<256x16xf32>
    %slice3A_81 = vector.extract_strided_slice %max3A_65 {offsets = [0, 64], sizes = [256, 16], strides = [1, 1]} : vector<256x128xf32> to vector<256x16xf32>
    %dot_general3A_82 = arith.constant dense<0.000000e+00> : vector<256x16xf32>
    %dot_general3A_83 = tpu.matmul %slice3A_81, %get3A_68, %dot_general3A_82 {dimension_numbers = #tpu.dot_dimension_numbers<[1], [0], [0], [1], [0, 0, 1, 1], [], []>, transpose_lhs_hint = false} : vector<256x16xf32>, vector<16x16xf32>, vector<256x16xf32> -> vector<256x16xf32>
    %slice3A_84 = vector.extract_strided_slice %max3A_65 {offsets = [0, 80], sizes = [256, 16], strides = [1, 1]} : vector<256x128xf32> to vector<256x16xf32>
    %dot_general3A_85 = arith.constant dense<0.000000e+00> : vector<256x16xf32>
    %dot_general3A_86 = tpu.matmul %slice3A_84, %get3A_68, %dot_general3A_85 {dimension_numbers = #tpu.dot_dimension_numbers<[1], [0], [0], [1], [0, 0, 1, 1], [], []>, transpose_lhs_hint = false} : vector<256x16xf32>, vector<16x16xf32>, vector<256x16xf32> -> vector<256x16xf32>
    %slice3A_87 = vector.extract_strided_slice %max3A_65 {offsets = [0, 96], sizes = [256, 16], strides = [1, 1]} : vector<256x128xf32> to vector<256x16xf32>
    %dot_general3A_88 = arith.constant dense<0.000000e+00> : vector<256x16xf32>
    %dot_general3A_89 = tpu.matmul %slice3A_87, %get3A_68, %dot_general3A_88 {dimension_numbers = #tpu.dot_dimension_numbers<[1], [0], [0], [1], [0, 0, 1, 1], [], []>, transpose_lhs_hint = false} : vector<256x16xf32>, vector<16x16xf32>, vector<256x16xf32> -> vector<256x16xf32>
    %slice3A_90 = vector.extract_strided_slice %max3A_65 {offsets = [0, 112], sizes = [256, 16], strides = [1, 1]} : vector<256x128xf32> to vector<256x16xf32>
    %dot_general3A_91 = arith.constant dense<0.000000e+00> : vector<256x16xf32>
    %dot_general3A_92 = tpu.matmul %slice3A_90, %get3A_68, %dot_general3A_91 {dimension_numbers = #tpu.dot_dimension_numbers<[1], [0], [0], [1], [0, 0, 1, 1], [], []>, transpose_lhs_hint = false} : vector<256x16xf32>, vector<16x16xf32>, vector<256x16xf32> -> vector<256x16xf32>
    %concatenate3A_93 = tpu.concatenate %dot_general3A_71, %dot_general3A_74, %dot_general3A_77, %dot_general3A_80, %dot_general3A_83, %dot_general3A_86, %dot_general3A_89, %dot_general3A_92 in 1 : vector<256x16xf32>, vector<256x16xf32>, vector<256x16xf32>, vector<256x16xf32>, vector<256x16xf32>, vector<256x16xf32>, vector<256x16xf32>, vector<256x16xf32> -> vector<256x128xf32>
    %get3A_94 = arith.constant 0 : index
    %get3A_95 = arith.constant 0 : index
    %get3A_96 = vector.load %arg6[%get3A_94, %get3A_95] : memref<1x128xf32, #tpu.memory_space<vmem>>, vector<1x128xf32>
    %add3A_97 = vector.broadcast %get3A_96 : vector<1x128xf32> to vector<256x128xf32>
    %add3A_98 = arith.addf %concatenate3A_93, %add3A_97 : vector<256x128xf32>
    %max3A_99 = arith.constant 0.000000e+00 : f32
    %max3A_100 = vector.broadcast %max3A_99 : f32 to vector<256x128xf32>
    %max3A_101 = arith.maximumf %add3A_98, %max3A_100 : vector<256x128xf32>
    %get3A_102 = arith.constant 0 : index
    %get3A_103 = arith.constant 0 : index
    %get3A_104 = vector.load %arg7[%get3A_102, %get3A_103] : memref<16x1xf32, #tpu.memory_space<vmem>>, vector<16x1xf32>
    %slice3A_105 = vector.extract_strided_slice %max3A_101 {offsets = [0, 0], sizes = [256, 16], strides = [1, 1]} : vector<256x128xf32> to vector<256x16xf32>
    %dot_general3A_106 = arith.constant dense<0.000000e+00> : vector<256x1xf32>
    %dot_general3A_107 = tpu.matmul %slice3A_105, %get3A_104, %dot_general3A_106 {dimension_numbers = #tpu.dot_dimension_numbers<[1], [0], [0], [1], [0, 0, 1, 1], [], []>, transpose_lhs_hint = false} : vector<256x16xf32>, vector<16x1xf32>, vector<256x1xf32> -> vector<256x1xf32>
    %slice3A_108 = vector.extract_strided_slice %max3A_101 {offsets = [0, 16], sizes = [256, 16], strides = [1, 1]} : vector<256x128xf32> to vector<256x16xf32>
    %dot_general3A_109 = arith.constant dense<0.000000e+00> : vector<256x1xf32>
    %dot_general3A_110 = tpu.matmul %slice3A_108, %get3A_104, %dot_general3A_109 {dimension_numbers = #tpu.dot_dimension_numbers<[1], [0], [0], [1], [0, 0, 1, 1], [], []>, transpose_lhs_hint = false} : vector<256x16xf32>, vector<16x1xf32>, vector<256x1xf32> -> vector<256x1xf32>
    %slice3A_111 = vector.extract_strided_slice %max3A_101 {offsets = [0, 32], sizes = [256, 16], strides = [1, 1]} : vector<256x128xf32> to vector<256x16xf32>
    %dot_general3A_112 = arith.constant dense<0.000000e+00> : vector<256x1xf32>
    %dot_general3A_113 = tpu.matmul %slice3A_111, %get3A_104, %dot_general3A_112 {dimension_numbers = #tpu.dot_dimension_numbers<[1], [0], [0], [1], [0, 0, 1, 1], [], []>, transpose_lhs_hint = false} : vector<256x16xf32>, vector<16x1xf32>, vector<256x1xf32> -> vector<256x1xf32>
    %slice3A_114 = vector.extract_strided_slice %max3A_101 {offsets = [0, 48], sizes = [256, 16], strides = [1, 1]} : vector<256x128xf32> to vector<256x16xf32>
    %dot_general3A_115 = arith.constant dense<0.000000e+00> : vector<256x1xf32>
    %dot_general3A_116 = tpu.matmul %slice3A_114, %get3A_104, %dot_general3A_115 {dimension_numbers = #tpu.dot_dimension_numbers<[1], [0], [0], [1], [0, 0, 1, 1], [], []>, transpose_lhs_hint = false} : vector<256x16xf32>, vector<16x1xf32>, vector<256x1xf32> -> vector<256x1xf32>
    %slice3A_117 = vector.extract_strided_slice %max3A_101 {offsets = [0, 64], sizes = [256, 16], strides = [1, 1]} : vector<256x128xf32> to vector<256x16xf32>
    %dot_general3A_118 = arith.constant dense<0.000000e+00> : vector<256x1xf32>
    %dot_general3A_119 = tpu.matmul %slice3A_117, %get3A_104, %dot_general3A_118 {dimension_numbers = #tpu.dot_dimension_numbers<[1], [0], [0], [1], [0, 0, 1, 1], [], []>, transpose_lhs_hint = false} : vector<256x16xf32>, vector<16x1xf32>, vector<256x1xf32> -> vector<256x1xf32>
    %slice3A_120 = vector.extract_strided_slice %max3A_101 {offsets = [0, 80], sizes = [256, 16], strides = [1, 1]} : vector<256x128xf32> to vector<256x16xf32>
    %dot_general3A_121 = arith.constant dense<0.000000e+00> : vector<256x1xf32>
    %dot_general3A_122 = tpu.matmul %slice3A_120, %get3A_104, %dot_general3A_121 {dimension_numbers = #tpu.dot_dimension_numbers<[1], [0], [0], [1], [0, 0, 1, 1], [], []>, transpose_lhs_hint = false} : vector<256x16xf32>, vector<16x1xf32>, vector<256x1xf32> -> vector<256x1xf32>
    %slice3A_123 = vector.extract_strided_slice %max3A_101 {offsets = [0, 96], sizes = [256, 16], strides = [1, 1]} : vector<256x128xf32> to vector<256x16xf32>
    %dot_general3A_124 = arith.constant dense<0.000000e+00> : vector<256x1xf32>
    %dot_general3A_125 = tpu.matmul %slice3A_123, %get3A_104, %dot_general3A_124 {dimension_numbers = #tpu.dot_dimension_numbers<[1], [0], [0], [1], [0, 0, 1, 1], [], []>, transpose_lhs_hint = false} : vector<256x16xf32>, vector<16x1xf32>, vector<256x1xf32> -> vector<256x1xf32>
    %slice3A_126 = vector.extract_strided_slice %max3A_101 {offsets = [0, 112], sizes = [256, 16], strides = [1, 1]} : vector<256x128xf32> to vector<256x16xf32>
    %dot_general3A_127 = arith.constant dense<0.000000e+00> : vector<256x1xf32>
    %dot_general3A_128 = tpu.matmul %slice3A_126, %get3A_104, %dot_general3A_127 {dimension_numbers = #tpu.dot_dimension_numbers<[1], [0], [0], [1], [0, 0, 1, 1], [], []>, transpose_lhs_hint = false} : vector<256x16xf32>, vector<16x1xf32>, vector<256x1xf32> -> vector<256x1xf32>
    %concatenate3A_129 = tpu.concatenate %dot_general3A_107, %dot_general3A_110, %dot_general3A_113, %dot_general3A_116, %dot_general3A_119, %dot_general3A_122, %dot_general3A_125, %dot_general3A_128 in 1 : vector<256x1xf32>, vector<256x1xf32>, vector<256x1xf32>, vector<256x1xf32>, vector<256x1xf32>, vector<256x1xf32>, vector<256x1xf32>, vector<256x1xf32> -> vector<256x8xf32>
    %get3A_130 = arith.constant 0 : index
    %get3A_131 = arith.constant 0 : index
    %get3A_132 = vector.load %arg8[%get3A_130, %get3A_131] : memref<1x8xf32, #tpu.memory_space<vmem>>, vector<1x8xf32>
    %add3A_133 = vector.broadcast %get3A_132 : vector<1x8xf32> to vector<256x8xf32>
    %add3A_134 = arith.addf %concatenate3A_129, %add3A_133 : vector<256x8xf32>
    %neg3A = arith.constant 0.000000e+00 : f32
    %neg3A_135 = vector.broadcast %neg3A : f32 to vector<256x8xf32>
    %neg3A_136 = arith.subf %neg3A_135, %add3A_134 : vector<256x8xf32>
    %exp3A = math.exp %neg3A_136 : vector<256x8xf32>
    %add3A_137 = arith.constant 1.000000e+00 : f32
    %add3A_138 = vector.broadcast %add3A_137 : f32 to vector<256x8xf32>
    %add3A_139 = arith.addf %add3A_138, %exp3A : vector<256x8xf32>
    %div3A = arith.constant 1.000000e+00 : f32
    %div3A_140 = vector.broadcast %div3A : f32 to vector<256x8xf32>
    %div3A_141 = arith.divf %div3A_140, %add3A_139 : vector<256x8xf32>
    %swap3A = arith.constant 0 : index
    %swap3A_142 = arith.constant 0 : index
    %swap3A_143 = vector.load %arg9[%swap3A, %swap3A_142] : memref<256x8xf32, #tpu.memory_space<vmem>>, vector<256x8xf32>
    tpu.vector_store %arg9[%swap3A, %swap3A_142], %div3A_141 {strides = array<i32>} : memref<256x8xf32, #tpu.memory_space<vmem>>, vector<256x8xf32>,
    return
  }
}

</mosaic_0001>

<sc_bundles>
// kernel: kernel.11.cloned.1.call-start
scs
__scs_entry_jumppad:
0x0: {  	(pc) =	sbr.rel $0x88, $3  }
0x1: {  	(tag) =	ssettag $0x0;
	lr =	simm.s32 $0x1  }
0x2: {  	[smem:$0x3F92] =	sst lr;
	_ =	strace $0xD0000000  }
0x3: {  	_ = 	snop  }
0x4: {  	_ = 	snop  }
0x5: {  	_ = 	snop  }
0x6: {  	_ = 	snop  }
0x7: {  	_ = 	snop  }
__scs_overlays_trampoline_lowered:
0x8: {  	[smem:$0x3FA1] =	sst s0  }
0x9: {  	[smem:$0x3FA2] =	sst s1  }
0xa: {  	[smem:$0x3FA3] =	sst s2  }
0xb: {  	[smem:$0x3FA4] =	sst s3  }
0xc: {  	[smem:$0x3FA5] =	sst s4  }
0xd: {  	[smem:$0x3FA6] =	sst s5  }
0xe: {  	[smem:$0x3FA7] =	sst s6  }
0xf: {  	[smem:$0x3FA8] =	sst s7  }
0x10: {  	[smem:$0x3FA9] =	sst s8  }
0x11: {  	[smem:$0x3FAA] =	sst s9;
	s0 =	simm.s32 @!p0 $0x0  }
0x12: {  	s1 =	sld [smem:$0x3F90];
	s0 =	simm.s32 @p0 $0x1  }
0x13: {  	[smem:$0x3FAB] =	sst s0;
	s0 =	simm.s32 @!p1 $0x0  }
0x14: {  	s2 =	sld [smem:$0x3F8F];
	s0 =	simm.s32 @p1 $0x1  }
0x15: {  	[smem:$0x3FAC] =	sst s0;
	s0 =	simm.s32 @!p2 $0x0  }
0x16: {  	s3 =	sld [smem:$0x3FDB];
	s0 =	simm.s32 @p2 $0x1  }
0x17: {  	s4 =	simm.s32 $0x1BF5;
	[smem:$0x3FAE] =	sst s0  }
0x18: {  	s0 =	sld [smem:$0x3F91];
	_ =	swait.ge [sflag:s4], $0x0  }
0x19: {  	s7 =	sld [smem:$0x3F92]  }
0x1a: {  	s8 =	sadd.s32 $0xFFFFE003, lr  }
0x1b: {  	s9 =	sadd.s32 $0xFFFFFEF7, lr;
	s5 =	simm.s32 $0xFFFFFFFF;
	p2 =	slt.u32 s8, $0xFFFFF086  }
0x1c: {  	p1 =	slt.u32 s9, $0xF7A;
	s5 =	simm.s32 @!p2 $0x0  }
0x1d: {  	s5 =	simm.s32 @p1 $0x1;
	p0 =	seq.s32 s7, s2  }
0x1e: {  	s7 =	smul.u32 @!p0 $0xF7A, s2;
	p2 =	seq.s32 @!p0 s5, $0x0  }
0x1f: {  	s9 =	smul.u32 $0xF7A, s1;
	s8 =	simm.s32 @!p0 $0x1BF5;
	p2 =	por !p2, p0  }
0x20: {  	[sflag:s8] =	ssyncset.s32 @!p0 $0xFFFFF086;
	s6 =	sadd.s32 @!p0 s3, s7;
	s7 =	simm.s32 @!p0 $0x108  }
0x21: {  	s3 =	sadd.s32 s3, s9;
	s6 =	sadd.s32 @!p0 $0x88, s6;
	s7 =	simm.s32 @p2 $0x1082  }
0x22: {  	[simem:s7], [sflag:s8] =	dma.local @!p0 [hbm:s6], $0xF7A  }
0x23: {  	s9 =	sor.u32 $0xD0000000, s2;
	s6 =	simm.s32 $0x108;
	_ =	swait.ge @!p0 [sflag:s8], $0x0  }
0x24: {  	s3 =	sadd.s32 $0x88, s3;
	s6 =	simm.s32 @!p1 $0x1082;
	[sflag:s4] =	ssyncset.s32 $0xFFFFF086  }
0x25: {  	[simem:s6], [sflag:s4] =	dma.local [hbm:s3], $0xF7A  }
0x26: {  	[smem:$0x3F92] =	sst s1;
	(tag) =	ssettag s2;
	_ =	strace s9  }
0x27: {  	s1 =	sld [smem:$0x3FA2]  }
0x28: {  	s2 =	sld [smem:$0x3FA3]  }
0x29: {  	s4 =	sld [smem:$0x3FA5]  }
0x2a: {  	p0 =	seq.s32 s5, $0x0;
	s5 =	sld [smem:$0x3FA6]  }
0x2b: {  	s6 =	sld [smem:$0x3FA7]  }
0x2c: {  	s7 =	sld [smem:$0x3FA8]  }
0x2d: {  	s3 =	simm.s32 $0x108;
	s8 =	sld [smem:$0x3FA9]  }
0x2e: {  	s3 =	simm.s32 @!p0 $0x1082;
	s9 =	sld [smem:$0x3FAA]  }
0x2f: {  	lr =	sadd.s32 s0, s3;
	s0 =	sld [smem:$0x3FA1]  }
0x30: {  	s3 =	sld [smem:$0x3FA4]  }
0x31: {  	[smem:$0x3FAD] =	sst s10  }
0x32: {  	s10 =	sld [smem:$0x3FAB];
	_ =	sdelay $0x3  }
0x33: {  	p0 =	seq.s32 s10, $0x1;
	s10 =	sld [smem:$0x3FAD];
	_ =	sdelay $0x3  }
0x34: {  	[smem:$0x3FAD] =	sst s10  }
0x35: {  	s10 =	sld [smem:$0x3FAC];
	_ =	sdelay $0x3  }
0x36: {  	p1 =	seq.s32 s10, $0x1;
	s10 =	sld [smem:$0x3FAD];
	_ =	sdelay $0x3  }
0x37: {  	[smem:$0x3FAD] =	sst s10  }
0x38: {  	s10 =	sld [smem:$0x3FAE]  }
0x39: {  	_ = 	snop;
	(pc) =	sbr.ind lr, $3  }
0x3a: {  	_ = 	snop  }
0x3b: {  	_ = 	snop  }
0x3c: {  	p2 =	seq.s32 s10, $0x1;
	s10 =	sld [smem:$0x3FAD]  }
0x3d: {  	_ =	shalt  }
0x3e: {  	_ =	shalt  }
0x3f: {  	_ =	shalt  }
0x40: {  	_ =	shalt  }
0x41: {  	_ =	shalt  }
0x42: {  	_ =	shalt  }
0x43: {  	_ =	shalt  }
0x44: {  	_ =	shalt  }
0x45: {  	_ =	shalt  }
0x46: {  	_ =	shalt  }
0x47: {  	_ =	shalt  }
0x48: {  	_ =	shalt  }
0x49: {  	_ =	shalt  }
0x4a: {  	_ =	shalt  }
0x4b: {  	_ =	shalt  }
0x4c: {  	_ =	shalt  }
0x4d: {  	_ =	shalt  }
0x4e: {  	_ =	shalt  }
0x4f: {  	_ =	shalt  }
0x50: {  	_ =	shalt  }
0x51: {  	_ =	shalt  }
0x52: {  	_ =	shalt  }
0x53: {  	_ =	shalt  }
0x54: {  	_ =	shalt  }
0x55: {  	_ =	shalt  }
0x56: {  	_ =	shalt  }
0x57: {  	_ =	shalt  }
0x58: {  	_ =	shalt  }
0x59: {  	_ =	shalt  }
0x5a: {  	_ =	shalt  }
0x5b: {  	_ =	shalt  }
0x5c: {  	_ =	shalt  }
0x5d: {  	_ =	shalt  }
0x5e: {  	_ =	shalt  }
0x5f: {  	_ =	shalt  }
0x60: {  	_ =	shalt  }
0x61: {  	_ =	shalt  }
0x62: {  	_ =	shalt  }
0x63: {  	_ =	shalt  }
0x64: {  	_ =	shalt  }
0x65: {  	_ =	shalt  }
0x66: {  	_ =	shalt  }
0x67: {  	_ =	shalt  }
0x68: {  	_ =	shalt  }
0x69: {  	_ =	shalt  }
0x6a: {  	_ =	shalt  }
0x6b: {  	_ =	shalt  }
0x6c: {  	_ =	shalt  }
0x6d: {  	_ =	shalt  }
0x6e: {  	_ =	shalt  }
0x6f: {  	_ =	shalt  }
0x70: {  	_ =	shalt  }
0x71: {  	_ =	shalt  }
0x72: {  	_ =	shalt  }
0x73: {  	_ =	shalt  }
0x74: {  	_ =	shalt  }
0x75: {  	_ =	shalt  }
0x76: {  	_ =	shalt  }
0x77: {  	_ =	shalt  }
0x78: {  	_ =	shalt  }
0x79: {  	_ =	shalt  }
0x7a: {  	_ =	shalt  }
0x7b: {  	_ =	shalt  }
0x7c: {  	_ =	shalt  }
0x7d: {  	_ =	shalt  }
0x7e: {  	_ =	shalt  }
0x7f: {  	_ =	shalt  }
0x80: {  	_ =	shalt  }
0x81: {  	_ =	shalt  }
0x82: {  	_ =	shalt  }
0x83: {  	_ =	shalt  }
0x84: {  	_ =	shalt  }
0x85: {  	_ =	shalt  }
0x86: {  	_ =	shalt  }
0x87: {  	_ =	shalt  }
.Lfunc_end0:
.L_simem_size_0:
called_computation_lowered:
.L_overlay_start_0:
0x88: {  	s2 =	sld [smem:$0x3FD9]  }
0x89: {  	s3 =	sld [smem:$0x3FFE];
	_ =	sdelay $0x1  }
0x8a: {  	s1 =	srdreg.scid  }
0x8b: {  	s0 =	sand.u32 $0x1, s1  }
0x8c: {  	s16 =	sshll.u32 s0, $0xA;
	s2 =	sadd.s32 s3, s2  }
0x8d: {  	s2 =	sadd.s32 s2, s16  }
0x8e: {  	[smem:$0x3FB9] =	sst s2  }
0x8f: {  	_ = 	snop  }
0x90: {  	(tm) =	ssettm $0x1  }
0x91: {  	s17 =	sld [smem:$0x3FFB];
	_ =	sdelay $0x3  }
0x92: {  	_ =	strace s17  }
0x93: {  	s2 =	sld [smem:$0x3FFC];
	_ =	sdelay $0x3  }
0x94: {  	_ =	strace s2  }
0x95: {  	s2 =	sld [smem:$0x3FFD];
	_ =	sdelay $0x3  }
0x96: {  	_ =	strace s2  }
0x97: {  	_ =	strace $0x8FFFFFFF  }
0x98: {  	s18 =	sld [smem:$0x3FDB];
	_ =	sdelay $0x1  }
0x99: {  	s19 =	simm.s32 $_scs_section_size  }
0x9a: {  	s4 =	simm.s32 $_size__tile_overlayer_lowered;
	s5 =	simm.s32 $_tile_overlayer_lowered  }
0x9b: {  	s22 =	simm.s32 $0x1BFF;
	s21 =	sshll.u32 s5, $0x1;
	s2 =	sadd.s32 s19, s18  }
0x9c: {  	s6 =	simm.s32 $0x0;
	s20 =	sshll.u32 s4, $0x1;
	s4 =	sadd.s32 s21, s2  }
0x9d: {  	[timem:s6], [sflag:s22] =	dma.local [hbm:s4], s20  }
0x9e: {  	_ =	swait.ge [sflag:s22], s20  }
0x9f: {  	s3 =	ssub.s32 $0x0, s20;
	[sflag:s22] =	ssyncset.done $0x0  }
0xa0: {  	[sflag:s22] =	ssyncadd.s32 s3;
	_ =	sdelay $0x1  }
0xa1: {  	s23 =	simm.s32 $0x1B8B  }
0xa2: {  	_ =	swait.ge [sflag:s23], $0x1  }
0xa3: {  	[sflag:s23] =	ssyncset.done $0x0  }
0xa4: {  	s25 =	simm.s32 $0x1B8E;
	s24 =	sld [smem:$0x3FFE];
	[sflag:s23] =	ssyncadd.s32 $0xFFFFFFFF  }
0xa5: {  	s26 =	simm.s32 $execute0_lowered;
	[smem:$0x3FD2] =	sst s25  }
0xa6: {  	s4 =	sshll.u32 s26, $0x1;
	_ =	strace $0x80000046;
	[dreg:$0x1] =	wrdreg $0xFFFFFFFF  }
0xa7: {  	s28 =	simm.s32 $_size_execute0_lowered;
	s2 =	sadd.s32 s2, s4;
	[dreg:$0x0] =	wrdreg $0x0  }
0xa8: {  	s4 =	sshll.u32 s28, $0x1;
	[dreg:$0x2] =	wrdreg s2  }
0xa9: {  	[dreg:$0x3] =	wrdreg s4  }
0xaa: {  	[dreg:$0x4] =	wrdreg $0xC0  }
0xab: {  	_ =	task [dreg:s6], $0x5FFFF  }
0xac: {  	[dreg:$0x1] =	wrdreg $0xFFFFFFFF  }
0xad: {  	[dreg:$0x0] =	wrdreg $0x60  }
0xae: {  	[dreg:$0x2] =	wrdreg s24  }
0xaf: {  	[dreg:$0x3] =	wrdreg $0xF8000  }
0xb0: {  	[dreg:$0x4] =	wrdreg $0xD0000  }
0xb1: {  	[dreg:$0x5] =	wrdreg $0x9  }
0xb2: {  	_ =	task.clear_ibuf [dreg:s6], $0x6FFFF;
	_ =	strace $0x90000046  }
0xb3: {  	s29 =	simm.s32 $0x9;
	_ =	strace $0x80000048  }
0xb4: {  	_ =	swait.ge [sflag:s29], $0x1  }
0xb5: {  	[sflag:s29] =	ssyncadd.s32 $0xFFFFFFFF  }
0xb6: {  	_ =	strace $0x90000048  }
0xb7: {  	_ =	sfence  }
0xb8: {  	s30 =	sld [smem:$0x0];
	_ =	sdelay $0x2  }
0xb9: {  	s31 =	sshll.u32 s1, $0xD;
	s1 =	sshrl.u32 s1, $0x2  }
0xba: {  	s3 =	sand.u32 $0x4000, s31;
	s1 =	sadd.s32 s1, s30  }
0xbb: {  	s0 =	sor.u32 s3, s0;
	s1 =	sshll.u32 s1, $0x11  }
0xbc: {  	s0 =	sor.u32 s1, s0  }
0xbd: {  	s0 =	sadd.s32 $0x8F2B, s0  }
0xbe: {  	[sflag:s0] =	ssyncadd.remote.s32 $0x1  }
0xbf: {  	_ =	sfence.sel $0xFFFF  }
0xc0: {  	[dreg:$0x0] =	wrdreg $0xFFFFFFFF;
	(pc) =	sbr.abs _section_cstart, $3  }
0xc1: {  	[dreg:$0x1] =	wrdreg $0xFFFFFFFF  }
0xc2: {  	_ =	task.clear_ibuf [dreg:s6], $0x2FFFF;
	_ =	strace $0x9FFFFFFF  }
0xc3: {  	(tm) =	ssettm $0x7FFFFFFF  }
tec
execute0_lowered:
.L_overlay_start_1:
0x0: {  	(tag) =	ssettag $0x1  }
0x1: {  	s1 =	srdreg.scid;
	s5 =	rddreg [dreg:$0x0]  }
0x2: {  	s0 =	stileid.u32;
	s2 =	rddreg [dreg:$0x1]  }
0x3: {  	s1 =	sand.u32 $0x1, s1;
	s3 =	sshll.u32 s0, $0x1;
	s8 =	smul.u32 $0x2800, s0  }
0x4: {  	s4 =	sor.u32 s1, s3;
	s3 =	rddreg [dreg:$0x2]  }
0x5: {  	s6 =	smul.u32 $0x500, s4;
	s4 =	simm.s32 $0x0;
	s13 =	sadd.s32 s8, s2  }
0x6: {  	[smem:$0x7FF] =	sst s4;
	s14 =	sshrl.u32 s13, $0x3  }
0x7: {  	s15 =	simm.s32 $0x400;
	_ =	strace $0x80000047;
	[dreg:$0x9] =	wrdreg s14  }
0x8: {  	s16 =	simm.s32 $0x600;
	[dreg:$0xa] =	wrdreg s15  }
0x9: {  	s17 =	simm.s32 $0x800;
	[dreg:$0xb] =	wrdreg s16  }
0xa: {  	s18 =	simm.s32 $0x2A00;
	[dreg:$0xc] =	wrdreg s17  }
0xb: {  	s19 =	simm.s32 $0xA00;
	[dreg:$0xd] =	wrdreg s18  }
0xc: {  	s20 =	simm.s32 $0x2C00;
	[dreg:$0xe] =	wrdreg s19  }
0xd: {  	s21 =	simm.s32 $0xC00;
	[dreg:$0xf] =	wrdreg s20  }
0xe: {  	s22 =	simm.s32 $0x2E00;
	[dreg:$0x10] =	wrdreg s21  }
0xf: {  	s23 =	simm.s32 $0xE00;
	[dreg:$0x11] =	wrdreg s22  }
0x10: {  	s24 =	simm.s32 $0x3000;
	[dreg:$0x12] =	wrdreg s23  }
0x11: {  	s25 =	simm.s32 $0x1000;
	[dreg:$0x13] =	wrdreg s24  }
0x12: {  	s26 =	simm.s32 $0x3200;
	s7 =	sshrl.u32 s8, $0x3;
	[dreg:$0x14] =	wrdreg s25  }
0x13: {  	s7 =	sadd.s32 s7, s5;
	s13 =	simm.s32 $0x1800;
	[dreg:$0x15] =	wrdreg s26  }
0x14: {  	s11 =	sadd.s32 $0x17800, s7;
	[dreg:$0x1c] =	wrdreg s13  }
0x15: {  	s12 =	sadd.s32 $0x1C800, s7;
	[dreg:$0x6] =	wrdreg s11  }
0x16: {  	s7 =	simm.s32 $0x3400;
	[dreg:$0x7] =	wrdreg s12  }
0x17: {  	s14 =	simm.s32 $0x3A00;
	[dreg:$0x17] =	wrdreg s7  }
0x18: {  	s15 =	simm.s32 $0x1A00;
	[dreg:$0x1d] =	wrdreg s14  }
0x19: {  	s16 =	simm.s32 $0x3C00;
	[dreg:$0x1e] =	wrdreg s15  }
0x1a: {  	s9 =	smul.u32 $0x28000, s1;
	s17 =	simm.s32 $0x1C00;
	[dreg:$0x1f] =	wrdreg s16  }
0x1b: {  	s6 =	sadd.s32 s6, s5;
	s19 =	simm.s32 $0x3E00;
	[smem:$0x7FC] =	sst s17  }
0x1c: {  	s9 =	sadd.s32 s8, s9;
	s10 =	sadd.s32 $0x3800, s6;
	[smem:$0x7FD] =	sst s19  }
0x1d: {  	s9 =	sshrl.u32 s9, $0x3;
	s6 =	sadd.s32 $0xD800, s6;
	[dreg:$0x4] =	wrdreg s10  }
0x1e: {  	s5 =	sadd.s32 s9, s5;
	s9 =	simm.s32 $0x1400;
	[dreg:$0x5] =	wrdreg s6  }
0x1f: {  	s11 =	simm.s32 $0x1600;
	[dreg:$0x18] =	wrdreg s9  }
0x20: {  	s12 =	simm.s32 $0x3800;
	[dreg:$0x1a] =	wrdreg s11  }
0x21: {  	s5 =	sadd.s32 $0x21800, s5;
	[dreg:$0x1b] =	wrdreg s12  }
0x22: {  	s6 =	simm.s32 $0x1200;
	[dreg:$0x8] =	wrdreg s5  }
0x23: {  	s10 =	simm.s32 $0x3600;
	[dreg:$0x16] =	wrdreg s6  }
0x24: {  	[dreg:$0x19] =	wrdreg s10  }
0x25: {  	s18 =	rddreg [dreg:$0x4];
	s5 =	simm.s32 $0x5  }
0x26: {  	[tilespmem:s4], [sflag:$0x5] =	stream.linear.gather [hbm4b:s18+s4], $0x2800, $0x38;
	[tilespmem:$0x12000] =	vst v63  }
0x27: {  	_ =	swait.ge [sflag:s5], $0x2800  }
0x28: {  	[sflag:s5] =	ssyncset.done $0x0  }
0x29: {  	s6 =	simm.s32 $0x2800;
	s20 =	rddreg [dreg:$0x5];
	[sflag:s5] =	ssyncadd.s32 $0xFFFFD800  }
0x2a: {  	[tilespmem:s6], [sflag:$0x5] =	stream.linear.gather [hbm4b:s20+s4], $0x2800, $0x38;
	[tilespmem:$0x12000] =	vst v63  }
0x2b: {  	_ =	swait.ge [sflag:s5], $0x2800  }
0x2c: {  	s23 =	sshll.u32 s0, $0x6;
	s21 =	rddreg [dreg:$0x6];
	[sflag:s5] =	ssyncset.done $0x0  }
0x2d: {  	s7 =	sor.u32 $0x1C05, s23;
	s22 =	rddreg [dreg:$0x9];
	[sflag:s5] =	ssyncadd.s32 $0xFFFFD800  }
0x2e: {  	[spmem:s22], [sflag:s7] =	dma.local [hbm:s21], $0x500  }
0x2f: {  	_ =	swait.ge [sflag:s5], $0x500  }
0x30: {  	s8 =	sadd.s32 s8, s3;
	[sflag:s5] =	ssyncset.done $0x0  }
0x31: {  	s8 =	sshrl.u32 s8, $0x3;
	s24 =	rddreg [dreg:$0x7];
	[sflag:s5] =	ssyncadd.s32 $0xFFFFFB00  }
0x32: {  	[spmem:s8], [sflag:s7] =	dma.local [hbm:s24], $0x500  }
0x33: {  	_ =	swait.ge [sflag:s5], $0x500  }
0x34: {  	[sflag:s5] =	ssyncset.done $0x0  }
0x35: {  	[sflag:s5] =	ssyncadd.s32 $0xFFFFFB00  }
0x36: {  	s9 =	simm.s32 $0x200;
	s10 =	simm.s32 $0x5000;
	[bflag:$0x0] =	sbarrier.arrive $0xFFFF  }
0x37: {  	[tilespmem:s10], [sflag:$0x1] =	stream.indirect.gather [spmem:s2], $0x10, s4, s9, $0xb8;
	[tilespmem:$0x12000] =	vst v63  }
0x38: {  	s11 =	simm.s32 $0x7000  }
0x39: {  	[tilespmem:s11], [sflag:$0x2] =	stream.indirect.gather [spmem:s2], $0x10, s9, s9, $0xb8;
	[tilespmem:$0x12000] =	vst v63  }
0x3a: {  	s12 =	simm.s32 $0x9000;
	s13 =	rddreg [dreg:$0xa]  }
0x3b: {  	[tilespmem:s12], [sflag:$0x3] =	stream.indirect.gather [spmem:s2], $0x10, s13, s9, $0xb8;
	[tilespmem:$0x12000] =	vst v63  }
0x3c: {  	s14 =	simm.s32 $0x1;
	s15 =	rddreg [dreg:$0xb];
	s13 =	simm.s32 $0xB000  }
0x3d: {  	[tilespmem:s13], [sflag:$0x4] =	stream.indirect.gather [spmem:s2], $0x10, s15, s9, $0xb8;
	[tilespmem:$0x12000] =	vst v63  }
0x3e: {  	_ =	swait.ge [sflag:s14], $0x2000  }
0x3f: {  	[sflag:s14] =	ssyncset.done $0x0  }
0x40: {  	[sflag:s14] =	ssyncadd.s32 $0xFFFFE000  }
0x41: {  	[spmem:s3] =	stream.indirect.scatter.add.f32 [tilespmem:s10], [sflag:$0x5], $0x10, s6, s9, $0xb8;
	[tilespmem:$0x12000] =	vst v63  }
0x42: {  	_ =	swait.ge [sflag:s5], $0x2000  }
0x43: {  	[sflag:s5] =	ssyncset.done $0x0  }
0x44: {  	s15 =	simm.s32 $0x2;
	s16 =	rddreg [dreg:$0xc];
	[sflag:s5] =	ssyncadd.s32 $0xFFFFE000  }
0x45: {  	[tilespmem:s10], [sflag:$0x1] =	stream.indirect.gather [spmem:s2], $0x10, s16, s9, $0xb8;
	[tilespmem:$0x12000] =	vst v63  }
0x46: {  	_ =	swait.ge [sflag:s15], $0x2000  }
0x47: {  	[sflag:s15] =	ssyncset.done $0x0  }
0x48: {  	s25 =	rddreg [dreg:$0xd];
	[sflag:s15] =	ssyncadd.s32 $0xFFFFE000  }
0x49: {  	[spmem:s3] =	stream.indirect.scatter.add.f32 [tilespmem:s11], [sflag:$0x5], $0x10, s25, s9, $0xb8;
	[tilespmem:$0x12000] =	vst v63  }
0x4a: {  	_ =	swait.ge [sflag:s5], $0x2000  }
0x4b: {  	[sflag:s5] =	ssyncset.done $0x0  }
0x4c: {  	s16 =	simm.s32 $0x3;
	s17 =	rddreg [dreg:$0xe];
	[sflag:s5] =	ssyncadd.s32 $0xFFFFE000  }
0x4d: {  	[tilespmem:s11], [sflag:$0x2] =	stream.indirect.gather [spmem:s2], $0x10, s17, s9, $0xb8;
	[tilespmem:$0x12000] =	vst v63  }
0x4e: {  	_ =	swait.ge [sflag:s16], $0x2000  }
0x4f: {  	[sflag:s16] =	ssyncset.done $0x0  }
0x50: {  	s26 =	rddreg [dreg:$0xf];
	[sflag:s16] =	ssyncadd.s32 $0xFFFFE000  }
0x51: {  	[spmem:s3] =	stream.indirect.scatter.add.f32 [tilespmem:s12], [sflag:$0x5], $0x10, s26, s9, $0xb8;
	[tilespmem:$0x12000] =	vst v63  }
0x52: {  	_ =	swait.ge [sflag:s5], $0x2000  }
0x53: {  	[sflag:s5] =	ssyncset.done $0x0  }
0x54: {  	s17 =	simm.s32 $0x4;
	s18 =	rddreg [dreg:$0x10];
	[sflag:s5] =	ssyncadd.s32 $0xFFFFE000  }
0x55: {  	[tilespmem:s12], [sflag:$0x3] =	stream.indirect.gather [spmem:s2], $0x10, s18, s9, $0xb8;
	[tilespmem:$0x12000] =	vst v63  }
0x56: {  	_ =	swait.ge [sflag:s17], $0x2000  }
0x57: {  	[sflag:s17] =	ssyncset.done $0x0  }
0x58: {  	s0 =	rddreg [dreg:$0x11];
	[sflag:s17] =	ssyncadd.s32 $0xFFFFE000  }
0x59: {  	[spmem:s3] =	stream.indirect.scatter.add.f32 [tilespmem:s13], [sflag:$0x5], $0x10, s0, s9, $0xb8;
	[tilespmem:$0x12000] =	vst v63  }
0x5a: {  	_ =	swait.ge [sflag:s5], $0x2000  }
0x5b: {  	[sflag:s5] =	ssyncset.done $0x0  }
0x5c: {  	s19 =	rddreg [dreg:$0x12];
	[sflag:s5] =	ssyncadd.s32 $0xFFFFE000  }
0x5d: {  	[tilespmem:s13], [sflag:$0x4] =	stream.indirect.gather [spmem:s2], $0x10, s19, s9, $0xb8;
	[tilespmem:$0x12000] =	vst v63  }
0x5e: {  	_ =	swait.ge [sflag:s14], $0x2000  }
0x5f: {  	[sflag:s14] =	ssyncset.done $0x0  }
0x60: {  	s20 =	rddreg [dreg:$0x13];
	[sflag:s14] =	ssyncadd.s32 $0xFFFFE000  }
0x61: {  	[spmem:s3] =	stream.indirect.scatter.add.f32 [tilespmem:s10], [sflag:$0x5], $0x10, s20, s9, $0xb8;
	[tilespmem:$0x12000] =	vst v63  }
0x62: {  	_ =	swait.ge [sflag:s5], $0x2000  }
0x63: {  	[sflag:s5] =	ssyncset.done $0x0  }
0x64: {  	s21 =	rddreg [dreg:$0x14];
	[sflag:s5] =	ssyncadd.s32 $0xFFFFE000  }
0x65: {  	[tilespmem:s10], [sflag:$0x1] =	stream.indirect.gather [spmem:s2], $0x10, s21, s9, $0xb8;
	[tilespmem:$0x12000] =	vst v63  }
0x66: {  	_ =	swait.ge [sflag:s15], $0x2000  }
0x67: {  	[sflag:s15] =	ssyncset.done $0x0  }
0x68: {  	s22 =	rddreg [dreg:$0x15];
	[sflag:s15] =	ssyncadd.s32 $0xFFFFE000  }
0x69: {  	[spmem:s3] =	stream.indirect.scatter.add.f32 [tilespmem:s11], [sflag:$0x5], $0x10, s22, s9, $0xb8;
	[tilespmem:$0x12000] =	vst v63  }
0x6a: {  	_ =	swait.ge [sflag:s5], $0x2000  }
0x6b: {  	[sflag:s5] =	ssyncset.done $0x0  }
0x6c: {  	s23 =	rddreg [dreg:$0x16];
	[sflag:s5] =	ssyncadd.s32 $0xFFFFE000  }
0x6d: {  	[tilespmem:s11], [sflag:$0x2] =	stream.indirect.gather [spmem:s2], $0x10, s23, s9, $0xb8;
	[tilespmem:$0x12000] =	vst v63  }
0x6e: {  	_ =	swait.ge [sflag:s16], $0x2000  }
0x6f: {  	[sflag:s16] =	ssyncset.done $0x0  }
0x70: {  	s24 =	rddreg [dreg:$0x17];
	[sflag:s16] =	ssyncadd.s32 $0xFFFFE000  }
0x71: {  	[spmem:s3] =	stream.indirect.scatter.add.f32 [tilespmem:s12], [sflag:$0x5], $0x10, s24, s9, $0xb8;
	[tilespmem:$0x12000] =	vst v63  }
0x72: {  	_ =	swait.ge [sflag:s5], $0x2000  }
0x73: {  	[sflag:s5] =	ssyncset.done $0x0  }
0x74: {  	s25 =	rddreg [dreg:$0x18];
	[sflag:s5] =	ssyncadd.s32 $0xFFFFE000  }
0x75: {  	[tilespmem:s12], [sflag:$0x3] =	stream.indirect.gather [spmem:s2], $0x10, s25, s9, $0xb8;
	[tilespmem:$0x12000] =	vst v63  }
0x76: {  	_ =	swait.ge [sflag:s17], $0x2000  }
0x77: {  	[sflag:s17] =	ssyncset.done $0x0  }
0x78: {  	s26 =	rddreg [dreg:$0x19];
	[sflag:s17] =	ssyncadd.s32 $0xFFFFE000  }
0x79: {  	[spmem:s3] =	stream.indirect.scatter.add.f32 [tilespmem:s13], [sflag:$0x5], $0x10, s26, s9, $0xb8;
	[tilespmem:$0x12000] =	vst v63  }
0x7a: {  	_ =	swait.ge [sflag:s5], $0x2000  }
0x7b: {  	[sflag:s5] =	ssyncset.done $0x0  }
0x7c: {  	s0 =	rddreg [dreg:$0x1a];
	[sflag:s5] =	ssyncadd.s32 $0xFFFFE000  }
0x7d: {  	[tilespmem:s13], [sflag:$0x4] =	stream.indirect.gather [spmem:s2], $0x10, s0, s9, $0xb8;
	[tilespmem:$0x12000] =	vst v63  }
0x7e: {  	_ =	swait.ge [sflag:s14], $0x2000  }
0x7f: {  	[sflag:s14] =	ssyncset.done $0x0  }
0x80: {  	s19 =	rddreg [dreg:$0x1b];
	[sflag:s14] =	ssyncadd.s32 $0xFFFFE000  }
0x81: {  	[spmem:s3] =	stream.indirect.scatter.add.f32 [tilespmem:s10], [sflag:$0x5], $0x10, s19, s9, $0xb8;
	[tilespmem:$0x12000] =	vst v63  }
0x82: {  	_ =	swait.ge [sflag:s5], $0x2000  }
0x83: {  	[sflag:s5] =	ssyncset.done $0x0  }
0x84: {  	s20 =	rddreg [dreg:$0x1c];
	[sflag:s5] =	ssyncadd.s32 $0xFFFFE000  }
0x85: {  	[tilespmem:s10], [sflag:$0x1] =	stream.indirect.gather [spmem:s2], $0x10, s20, s9, $0xb8;
	[tilespmem:$0x12000] =	vst v63  }
0x86: {  	_ =	swait.ge [sflag:s15], $0x2000  }
0x87: {  	[sflag:s15] =	ssyncset.done $0x0  }
0x88: {  	s21 =	rddreg [dreg:$0x1d];
	[sflag:s15] =	ssyncadd.s32 $0xFFFFE000  }
0x89: {  	[spmem:s3] =	stream.indirect.scatter.add.f32 [tilespmem:s11], [sflag:$0x5], $0x10, s21, s9, $0xb8;
	[tilespmem:$0x12000] =	vst v63  }
0x8a: {  	_ =	swait.ge [sflag:s5], $0x2000  }
0x8b: {  	[sflag:s5] =	ssyncset.done $0x0  }
0x8c: {  	s22 =	rddreg [dreg:$0x1e];
	[sflag:s5] =	ssyncadd.s32 $0xFFFFE000  }
0x8d: {  	[tilespmem:s11], [sflag:$0x2] =	stream.indirect.gather [spmem:s2], $0x10, s22, s9, $0xb8;
	[tilespmem:$0x12000] =	vst v63  }
0x8e: {  	_ =	swait.ge [sflag:s16], $0x2000  }
0x8f: {  	[sflag:s16] =	ssyncset.done $0x0  }
0x90: {  	s23 =	rddreg [dreg:$0x1f];
	[sflag:s16] =	ssyncadd.s32 $0xFFFFE000  }
0x91: {  	[spmem:s3] =	stream.indirect.scatter.add.f32 [tilespmem:s12], [sflag:$0x5], $0x10, s23, s9, $0xb8;
	[tilespmem:$0x12000] =	vst v63  }
0x92: {  	_ =	swait.ge [sflag:s5], $0x2000  }
0x93: {  	s24 =	sld [smem:$0x7FC]  }
0x94: {  	[sflag:s5] =	ssyncset.done $0x0  }
0x95: {  	[sflag:s5] =	ssyncadd.s32 $0xFFFFE000  }
0x96: {  	[tilespmem:s12], [sflag:$0x3] =	stream.indirect.gather [spmem:s2], $0x10, s24, s9, $0xb8;
	[tilespmem:$0x12000] =	vst v63  }
0x97: {  	_ =	swait.ge [sflag:s17], $0x2000  }
0x98: {  	s25 =	sld [smem:$0x7FD]  }
0x99: {  	[sflag:s17] =	ssyncset.done $0x0  }
0x9a: {  	[sflag:s17] =	ssyncadd.s32 $0xFFFFE000  }
0x9b: {  	[spmem:s3] =	stream.indirect.scatter.add.f32 [tilespmem:s13], [sflag:$0x5], $0x10, s25, s9, $0xb8;
	[tilespmem:$0x12000] =	vst v63  }
0x9c: {  	_ =	swait.ge [sflag:s5], $0x2000  }
0x9d: {  	[sflag:s5] =	ssyncset.done $0x0  }
0x9e: {  	s26 =	simm.s32 $0x1E00;
	[sflag:s5] =	ssyncadd.s32 $0xFFFFE000  }
0x9f: {  	[tilespmem:s13], [sflag:$0x4] =	stream.indirect.gather [spmem:s2], $0x10, s26, s9, $0xb8;
	[tilespmem:$0x12000] =	vst v63  }
0xa0: {  	_ =	swait.ge [sflag:s14], $0x2000  }
0xa1: {  	[sflag:s14] =	ssyncset.done $0x0  }
0xa2: {  	s19 =	simm.s32 $0x4000;
	[sflag:s14] =	ssyncadd.s32 $0xFFFFE000  }
0xa3: {  	[spmem:s3] =	stream.indirect.scatter.add.f32 [tilespmem:s10], [sflag:$0x5], $0x10, s19, s9, $0xb8;
	[tilespmem:$0x12000] =	vst v63  }
0xa4: {  	_ =	swait.ge [sflag:s5], $0x2000  }
0xa5: {  	[sflag:s5] =	ssyncset.done $0x0  }
0xa6: {  	s20 =	simm.s32 $0x2000;
	[sflag:s5] =	ssyncadd.s32 $0xFFFFE000  }
0xa7: {  	[tilespmem:s10], [sflag:$0x1] =	stream.indirect.gather [spmem:s2], $0x10, s20, s9, $0xb8;
	[tilespmem:$0x12000] =	vst v63  }
0xa8: {  	_ =	swait.ge [sflag:s15], $0x2000  }
0xa9: {  	[sflag:s15] =	ssyncset.done $0x0  }
0xaa: {  	s21 =	simm.s32 $0x4200;
	[sflag:s15] =	ssyncadd.s32 $0xFFFFE000  }
0xab: {  	[spmem:s3] =	stream.indirect.scatter.add.f32 [tilespmem:s11], [sflag:$0x5], $0x10, s21, s9, $0xb8;
	[tilespmem:$0x12000] =	vst v63  }
0xac: {  	_ =	swait.ge [sflag:s5], $0x2000  }
0xad: {  	[sflag:s5] =	ssyncset.done $0x0  }
0xae: {  	s22 =	simm.s32 $0x2200;
	[sflag:s5] =	ssyncadd.s32 $0xFFFFE000  }
0xaf: {  	[tilespmem:s11], [sflag:$0x2] =	stream.indirect.gather [spmem:s2], $0x10, s22, s9, $0xb8;
	[tilespmem:$0x12000] =	vst v63  }
0xb0: {  	_ =	swait.ge [sflag:s16], $0x2000  }
0xb1: {  	[sflag:s16] =	ssyncset.done $0x0  }
0xb2: {  	s23 =	simm.s32 $0x4400;
	[sflag:s16] =	ssyncadd.s32 $0xFFFFE000  }
0xb3: {  	[spmem:s3] =	stream.indirect.scatter.add.f32 [tilespmem:s12], [sflag:$0x5], $0x10, s23, s9, $0xb8;
	[tilespmem:$0x12000] =	vst v63  }
0xb4: {  	_ =	swait.ge [sflag:s5], $0x2000  }
0xb5: {  	[sflag:s5] =	ssyncset.done $0x0  }
0xb6: {  	s24 =	simm.s32 $0x2400;
	[sflag:s5] =	ssyncadd.s32 $0xFFFFE000  }
0xb7: {  	[tilespmem:s12], [sflag:$0x3] =	stream.indirect.gather [spmem:s2], $0x10, s24, s9, $0xb8;
	[tilespmem:$0x12000] =	vst v63  }
0xb8: {  	_ =	swait.ge [sflag:s17], $0x2000  }
0xb9: {  	[sflag:s17] =	ssyncset.done $0x0  }
0xba: {  	s25 =	simm.s32 $0x4600;
	[sflag:s17] =	ssyncadd.s32 $0xFFFFE000  }
0xbb: {  	[spmem:s3] =	stream.indirect.scatter.add.f32 [tilespmem:s13], [sflag:$0x5], $0x10, s25, s9, $0xb8;
	[tilespmem:$0x12000] =	vst v63  }
0xbc: {  	_ =	swait.ge [sflag:s5], $0x2000  }
0xbd: {  	[sflag:s5] =	ssyncset.done $0x0  }
0xbe: {  	s26 =	simm.s32 $0x2600;
	[sflag:s5] =	ssyncadd.s32 $0xFFFFE000  }
0xbf: {  	[tilespmem:s13], [sflag:$0x4] =	stream.indirect.gather [spmem:s2], $0x10, s26, s9, $0xb8;
	[tilespmem:$0x12000] =	vst v63  }
0xc0: {  	_ =	swait.ge [sflag:s14], $0x2000  }
0xc1: {  	[sflag:s14] =	ssyncset.done $0x0  }
0xc2: {  	s28 =	simm.s32 $0x4800;
	[sflag:s14] =	ssyncadd.s32 $0xFFFFE000  }
0xc3: {  	[spmem:s3] =	stream.indirect.scatter.add.f32 [tilespmem:s10], [sflag:$0x5], $0x10, s28, s9, $0xb8;
	[tilespmem:$0x12000] =	vst v63  }
0xc4: {  	_ =	swait.ge [sflag:s5], $0x2000  }
0xc5: {  	[sflag:s5] =	ssyncset.done $0x0  }
0xc6: {  	[sflag:s5] =	ssyncadd.s32 $0xFFFFE000  }
0xc7: {  	_ =	swait.ge [sflag:s15], $0x2000  }
0xc8: {  	[sflag:s15] =	ssyncset.done $0x0  }
0xc9: {  	s29 =	simm.s32 $0x4A00;
	[sflag:s15] =	ssyncadd.s32 $0xFFFFE000  }
0xca: {  	[spmem:s3] =	stream.indirect.scatter.add.f32 [tilespmem:s11], [sflag:$0x5], $0x10, s29, s9, $0xb8;
	[tilespmem:$0x12000] =	vst v63  }
0xcb: {  	_ =	swait.ge [sflag:s5], $0x2000  }
0xcc: {  	[sflag:s5] =	ssyncset.done $0x0  }
0xcd: {  	[sflag:s5] =	ssyncadd.s32 $0xFFFFE000  }
0xce: {  	_ =	swait.ge [sflag:s16], $0x2000  }
0xcf: {  	[sflag:s16] =	ssyncset.done $0x0  }
0xd0: {  	s30 =	simm.s32 $0x4C00;
	[sflag:s16] =	ssyncadd.s32 $0xFFFFE000  }
0xd1: {  	[spmem:s3] =	stream.indirect.scatter.add.f32 [tilespmem:s12], [sflag:$0x5], $0x10, s30, s9, $0xb8;
	[tilespmem:$0x12000] =	vst v63  }
0xd2: {  	_ =	swait.ge [sflag:s5], $0x2000  }
0xd3: {  	[sflag:s5] =	ssyncset.done $0x0  }
0xd4: {  	s1 =	ssub.s32 $0x2, s1;
	[sflag:s5] =	ssyncadd.s32 $0xFFFFE000  }
0xd5: {  	s0 =	sshrl.u32 s1, $0x1;
	_ =	swait.ge [sflag:s17], $0x2000  }
0xd6: {  	s0 =	ssub.s32 s1, s0;
	[sflag:s17] =	ssyncset.done $0x0  }
0xd7: {  	s31 =	simm.s32 $0x4E00;
	s0 =	smax.u32 s0, $0x1;
	[sflag:s17] =	ssyncadd.s32 $0xFFFFE000  }
0xd8: {  	[spmem:s3] =	stream.indirect.scatter.add.f32 [tilespmem:s13], [sflag:$0x5], $0x10, s31, s9, $0xb8;
	[tilespmem:$0x12000] =	vst v63  }
0xd9: {  	p0 =	sne.s32 s0, $0x1;
	_ =	swait.ge [sflag:s5], $0x2000  }
.Ltmp0:
0xda: {  	[sflag:s5] =	ssyncset.done $0x0;
	(pc) =	sbr.rel @!p0 .LBB2_2-.Ltmp0, $4  }
0xdb: {  	[sflag:s5] =	ssyncadd.s32 $0xFFFFE000  }
0xdc: {  	[bflag:$0x0] =	sbarrier.arrive $0xFFFF  }
0xdd: {  	s1 =	sadd.s32 $0xFFFFFFFF, s0;
	s18 =	rddreg [dreg:$0x8]  }
0xde: {  	[hbm:s18], [sflag:s7] =	dma.local [spmem:s8], $0x500  }
.LBB2_1:
0xdf: {  	_ =	swait.ge [sflag:s5], $0x500  }
0xe0: {  	[sflag:s5] =	ssyncset.done $0x0  }
0xe1: {  	s0 =	rddreg [dreg:$0x4];
	[sflag:s5] =	ssyncadd.s32 $0xFFFFFB00  }
0xe2: {  	[tilespmem:s4], [sflag:$0x5] =	stream.linear.gather [hbm4b:s0+s4], $0x2800, $0x38;
	[tilespmem:$0x12000] =	vst v63  }
0xe3: {  	_ =	swait.ge [sflag:s5], $0x2800  }
0xe4: {  	[sflag:s5] =	ssyncset.done $0x0  }
0xe5: {  	s18 =	rddreg [dreg:$0x5];
	[sflag:s5] =	ssyncadd.s32 $0xFFFFD800  }
0xe6: {  	[tilespmem:s6], [sflag:$0x5] =	stream.linear.gather [hbm4b:s18+s4], $0x2800, $0x38;
	[tilespmem:$0x12000] =	vst v63  }
0xe7: {  	_ =	swait.ge [sflag:s5], $0x2800  }
0xe8: {  	[sflag:s5] =	ssyncset.done $0x0;
	s0 =	rddreg [dreg:$0x6]  }
0xe9: {  	s18 =	rddreg [dreg:$0x9];
	[sflag:s5] =	ssyncadd.s32 $0xFFFFD800  }
0xea: {  	[spmem:s18], [sflag:s7] =	dma.local [hbm:s0], $0x500  }
0xeb: {  	_ =	swait.ge [sflag:s5], $0x500  }
0xec: {  	[sflag:s5] =	ssyncset.done $0x0  }
0xed: {  	s18 =	rddreg [dreg:$0x7];
	[sflag:s5] =	ssyncadd.s32 $0xFFFFFB00  }
0xee: {  	[spmem:s8], [sflag:s7] =	dma.local [hbm:s18], $0x500  }
0xef: {  	_ =	swait.ge [sflag:s5], $0x500  }
0xf0: {  	[sflag:s5] =	ssyncset.done $0x0  }
0xf1: {  	[sflag:s5] =	ssyncadd.s32 $0xFFFFFB00  }
0xf2: {  	[bflag:$0x0] =	sbarrier.arrive $0xFFFF  }
0xf3: {  	[tilespmem:s10], [sflag:$0x1] =	stream.indirect.gather [spmem:s2], $0x10, s4, s9, $0xb8;
	[tilespmem:$0x12000] =	vst v63  }
0xf4: {  	_ = 	snop  }
0xf5: {  	[tilespmem:s11], [sflag:$0x2] =	stream.indirect.gather [spmem:s2], $0x10, s9, s9, $0xb8;
	[tilespmem:$0x12000] =	vst v63  }
0xf6: {  	s0 =	rddreg [dreg:$0xa]  }
0xf7: {  	[tilespmem:s12], [sflag:$0x3] =	stream.indirect.gather [spmem:s2], $0x10, s0, s9, $0xb8;
	[tilespmem:$0x12000] =	vst v63  }
0xf8: {  	s18 =	rddreg [dreg:$0xb]  }
0xf9: {  	[tilespmem:s13], [sflag:$0x4] =	stream.indirect.gather [spmem:s2], $0x10, s18, s9, $0xb8;
	[tilespmem:$0x12000] =	vst v63  }
0xfa: {  	_ =	swait.ge [sflag:s14], $0x2000  }
0xfb: {  	[sflag:s14] =	ssyncset.done $0x0  }
0xfc: {  	[sflag:s14] =	ssyncadd.s32 $0xFFFFE000  }
0xfd: {  	[spmem:s3] =	stream.indirect.scatter.add.f32 [tilespmem:s10], [sflag:$0x5], $0x10, s6, s9, $0xb8;
	[tilespmem:$0x12000] =	vst v63  }
0xfe: {  	_ =	swait.ge [sflag:s5], $0x2000  }
0xff: {  	[sflag:s5] =	ssyncset.done $0x0  }
0x100: {  	s18 =	rddreg [dreg:$0xc];
	[sflag:s5] =	ssyncadd.s32 $0xFFFFE000  }
0x101: {  	[tilespmem:s10], [sflag:$0x1] =	stream.indirect.gather [spmem:s2], $0x10, s18, s9, $0xb8;
	[tilespmem:$0x12000] =	vst v63  }
0x102: {  	_ =	swait.ge [sflag:s15], $0x2000  }
0x103: {  	[sflag:s15] =	ssyncset.done $0x0  }
0x104: {  	s18 =	rddreg [dreg:$0xd];
	[sflag:s15] =	ssyncadd.s32 $0xFFFFE000  }
0x105: {  	[spmem:s3] =	stream.indirect.scatter.add.f32 [tilespmem:s11], [sflag:$0x5], $0x10, s18, s9, $0xb8;
	[tilespmem:$0x12000] =	vst v63  }
0x106: {  	_ =	swait.ge [sflag:s5], $0x2000  }
0x107: {  	[sflag:s5] =	ssyncset.done $0x0  }
0x108: {  	s18 =	rddreg [dreg:$0xe];
	[sflag:s5] =	ssyncadd.s32 $0xFFFFE000  }
0x109: {  	[tilespmem:s11], [sflag:$0x2] =	stream.indirect.gather [spmem:s2], $0x10, s18, s9, $0xb8;
	[tilespmem:$0x12000] =	vst v63  }
0x10a: {  	_ =	swait.ge [sflag:s16], $0x2000  }
0x10b: {  	[sflag:s16] =	ssyncset.done $0x0  }
0x10c: {  	s18 =	rddreg [dreg:$0xf];
	[sflag:s16] =	ssyncadd.s32 $0xFFFFE000  }
0x10d: {  	[spmem:s3] =	stream.indirect.scatter.add.f32 [tilespmem:s12], [sflag:$0x5], $0x10, s18, s9, $0xb8;
	[tilespmem:$0x12000] =	vst v63  }
0x10e: {  	_ =	swait.ge [sflag:s5], $0x2000  }
0x10f: {  	[sflag:s5] =	ssyncset.done $0x0  }
0x110: {  	s18 =	rddreg [dreg:$0x10];
	[sflag:s5] =	ssyncadd.s32 $0xFFFFE000  }
0x111: {  	[tilespmem:s12], [sflag:$0x3] =	stream.indirect.gather [spmem:s2], $0x10, s18, s9, $0xb8;
	[tilespmem:$0x12000] =	vst v63  }
0x112: {  	_ =	swait.ge [sflag:s17], $0x2000  }
0x113: {  	[sflag:s17] =	ssyncset.done $0x0  }
0x114: {  	s18 =	rddreg [dreg:$0x11];
	[sflag:s17] =	ssyncadd.s32 $0xFFFFE000  }
0x115: {  	[spmem:s3] =	stream.indirect.scatter.add.f32 [tilespmem:s13], [sflag:$0x5], $0x10, s18, s9, $0xb8;
	[tilespmem:$0x12000] =	vst v63  }
0x116: {  	_ =	swait.ge [sflag:s5], $0x2000  }
0x117: {  	[sflag:s5] =	ssyncset.done $0x0  }
0x118: {  	s18 =	rddreg [dreg:$0x12];
	[sflag:s5] =	ssyncadd.s32 $0xFFFFE000  }
0x119: {  	[tilespmem:s13], [sflag:$0x4] =	stream.indirect.gather [spmem:s2], $0x10, s18, s9, $0xb8;
	[tilespmem:$0x12000] =	vst v63  }
0x11a: {  	_ =	swait.ge [sflag:s14], $0x2000  }
0x11b: {  	[sflag:s14] =	ssyncset.done $0x0  }
0x11c: {  	s18 =	rddreg [dreg:$0x13];
	[sflag:s14] =	ssyncadd.s32 $0xFFFFE000  }
0x11d: {  	[spmem:s3] =	stream.indirect.scatter.add.f32 [tilespmem:s10], [sflag:$0x5], $0x10, s18, s9, $0xb8;
	[tilespmem:$0x12000] =	vst v63  }
0x11e: {  	_ =	swait.ge [sflag:s5], $0x2000  }
0x11f: {  	[sflag:s5] =	ssyncset.done $0x0  }
0x120: {  	s18 =	rddreg [dreg:$0x14];
	[sflag:s5] =	ssyncadd.s32 $0xFFFFE000  }
0x121: {  	[tilespmem:s10], [sflag:$0x1] =	stream.indirect.gather [spmem:s2], $0x10, s18, s9, $0xb8;
	[tilespmem:$0x12000] =	vst v63  }
0x122: {  	_ =	swait.ge [sflag:s15], $0x2000  }
0x123: {  	[sflag:s15] =	ssyncset.done $0x0  }
0x124: {  	s18 =	rddreg [dreg:$0x15];
	[sflag:s15] =	ssyncadd.s32 $0xFFFFE000  }
0x125: {  	[spmem:s3] =	stream.indirect.scatter.add.f32 [tilespmem:s11], [sflag:$0x5], $0x10, s18, s9, $0xb8;
	[tilespmem:$0x12000] =	vst v63  }
0x126: {  	_ =	swait.ge [sflag:s5], $0x2000  }
0x127: {  	[sflag:s5] =	ssyncset.done $0x0  }
0x128: {  	s18 =	rddreg [dreg:$0x16];
	[sflag:s5] =	ssyncadd.s32 $0xFFFFE000  }
0x129: {  	[tilespmem:s11], [sflag:$0x2] =	stream.indirect.gather [spmem:s2], $0x10, s18, s9, $0xb8;
	[tilespmem:$0x12000] =	vst v63  }
0x12a: {  	_ =	swait.ge [sflag:s16], $0x2000  }
0x12b: {  	[sflag:s16] =	ssyncset.done $0x0  }
0x12c: {  	s18 =	rddreg [dreg:$0x17];
	[sflag:s16] =	ssyncadd.s32 $0xFFFFE000  }
0x12d: {  	[spmem:s3] =	stream.indirect.scatter.add.f32 [tilespmem:s12], [sflag:$0x5], $0x10, s18, s9, $0xb8;
	[tilespmem:$0x12000] =	vst v63  }
0x12e: {  	_ =	swait.ge [sflag:s5], $0x2000  }
0x12f: {  	[sflag:s5] =	ssyncset.done $0x0  }
0x130: {  	s18 =	rddreg [dreg:$0x18];
	[sflag:s5] =	ssyncadd.s32 $0xFFFFE000  }
0x131: {  	[tilespmem:s12], [sflag:$0x3] =	stream.indirect.gather [spmem:s2], $0x10, s18, s9, $0xb8;
	[tilespmem:$0x12000] =	vst v63  }
0x132: {  	_ =	swait.ge [sflag:s17], $0x2000  }
0x133: {  	[sflag:s17] =	ssyncset.done $0x0  }
0x134: {  	s18 =	rddreg [dreg:$0x19];
	[sflag:s17] =	ssyncadd.s32 $0xFFFFE000  }
0x135: {  	[spmem:s3] =	stream.indirect.scatter.add.f32 [tilespmem:s13], [sflag:$0x5], $0x10, s18, s9, $0xb8;
	[tilespmem:$0x12000] =	vst v63  }
0x136: {  	_ =	swait.ge [sflag:s5], $0x2000  }
0x137: {  	[sflag:s5] =	ssyncset.done $0x0  }
0x138: {  	s18 =	rddreg [dreg:$0x1a];
	[sflag:s5] =	ssyncadd.s32 $0xFFFFE000  }
0x139: {  	[tilespmem:s13], [sflag:$0x4] =	stream.indirect.gather [spmem:s2], $0x10, s18, s9, $0xb8;
	[tilespmem:$0x12000] =	vst v63  }
0x13a: {  	_ =	swait.ge [sflag:s14], $0x2000  }
0x13b: {  	[sflag:s14] =	ssyncset.done $0x0  }
0x13c: {  	s18 =	rddreg [dreg:$0x1b];
	[sflag:s14] =	ssyncadd.s32 $0xFFFFE000  }
0x13d: {  	[spmem:s3] =	stream.indirect.scatter.add.f32 [tilespmem:s10], [sflag:$0x5], $0x10, s18, s9, $0xb8;
	[tilespmem:$0x12000] =	vst v63  }
0x13e: {  	_ =	swait.ge [sflag:s5], $0x2000  }
0x13f: {  	[sflag:s5] =	ssyncset.done $0x0  }
0x140: {  	s18 =	rddreg [dreg:$0x1c];
	[sflag:s5] =	ssyncadd.s32 $0xFFFFE000  }
0x141: {  	[tilespmem:s10], [sflag:$0x1] =	stream.indirect.gather [spmem:s2], $0x10, s18, s9, $0xb8;
	[tilespmem:$0x12000] =	vst v63  }
0x142: {  	_ =	swait.ge [sflag:s15], $0x2000  }
0x143: {  	[sflag:s15] =	ssyncset.done $0x0  }
0x144: {  	s18 =	rddreg [dreg:$0x1d];
	[sflag:s15] =	ssyncadd.s32 $0xFFFFE000  }
0x145: {  	[spmem:s3] =	stream.indirect.scatter.add.f32 [tilespmem:s11], [sflag:$0x5], $0x10, s18, s9, $0xb8;
	[tilespmem:$0x12000] =	vst v63  }
0x146: {  	_ =	swait.ge [sflag:s5], $0x2000  }
0x147: {  	[sflag:s5] =	ssyncset.done $0x0  }
0x148: {  	s18 =	rddreg [dreg:$0x1e];
	[sflag:s5] =	ssyncadd.s32 $0xFFFFE000  }
0x149: {  	[tilespmem:s11], [sflag:$0x2] =	stream.indirect.gather [spmem:s2], $0x10, s18, s9, $0xb8;
	[tilespmem:$0x12000] =	vst v63  }
0x14a: {  	_ =	swait.ge [sflag:s16], $0x2000  }
0x14b: {  	[sflag:s16] =	ssyncset.done $0x0  }
0x14c: {  	s18 =	rddreg [dreg:$0x1f];
	[sflag:s16] =	ssyncadd.s32 $0xFFFFE000  }
0x14d: {  	[spmem:s3] =	stream.indirect.scatter.add.f32 [tilespmem:s12], [sflag:$0x5], $0x10, s18, s9, $0xb8;
	[tilespmem:$0x12000] =	vst v63  }
0x14e: {  	_ =	swait.ge [sflag:s5], $0x2000  }
0x14f: {  	s18 =	sld [smem:$0x7FC]  }
0x150: {  	[sflag:s5] =	ssyncset.done $0x0  }
0x151: {  	[sflag:s5] =	ssyncadd.s32 $0xFFFFE000  }
0x152: {  	[tilespmem:s12], [sflag:$0x3] =	stream.indirect.gather [spmem:s2], $0x10, s18, s9, $0xb8;
	[tilespmem:$0x12000] =	vst v63  }
0x153: {  	_ =	swait.ge [sflag:s17], $0x2000  }
0x154: {  	s18 =	sld [smem:$0x7FD]  }
0x155: {  	[sflag:s17] =	ssyncset.done $0x0  }
0x156: {  	[sflag:s17] =	ssyncadd.s32 $0xFFFFE000  }
0x157: {  	[spmem:s3] =	stream.indirect.scatter.add.f32 [tilespmem:s13], [sflag:$0x5], $0x10, s18, s9, $0xb8;
	[tilespmem:$0x12000] =	vst v63  }
0x158: {  	_ =	swait.ge [sflag:s5], $0x2000  }
0x159: {  	[sflag:s5] =	ssyncset.done $0x0  }
0x15a: {  	s18 =	simm.s32 $0x1E00;
	[sflag:s5] =	ssyncadd.s32 $0xFFFFE000  }
0x15b: {  	[tilespmem:s13], [sflag:$0x4] =	stream.indirect.gather [spmem:s2], $0x10, s18, s9, $0xb8;
	[tilespmem:$0x12000] =	vst v63  }
0x15c: {  	_ =	swait.ge [sflag:s14], $0x2000  }
0x15d: {  	[sflag:s14] =	ssyncset.done $0x0  }
0x15e: {  	[sflag:s14] =	ssyncadd.s32 $0xFFFFE000  }
0x15f: {  	[spmem:s3] =	stream.indirect.scatter.add.f32 [tilespmem:s10], [sflag:$0x5], $0x10, s19, s9, $0xb8;
	[tilespmem:$0x12000] =	vst v63  }
0x160: {  	_ =	swait.ge [sflag:s5], $0x2000  }
0x161: {  	[sflag:s5] =	ssyncset.done $0x0  }
0x162: {  	[sflag:s5] =	ssyncadd.s32 $0xFFFFE000  }
0x163: {  	[tilespmem:s10], [sflag:$0x1] =	stream.indirect.gather [spmem:s2], $0x10, s20, s9, $0xb8;
	[tilespmem:$0x12000] =	vst v63  }
0x164: {  	_ =	swait.ge [sflag:s15], $0x2000  }
0x165: {  	[sflag:s15] =	ssyncset.done $0x0  }
0x166: {  	[sflag:s15] =	ssyncadd.s32 $0xFFFFE000  }
0x167: {  	[spmem:s3] =	stream.indirect.scatter.add.f32 [tilespmem:s11], [sflag:$0x5], $0x10, s21, s9, $0xb8;
	[tilespmem:$0x12000] =	vst v63  }
0x168: {  	_ =	swait.ge [sflag:s5], $0x2000  }
0x169: {  	[sflag:s5] =	ssyncset.done $0x0  }
0x16a: {  	[sflag:s5] =	ssyncadd.s32 $0xFFFFE000  }
0x16b: {  	[tilespmem:s11], [sflag:$0x2] =	stream.indirect.gather [spmem:s2], $0x10, s22, s9, $0xb8;
	[tilespmem:$0x12000] =	vst v63  }
0x16c: {  	_ =	swait.ge [sflag:s16], $0x2000  }
0x16d: {  	[sflag:s16] =	ssyncset.done $0x0  }
0x16e: {  	[sflag:s16] =	ssyncadd.s32 $0xFFFFE000  }
0x16f: {  	[spmem:s3] =	stream.indirect.scatter.add.f32 [tilespmem:s12], [sflag:$0x5], $0x10, s23, s9, $0xb8;
	[tilespmem:$0x12000] =	vst v63  }
0x170: {  	_ =	swait.ge [sflag:s5], $0x2000  }
0x171: {  	[sflag:s5] =	ssyncset.done $0x0  }
0x172: {  	[sflag:s5] =	ssyncadd.s32 $0xFFFFE000  }
0x173: {  	[tilespmem:s12], [sflag:$0x3] =	stream.indirect.gather [spmem:s2], $0x10, s24, s9, $0xb8;
	[tilespmem:$0x12000] =	vst v63  }
0x174: {  	_ =	swait.ge [sflag:s17], $0x2000  }
0x175: {  	[sflag:s17] =	ssyncset.done $0x0  }
0x176: {  	[sflag:s17] =	ssyncadd.s32 $0xFFFFE000  }
0x177: {  	[spmem:s3] =	stream.indirect.scatter.add.f32 [tilespmem:s13], [sflag:$0x5], $0x10, s25, s9, $0xb8;
	[tilespmem:$0x12000] =	vst v63  }
0x178: {  	_ =	swait.ge [sflag:s5], $0x2000  }
0x179: {  	[sflag:s5] =	ssyncset.done $0x0  }
0x17a: {  	[sflag:s5] =	ssyncadd.s32 $0xFFFFE000  }
0x17b: {  	[tilespmem:s13], [sflag:$0x4] =	stream.indirect.gather [spmem:s2], $0x10, s26, s9, $0xb8;
	[tilespmem:$0x12000] =	vst v63  }
0x17c: {  	_ =	swait.ge [sflag:s14], $0x2000  }
0x17d: {  	[sflag:s14] =	ssyncset.done $0x0  }
0x17e: {  	[sflag:s14] =	ssyncadd.s32 $0xFFFFE000  }
0x17f: {  	[spmem:s3] =	stream.indirect.scatter.add.f32 [tilespmem:s10], [sflag:$0x5], $0x10, s28, s9, $0xb8;
	[tilespmem:$0x12000] =	vst v63  }
0x180: {  	_ =	swait.ge [sflag:s5], $0x2000  }
0x181: {  	[sflag:s5] =	ssyncset.done $0x0  }
0x182: {  	[sflag:s5] =	ssyncadd.s32 $0xFFFFE000  }
0x183: {  	_ =	swait.ge [sflag:s15], $0x2000  }
0x184: {  	[sflag:s15] =	ssyncset.done $0x0  }
0x185: {  	[sflag:s15] =	ssyncadd.s32 $0xFFFFE000  }
0x186: {  	[spmem:s3] =	stream.indirect.scatter.add.f32 [tilespmem:s11], [sflag:$0x5], $0x10, s29, s9, $0xb8;
	[tilespmem:$0x12000] =	vst v63  }
0x187: {  	_ =	swait.ge [sflag:s5], $0x2000  }
0x188: {  	[sflag:s5] =	ssyncset.done $0x0  }
0x189: {  	[sflag:s5] =	ssyncadd.s32 $0xFFFFE000  }
0x18a: {  	_ =	swait.ge [sflag:s16], $0x2000  }
0x18b: {  	[sflag:s16] =	ssyncset.done $0x0  }
0x18c: {  	[sflag:s16] =	ssyncadd.s32 $0xFFFFE000  }
0x18d: {  	[spmem:s3] =	stream.indirect.scatter.add.f32 [tilespmem:s12], [sflag:$0x5], $0x10, s30, s9, $0xb8;
	[tilespmem:$0x12000] =	vst v63  }
0x18e: {  	_ =	swait.ge [sflag:s5], $0x2000  }
0x18f: {  	[sflag:s5] =	ssyncset.done $0x0  }
0x190: {  	[sflag:s5] =	ssyncadd.s32 $0xFFFFE000  }
0x191: {  	_ =	swait.ge [sflag:s17], $0x2000  }
0x192: {  	[sflag:s17] =	ssyncset.done $0x0  }
0x193: {  	[sflag:s17] =	ssyncadd.s32 $0xFFFFE000  }
0x194: {  	[spmem:s3] =	stream.indirect.scatter.add.f32 [tilespmem:s13], [sflag:$0x5], $0x10, s31, s9, $0xb8;
	[tilespmem:$0x12000] =	vst v63  }
0x195: {  	p0 =	sne.s32 s1, $0x1;
	_ =	swait.ge [sflag:s5], $0x2000  }
.Ltmp1:
0x196: {  	[sflag:s5] =	ssyncset.done $0x0;
	(pc) =	sbr.rel @p0 .LBB2_1-.Ltmp1, $4  }
0x197: {  	[sflag:s5] =	ssyncadd.s32 $0xFFFFE000  }
0x198: {  	[bflag:$0x0] =	sbarrier.arrive $0xFFFF  }
0x199: {  	s1 =	sadd.s32 $0xFFFFFFFF, s1;
	s18 =	rddreg [dreg:$0x8]  }
0x19a: {  	[hbm:s18], [sflag:s7] =	dma.local [spmem:s8], $0x500  }
.LBB2_2:
0x19b: {  	_ =	swait.ge [sflag:s5], $0x500  }
0x19c: {  	[sflag:s5] =	ssyncset.done $0x0  }
0x19d: {  	[sflag:s5] =	ssyncadd.s32 $0xFFFFFB00  }
0x19e: {  	_ =	sfence.sel $0x180000  }
0x19f: {  	[bflag:$0x0] =	sbarrier.arrive $0xFFFF  }
0x1a0: {  	_ =	strace $0x90000047  }
0x1a1: {  	s0 =	stileid.u32;
	[bflag:$0x2] =	sbarrier.arrive $0xFFFF  }
0x1a2: {  	p0 =	sne.s32 s0, $0x0;
	s0 =	rddreg [dreg:$0x3]  }
0x1a3: {  	s0 =	sadd.s32 @!p0 $0x100000, s0  }
0x1a4: {  	[sflag:s0] =	ssyncadd.tile.s32 @!p0 $0x1;
	_ =	shalt  }
.Lfunc_end2:
_tile_overlayer_lowered:
.L_overlay_start_2:
0x1a5: {  	(tag) =	ssettag $0x2  }
0x1a6: {  	s0 =	rddreg [dreg:$0x0];
	s2 =	stileid.u32  }
0x1a7: {  	s1 =	rddreg [dreg:$0x1];
	p0 =	sne.s32 s2, $0x0  }
0x1a8: {  	s3 =	rddreg [dreg:$0x2];
	[bflag:$0x3] =	sbarrier.arrive $0xFFFF;
	s2 =	simm.s32 @!p0 $0x1C05  }
0x1a9: {  	[timem:s3], [sflag:s2] =	dma.local @!p0 [hbm:s0], s1  }
0x1aa: {  	s0 =	simm.s32 @!p0 $0x5  }
0x1ab: {  	_ =	swait.ge @!p0 [sflag:s0], s1  }
0x1ac: {  	s1 =	ssub.s32 @!p0 $0x0, s1;
	[sflag:s0] =	ssyncset.done @!p0 $0x0  }
0x1ad: {  	[sflag:s0] =	ssyncadd.s32 @!p0 s1  }
0x1ae: {  	[bflag:$0x3] =	sbarrier.arrive $0xFFFF  }
0x1af: {  	_ =	shalt  }

// kernel: kernel.14.cloned.1.call-start
scs
__scs_entry_jumppad:
0x0: {  	(pc) =	sbr.rel $0x88, $3  }
0x1: {  	(tag) =	ssettag $0x0;
	lr =	simm.s32 $0x1  }
0x2: {  	[smem:$0x3F92] =	sst lr;
	_ =	strace $0xD0000000  }
0x3: {  	_ = 	snop  }
0x4: {  	_ = 	snop  }
0x5: {  	_ = 	snop  }
0x6: {  	_ = 	snop  }
0x7: {  	_ = 	snop  }
__scs_overlays_trampoline_lowered:
0x8: {  	[smem:$0x3FA1] =	sst s0  }
0x9: {  	[smem:$0x3FA2] =	sst s1  }
0xa: {  	[smem:$0x3FA3] =	sst s2  }
0xb: {  	[smem:$0x3FA4] =	sst s3  }
0xc: {  	[smem:$0x3FA5] =	sst s4  }
0xd: {  	[smem:$0x3FA6] =	sst s5  }
0xe: {  	[smem:$0x3FA7] =	sst s6  }
0xf: {  	[smem:$0x3FA8] =	sst s7  }
0x10: {  	[smem:$0x3FA9] =	sst s8  }
0x11: {  	[smem:$0x3FAA] =	sst s9;
	s0 =	simm.s32 @!p0 $0x0  }
0x12: {  	s1 =	sld [smem:$0x3F90];
	s0 =	simm.s32 @p0 $0x1  }
0x13: {  	[smem:$0x3FAB] =	sst s0;
	s0 =	simm.s32 @!p1 $0x0  }
0x14: {  	s2 =	sld [smem:$0x3F8F];
	s0 =	simm.s32 @p1 $0x1  }
0x15: {  	[smem:$0x3FAC] =	sst s0;
	s0 =	simm.s32 @!p2 $0x0  }
0x16: {  	s3 =	sld [smem:$0x3FDB];
	s0 =	simm.s32 @p2 $0x1  }
0x17: {  	s4 =	simm.s32 $0x1BF5;
	[smem:$0x3FAE] =	sst s0  }
0x18: {  	s0 =	sld [smem:$0x3F91];
	_ =	swait.ge [sflag:s4], $0x0  }
0x19: {  	s7 =	sld [smem:$0x3F92]  }
0x1a: {  	s8 =	sadd.s32 $0xFFFFE003, lr  }
0x1b: {  	s9 =	sadd.s32 $0xFFFFFEF7, lr;
	s5 =	simm.s32 $0xFFFFFFFF;
	p2 =	slt.u32 s8, $0xFFFFF086  }
0x1c: {  	p1 =	slt.u32 s9, $0xF7A;
	s5 =	simm.s32 @!p2 $0x0  }
0x1d: {  	s5 =	simm.s32 @p1 $0x1;
	p0 =	seq.s32 s7, s2  }
0x1e: {  	s7 =	smul.u32 @!p0 $0xF7A, s2;
	p2 =	seq.s32 @!p0 s5, $0x0  }
0x1f: {  	s9 =	smul.u32 $0xF7A, s1;
	s8 =	simm.s32 @!p0 $0x1BF5;
	p2 =	por !p2, p0  }
0x20: {  	[sflag:s8] =	ssyncset.s32 @!p0 $0xFFFFF086;
	s6 =	sadd.s32 @!p0 s3, s7;
	s7 =	simm.s32 @!p0 $0x108  }
0x21: {  	s3 =	sadd.s32 s3, s9;
	s6 =	sadd.s32 @!p0 $0x88, s6;
	s7 =	simm.s32 @p2 $0x1082  }
0x22: {  	[simem:s7], [sflag:s8] =	dma.local @!p0 [hbm:s6], $0xF7A  }
0x23: {  	s9 =	sor.u32 $0xD0000000, s2;
	s6 =	simm.s32 $0x108;
	_ =	swait.ge @!p0 [sflag:s8], $0x0  }
0x24: {  	s3 =	sadd.s32 $0x88, s3;
	s6 =	simm.s32 @!p1 $0x1082;
	[sflag:s4] =	ssyncset.s32 $0xFFFFF086  }
0x25: {  	[simem:s6], [sflag:s4] =	dma.local [hbm:s3], $0xF7A  }
0x26: {  	[smem:$0x3F92] =	sst s1;
	(tag) =	ssettag s2;
	_ =	strace s9  }
0x27: {  	s1 =	sld [smem:$0x3FA2]  }
0x28: {  	s2 =	sld [smem:$0x3FA3]  }
0x29: {  	s4 =	sld [smem:$0x3FA5]  }
0x2a: {  	p0 =	seq.s32 s5, $0x0;
	s5 =	sld [smem:$0x3FA6]  }
0x2b: {  	s6 =	sld [smem:$0x3FA7]  }
0x2c: {  	s7 =	sld [smem:$0x3FA8]  }
0x2d: {  	s3 =	simm.s32 $0x108;
	s8 =	sld [smem:$0x3FA9]  }
0x2e: {  	s3 =	simm.s32 @!p0 $0x1082;
	s9 =	sld [smem:$0x3FAA]  }
0x2f: {  	lr =	sadd.s32 s0, s3;
	s0 =	sld [smem:$0x3FA1]  }
0x30: {  	s3 =	sld [smem:$0x3FA4]  }
0x31: {  	[smem:$0x3FAD] =	sst s10  }
0x32: {  	s10 =	sld [smem:$0x3FAB];
	_ =	sdelay $0x3  }
0x33: {  	p0 =	seq.s32 s10, $0x1;
	s10 =	sld [smem:$0x3FAD];
	_ =	sdelay $0x3  }
0x34: {  	[smem:$0x3FAD] =	sst s10  }
0x35: {  	s10 =	sld [smem:$0x3FAC];
	_ =	sdelay $0x3  }
0x36: {  	p1 =	seq.s32 s10, $0x1;
	s10 =	sld [smem:$0x3FAD];
	_ =	sdelay $0x3  }
0x37: {  	[smem:$0x3FAD] =	sst s10  }
0x38: {  	s10 =	sld [smem:$0x3FAE]  }
0x39: {  	_ = 	snop;
	(pc) =	sbr.ind lr, $3  }
0x3a: {  	_ = 	snop  }
0x3b: {  	_ = 	snop  }
0x3c: {  	p2 =	seq.s32 s10, $0x1;
	s10 =	sld [smem:$0x3FAD]  }
0x3d: {  	_ =	shalt  }
0x3e: {  	_ =	shalt  }
0x3f: {  	_ =	shalt  }
0x40: {  	_ =	shalt  }
0x41: {  	_ =	shalt  }
0x42: {  	_ =	shalt  }
0x43: {  	_ =	shalt  }
0x44: {  	_ =	shalt  }
0x45: {  	_ =	shalt  }
0x46: {  	_ =	shalt  }
0x47: {  	_ =	shalt  }
0x48: {  	_ =	shalt  }
0x49: {  	_ =	shalt  }
0x4a: {  	_ =	shalt  }
0x4b: {  	_ =	shalt  }
0x4c: {  	_ =	shalt  }
0x4d: {  	_ =	shalt  }
0x4e: {  	_ =	shalt  }
0x4f: {  	_ =	shalt  }
0x50: {  	_ =	shalt  }
0x51: {  	_ =	shalt  }
0x52: {  	_ =	shalt  }
0x53: {  	_ =	shalt  }
0x54: {  	_ =	shalt  }
0x55: {  	_ =	shalt  }
0x56: {  	_ =	shalt  }
0x57: {  	_ =	shalt  }
0x58: {  	_ =	shalt  }
0x59: {  	_ =	shalt  }
0x5a: {  	_ =	shalt  }
0x5b: {  	_ =	shalt  }
0x5c: {  	_ =	shalt  }
0x5d: {  	_ =	shalt  }
0x5e: {  	_ =	shalt  }
0x5f: {  	_ =	shalt  }
0x60: {  	_ =	shalt  }
0x61: {  	_ =	shalt  }
0x62: {  	_ =	shalt  }
0x63: {  	_ =	shalt  }
0x64: {  	_ =	shalt  }
0x65: {  	_ =	shalt  }
0x66: {  	_ =	shalt  }
0x67: {  	_ =	shalt  }
0x68: {  	_ =	shalt  }
0x69: {  	_ =	shalt  }
0x6a: {  	_ =	shalt  }
0x6b: {  	_ =	shalt  }
0x6c: {  	_ =	shalt  }
0x6d: {  	_ =	shalt  }
0x6e: {  	_ =	shalt  }
0x6f: {  	_ =	shalt  }
0x70: {  	_ =	shalt  }
0x71: {  	_ =	shalt  }
0x72: {  	_ =	shalt  }
0x73: {  	_ =	shalt  }
0x74: {  	_ =	shalt  }
0x75: {  	_ =	shalt  }
0x76: {  	_ =	shalt  }
0x77: {  	_ =	shalt  }
0x78: {  	_ =	shalt  }
0x79: {  	_ =	shalt  }
0x7a: {  	_ =	shalt  }
0x7b: {  	_ =	shalt  }
0x7c: {  	_ =	shalt  }
0x7d: {  	_ =	shalt  }
0x7e: {  	_ =	shalt  }
0x7f: {  	_ =	shalt  }
0x80: {  	_ =	shalt  }
0x81: {  	_ =	shalt  }
0x82: {  	_ =	shalt  }
0x83: {  	_ =	shalt  }
0x84: {  	_ =	shalt  }
0x85: {  	_ =	shalt  }
0x86: {  	_ =	shalt  }
0x87: {  	_ =	shalt  }
.Lfunc_end0:
.L_simem_size_0:
called_computation.1_lowered:
.L_overlay_start_0:
0x88: {  	s2 =	sld [smem:$0x3FD9]  }
0x89: {  	s3 =	sld [smem:$0x3FFE];
	_ =	sdelay $0x1  }
0x8a: {  	s1 =	srdreg.scid  }
0x8b: {  	s0 =	sand.u32 $0x1, s1  }
0x8c: {  	s16 =	sshll.u32 s0, $0xA;
	s2 =	sadd.s32 s3, s2  }
0x8d: {  	s2 =	sadd.s32 s2, s16  }
0x8e: {  	[smem:$0x3FB9] =	sst s2  }
0x8f: {  	_ = 	snop  }
0x90: {  	(tm) =	ssettm $0x1  }
0x91: {  	s17 =	sld [smem:$0x3FFB];
	_ =	sdelay $0x3  }
0x92: {  	_ =	strace s17  }
0x93: {  	s2 =	sld [smem:$0x3FFC];
	_ =	sdelay $0x3  }
0x94: {  	_ =	strace s2  }
0x95: {  	s2 =	sld [smem:$0x3FFD];
	_ =	sdelay $0x3  }
0x96: {  	_ =	strace s2  }
0x97: {  	_ =	strace $0x8FFFFFFF  }
0x98: {  	s18 =	sld [smem:$0x3FDB];
	_ =	sdelay $0x1  }
0x99: {  	s19 =	simm.s32 $_scs_section_size  }
0x9a: {  	s4 =	simm.s32 $_size__tile_overlayer_lowered;
	s5 =	simm.s32 $_tile_overlayer_lowered  }
0x9b: {  	s22 =	simm.s32 $0x1BFF;
	s21 =	sshll.u32 s5, $0x1;
	s2 =	sadd.s32 s19, s18  }
0x9c: {  	s6 =	simm.s32 $0x0;
	s20 =	sshll.u32 s4, $0x1;
	s4 =	sadd.s32 s21, s2  }
0x9d: {  	[timem:s6], [sflag:s22] =	dma.local [hbm:s4], s20  }
0x9e: {  	_ =	swait.ge [sflag:s22], s20  }
0x9f: {  	s3 =	ssub.s32 $0x0, s20;
	[sflag:s22] =	ssyncset.done $0x0  }
0xa0: {  	[sflag:s22] =	ssyncadd.s32 s3;
	_ =	sdelay $0x1  }
0xa1: {  	s23 =	simm.s32 $0x1B8B  }
0xa2: {  	_ =	swait.ge [sflag:s23], $0x1  }
0xa3: {  	[sflag:s23] =	ssyncset.done $0x0  }
0xa4: {  	s25 =	simm.s32 $0x1B8E;
	s24 =	sld [smem:$0x3FFE];
	[sflag:s23] =	ssyncadd.s32 $0xFFFFFFFF  }
0xa5: {  	s26 =	simm.s32 $execute0_lowered;
	[smem:$0x3FD2] =	sst s25  }
0xa6: {  	s4 =	sshll.u32 s26, $0x1;
	_ =	strace $0x80000049;
	[dreg:$0x1] =	wrdreg $0xFFFFFFFF  }
0xa7: {  	s28 =	simm.s32 $_size_execute0_lowered;
	s2 =	sadd.s32 s2, s4;
	[dreg:$0x0] =	wrdreg $0x0  }
0xa8: {  	s4 =	sshll.u32 s28, $0x1;
	[dreg:$0x2] =	wrdreg s2  }
0xa9: {  	[dreg:$0x3] =	wrdreg s4  }
0xaa: {  	[dreg:$0x4] =	wrdreg $0xC0  }
0xab: {  	_ =	task [dreg:s6], $0x5FFFF  }
0xac: {  	[dreg:$0x1] =	wrdreg $0xFFFFFFFF  }
0xad: {  	[dreg:$0x0] =	wrdreg $0x60  }
0xae: {  	[dreg:$0x2] =	wrdreg s24  }
0xaf: {  	[dreg:$0x3] =	wrdreg $0xF8000  }
0xb0: {  	[dreg:$0x4] =	wrdreg $0xD0000  }
0xb1: {  	[dreg:$0x5] =	wrdreg $0x9  }
0xb2: {  	_ =	task.clear_ibuf [dreg:s6], $0x6FFFF;
	_ =	strace $0x90000049  }
0xb3: {  	s29 =	simm.s32 $0x9;
	_ =	strace $0x8000004B  }
0xb4: {  	_ =	swait.ge [sflag:s29], $0x1  }
0xb5: {  	[sflag:s29] =	ssyncadd.s32 $0xFFFFFFFF  }
0xb6: {  	_ =	strace $0x9000004B  }
0xb7: {  	_ =	sfence  }
0xb8: {  	s30 =	sld [smem:$0x0];
	_ =	sdelay $0x2  }
0xb9: {  	s31 =	sshll.u32 s1, $0xD;
	s1 =	sshrl.u32 s1, $0x2  }
0xba: {  	s3 =	sand.u32 $0x4000, s31;
	s1 =	sadd.s32 s1, s30  }
0xbb: {  	s0 =	sor.u32 s3, s0;
	s1 =	sshll.u32 s1, $0x11  }
0xbc: {  	s0 =	sor.u32 s1, s0  }
0xbd: {  	s0 =	sadd.s32 $0x8F2B, s0  }
0xbe: {  	[sflag:s0] =	ssyncadd.remote.s32 $0x1  }
0xbf: {  	_ =	sfence.sel $0xFFFF  }
0xc0: {  	[dreg:$0x0] =	wrdreg $0xFFFFFFFF;
	(pc) =	sbr.abs _section_cstart, $3  }
0xc1: {  	[dreg:$0x1] =	wrdreg $0xFFFFFFFF  }
0xc2: {  	_ =	task.clear_ibuf [dreg:s6], $0x2FFFF;
	_ =	strace $0x9FFFFFFF  }
0xc3: {  	(tm) =	ssettm $0x7FFFFFFF  }
tec
execute0_lowered:
.L_overlay_start_1:
0x0: {  	(tag) =	ssettag $0x1  }
0x1: {  	s1 =	srdreg.scid;
	s5 =	rddreg [dreg:$0x0]  }
0x2: {  	s0 =	stileid.u32;
	s2 =	rddreg [dreg:$0x1]  }
0x3: {  	s1 =	sand.u32 $0x1, s1;
	s3 =	sshll.u32 s0, $0x1;
	s8 =	smul.u32 $0x2800, s0  }
0x4: {  	s4 =	sor.u32 s1, s3;
	s3 =	rddreg [dreg:$0x2]  }
0x5: {  	s6 =	smul.u32 $0x500, s4;
	s4 =	simm.s32 $0x0;
	s13 =	sadd.s32 s8, s2  }
0x6: {  	[smem:$0x7FF] =	sst s4;
	s14 =	sshrl.u32 s13, $0x3  }
0x7: {  	s15 =	simm.s32 $0x400;
	_ =	strace $0x8000004A;
	[dreg:$0x9] =	wrdreg s14  }
0x8: {  	s16 =	simm.s32 $0x600;
	[dreg:$0xa] =	wrdreg s15  }
0x9: {  	s17 =	simm.s32 $0x800;
	[dreg:$0xb] =	wrdreg s16  }
0xa: {  	s18 =	simm.s32 $0x2A00;
	[dreg:$0xc] =	wrdreg s17  }
0xb: {  	s19 =	simm.s32 $0xA00;
	[dreg:$0xd] =	wrdreg s18  }
0xc: {  	s20 =	simm.s32 $0x2C00;
	[dreg:$0xe] =	wrdreg s19  }
0xd: {  	s21 =	simm.s32 $0xC00;
	[dreg:$0xf] =	wrdreg s20  }
0xe: {  	s22 =	simm.s32 $0x2E00;
	[dreg:$0x10] =	wrdreg s21  }
0xf: {  	s23 =	simm.s32 $0xE00;
	[dreg:$0x11] =	wrdreg s22  }
0x10: {  	s24 =	simm.s32 $0x3000;
	[dreg:$0x12] =	wrdreg s23  }
0x11: {  	s25 =	simm.s32 $0x1000;
	[dreg:$0x13] =	wrdreg s24  }
0x12: {  	s26 =	simm.s32 $0x3200;
	s7 =	sshrl.u32 s8, $0x3;
	[dreg:$0x14] =	wrdreg s25  }
0x13: {  	s7 =	sadd.s32 s7, s5;
	s13 =	simm.s32 $0x1800;
	[dreg:$0x15] =	wrdreg s26  }
0x14: {  	s11 =	sadd.s32 $0x17800, s7;
	[dreg:$0x1c] =	wrdreg s13  }
0x15: {  	s12 =	sadd.s32 $0x1C800, s7;
	[dreg:$0x6] =	wrdreg s11  }
0x16: {  	s7 =	simm.s32 $0x3400;
	[dreg:$0x7] =	wrdreg s12  }
0x17: {  	s14 =	simm.s32 $0x3A00;
	[dreg:$0x17] =	wrdreg s7  }
0x18: {  	s15 =	simm.s32 $0x1A00;
	[dreg:$0x1d] =	wrdreg s14  }
0x19: {  	s16 =	simm.s32 $0x3C00;
	[dreg:$0x1e] =	wrdreg s15  }
0x1a: {  	s9 =	smul.u32 $0x28000, s1;
	s17 =	simm.s32 $0x1C00;
	[dreg:$0x1f] =	wrdreg s16  }
0x1b: {  	s6 =	sadd.s32 s6, s5;
	s19 =	simm.s32 $0x3E00;
	[smem:$0x7FC] =	sst s17  }
0x1c: {  	s9 =	sadd.s32 s8, s9;
	s10 =	sadd.s32 $0x3800, s6;
	[smem:$0x7FD] =	sst s19  }
0x1d: {  	s9 =	sshrl.u32 s9, $0x3;
	s6 =	sadd.s32 $0xD800, s6;
	[dreg:$0x4] =	wrdreg s10  }
0x1e: {  	s5 =	sadd.s32 s9, s5;
	s9 =	simm.s32 $0x1400;
	[dreg:$0x5] =	wrdreg s6  }
0x1f: {  	s11 =	simm.s32 $0x1600;
	[dreg:$0x18] =	wrdreg s9  }
0x20: {  	s12 =	simm.s32 $0x3800;
	[dreg:$0x1a] =	wrdreg s11  }
0x21: {  	s5 =	sadd.s32 $0x21800, s5;
	[dreg:$0x1b] =	wrdreg s12  }
0x22: {  	s6 =	simm.s32 $0x1200;
	[dreg:$0x8] =	wrdreg s5  }
0x23: {  	s10 =	simm.s32 $0x3600;
	[dreg:$0x16] =	wrdreg s6  }
0x24: {  	[dreg:$0x19] =	wrdreg s10  }
0x25: {  	s18 =	rddreg [dreg:$0x4];
	s5 =	simm.s32 $0x5  }
0x26: {  	[tilespmem:s4], [sflag:$0x5] =	stream.linear.gather [hbm4b:s18+s4], $0x2800, $0x38;
	[tilespmem:$0x12000] =	vst v63  }
0x27: {  	_ =	swait.ge [sflag:s5], $0x2800  }
0x28: {  	[sflag:s5] =	ssyncset.done $0x0  }
0x29: {  	s6 =	simm.s32 $0x2800;
	s20 =	rddreg [dreg:$0x5];
	[sflag:s5] =	ssyncadd.s32 $0xFFFFD800  }
0x2a: {  	[tilespmem:s6], [sflag:$0x5] =	stream.linear.gather [hbm4b:s20+s4], $0x2800, $0x38;
	[tilespmem:$0x12000] =	vst v63  }
0x2b: {  	_ =	swait.ge [sflag:s5], $0x2800  }
0x2c: {  	s23 =	sshll.u32 s0, $0x6;
	s21 =	rddreg [dreg:$0x6];
	[sflag:s5] =	ssyncset.done $0x0  }
0x2d: {  	s7 =	sor.u32 $0x1C05, s23;
	s22 =	rddreg [dreg:$0x9];
	[sflag:s5] =	ssyncadd.s32 $0xFFFFD800  }
0x2e: {  	[spmem:s22], [sflag:s7] =	dma.local [hbm:s21], $0x500  }
0x2f: {  	_ =	swait.ge [sflag:s5], $0x500  }
0x30: {  	s8 =	sadd.s32 s8, s3;
	[sflag:s5] =	ssyncset.done $0x0  }
0x31: {  	s8 =	sshrl.u32 s8, $0x3;
	s24 =	rddreg [dreg:$0x7];
	[sflag:s5] =	ssyncadd.s32 $0xFFFFFB00  }
0x32: {  	[spmem:s8], [sflag:s7] =	dma.local [hbm:s24], $0x500  }
0x33: {  	_ =	swait.ge [sflag:s5], $0x500  }
0x34: {  	[sflag:s5] =	ssyncset.done $0x0  }
0x35: {  	[sflag:s5] =	ssyncadd.s32 $0xFFFFFB00  }
0x36: {  	s9 =	simm.s32 $0x200;
	s10 =	simm.s32 $0x5000;
	[bflag:$0x0] =	sbarrier.arrive $0xFFFF  }
0x37: {  	[tilespmem:s10], [sflag:$0x1] =	stream.indirect.gather [spmem:s2], $0x10, s4, s9, $0xb8;
	[tilespmem:$0x12000] =	vst v63  }
0x38: {  	s11 =	simm.s32 $0x7000  }
0x39: {  	[tilespmem:s11], [sflag:$0x2] =	stream.indirect.gather [spmem:s2], $0x10, s9, s9, $0xb8;
	[tilespmem:$0x12000] =	vst v63  }
0x3a: {  	s12 =	simm.s32 $0x9000;
	s13 =	rddreg [dreg:$0xa]  }
0x3b: {  	[tilespmem:s12], [sflag:$0x3] =	stream.indirect.gather [spmem:s2], $0x10, s13, s9, $0xb8;
	[tilespmem:$0x12000] =	vst v63  }
0x3c: {  	s14 =	simm.s32 $0x1;
	s15 =	rddreg [dreg:$0xb];
	s13 =	simm.s32 $0xB000  }
0x3d: {  	[tilespmem:s13], [sflag:$0x4] =	stream.indirect.gather [spmem:s2], $0x10, s15, s9, $0xb8;
	[tilespmem:$0x12000] =	vst v63  }
0x3e: {  	_ =	swait.ge [sflag:s14], $0x2000  }
0x3f: {  	[sflag:s14] =	ssyncset.done $0x0  }
0x40: {  	[sflag:s14] =	ssyncadd.s32 $0xFFFFE000  }
0x41: {  	[spmem:s3] =	stream.indirect.scatter.add.f32 [tilespmem:s10], [sflag:$0x5], $0x10, s6, s9, $0xb8;
	[tilespmem:$0x12000] =	vst v63  }
0x42: {  	_ =	swait.ge [sflag:s5], $0x2000  }
0x43: {  	[sflag:s5] =	ssyncset.done $0x0  }
0x44: {  	s15 =	simm.s32 $0x2;
	s16 =	rddreg [dreg:$0xc];
	[sflag:s5] =	ssyncadd.s32 $0xFFFFE000  }
0x45: {  	[tilespmem:s10], [sflag:$0x1] =	stream.indirect.gather [spmem:s2], $0x10, s16, s9, $0xb8;
	[tilespmem:$0x12000] =	vst v63  }
0x46: {  	_ =	swait.ge [sflag:s15], $0x2000  }
0x47: {  	[sflag:s15] =	ssyncset.done $0x0  }
0x48: {  	s25 =	rddreg [dreg:$0xd];
	[sflag:s15] =	ssyncadd.s32 $0xFFFFE000  }
0x49: {  	[spmem:s3] =	stream.indirect.scatter.add.f32 [tilespmem:s11], [sflag:$0x5], $0x10, s25, s9, $0xb8;
	[tilespmem:$0x12000] =	vst v63  }
0x4a: {  	_ =	swait.ge [sflag:s5], $0x2000  }
0x4b: {  	[sflag:s5] =	ssyncset.done $0x0  }
0x4c: {  	s16 =	simm.s32 $0x3;
	s17 =	rddreg [dreg:$0xe];
	[sflag:s5] =	ssyncadd.s32 $0xFFFFE000  }
0x4d: {  	[tilespmem:s11], [sflag:$0x2] =	stream.indirect.gather [spmem:s2], $0x10, s17, s9, $0xb8;
	[tilespmem:$0x12000] =	vst v63  }
0x4e: {  	_ =	swait.ge [sflag:s16], $0x2000  }
0x4f: {  	[sflag:s16] =	ssyncset.done $0x0  }
0x50: {  	s26 =	rddreg [dreg:$0xf];
	[sflag:s16] =	ssyncadd.s32 $0xFFFFE000  }
0x51: {  	[spmem:s3] =	stream.indirect.scatter.add.f32 [tilespmem:s12], [sflag:$0x5], $0x10, s26, s9, $0xb8;
	[tilespmem:$0x12000] =	vst v63  }
0x52: {  	_ =	swait.ge [sflag:s5], $0x2000  }
0x53: {  	[sflag:s5] =	ssyncset.done $0x0  }
0x54: {  	s17 =	simm.s32 $0x4;
	s18 =	rddreg [dreg:$0x10];
	[sflag:s5] =	ssyncadd.s32 $0xFFFFE000  }
0x55: {  	[tilespmem:s12], [sflag:$0x3] =	stream.indirect.gather [spmem:s2], $0x10, s18, s9, $0xb8;
	[tilespmem:$0x12000] =	vst v63  }
0x56: {  	_ =	swait.ge [sflag:s17], $0x2000  }
0x57: {  	[sflag:s17] =	ssyncset.done $0x0  }
0x58: {  	s0 =	rddreg [dreg:$0x11];
	[sflag:s17] =	ssyncadd.s32 $0xFFFFE000  }
0x59: {  	[spmem:s3] =	stream.indirect.scatter.add.f32 [tilespmem:s13], [sflag:$0x5], $0x10, s0, s9, $0xb8;
	[tilespmem:$0x12000] =	vst v63  }
0x5a: {  	_ =	swait.ge [sflag:s5], $0x2000  }
0x5b: {  	[sflag:s5] =	ssyncset.done $0x0  }
0x5c: {  	s19 =	rddreg [dreg:$0x12];
	[sflag:s5] =	ssyncadd.s32 $0xFFFFE000  }
0x5d: {  	[tilespmem:s13], [sflag:$0x4] =	stream.indirect.gather [spmem:s2], $0x10, s19, s9, $0xb8;
	[tilespmem:$0x12000] =	vst v63  }
0x5e: {  	_ =	swait.ge [sflag:s14], $0x2000  }
0x5f: {  	[sflag:s14] =	ssyncset.done $0x0  }
0x60: {  	s20 =	rddreg [dreg:$0x13];
	[sflag:s14] =	ssyncadd.s32 $0xFFFFE000  }
0x61: {  	[spmem:s3] =	stream.indirect.scatter.add.f32 [tilespmem:s10], [sflag:$0x5], $0x10, s20, s9, $0xb8;
	[tilespmem:$0x12000] =	vst v63  }
0x62: {  	_ =	swait.ge [sflag:s5], $0x2000  }
0x63: {  	[sflag:s5] =	ssyncset.done $0x0  }
0x64: {  	s21 =	rddreg [dreg:$0x14];
	[sflag:s5] =	ssyncadd.s32 $0xFFFFE000  }
0x65: {  	[tilespmem:s10], [sflag:$0x1] =	stream.indirect.gather [spmem:s2], $0x10, s21, s9, $0xb8;
	[tilespmem:$0x12000] =	vst v63  }
0x66: {  	_ =	swait.ge [sflag:s15], $0x2000  }
0x67: {  	[sflag:s15] =	ssyncset.done $0x0  }
0x68: {  	s22 =	rddreg [dreg:$0x15];
	[sflag:s15] =	ssyncadd.s32 $0xFFFFE000  }
0x69: {  	[spmem:s3] =	stream.indirect.scatter.add.f32 [tilespmem:s11], [sflag:$0x5], $0x10, s22, s9, $0xb8;
	[tilespmem:$0x12000] =	vst v63  }
0x6a: {  	_ =	swait.ge [sflag:s5], $0x2000  }
0x6b: {  	[sflag:s5] =	ssyncset.done $0x0  }
0x6c: {  	s23 =	rddreg [dreg:$0x16];
	[sflag:s5] =	ssyncadd.s32 $0xFFFFE000  }
0x6d: {  	[tilespmem:s11], [sflag:$0x2] =	stream.indirect.gather [spmem:s2], $0x10, s23, s9, $0xb8;
	[tilespmem:$0x12000] =	vst v63  }
0x6e: {  	_ =	swait.ge [sflag:s16], $0x2000  }
0x6f: {  	[sflag:s16] =	ssyncset.done $0x0  }
0x70: {  	s24 =	rddreg [dreg:$0x17];
	[sflag:s16] =	ssyncadd.s32 $0xFFFFE000  }
0x71: {  	[spmem:s3] =	stream.indirect.scatter.add.f32 [tilespmem:s12], [sflag:$0x5], $0x10, s24, s9, $0xb8;
	[tilespmem:$0x12000] =	vst v63  }
0x72: {  	_ =	swait.ge [sflag:s5], $0x2000  }
0x73: {  	[sflag:s5] =	ssyncset.done $0x0  }
0x74: {  	s25 =	rddreg [dreg:$0x18];
	[sflag:s5] =	ssyncadd.s32 $0xFFFFE000  }
0x75: {  	[tilespmem:s12], [sflag:$0x3] =	stream.indirect.gather [spmem:s2], $0x10, s25, s9, $0xb8;
	[tilespmem:$0x12000] =	vst v63  }
0x76: {  	_ =	swait.ge [sflag:s17], $0x2000  }
0x77: {  	[sflag:s17] =	ssyncset.done $0x0  }
0x78: {  	s26 =	rddreg [dreg:$0x19];
	[sflag:s17] =	ssyncadd.s32 $0xFFFFE000  }
0x79: {  	[spmem:s3] =	stream.indirect.scatter.add.f32 [tilespmem:s13], [sflag:$0x5], $0x10, s26, s9, $0xb8;
	[tilespmem:$0x12000] =	vst v63  }
0x7a: {  	_ =	swait.ge [sflag:s5], $0x2000  }
0x7b: {  	[sflag:s5] =	ssyncset.done $0x0  }
0x7c: {  	s0 =	rddreg [dreg:$0x1a];
	[sflag:s5] =	ssyncadd.s32 $0xFFFFE000  }
0x7d: {  	[tilespmem:s13], [sflag:$0x4] =	stream.indirect.gather [spmem:s2], $0x10, s0, s9, $0xb8;
	[tilespmem:$0x12000] =	vst v63  }
0x7e: {  	_ =	swait.ge [sflag:s14], $0x2000  }
0x7f: {  	[sflag:s14] =	ssyncset.done $0x0  }
0x80: {  	s19 =	rddreg [dreg:$0x1b];
	[sflag:s14] =	ssyncadd.s32 $0xFFFFE000  }
0x81: {  	[spmem:s3] =	stream.indirect.scatter.add.f32 [tilespmem:s10], [sflag:$0x5], $0x10, s19, s9, $0xb8;
	[tilespmem:$0x12000] =	vst v63  }
0x82: {  	_ =	swait.ge [sflag:s5], $0x2000  }
0x83: {  	[sflag:s5] =	ssyncset.done $0x0  }
0x84: {  	s20 =	rddreg [dreg:$0x1c];
	[sflag:s5] =	ssyncadd.s32 $0xFFFFE000  }
0x85: {  	[tilespmem:s10], [sflag:$0x1] =	stream.indirect.gather [spmem:s2], $0x10, s20, s9, $0xb8;
	[tilespmem:$0x12000] =	vst v63  }
0x86: {  	_ =	swait.ge [sflag:s15], $0x2000  }
0x87: {  	[sflag:s15] =	ssyncset.done $0x0  }
0x88: {  	s21 =	rddreg [dreg:$0x1d];
	[sflag:s15] =	ssyncadd.s32 $0xFFFFE000  }
0x89: {  	[spmem:s3] =	stream.indirect.scatter.add.f32 [tilespmem:s11], [sflag:$0x5], $0x10, s21, s9, $0xb8;
	[tilespmem:$0x12000] =	vst v63  }
0x8a: {  	_ =	swait.ge [sflag:s5], $0x2000  }
0x8b: {  	[sflag:s5] =	ssyncset.done $0x0  }
0x8c: {  	s22 =	rddreg [dreg:$0x1e];
	[sflag:s5] =	ssyncadd.s32 $0xFFFFE000  }
0x8d: {  	[tilespmem:s11], [sflag:$0x2] =	stream.indirect.gather [spmem:s2], $0x10, s22, s9, $0xb8;
	[tilespmem:$0x12000] =	vst v63  }
0x8e: {  	_ =	swait.ge [sflag:s16], $0x2000  }
0x8f: {  	[sflag:s16] =	ssyncset.done $0x0  }
0x90: {  	s23 =	rddreg [dreg:$0x1f];
	[sflag:s16] =	ssyncadd.s32 $0xFFFFE000  }
0x91: {  	[spmem:s3] =	stream.indirect.scatter.add.f32 [tilespmem:s12], [sflag:$0x5], $0x10, s23, s9, $0xb8;
	[tilespmem:$0x12000] =	vst v63  }
0x92: {  	_ =	swait.ge [sflag:s5], $0x2000  }
0x93: {  	s24 =	sld [smem:$0x7FC]  }
0x94: {  	[sflag:s5] =	ssyncset.done $0x0  }
0x95: {  	[sflag:s5] =	ssyncadd.s32 $0xFFFFE000  }
0x96: {  	[tilespmem:s12], [sflag:$0x3] =	stream.indirect.gather [spmem:s2], $0x10, s24, s9, $0xb8;
	[tilespmem:$0x12000] =	vst v63  }
0x97: {  	_ =	swait.ge [sflag:s17], $0x2000  }
0x98: {  	s25 =	sld [smem:$0x7FD]  }
0x99: {  	[sflag:s17] =	ssyncset.done $0x0  }
0x9a: {  	[sflag:s17] =	ssyncadd.s32 $0xFFFFE000  }
0x9b: {  	[spmem:s3] =	stream.indirect.scatter.add.f32 [tilespmem:s13], [sflag:$0x5], $0x10, s25, s9, $0xb8;
	[tilespmem:$0x12000] =	vst v63  }
0x9c: {  	_ =	swait.ge [sflag:s5], $0x2000  }
0x9d: {  	[sflag:s5] =	ssyncset.done $0x0  }
0x9e: {  	s26 =	simm.s32 $0x1E00;
	[sflag:s5] =	ssyncadd.s32 $0xFFFFE000  }
0x9f: {  	[tilespmem:s13], [sflag:$0x4] =	stream.indirect.gather [spmem:s2], $0x10, s26, s9, $0xb8;
	[tilespmem:$0x12000] =	vst v63  }
0xa0: {  	_ =	swait.ge [sflag:s14], $0x2000  }
0xa1: {  	[sflag:s14] =	ssyncset.done $0x0  }
0xa2: {  	s19 =	simm.s32 $0x4000;
	[sflag:s14] =	ssyncadd.s32 $0xFFFFE000  }
0xa3: {  	[spmem:s3] =	stream.indirect.scatter.add.f32 [tilespmem:s10], [sflag:$0x5], $0x10, s19, s9, $0xb8;
	[tilespmem:$0x12000] =	vst v63  }
0xa4: {  	_ =	swait.ge [sflag:s5], $0x2000  }
0xa5: {  	[sflag:s5] =	ssyncset.done $0x0  }
0xa6: {  	s20 =	simm.s32 $0x2000;
	[sflag:s5] =	ssyncadd.s32 $0xFFFFE000  }
0xa7: {  	[tilespmem:s10], [sflag:$0x1] =	stream.indirect.gather [spmem:s2], $0x10, s20, s9, $0xb8;
	[tilespmem:$0x12000] =	vst v63  }
0xa8: {  	_ =	swait.ge [sflag:s15], $0x2000  }
0xa9: {  	[sflag:s15] =	ssyncset.done $0x0  }
0xaa: {  	s21 =	simm.s32 $0x4200;
	[sflag:s15] =	ssyncadd.s32 $0xFFFFE000  }
0xab: {  	[spmem:s3] =	stream.indirect.scatter.add.f32 [tilespmem:s11], [sflag:$0x5], $0x10, s21, s9, $0xb8;
	[tilespmem:$0x12000] =	vst v63  }
0xac: {  	_ =	swait.ge [sflag:s5], $0x2000  }
0xad: {  	[sflag:s5] =	ssyncset.done $0x0  }
0xae: {  	s22 =	simm.s32 $0x2200;
	[sflag:s5] =	ssyncadd.s32 $0xFFFFE000  }
0xaf: {  	[tilespmem:s11], [sflag:$0x2] =	stream.indirect.gather [spmem:s2], $0x10, s22, s9, $0xb8;
	[tilespmem:$0x12000] =	vst v63  }
0xb0: {  	_ =	swait.ge [sflag:s16], $0x2000  }
0xb1: {  	[sflag:s16] =	ssyncset.done $0x0  }
0xb2: {  	s23 =	simm.s32 $0x4400;
	[sflag:s16] =	ssyncadd.s32 $0xFFFFE000  }
0xb3: {  	[spmem:s3] =	stream.indirect.scatter.add.f32 [tilespmem:s12], [sflag:$0x5], $0x10, s23, s9, $0xb8;
	[tilespmem:$0x12000] =	vst v63  }
0xb4: {  	_ =	swait.ge [sflag:s5], $0x2000  }
0xb5: {  	[sflag:s5] =	ssyncset.done $0x0  }
0xb6: {  	s24 =	simm.s32 $0x2400;
	[sflag:s5] =	ssyncadd.s32 $0xFFFFE000  }
0xb7: {  	[tilespmem:s12], [sflag:$0x3] =	stream.indirect.gather [spmem:s2], $0x10, s24, s9, $0xb8;
	[tilespmem:$0x12000] =	vst v63  }
0xb8: {  	_ =	swait.ge [sflag:s17], $0x2000  }
0xb9: {  	[sflag:s17] =	ssyncset.done $0x0  }
0xba: {  	s25 =	simm.s32 $0x4600;
	[sflag:s17] =	ssyncadd.s32 $0xFFFFE000  }
0xbb: {  	[spmem:s3] =	stream.indirect.scatter.add.f32 [tilespmem:s13], [sflag:$0x5], $0x10, s25, s9, $0xb8;
	[tilespmem:$0x12000] =	vst v63  }
0xbc: {  	_ =	swait.ge [sflag:s5], $0x2000  }
0xbd: {  	[sflag:s5] =	ssyncset.done $0x0  }
0xbe: {  	s26 =	simm.s32 $0x2600;
	[sflag:s5] =	ssyncadd.s32 $0xFFFFE000  }
0xbf: {  	[tilespmem:s13], [sflag:$0x4] =	stream.indirect.gather [spmem:s2], $0x10, s26, s9, $0xb8;
	[tilespmem:$0x12000] =	vst v63  }
0xc0: {  	_ =	swait.ge [sflag:s14], $0x2000  }
0xc1: {  	[sflag:s14] =	ssyncset.done $0x0  }
0xc2: {  	s28 =	simm.s32 $0x4800;
	[sflag:s14] =	ssyncadd.s32 $0xFFFFE000  }
0xc3: {  	[spmem:s3] =	stream.indirect.scatter.add.f32 [tilespmem:s10], [sflag:$0x5], $0x10, s28, s9, $0xb8;
	[tilespmem:$0x12000] =	vst v63  }
0xc4: {  	_ =	swait.ge [sflag:s5], $0x2000  }
0xc5: {  	[sflag:s5] =	ssyncset.done $0x0  }
0xc6: {  	[sflag:s5] =	ssyncadd.s32 $0xFFFFE000  }
0xc7: {  	_ =	swait.ge [sflag:s15], $0x2000  }
0xc8: {  	[sflag:s15] =	ssyncset.done $0x0  }
0xc9: {  	s29 =	simm.s32 $0x4A00;
	[sflag:s15] =	ssyncadd.s32 $0xFFFFE000  }
0xca: {  	[spmem:s3] =	stream.indirect.scatter.add.f32 [tilespmem:s11], [sflag:$0x5], $0x10, s29, s9, $0xb8;
	[tilespmem:$0x12000] =	vst v63  }
0xcb: {  	_ =	swait.ge [sflag:s5], $0x2000  }
0xcc: {  	[sflag:s5] =	ssyncset.done $0x0  }
0xcd: {  	[sflag:s5] =	ssyncadd.s32 $0xFFFFE000  }
0xce: {  	_ =	swait.ge [sflag:s16], $0x2000  }
0xcf: {  	[sflag:s16] =	ssyncset.done $0x0  }
0xd0: {  	s30 =	simm.s32 $0x4C00;
	[sflag:s16] =	ssyncadd.s32 $0xFFFFE000  }
0xd1: {  	[spmem:s3] =	stream.indirect.scatter.add.f32 [tilespmem:s12], [sflag:$0x5], $0x10, s30, s9, $0xb8;
	[tilespmem:$0x12000] =	vst v63  }
0xd2: {  	_ =	swait.ge [sflag:s5], $0x2000  }
0xd3: {  	[sflag:s5] =	ssyncset.done $0x0  }
0xd4: {  	s1 =	ssub.s32 $0x2, s1;
	[sflag:s5] =	ssyncadd.s32 $0xFFFFE000  }
0xd5: {  	s0 =	sshrl.u32 s1, $0x1;
	_ =	swait.ge [sflag:s17], $0x2000  }
0xd6: {  	s0 =	ssub.s32 s1, s0;
	[sflag:s17] =	ssyncset.done $0x0  }
0xd7: {  	s31 =	simm.s32 $0x4E00;
	s0 =	smax.u32 s0, $0x1;
	[sflag:s17] =	ssyncadd.s32 $0xFFFFE000  }
0xd8: {  	[spmem:s3] =	stream.indirect.scatter.add.f32 [tilespmem:s13], [sflag:$0x5], $0x10, s31, s9, $0xb8;
	[tilespmem:$0x12000] =	vst v63  }
0xd9: {  	p0 =	sne.s32 s0, $0x1;
	_ =	swait.ge [sflag:s5], $0x2000  }
.Ltmp0:
0xda: {  	[sflag:s5] =	ssyncset.done $0x0;
	(pc) =	sbr.rel @!p0 .LBB2_2-.Ltmp0, $4  }
0xdb: {  	[sflag:s5] =	ssyncadd.s32 $0xFFFFE000  }
0xdc: {  	[bflag:$0x0] =	sbarrier.arrive $0xFFFF  }
0xdd: {  	s1 =	sadd.s32 $0xFFFFFFFF, s0;
	s18 =	rddreg [dreg:$0x8]  }
0xde: {  	[hbm:s18], [sflag:s7] =	dma.local [spmem:s8], $0x500  }
.LBB2_1:
0xdf: {  	_ =	swait.ge [sflag:s5], $0x500  }
0xe0: {  	[sflag:s5] =	ssyncset.done $0x0  }
0xe1: {  	s0 =	rddreg [dreg:$0x4];
	[sflag:s5] =	ssyncadd.s32 $0xFFFFFB00  }
0xe2: {  	[tilespmem:s4], [sflag:$0x5] =	stream.linear.gather [hbm4b:s0+s4], $0x2800, $0x38;
	[tilespmem:$0x12000] =	vst v63  }
0xe3: {  	_ =	swait.ge [sflag:s5], $0x2800  }
0xe4: {  	[sflag:s5] =	ssyncset.done $0x0  }
0xe5: {  	s18 =	rddreg [dreg:$0x5];
	[sflag:s5] =	ssyncadd.s32 $0xFFFFD800  }
0xe6: {  	[tilespmem:s6], [sflag:$0x5] =	stream.linear.gather [hbm4b:s18+s4], $0x2800, $0x38;
	[tilespmem:$0x12000] =	vst v63  }
0xe7: {  	_ =	swait.ge [sflag:s5], $0x2800  }
0xe8: {  	[sflag:s5] =	ssyncset.done $0x0;
	s0 =	rddreg [dreg:$0x6]  }
0xe9: {  	s18 =	rddreg [dreg:$0x9];
	[sflag:s5] =	ssyncadd.s32 $0xFFFFD800  }
0xea: {  	[spmem:s18], [sflag:s7] =	dma.local [hbm:s0], $0x500  }
0xeb: {  	_ =	swait.ge [sflag:s5], $0x500  }
0xec: {  	[sflag:s5] =	ssyncset.done $0x0  }
0xed: {  	s18 =	rddreg [dreg:$0x7];
	[sflag:s5] =	ssyncadd.s32 $0xFFFFFB00  }
0xee: {  	[spmem:s8], [sflag:s7] =	dma.local [hbm:s18], $0x500  }
0xef: {  	_ =	swait.ge [sflag:s5], $0x500  }
0xf0: {  	[sflag:s5] =	ssyncset.done $0x0  }
0xf1: {  	[sflag:s5] =	ssyncadd.s32 $0xFFFFFB00  }
0xf2: {  	[bflag:$0x0] =	sbarrier.arrive $0xFFFF  }
0xf3: {  	[tilespmem:s10], [sflag:$0x1] =	stream.indirect.gather [spmem:s2], $0x10, s4, s9, $0xb8;
	[tilespmem:$0x12000] =	vst v63  }
0xf4: {  	_ = 	snop  }
0xf5: {  	[tilespmem:s11], [sflag:$0x2] =	stream.indirect.gather [spmem:s2], $0x10, s9, s9, $0xb8;
	[tilespmem:$0x12000] =	vst v63  }
0xf6: {  	s0 =	rddreg [dreg:$0xa]  }
0xf7: {  	[tilespmem:s12], [sflag:$0x3] =	stream.indirect.gather [spmem:s2], $0x10, s0, s9, $0xb8;
	[tilespmem:$0x12000] =	vst v63  }
0xf8: {  	s18 =	rddreg [dreg:$0xb]  }
0xf9: {  	[tilespmem:s13], [sflag:$0x4] =	stream.indirect.gather [spmem:s2], $0x10, s18, s9, $0xb8;
	[tilespmem:$0x12000] =	vst v63  }
0xfa: {  	_ =	swait.ge [sflag:s14], $0x2000  }
0xfb: {  	[sflag:s14] =	ssyncset.done $0x0  }
0xfc: {  	[sflag:s14] =	ssyncadd.s32 $0xFFFFE000  }
0xfd: {  	[spmem:s3] =	stream.indirect.scatter.add.f32 [tilespmem:s10], [sflag:$0x5], $0x10, s6, s9, $0xb8;
	[tilespmem:$0x12000] =	vst v63  }
0xfe: {  	_ =	swait.ge [sflag:s5], $0x2000  }
0xff: {  	[sflag:s5] =	ssyncset.done $0x0  }
0x100: {  	s18 =	rddreg [dreg:$0xc];
	[sflag:s5] =	ssyncadd.s32 $0xFFFFE000  }
0x101: {  	[tilespmem:s10], [sflag:$0x1] =	stream.indirect.gather [spmem:s2], $0x10, s18, s9, $0xb8;
	[tilespmem:$0x12000] =	vst v63  }
0x102: {  	_ =	swait.ge [sflag:s15], $0x2000  }
0x103: {  	[sflag:s15] =	ssyncset.done $0x0  }
0x104: {  	s18 =	rddreg [dreg:$0xd];
	[sflag:s15] =	ssyncadd.s32 $0xFFFFE000  }
0x105: {  	[spmem:s3] =	stream.indirect.scatter.add.f32 [tilespmem:s11], [sflag:$0x5], $0x10, s18, s9, $0xb8;
	[tilespmem:$0x12000] =	vst v63  }
0x106: {  	_ =	swait.ge [sflag:s5], $0x2000  }
0x107: {  	[sflag:s5] =	ssyncset.done $0x0  }
0x108: {  	s18 =	rddreg [dreg:$0xe];
	[sflag:s5] =	ssyncadd.s32 $0xFFFFE000  }
0x109: {  	[tilespmem:s11], [sflag:$0x2] =	stream.indirect.gather [spmem:s2], $0x10, s18, s9, $0xb8;
	[tilespmem:$0x12000] =	vst v63  }
0x10a: {  	_ =	swait.ge [sflag:s16], $0x2000  }
0x10b: {  	[sflag:s16] =	ssyncset.done $0x0  }
0x10c: {  	s18 =	rddreg [dreg:$0xf];
	[sflag:s16] =	ssyncadd.s32 $0xFFFFE000  }
0x10d: {  	[spmem:s3] =	stream.indirect.scatter.add.f32 [tilespmem:s12], [sflag:$0x5], $0x10, s18, s9, $0xb8;
	[tilespmem:$0x12000] =	vst v63  }
0x10e: {  	_ =	swait.ge [sflag:s5], $0x2000  }
0x10f: {  	[sflag:s5] =	ssyncset.done $0x0  }
0x110: {  	s18 =	rddreg [dreg:$0x10];
	[sflag:s5] =	ssyncadd.s32 $0xFFFFE000  }
0x111: {  	[tilespmem:s12], [sflag:$0x3] =	stream.indirect.gather [spmem:s2], $0x10, s18, s9, $0xb8;
	[tilespmem:$0x12000] =	vst v63  }
0x112: {  	_ =	swait.ge [sflag:s17], $0x2000  }
0x113: {  	[sflag:s17] =	ssyncset.done $0x0  }
0x114: {  	s18 =	rddreg [dreg:$0x11];
	[sflag:s17] =	ssyncadd.s32 $0xFFFFE000  }
0x115: {  	[spmem:s3] =	stream.indirect.scatter.add.f32 [tilespmem:s13], [sflag:$0x5], $0x10, s18, s9, $0xb8;
	[tilespmem:$0x12000] =	vst v63  }
0x116: {  	_ =	swait.ge [sflag:s5], $0x2000  }
0x117: {  	[sflag:s5] =	ssyncset.done $0x0  }
0x118: {  	s18 =	rddreg [dreg:$0x12];
	[sflag:s5] =	ssyncadd.s32 $0xFFFFE000  }
0x119: {  	[tilespmem:s13], [sflag:$0x4] =	stream.indirect.gather [spmem:s2], $0x10, s18, s9, $0xb8;
	[tilespmem:$0x12000] =	vst v63  }
0x11a: {  	_ =	swait.ge [sflag:s14], $0x2000  }
0x11b: {  	[sflag:s14] =	ssyncset.done $0x0  }
0x11c: {  	s18 =	rddreg [dreg:$0x13];
	[sflag:s14] =	ssyncadd.s32 $0xFFFFE000  }
0x11d: {  	[spmem:s3] =	stream.indirect.scatter.add.f32 [tilespmem:s10], [sflag:$0x5], $0x10, s18, s9, $0xb8;
	[tilespmem:$0x12000] =	vst v63  }
0x11e: {  	_ =	swait.ge [sflag:s5], $0x2000  }
0x11f: {  	[sflag:s5] =	ssyncset.done $0x0  }
0x120: {  	s18 =	rddreg [dreg:$0x14];
	[sflag:s5] =	ssyncadd.s32 $0xFFFFE000  }
0x121: {  	[tilespmem:s10], [sflag:$0x1] =	stream.indirect.gather [spmem:s2], $0x10, s18, s9, $0xb8;
	[tilespmem:$0x12000] =	vst v63  }
0x122: {  	_ =	swait.ge [sflag:s15], $0x2000  }
0x123: {  	[sflag:s15] =	ssyncset.done $0x0  }
0x124: {  	s18 =	rddreg [dreg:$0x15];
	[sflag:s15] =	ssyncadd.s32 $0xFFFFE000  }
0x125: {  	[spmem:s3] =	stream.indirect.scatter.add.f32 [tilespmem:s11], [sflag:$0x5], $0x10, s18, s9, $0xb8;
	[tilespmem:$0x12000] =	vst v63  }
0x126: {  	_ =	swait.ge [sflag:s5], $0x2000  }
0x127: {  	[sflag:s5] =	ssyncset.done $0x0  }
0x128: {  	s18 =	rddreg [dreg:$0x16];
	[sflag:s5] =	ssyncadd.s32 $0xFFFFE000  }
0x129: {  	[tilespmem:s11], [sflag:$0x2] =	stream.indirect.gather [spmem:s2], $0x10, s18, s9, $0xb8;
	[tilespmem:$0x12000] =	vst v63  }
0x12a: {  	_ =	swait.ge [sflag:s16], $0x2000  }
0x12b: {  	[sflag:s16] =	ssyncset.done $0x0  }
0x12c: {  	s18 =	rddreg [dreg:$0x17];
	[sflag:s16] =	ssyncadd.s32 $0xFFFFE000  }
0x12d: {  	[spmem:s3] =	stream.indirect.scatter.add.f32 [tilespmem:s12], [sflag:$0x5], $0x10, s18, s9, $0xb8;
	[tilespmem:$0x12000] =	vst v63  }
0x12e: {  	_ =	swait.ge [sflag:s5], $0x2000  }
0x12f: {  	[sflag:s5] =	ssyncset.done $0x0  }
0x130: {  	s18 =	rddreg [dreg:$0x18];
	[sflag:s5] =	ssyncadd.s32 $0xFFFFE000  }
0x131: {  	[tilespmem:s12], [sflag:$0x3] =	stream.indirect.gather [spmem:s2], $0x10, s18, s9, $0xb8;
	[tilespmem:$0x12000] =	vst v63  }
0x132: {  	_ =	swait.ge [sflag:s17], $0x2000  }
0x133: {  	[sflag:s17] =	ssyncset.done $0x0  }
0x134: {  	s18 =	rddreg [dreg:$0x19];
	[sflag:s17] =	ssyncadd.s32 $0xFFFFE000  }
0x135: {  	[spmem:s3] =	stream.indirect.scatter.add.f32 [tilespmem:s13], [sflag:$0x5], $0x10, s18, s9, $0xb8;
	[tilespmem:$0x12000] =	vst v63  }
0x136: {  	_ =	swait.ge [sflag:s5], $0x2000  }
0x137: {  	[sflag:s5] =	ssyncset.done $0x0  }
0x138: {  	s18 =	rddreg [dreg:$0x1a];
	[sflag:s5] =	ssyncadd.s32 $0xFFFFE000  }
0x139: {  	[tilespmem:s13], [sflag:$0x4] =	stream.indirect.gather [spmem:s2], $0x10, s18, s9, $0xb8;
	[tilespmem:$0x12000] =	vst v63  }
0x13a: {  	_ =	swait.ge [sflag:s14], $0x2000  }
0x13b: {  	[sflag:s14] =	ssyncset.done $0x0  }
0x13c: {  	s18 =	rddreg [dreg:$0x1b];
	[sflag:s14] =	ssyncadd.s32 $0xFFFFE000  }
0x13d: {  	[spmem:s3] =	stream.indirect.scatter.add.f32 [tilespmem:s10], [sflag:$0x5], $0x10, s18, s9, $0xb8;
	[tilespmem:$0x12000] =	vst v63  }
0x13e: {  	_ =	swait.ge [sflag:s5], $0x2000  }
0x13f: {  	[sflag:s5] =	ssyncset.done $0x0  }
0x140: {  	s18 =	rddreg [dreg:$0x1c];
	[sflag:s5] =	ssyncadd.s32 $0xFFFFE000  }
0x141: {  	[tilespmem:s10], [sflag:$0x1] =	stream.indirect.gather [spmem:s2], $0x10, s18, s9, $0xb8;
	[tilespmem:$0x12000] =	vst v63  }
0x142: {  	_ =	swait.ge [sflag:s15], $0x2000  }
0x143: {  	[sflag:s15] =	ssyncset.done $0x0  }
0x144: {  	s18 =	rddreg [dreg:$0x1d];
	[sflag:s15] =	ssyncadd.s32 $0xFFFFE000  }
0x145: {  	[spmem:s3] =	stream.indirect.scatter.add.f32 [tilespmem:s11], [sflag:$0x5], $0x10, s18, s9, $0xb8;
	[tilespmem:$0x12000] =	vst v63  }
0x146: {  	_ =	swait.ge [sflag:s5], $0x2000  }
0x147: {  	[sflag:s5] =	ssyncset.done $0x0  }
0x148: {  	s18 =	rddreg [dreg:$0x1e];
	[sflag:s5] =	ssyncadd.s32 $0xFFFFE000  }
0x149: {  	[tilespmem:s11], [sflag:$0x2] =	stream.indirect.gather [spmem:s2], $0x10, s18, s9, $0xb8;
	[tilespmem:$0x12000] =	vst v63  }
0x14a: {  	_ =	swait.ge [sflag:s16], $0x2000  }
0x14b: {  	[sflag:s16] =	ssyncset.done $0x0  }
0x14c: {  	s18 =	rddreg [dreg:$0x1f];
	[sflag:s16] =	ssyncadd.s32 $0xFFFFE000  }
0x14d: {  	[spmem:s3] =	stream.indirect.scatter.add.f32 [tilespmem:s12], [sflag:$0x5], $0x10, s18, s9, $0xb8;
	[tilespmem:$0x12000] =	vst v63  }
0x14e: {  	_ =	swait.ge [sflag:s5], $0x2000  }
0x14f: {  	s18 =	sld [smem:$0x7FC]  }
0x150: {  	[sflag:s5] =	ssyncset.done $0x0  }
0x151: {  	[sflag:s5] =	ssyncadd.s32 $0xFFFFE000  }
0x152: {  	[tilespmem:s12], [sflag:$0x3] =	stream.indirect.gather [spmem:s2], $0x10, s18, s9, $0xb8;
	[tilespmem:$0x12000] =	vst v63  }
0x153: {  	_ =	swait.ge [sflag:s17], $0x2000  }
0x154: {  	s18 =	sld [smem:$0x7FD]  }
0x155: {  	[sflag:s17] =	ssyncset.done $0x0  }
0x156: {  	[sflag:s17] =	ssyncadd.s32 $0xFFFFE000  }
0x157: {  	[spmem:s3] =	stream.indirect.scatter.add.f32 [tilespmem:s13], [sflag:$0x5], $0x10, s18, s9, $0xb8;
	[tilespmem:$0x12000] =	vst v63  }
0x158: {  	_ =	swait.ge [sflag:s5], $0x2000  }
0x159: {  	[sflag:s5] =	ssyncset.done $0x0  }
0x15a: {  	s18 =	simm.s32 $0x1E00;
	[sflag:s5] =	ssyncadd.s32 $0xFFFFE000  }
0x15b: {  	[tilespmem:s13], [sflag:$0x4] =	stream.indirect.gather [spmem:s2], $0x10, s18, s9, $0xb8;
	[tilespmem:$0x12000] =	vst v63  }
0x15c: {  	_ =	swait.ge [sflag:s14], $0x2000  }
0x15d: {  	[sflag:s14] =	ssyncset.done $0x0  }
0x15e: {  	[sflag:s14] =	ssyncadd.s32 $0xFFFFE000  }
0x15f: {  	[spmem:s3] =	stream.indirect.scatter.add.f32 [tilespmem:s10], [sflag:$0x5], $0x10, s19, s9, $0xb8;
	[tilespmem:$0x12000] =	vst v63  }
0x160: {  	_ =	swait.ge [sflag:s5], $0x2000  }
0x161: {  	[sflag:s5] =	ssyncset.done $0x0  }
0x162: {  	[sflag:s5] =	ssyncadd.s32 $0xFFFFE000  }
0x163: {  	[tilespmem:s10], [sflag:$0x1] =	stream.indirect.gather [spmem:s2], $0x10, s20, s9, $0xb8;
	[tilespmem:$0x12000] =	vst v63  }
0x164: {  	_ =	swait.ge [sflag:s15], $0x2000  }
0x165: {  	[sflag:s15] =	ssyncset.done $0x0  }
0x166: {  	[sflag:s15] =	ssyncadd.s32 $0xFFFFE000  }
0x167: {  	[spmem:s3] =	stream.indirect.scatter.add.f32 [tilespmem:s11], [sflag:$0x5], $0x10, s21, s9, $0xb8;
	[tilespmem:$0x12000] =	vst v63  }
0x168: {  	_ =	swait.ge [sflag:s5], $0x2000  }
0x169: {  	[sflag:s5] =	ssyncset.done $0x0  }
0x16a: {  	[sflag:s5] =	ssyncadd.s32 $0xFFFFE000  }
0x16b: {  	[tilespmem:s11], [sflag:$0x2] =	stream.indirect.gather [spmem:s2], $0x10, s22, s9, $0xb8;
	[tilespmem:$0x12000] =	vst v63  }
0x16c: {  	_ =	swait.ge [sflag:s16], $0x2000  }
0x16d: {  	[sflag:s16] =	ssyncset.done $0x0  }
0x16e: {  	[sflag:s16] =	ssyncadd.s32 $0xFFFFE000  }
0x16f: {  	[spmem:s3] =	stream.indirect.scatter.add.f32 [tilespmem:s12], [sflag:$0x5], $0x10, s23, s9, $0xb8;
	[tilespmem:$0x12000] =	vst v63  }
0x170: {  	_ =	swait.ge [sflag:s5], $0x2000  }
0x171: {  	[sflag:s5] =	ssyncset.done $0x0  }
0x172: {  	[sflag:s5] =	ssyncadd.s32 $0xFFFFE000  }
0x173: {  	[tilespmem:s12], [sflag:$0x3] =	stream.indirect.gather [spmem:s2], $0x10, s24, s9, $0xb8;
	[tilespmem:$0x12000] =	vst v63  }
0x174: {  	_ =	swait.ge [sflag:s17], $0x2000  }
0x175: {  	[sflag:s17] =	ssyncset.done $0x0  }
0x176: {  	[sflag:s17] =	ssyncadd.s32 $0xFFFFE000  }
0x177: {  	[spmem:s3] =	stream.indirect.scatter.add.f32 [tilespmem:s13], [sflag:$0x5], $0x10, s25, s9, $0xb8;
	[tilespmem:$0x12000] =	vst v63  }
0x178: {  	_ =	swait.ge [sflag:s5], $0x2000  }
0x179: {  	[sflag:s5] =	ssyncset.done $0x0  }
0x17a: {  	[sflag:s5] =	ssyncadd.s32 $0xFFFFE000  }
0x17b: {  	[tilespmem:s13], [sflag:$0x4] =	stream.indirect.gather [spmem:s2], $0x10, s26, s9, $0xb8;
	[tilespmem:$0x12000] =	vst v63  }
0x17c: {  	_ =	swait.ge [sflag:s14], $0x2000  }
0x17d: {  	[sflag:s14] =	ssyncset.done $0x0  }
0x17e: {  	[sflag:s14] =	ssyncadd.s32 $0xFFFFE000  }
0x17f: {  	[spmem:s3] =	stream.indirect.scatter.add.f32 [tilespmem:s10], [sflag:$0x5], $0x10, s28, s9, $0xb8;
	[tilespmem:$0x12000] =	vst v63  }
0x180: {  	_ =	swait.ge [sflag:s5], $0x2000  }
0x181: {  	[sflag:s5] =	ssyncset.done $0x0  }
0x182: {  	[sflag:s5] =	ssyncadd.s32 $0xFFFFE000  }
0x183: {  	_ =	swait.ge [sflag:s15], $0x2000  }
0x184: {  	[sflag:s15] =	ssyncset.done $0x0  }
0x185: {  	[sflag:s15] =	ssyncadd.s32 $0xFFFFE000  }
0x186: {  	[spmem:s3] =	stream.indirect.scatter.add.f32 [tilespmem:s11], [sflag:$0x5], $0x10, s29, s9, $0xb8;
	[tilespmem:$0x12000] =	vst v63  }
0x187: {  	_ =	swait.ge [sflag:s5], $0x2000  }
0x188: {  	[sflag:s5] =	ssyncset.done $0x0  }
0x189: {  	[sflag:s5] =	ssyncadd.s32 $0xFFFFE000  }
0x18a: {  	_ =	swait.ge [sflag:s16], $0x2000  }
0x18b: {  	[sflag:s16] =	ssyncset.done $0x0  }
0x18c: {  	[sflag:s16] =	ssyncadd.s32 $0xFFFFE000  }
0x18d: {  	[spmem:s3] =	stream.indirect.scatter.add.f32 [tilespmem:s12], [sflag:$0x5], $0x10, s30, s9, $0xb8;
	[tilespmem:$0x12000] =	vst v63  }
0x18e: {  	_ =	swait.ge [sflag:s5], $0x2000  }
0x18f: {  	[sflag:s5] =	ssyncset.done $0x0  }
0x190: {  	[sflag:s5] =	ssyncadd.s32 $0xFFFFE000  }
0x191: {  	_ =	swait.ge [sflag:s17], $0x2000  }
0x192: {  	[sflag:s17] =	ssyncset.done $0x0  }
0x193: {  	[sflag:s17] =	ssyncadd.s32 $0xFFFFE000  }
0x194: {  	[spmem:s3] =	stream.indirect.scatter.add.f32 [tilespmem:s13], [sflag:$0x5], $0x10, s31, s9, $0xb8;
	[tilespmem:$0x12000] =	vst v63  }
0x195: {  	p0 =	sne.s32 s1, $0x1;
	_ =	swait.ge [sflag:s5], $0x2000  }
.Ltmp1:
0x196: {  	[sflag:s5] =	ssyncset.done $0x0;
	(pc) =	sbr.rel @p0 .LBB2_1-.Ltmp1, $4  }
0x197: {  	[sflag:s5] =	ssyncadd.s32 $0xFFFFE000  }
0x198: {  	[bflag:$0x0] =	sbarrier.arrive $0xFFFF  }
0x199: {  	s1 =	sadd.s32 $0xFFFFFFFF, s1;
	s18 =	rddreg [dreg:$0x8]  }
0x19a: {  	[hbm:s18], [sflag:s7] =	dma.local [spmem:s8], $0x500  }
.LBB2_2:
0x19b: {  	_ =	swait.ge [sflag:s5], $0x500  }
0x19c: {  	[sflag:s5] =	ssyncset.done $0x0  }
0x19d: {  	[sflag:s5] =	ssyncadd.s32 $0xFFFFFB00  }
0x19e: {  	_ =	sfence.sel $0x180000  }
0x19f: {  	[bflag:$0x0] =	sbarrier.arrive $0xFFFF  }
0x1a0: {  	_ =	strace $0x9000004A  }
0x1a1: {  	s0 =	stileid.u32;
	[bflag:$0x2] =	sbarrier.arrive $0xFFFF  }
0x1a2: {  	p0 =	sne.s32 s0, $0x0;
	s0 =	rddreg [dreg:$0x3]  }
0x1a3: {  	s0 =	sadd.s32 @!p0 $0x100000, s0  }
0x1a4: {  	[sflag:s0] =	ssyncadd.tile.s32 @!p0 $0x1;
	_ =	shalt  }
.Lfunc_end2:
_tile_overlayer_lowered:
.L_overlay_start_2:
0x1a5: {  	(tag) =	ssettag $0x2  }
0x1a6: {  	s0 =	rddreg [dreg:$0x0];
	s2 =	stileid.u32  }
0x1a7: {  	s1 =	rddreg [dreg:$0x1];
	p0 =	sne.s32 s2, $0x0  }
0x1a8: {  	s3 =	rddreg [dreg:$0x2];
	[bflag:$0x3] =	sbarrier.arrive $0xFFFF;
	s2 =	simm.s32 @!p0 $0x1C05  }
0x1a9: {  	[timem:s3], [sflag:s2] =	dma.local @!p0 [hbm:s0], s1  }
0x1aa: {  	s0 =	simm.s32 @!p0 $0x5  }
0x1ab: {  	_ =	swait.ge @!p0 [sflag:s0], s1  }
0x1ac: {  	s1 =	ssub.s32 @!p0 $0x0, s1;
	[sflag:s0] =	ssyncset.done @!p0 $0x0  }
0x1ad: {  	[sflag:s0] =	ssyncadd.s32 @!p0 s1  }
0x1ae: {  	[bflag:$0x3] =	sbarrier.arrive $0xFFFF  }
0x1af: {  	_ =	shalt  }

// kernel: kernel.17.cloned.1.call-start
scs
__scs_entry_jumppad:
0x0: {  	(pc) =	sbr.rel $0x88, $3  }
0x1: {  	(tag) =	ssettag $0x0;
	lr =	simm.s32 $0x1  }
0x2: {  	[smem:$0x3F92] =	sst lr;
	_ =	strace $0xD0000000  }
0x3: {  	_ = 	snop  }
0x4: {  	_ = 	snop  }
0x5: {  	_ = 	snop  }
0x6: {  	_ = 	snop  }
0x7: {  	_ = 	snop  }
__scs_overlays_trampoline_lowered:
0x8: {  	[smem:$0x3FA1] =	sst s0  }
0x9: {  	[smem:$0x3FA2] =	sst s1  }
0xa: {  	[smem:$0x3FA3] =	sst s2  }
0xb: {  	[smem:$0x3FA4] =	sst s3  }
0xc: {  	[smem:$0x3FA5] =	sst s4  }
0xd: {  	[smem:$0x3FA6] =	sst s5  }
0xe: {  	[smem:$0x3FA7] =	sst s6  }
0xf: {  	[smem:$0x3FA8] =	sst s7  }
0x10: {  	[smem:$0x3FA9] =	sst s8  }
0x11: {  	[smem:$0x3FAA] =	sst s9;
	s0 =	simm.s32 @!p0 $0x0  }
0x12: {  	s1 =	sld [smem:$0x3F90];
	s0 =	simm.s32 @p0 $0x1  }
0x13: {  	[smem:$0x3FAB] =	sst s0;
	s0 =	simm.s32 @!p1 $0x0  }
0x14: {  	s2 =	sld [smem:$0x3F8F];
	s0 =	simm.s32 @p1 $0x1  }
0x15: {  	[smem:$0x3FAC] =	sst s0;
	s0 =	simm.s32 @!p2 $0x0  }
0x16: {  	s3 =	sld [smem:$0x3FDB];
	s0 =	simm.s32 @p2 $0x1  }
0x17: {  	s4 =	simm.s32 $0x1BF5;
	[smem:$0x3FAE] =	sst s0  }
0x18: {  	s0 =	sld [smem:$0x3F91];
	_ =	swait.ge [sflag:s4], $0x0  }
0x19: {  	s7 =	sld [smem:$0x3F92]  }
0x1a: {  	s8 =	sadd.s32 $0xFFFFE003, lr  }
0x1b: {  	s9 =	sadd.s32 $0xFFFFFEF7, lr;
	s5 =	simm.s32 $0xFFFFFFFF;
	p2 =	slt.u32 s8, $0xFFFFF086  }
0x1c: {  	p1 =	slt.u32 s9, $0xF7A;
	s5 =	simm.s32 @!p2 $0x0  }
0x1d: {  	s5 =	simm.s32 @p1 $0x1;
	p0 =	seq.s32 s7, s2  }
0x1e: {  	s7 =	smul.u32 @!p0 $0xF7A, s2;
	p2 =	seq.s32 @!p0 s5, $0x0  }
0x1f: {  	s9 =	smul.u32 $0xF7A, s1;
	s8 =	simm.s32 @!p0 $0x1BF5;
	p2 =	por !p2, p0  }
0x20: {  	[sflag:s8] =	ssyncset.s32 @!p0 $0xFFFFF086;
	s6 =	sadd.s32 @!p0 s3, s7;
	s7 =	simm.s32 @!p0 $0x108  }
0x21: {  	s3 =	sadd.s32 s3, s9;
	s6 =	sadd.s32 @!p0 $0x88, s6;
	s7 =	simm.s32 @p2 $0x1082  }
0x22: {  	[simem:s7], [sflag:s8] =	dma.local @!p0 [hbm:s6], $0xF7A  }
0x23: {  	s9 =	sor.u32 $0xD0000000, s2;
	s6 =	simm.s32 $0x108;
	_ =	swait.ge @!p0 [sflag:s8], $0x0  }
0x24: {  	s3 =	sadd.s32 $0x88, s3;
	s6 =	simm.s32 @!p1 $0x1082;
	[sflag:s4] =	ssyncset.s32 $0xFFFFF086  }
0x25: {  	[simem:s6], [sflag:s4] =	dma.local [hbm:s3], $0xF7A  }
0x26: {  	[smem:$0x3F92] =	sst s1;
	(tag) =	ssettag s2;
	_ =	strace s9  }
0x27: {  	s1 =	sld [smem:$0x3FA2]  }
0x28: {  	s2 =	sld [smem:$0x3FA3]  }
0x29: {  	s4 =	sld [smem:$0x3FA5]  }
0x2a: {  	p0 =	seq.s32 s5, $0x0;
	s5 =	sld [smem:$0x3FA6]  }
0x2b: {  	s6 =	sld [smem:$0x3FA7]  }
0x2c: {  	s7 =	sld [smem:$0x3FA8]  }
0x2d: {  	s3 =	simm.s32 $0x108;
	s8 =	sld [smem:$0x3FA9]  }
0x2e: {  	s3 =	simm.s32 @!p0 $0x1082;
	s9 =	sld [smem:$0x3FAA]  }
0x2f: {  	lr =	sadd.s32 s0, s3;
	s0 =	sld [smem:$0x3FA1]  }
0x30: {  	s3 =	sld [smem:$0x3FA4]  }
0x31: {  	[smem:$0x3FAD] =	sst s10  }
0x32: {  	s10 =	sld [smem:$0x3FAB];
	_ =	sdelay $0x3  }
0x33: {  	p0 =	seq.s32 s10, $0x1;
	s10 =	sld [smem:$0x3FAD];
	_ =	sdelay $0x3  }
0x34: {  	[smem:$0x3FAD] =	sst s10  }
0x35: {  	s10 =	sld [smem:$0x3FAC];
	_ =	sdelay $0x3  }
0x36: {  	p1 =	seq.s32 s10, $0x1;
	s10 =	sld [smem:$0x3FAD];
	_ =	sdelay $0x3  }
0x37: {  	[smem:$0x3FAD] =	sst s10  }
0x38: {  	s10 =	sld [smem:$0x3FAE]  }
0x39: {  	_ = 	snop;
	(pc) =	sbr.ind lr, $3  }
0x3a: {  	_ = 	snop  }
0x3b: {  	_ = 	snop  }
0x3c: {  	p2 =	seq.s32 s10, $0x1;
	s10 =	sld [smem:$0x3FAD]  }
0x3d: {  	_ =	shalt  }
0x3e: {  	_ =	shalt  }
0x3f: {  	_ =	shalt  }
0x40: {  	_ =	shalt  }
0x41: {  	_ =	shalt  }
0x42: {  	_ =	shalt  }
0x43: {  	_ =	shalt  }
0x44: {  	_ =	shalt  }
0x45: {  	_ =	shalt  }
0x46: {  	_ =	shalt  }
0x47: {  	_ =	shalt  }
0x48: {  	_ =	shalt  }
0x49: {  	_ =	shalt  }
0x4a: {  	_ =	shalt  }
0x4b: {  	_ =	shalt  }
0x4c: {  	_ =	shalt  }
0x4d: {  	_ =	shalt  }
0x4e: {  	_ =	shalt  }
0x4f: {  	_ =	shalt  }
0x50: {  	_ =	shalt  }
0x51: {  	_ =	shalt  }
0x52: {  	_ =	shalt  }
0x53: {  	_ =	shalt  }
0x54: {  	_ =	shalt  }
0x55: {  	_ =	shalt  }
0x56: {  	_ =	shalt  }
0x57: {  	_ =	shalt  }
0x58: {  	_ =	shalt  }
0x59: {  	_ =	shalt  }
0x5a: {  	_ =	shalt  }
0x5b: {  	_ =	shalt  }
0x5c: {  	_ =	shalt  }
0x5d: {  	_ =	shalt  }
0x5e: {  	_ =	shalt  }
0x5f: {  	_ =	shalt  }
0x60: {  	_ =	shalt  }
0x61: {  	_ =	shalt  }
0x62: {  	_ =	shalt  }
0x63: {  	_ =	shalt  }
0x64: {  	_ =	shalt  }
0x65: {  	_ =	shalt  }
0x66: {  	_ =	shalt  }
0x67: {  	_ =	shalt  }
0x68: {  	_ =	shalt  }
0x69: {  	_ =	shalt  }
0x6a: {  	_ =	shalt  }
0x6b: {  	_ =	shalt  }
0x6c: {  	_ =	shalt  }
0x6d: {  	_ =	shalt  }
0x6e: {  	_ =	shalt  }
0x6f: {  	_ =	shalt  }
0x70: {  	_ =	shalt  }
0x71: {  	_ =	shalt  }
0x72: {  	_ =	shalt  }
0x73: {  	_ =	shalt  }
0x74: {  	_ =	shalt  }
0x75: {  	_ =	shalt  }
0x76: {  	_ =	shalt  }
0x77: {  	_ =	shalt  }
0x78: {  	_ =	shalt  }
0x79: {  	_ =	shalt  }
0x7a: {  	_ =	shalt  }
0x7b: {  	_ =	shalt  }
0x7c: {  	_ =	shalt  }
0x7d: {  	_ =	shalt  }
0x7e: {  	_ =	shalt  }
0x7f: {  	_ =	shalt  }
0x80: {  	_ =	shalt  }
0x81: {  	_ =	shalt  }
0x82: {  	_ =	shalt  }
0x83: {  	_ =	shalt  }
0x84: {  	_ =	shalt  }
0x85: {  	_ =	shalt  }
0x86: {  	_ =	shalt  }
0x87: {  	_ =	shalt  }
.Lfunc_end0:
.L_simem_size_0:
called_computation.2_lowered:
.L_overlay_start_0:
0x88: {  	s2 =	sld [smem:$0x3FD9]  }
0x89: {  	s3 =	sld [smem:$0x3FFE];
	_ =	sdelay $0x1  }
0x8a: {  	s1 =	srdreg.scid  }
0x8b: {  	s0 =	sand.u32 $0x1, s1  }
0x8c: {  	s16 =	sshll.u32 s0, $0xA;
	s2 =	sadd.s32 s3, s2  }
0x8d: {  	s2 =	sadd.s32 s2, s16  }
0x8e: {  	[smem:$0x3FB9] =	sst s2  }
0x8f: {  	_ = 	snop  }
0x90: {  	(tm) =	ssettm $0x1  }
0x91: {  	s17 =	sld [smem:$0x3FFB];
	_ =	sdelay $0x3  }
0x92: {  	_ =	strace s17  }
0x93: {  	s2 =	sld [smem:$0x3FFC];
	_ =	sdelay $0x3  }
0x94: {  	_ =	strace s2  }
0x95: {  	s2 =	sld [smem:$0x3FFD];
	_ =	sdelay $0x3  }
0x96: {  	_ =	strace s2  }
0x97: {  	_ =	strace $0x8FFFFFFF  }
0x98: {  	s18 =	sld [smem:$0x3FDB];
	_ =	sdelay $0x1  }
0x99: {  	s19 =	simm.s32 $_scs_section_size  }
0x9a: {  	s4 =	simm.s32 $_size__tile_overlayer_lowered;
	s5 =	simm.s32 $_tile_overlayer_lowered  }
0x9b: {  	s22 =	simm.s32 $0x1BFF;
	s21 =	sshll.u32 s5, $0x1;
	s2 =	sadd.s32 s19, s18  }
0x9c: {  	s6 =	simm.s32 $0x0;
	s20 =	sshll.u32 s4, $0x1;
	s4 =	sadd.s32 s21, s2  }
0x9d: {  	[timem:s6], [sflag:s22] =	dma.local [hbm:s4], s20  }
0x9e: {  	_ =	swait.ge [sflag:s22], s20  }
0x9f: {  	s3 =	ssub.s32 $0x0, s20;
	[sflag:s22] =	ssyncset.done $0x0  }
0xa0: {  	[sflag:s22] =	ssyncadd.s32 s3;
	_ =	sdelay $0x1  }
0xa1: {  	s23 =	simm.s32 $0x1B8B  }
0xa2: {  	_ =	swait.ge [sflag:s23], $0x1  }
0xa3: {  	[sflag:s23] =	ssyncset.done $0x0  }
0xa4: {  	s25 =	simm.s32 $0x1B8E;
	s24 =	sld [smem:$0x3FFE];
	[sflag:s23] =	ssyncadd.s32 $0xFFFFFFFF  }
0xa5: {  	s26 =	simm.s32 $execute0_lowered;
	[smem:$0x3FD2] =	sst s25  }
0xa6: {  	s4 =	sshll.u32 s26, $0x1;
	_ =	strace $0x8000004C;
	[dreg:$0x1] =	wrdreg $0xFFFFFFFF  }
0xa7: {  	s28 =	simm.s32 $_size_execute0_lowered;
	s2 =	sadd.s32 s2, s4;
	[dreg:$0x0] =	wrdreg $0x0  }
0xa8: {  	s4 =	sshll.u32 s28, $0x1;
	[dreg:$0x2] =	wrdreg s2  }
0xa9: {  	[dreg:$0x3] =	wrdreg s4  }
0xaa: {  	[dreg:$0x4] =	wrdreg $0xC0  }
0xab: {  	_ =	task [dreg:s6], $0x5FFFF  }
0xac: {  	[dreg:$0x1] =	wrdreg $0xFFFFFFFF  }
0xad: {  	[dreg:$0x0] =	wrdreg $0x60  }
0xae: {  	[dreg:$0x2] =	wrdreg s24  }
0xaf: {  	[dreg:$0x3] =	wrdreg $0xF8000  }
0xb0: {  	[dreg:$0x4] =	wrdreg $0xD0000  }
0xb1: {  	[dreg:$0x5] =	wrdreg $0x9  }
0xb2: {  	_ =	task.clear_ibuf [dreg:s6], $0x6FFFF;
	_ =	strace $0x9000004C  }
0xb3: {  	s29 =	simm.s32 $0x9;
	_ =	strace $0x8000004E  }
0xb4: {  	_ =	swait.ge [sflag:s29], $0x1  }
0xb5: {  	[sflag:s29] =	ssyncadd.s32 $0xFFFFFFFF  }
0xb6: {  	_ =	strace $0x9000004E  }
0xb7: {  	_ =	sfence  }
0xb8: {  	s30 =	sld [smem:$0x0];
	_ =	sdelay $0x2  }
0xb9: {  	s31 =	sshll.u32 s1, $0xD;
	s1 =	sshrl.u32 s1, $0x2  }
0xba: {  	s3 =	sand.u32 $0x4000, s31;
	s1 =	sadd.s32 s1, s30  }
0xbb: {  	s0 =	sor.u32 s3, s0;
	s1 =	sshll.u32 s1, $0x11  }
0xbc: {  	s0 =	sor.u32 s1, s0  }
0xbd: {  	s0 =	sadd.s32 $0x8F2B, s0  }
0xbe: {  	[sflag:s0] =	ssyncadd.remote.s32 $0x1  }
0xbf: {  	_ =	sfence.sel $0xFFFF  }
0xc0: {  	[dreg:$0x0] =	wrdreg $0xFFFFFFFF;
	(pc) =	sbr.abs _section_cstart, $3  }
0xc1: {  	[dreg:$0x1] =	wrdreg $0xFFFFFFFF  }
0xc2: {  	_ =	task.clear_ibuf [dreg:s6], $0x2FFFF;
	_ =	strace $0x9FFFFFFF  }
0xc3: {  	(tm) =	ssettm $0x7FFFFFFF  }
tec
execute0_lowered:
.L_overlay_start_1:
0x0: {  	(tag) =	ssettag $0x1  }
0x1: {  	s1 =	srdreg.scid;
	s5 =	rddreg [dreg:$0x0]  }
0x2: {  	s0 =	stileid.u32;
	s2 =	rddreg [dreg:$0x1]  }
0x3: {  	s1 =	sand.u32 $0x1, s1;
	s3 =	sshll.u32 s0, $0x1;
	s8 =	smul.u32 $0x2800, s0  }
0x4: {  	s4 =	sor.u32 s1, s3;
	s3 =	rddreg [dreg:$0x2]  }
0x5: {  	s6 =	smul.u32 $0x500, s4;
	s4 =	simm.s32 $0x0;
	s13 =	sadd.s32 s8, s2  }
0x6: {  	[smem:$0x7FF] =	sst s4;
	s14 =	sshrl.u32 s13, $0x3  }
0x7: {  	s15 =	simm.s32 $0x400;
	_ =	strace $0x8000004D;
	[dreg:$0x9] =	wrdreg s14  }
0x8: {  	s16 =	simm.s32 $0x600;
	[dreg:$0xa] =	wrdreg s15  }
0x9: {  	s17 =	simm.s32 $0x800;
	[dreg:$0xb] =	wrdreg s16  }
0xa: {  	s18 =	simm.s32 $0x2A00;
	[dreg:$0xc] =	wrdreg s17  }
0xb: {  	s19 =	simm.s32 $0xA00;
	[dreg:$0xd] =	wrdreg s18  }
0xc: {  	s20 =	simm.s32 $0x2C00;
	[dreg:$0xe] =	wrdreg s19  }
0xd: {  	s21 =	simm.s32 $0xC00;
	[dreg:$0xf] =	wrdreg s20  }
0xe: {  	s22 =	simm.s32 $0x2E00;
	[dreg:$0x10] =	wrdreg s21  }
0xf: {  	s23 =	simm.s32 $0xE00;
	[dreg:$0x11] =	wrdreg s22  }
0x10: {  	s24 =	simm.s32 $0x3000;
	[dreg:$0x12] =	wrdreg s23  }
0x11: {  	s25 =	simm.s32 $0x1000;
	[dreg:$0x13] =	wrdreg s24  }
0x12: {  	s26 =	simm.s32 $0x3200;
	s7 =	sshrl.u32 s8, $0x3;
	[dreg:$0x14] =	wrdreg s25  }
0x13: {  	s7 =	sadd.s32 s7, s5;
	s13 =	simm.s32 $0x1800;
	[dreg:$0x15] =	wrdreg s26  }
0x14: {  	s11 =	sadd.s32 $0x17800, s7;
	[dreg:$0x1c] =	wrdreg s13  }
0x15: {  	s12 =	sadd.s32 $0x1C800, s7;
	[dreg:$0x6] =	wrdreg s11  }
0x16: {  	s7 =	simm.s32 $0x3400;
	[dreg:$0x7] =	wrdreg s12  }
0x17: {  	s14 =	simm.s32 $0x3A00;
	[dreg:$0x17] =	wrdreg s7  }
0x18: {  	s15 =	simm.s32 $0x1A00;
	[dreg:$0x1d] =	wrdreg s14  }
0x19: {  	s16 =	simm.s32 $0x3C00;
	[dreg:$0x1e] =	wrdreg s15  }
0x1a: {  	s9 =	smul.u32 $0x28000, s1;
	s17 =	simm.s32 $0x1C00;
	[dreg:$0x1f] =	wrdreg s16  }
0x1b: {  	s6 =	sadd.s32 s6, s5;
	s19 =	simm.s32 $0x3E00;
	[smem:$0x7FC] =	sst s17  }
0x1c: {  	s9 =	sadd.s32 s8, s9;
	s10 =	sadd.s32 $0x3800, s6;
	[smem:$0x7FD] =	sst s19  }
0x1d: {  	s9 =	sshrl.u32 s9, $0x3;
	s6 =	sadd.s32 $0xD800, s6;
	[dreg:$0x4] =	wrdreg s10  }
0x1e: {  	s5 =	sadd.s32 s9, s5;
	s9 =	simm.s32 $0x1400;
	[dreg:$0x5] =	wrdreg s6  }
0x1f: {  	s11 =	simm.s32 $0x1600;
	[dreg:$0x18] =	wrdreg s9  }
0x20: {  	s12 =	simm.s32 $0x3800;
	[dreg:$0x1a] =	wrdreg s11  }
0x21: {  	s5 =	sadd.s32 $0x21800, s5;
	[dreg:$0x1b] =	wrdreg s12  }
0x22: {  	s6 =	simm.s32 $0x1200;
	[dreg:$0x8] =	wrdreg s5  }
0x23: {  	s10 =	simm.s32 $0x3600;
	[dreg:$0x16] =	wrdreg s6  }
0x24: {  	[dreg:$0x19] =	wrdreg s10  }
0x25: {  	s18 =	rddreg [dreg:$0x4];
	s5 =	simm.s32 $0x5  }
0x26: {  	[tilespmem:s4], [sflag:$0x5] =	stream.linear.gather [hbm4b:s18+s4], $0x2800, $0x38;
	[tilespmem:$0x12000] =	vst v63  }
0x27: {  	_ =	swait.ge [sflag:s5], $0x2800  }
0x28: {  	[sflag:s5] =	ssyncset.done $0x0  }
0x29: {  	s6 =	simm.s32 $0x2800;
	s20 =	rddreg [dreg:$0x5];
	[sflag:s5] =	ssyncadd.s32 $0xFFFFD800  }
0x2a: {  	[tilespmem:s6], [sflag:$0x5] =	stream.linear.gather [hbm4b:s20+s4], $0x2800, $0x38;
	[tilespmem:$0x12000] =	vst v63  }
0x2b: {  	_ =	swait.ge [sflag:s5], $0x2800  }
0x2c: {  	s23 =	sshll.u32 s0, $0x6;
	s21 =	rddreg [dreg:$0x6];
	[sflag:s5] =	ssyncset.done $0x0  }
0x2d: {  	s7 =	sor.u32 $0x1C05, s23;
	s22 =	rddreg [dreg:$0x9];
	[sflag:s5] =	ssyncadd.s32 $0xFFFFD800  }
0x2e: {  	[spmem:s22], [sflag:s7] =	dma.local [hbm:s21], $0x500  }
0x2f: {  	_ =	swait.ge [sflag:s5], $0x500  }
0x30: {  	s8 =	sadd.s32 s8, s3;
	[sflag:s5] =	ssyncset.done $0x0  }
0x31: {  	s8 =	sshrl.u32 s8, $0x3;
	s24 =	rddreg [dreg:$0x7];
	[sflag:s5] =	ssyncadd.s32 $0xFFFFFB00  }
0x32: {  	[spmem:s8], [sflag:s7] =	dma.local [hbm:s24], $0x500  }
0x33: {  	_ =	swait.ge [sflag:s5], $0x500  }
0x34: {  	[sflag:s5] =	ssyncset.done $0x0  }
0x35: {  	[sflag:s5] =	ssyncadd.s32 $0xFFFFFB00  }
0x36: {  	s9 =	simm.s32 $0x200;
	s10 =	simm.s32 $0x5000;
	[bflag:$0x0] =	sbarrier.arrive $0xFFFF  }
0x37: {  	[tilespmem:s10], [sflag:$0x1] =	stream.indirect.gather [spmem:s2], $0x10, s4, s9, $0xb8;
	[tilespmem:$0x12000] =	vst v63  }
0x38: {  	s11 =	simm.s32 $0x7000  }
0x39: {  	[tilespmem:s11], [sflag:$0x2] =	stream.indirect.gather [spmem:s2], $0x10, s9, s9, $0xb8;
	[tilespmem:$0x12000] =	vst v63  }
0x3a: {  	s12 =	simm.s32 $0x9000;
	s13 =	rddreg [dreg:$0xa]  }
0x3b: {  	[tilespmem:s12], [sflag:$0x3] =	stream.indirect.gather [spmem:s2], $0x10, s13, s9, $0xb8;
	[tilespmem:$0x12000] =	vst v63  }
0x3c: {  	s14 =	simm.s32 $0x1;
	s15 =	rddreg [dreg:$0xb];
	s13 =	simm.s32 $0xB000  }
0x3d: {  	[tilespmem:s13], [sflag:$0x4] =	stream.indirect.gather [spmem:s2], $0x10, s15, s9, $0xb8;
	[tilespmem:$0x12000] =	vst v63  }
0x3e: {  	_ =	swait.ge [sflag:s14], $0x2000  }
0x3f: {  	[sflag:s14] =	ssyncset.done $0x0  }
0x40: {  	[sflag:s14] =	ssyncadd.s32 $0xFFFFE000  }
0x41: {  	[spmem:s3] =	stream.indirect.scatter.add.f32 [tilespmem:s10], [sflag:$0x5], $0x10, s6, s9, $0xb8;
	[tilespmem:$0x12000] =	vst v63  }
0x42: {  	_ =	swait.ge [sflag:s5], $0x2000  }
0x43: {  	[sflag:s5] =	ssyncset.done $0x0  }
0x44: {  	s15 =	simm.s32 $0x2;
	s16 =	rddreg [dreg:$0xc];
	[sflag:s5] =	ssyncadd.s32 $0xFFFFE000  }
0x45: {  	[tilespmem:s10], [sflag:$0x1] =	stream.indirect.gather [spmem:s2], $0x10, s16, s9, $0xb8;
	[tilespmem:$0x12000] =	vst v63  }
0x46: {  	_ =	swait.ge [sflag:s15], $0x2000  }
0x47: {  	[sflag:s15] =	ssyncset.done $0x0  }
0x48: {  	s25 =	rddreg [dreg:$0xd];
	[sflag:s15] =	ssyncadd.s32 $0xFFFFE000  }
0x49: {  	[spmem:s3] =	stream.indirect.scatter.add.f32 [tilespmem:s11], [sflag:$0x5], $0x10, s25, s9, $0xb8;
	[tilespmem:$0x12000] =	vst v63  }
0x4a: {  	_ =	swait.ge [sflag:s5], $0x2000  }
0x4b: {  	[sflag:s5] =	ssyncset.done $0x0  }
0x4c: {  	s16 =	simm.s32 $0x3;
	s17 =	rddreg [dreg:$0xe];
	[sflag:s5] =	ssyncadd.s32 $0xFFFFE000  }
0x4d: {  	[tilespmem:s11], [sflag:$0x2] =	stream.indirect.gather [spmem:s2], $0x10, s17, s9, $0xb8;
	[tilespmem:$0x12000] =	vst v63  }
0x4e: {  	_ =	swait.ge [sflag:s16], $0x2000  }
0x4f: {  	[sflag:s16] =	ssyncset.done $0x0  }
0x50: {  	s26 =	rddreg [dreg:$0xf];
	[sflag:s16] =	ssyncadd.s32 $0xFFFFE000  }
0x51: {  	[spmem:s3] =	stream.indirect.scatter.add.f32 [tilespmem:s12], [sflag:$0x5], $0x10, s26, s9, $0xb8;
	[tilespmem:$0x12000] =	vst v63  }
0x52: {  	_ =	swait.ge [sflag:s5], $0x2000  }
0x53: {  	[sflag:s5] =	ssyncset.done $0x0  }
0x54: {  	s17 =	simm.s32 $0x4;
	s18 =	rddreg [dreg:$0x10];
	[sflag:s5] =	ssyncadd.s32 $0xFFFFE000  }
0x55: {  	[tilespmem:s12], [sflag:$0x3] =	stream.indirect.gather [spmem:s2], $0x10, s18, s9, $0xb8;
	[tilespmem:$0x12000] =	vst v63  }
0x56: {  	_ =	swait.ge [sflag:s17], $0x2000  }
0x57: {  	[sflag:s17] =	ssyncset.done $0x0  }
0x58: {  	s0 =	rddreg [dreg:$0x11];
	[sflag:s17] =	ssyncadd.s32 $0xFFFFE000  }
0x59: {  	[spmem:s3] =	stream.indirect.scatter.add.f32 [tilespmem:s13], [sflag:$0x5], $0x10, s0, s9, $0xb8;
	[tilespmem:$0x12000] =	vst v63  }
0x5a: {  	_ =	swait.ge [sflag:s5], $0x2000  }
0x5b: {  	[sflag:s5] =	ssyncset.done $0x0  }
0x5c: {  	s19 =	rddreg [dreg:$0x12];
	[sflag:s5] =	ssyncadd.s32 $0xFFFFE000  }
0x5d: {  	[tilespmem:s13], [sflag:$0x4] =	stream.indirect.gather [spmem:s2], $0x10, s19, s9, $0xb8;
	[tilespmem:$0x12000] =	vst v63  }
0x5e: {  	_ =	swait.ge [sflag:s14], $0x2000  }
0x5f: {  	[sflag:s14] =	ssyncset.done $0x0  }
0x60: {  	s20 =	rddreg [dreg:$0x13];
	[sflag:s14] =	ssyncadd.s32 $0xFFFFE000  }
0x61: {  	[spmem:s3] =	stream.indirect.scatter.add.f32 [tilespmem:s10], [sflag:$0x5], $0x10, s20, s9, $0xb8;
	[tilespmem:$0x12000] =	vst v63  }
0x62: {  	_ =	swait.ge [sflag:s5], $0x2000  }
0x63: {  	[sflag:s5] =	ssyncset.done $0x0  }
0x64: {  	s21 =	rddreg [dreg:$0x14];
	[sflag:s5] =	ssyncadd.s32 $0xFFFFE000  }
0x65: {  	[tilespmem:s10], [sflag:$0x1] =	stream.indirect.gather [spmem:s2], $0x10, s21, s9, $0xb8;
	[tilespmem:$0x12000] =	vst v63  }
0x66: {  	_ =	swait.ge [sflag:s15], $0x2000  }
0x67: {  	[sflag:s15] =	ssyncset.done $0x0  }
0x68: {  	s22 =	rddreg [dreg:$0x15];
	[sflag:s15] =	ssyncadd.s32 $0xFFFFE000  }
0x69: {  	[spmem:s3] =	stream.indirect.scatter.add.f32 [tilespmem:s11], [sflag:$0x5], $0x10, s22, s9, $0xb8;
	[tilespmem:$0x12000] =	vst v63  }
0x6a: {  	_ =	swait.ge [sflag:s5], $0x2000  }
0x6b: {  	[sflag:s5] =	ssyncset.done $0x0  }
0x6c: {  	s23 =	rddreg [dreg:$0x16];
	[sflag:s5] =	ssyncadd.s32 $0xFFFFE000  }
0x6d: {  	[tilespmem:s11], [sflag:$0x2] =	stream.indirect.gather [spmem:s2], $0x10, s23, s9, $0xb8;
	[tilespmem:$0x12000] =	vst v63  }
0x6e: {  	_ =	swait.ge [sflag:s16], $0x2000  }
0x6f: {  	[sflag:s16] =	ssyncset.done $0x0  }
0x70: {  	s24 =	rddreg [dreg:$0x17];
	[sflag:s16] =	ssyncadd.s32 $0xFFFFE000  }
0x71: {  	[spmem:s3] =	stream.indirect.scatter.add.f32 [tilespmem:s12], [sflag:$0x5], $0x10, s24, s9, $0xb8;
	[tilespmem:$0x12000] =	vst v63  }
0x72: {  	_ =	swait.ge [sflag:s5], $0x2000  }
0x73: {  	[sflag:s5] =	ssyncset.done $0x0  }
0x74: {  	s25 =	rddreg [dreg:$0x18];
	[sflag:s5] =	ssyncadd.s32 $0xFFFFE000  }
0x75: {  	[tilespmem:s12], [sflag:$0x3] =	stream.indirect.gather [spmem:s2], $0x10, s25, s9, $0xb8;
	[tilespmem:$0x12000] =	vst v63  }
0x76: {  	_ =	swait.ge [sflag:s17], $0x2000  }
0x77: {  	[sflag:s17] =	ssyncset.done $0x0  }
0x78: {  	s26 =	rddreg [dreg:$0x19];
	[sflag:s17] =	ssyncadd.s32 $0xFFFFE000  }
0x79: {  	[spmem:s3] =	stream.indirect.scatter.add.f32 [tilespmem:s13], [sflag:$0x5], $0x10, s26, s9, $0xb8;
	[tilespmem:$0x12000] =	vst v63  }
0x7a: {  	_ =	swait.ge [sflag:s5], $0x2000  }
0x7b: {  	[sflag:s5] =	ssyncset.done $0x0  }
0x7c: {  	s0 =	rddreg [dreg:$0x1a];
	[sflag:s5] =	ssyncadd.s32 $0xFFFFE000  }
0x7d: {  	[tilespmem:s13], [sflag:$0x4] =	stream.indirect.gather [spmem:s2], $0x10, s0, s9, $0xb8;
	[tilespmem:$0x12000] =	vst v63  }
0x7e: {  	_ =	swait.ge [sflag:s14], $0x2000  }
0x7f: {  	[sflag:s14] =	ssyncset.done $0x0  }
0x80: {  	s19 =	rddreg [dreg:$0x1b];
	[sflag:s14] =	ssyncadd.s32 $0xFFFFE000  }
0x81: {  	[spmem:s3] =	stream.indirect.scatter.add.f32 [tilespmem:s10], [sflag:$0x5], $0x10, s19, s9, $0xb8;
	[tilespmem:$0x12000] =	vst v63  }
0x82: {  	_ =	swait.ge [sflag:s5], $0x2000  }
0x83: {  	[sflag:s5] =	ssyncset.done $0x0  }
0x84: {  	s20 =	rddreg [dreg:$0x1c];
	[sflag:s5] =	ssyncadd.s32 $0xFFFFE000  }
0x85: {  	[tilespmem:s10], [sflag:$0x1] =	stream.indirect.gather [spmem:s2], $0x10, s20, s9, $0xb8;
	[tilespmem:$0x12000] =	vst v63  }
0x86: {  	_ =	swait.ge [sflag:s15], $0x2000  }
0x87: {  	[sflag:s15] =	ssyncset.done $0x0  }
0x88: {  	s21 =	rddreg [dreg:$0x1d];
	[sflag:s15] =	ssyncadd.s32 $0xFFFFE000  }
0x89: {  	[spmem:s3] =	stream.indirect.scatter.add.f32 [tilespmem:s11], [sflag:$0x5], $0x10, s21, s9, $0xb8;
	[tilespmem:$0x12000] =	vst v63  }
0x8a: {  	_ =	swait.ge [sflag:s5], $0x2000  }
0x8b: {  	[sflag:s5] =	ssyncset.done $0x0  }
0x8c: {  	s22 =	rddreg [dreg:$0x1e];
	[sflag:s5] =	ssyncadd.s32 $0xFFFFE000  }
0x8d: {  	[tilespmem:s11], [sflag:$0x2] =	stream.indirect.gather [spmem:s2], $0x10, s22, s9, $0xb8;
	[tilespmem:$0x12000] =	vst v63  }
0x8e: {  	_ =	swait.ge [sflag:s16], $0x2000  }
0x8f: {  	[sflag:s16] =	ssyncset.done $0x0  }
0x90: {  	s23 =	rddreg [dreg:$0x1f];
	[sflag:s16] =	ssyncadd.s32 $0xFFFFE000  }
0x91: {  	[spmem:s3] =	stream.indirect.scatter.add.f32 [tilespmem:s12], [sflag:$0x5], $0x10, s23, s9, $0xb8;
	[tilespmem:$0x12000] =	vst v63  }
0x92: {  	_ =	swait.ge [sflag:s5], $0x2000  }
0x93: {  	s24 =	sld [smem:$0x7FC]  }
0x94: {  	[sflag:s5] =	ssyncset.done $0x0  }
0x95: {  	[sflag:s5] =	ssyncadd.s32 $0xFFFFE000  }
0x96: {  	[tilespmem:s12], [sflag:$0x3] =	stream.indirect.gather [spmem:s2], $0x10, s24, s9, $0xb8;
	[tilespmem:$0x12000] =	vst v63  }
0x97: {  	_ =	swait.ge [sflag:s17], $0x2000  }
0x98: {  	s25 =	sld [smem:$0x7FD]  }
0x99: {  	[sflag:s17] =	ssyncset.done $0x0  }
0x9a: {  	[sflag:s17] =	ssyncadd.s32 $0xFFFFE000  }
0x9b: {  	[spmem:s3] =	stream.indirect.scatter.add.f32 [tilespmem:s13], [sflag:$0x5], $0x10, s25, s9, $0xb8;
	[tilespmem:$0x12000] =	vst v63  }
0x9c: {  	_ =	swait.ge [sflag:s5], $0x2000  }
0x9d: {  	[sflag:s5] =	ssyncset.done $0x0  }
0x9e: {  	s26 =	simm.s32 $0x1E00;
	[sflag:s5] =	ssyncadd.s32 $0xFFFFE000  }
0x9f: {  	[tilespmem:s13], [sflag:$0x4] =	stream.indirect.gather [spmem:s2], $0x10, s26, s9, $0xb8;
	[tilespmem:$0x12000] =	vst v63  }
0xa0: {  	_ =	swait.ge [sflag:s14], $0x2000  }
0xa1: {  	[sflag:s14] =	ssyncset.done $0x0  }
0xa2: {  	s19 =	simm.s32 $0x4000;
	[sflag:s14] =	ssyncadd.s32 $0xFFFFE000  }
0xa3: {  	[spmem:s3] =	stream.indirect.scatter.add.f32 [tilespmem:s10], [sflag:$0x5], $0x10, s19, s9, $0xb8;
	[tilespmem:$0x12000] =	vst v63  }
0xa4: {  	_ =	swait.ge [sflag:s5], $0x2000  }
0xa5: {  	[sflag:s5] =	ssyncset.done $0x0  }
0xa6: {  	s20 =	simm.s32 $0x2000;
	[sflag:s5] =	ssyncadd.s32 $0xFFFFE000  }
0xa7: {  	[tilespmem:s10], [sflag:$0x1] =	stream.indirect.gather [spmem:s2], $0x10, s20, s9, $0xb8;
	[tilespmem:$0x12000] =	vst v63  }
0xa8: {  	_ =	swait.ge [sflag:s15], $0x2000  }
0xa9: {  	[sflag:s15] =	ssyncset.done $0x0  }
0xaa: {  	s21 =	simm.s32 $0x4200;
	[sflag:s15] =	ssyncadd.s32 $0xFFFFE000  }
0xab: {  	[spmem:s3] =	stream.indirect.scatter.add.f32 [tilespmem:s11], [sflag:$0x5], $0x10, s21, s9, $0xb8;
	[tilespmem:$0x12000] =	vst v63  }
0xac: {  	_ =	swait.ge [sflag:s5], $0x2000  }
0xad: {  	[sflag:s5] =	ssyncset.done $0x0  }
0xae: {  	s22 =	simm.s32 $0x2200;
	[sflag:s5] =	ssyncadd.s32 $0xFFFFE000  }
0xaf: {  	[tilespmem:s11], [sflag:$0x2] =	stream.indirect.gather [spmem:s2], $0x10, s22, s9, $0xb8;
	[tilespmem:$0x12000] =	vst v63  }
0xb0: {  	_ =	swait.ge [sflag:s16], $0x2000  }
0xb1: {  	[sflag:s16] =	ssyncset.done $0x0  }
0xb2: {  	s23 =	simm.s32 $0x4400;
	[sflag:s16] =	ssyncadd.s32 $0xFFFFE000  }
0xb3: {  	[spmem:s3] =	stream.indirect.scatter.add.f32 [tilespmem:s12], [sflag:$0x5], $0x10, s23, s9, $0xb8;
	[tilespmem:$0x12000] =	vst v63  }
0xb4: {  	_ =	swait.ge [sflag:s5], $0x2000  }
0xb5: {  	[sflag:s5] =	ssyncset.done $0x0  }
0xb6: {  	s24 =	simm.s32 $0x2400;
	[sflag:s5] =	ssyncadd.s32 $0xFFFFE000  }
0xb7: {  	[tilespmem:s12], [sflag:$0x3] =	stream.indirect.gather [spmem:s2], $0x10, s24, s9, $0xb8;
	[tilespmem:$0x12000] =	vst v63  }
0xb8: {  	_ =	swait.ge [sflag:s17], $0x2000  }
0xb9: {  	[sflag:s17] =	ssyncset.done $0x0  }
0xba: {  	s25 =	simm.s32 $0x4600;
	[sflag:s17] =	ssyncadd.s32 $0xFFFFE000  }
0xbb: {  	[spmem:s3] =	stream.indirect.scatter.add.f32 [tilespmem:s13], [sflag:$0x5], $0x10, s25, s9, $0xb8;
	[tilespmem:$0x12000] =	vst v63  }
0xbc: {  	_ =	swait.ge [sflag:s5], $0x2000  }
0xbd: {  	[sflag:s5] =	ssyncset.done $0x0  }
0xbe: {  	s26 =	simm.s32 $0x2600;
	[sflag:s5] =	ssyncadd.s32 $0xFFFFE000  }
0xbf: {  	[tilespmem:s13], [sflag:$0x4] =	stream.indirect.gather [spmem:s2], $0x10, s26, s9, $0xb8;
	[tilespmem:$0x12000] =	vst v63  }
0xc0: {  	_ =	swait.ge [sflag:s14], $0x2000  }
0xc1: {  	[sflag:s14] =	ssyncset.done $0x0  }
0xc2: {  	s28 =	simm.s32 $0x4800;
	[sflag:s14] =	ssyncadd.s32 $0xFFFFE000  }
0xc3: {  	[spmem:s3] =	stream.indirect.scatter.add.f32 [tilespmem:s10], [sflag:$0x5], $0x10, s28, s9, $0xb8;
	[tilespmem:$0x12000] =	vst v63  }
0xc4: {  	_ =	swait.ge [sflag:s5], $0x2000  }
0xc5: {  	[sflag:s5] =	ssyncset.done $0x0  }
0xc6: {  	[sflag:s5] =	ssyncadd.s32 $0xFFFFE000  }
0xc7: {  	_ =	swait.ge [sflag:s15], $0x2000  }
0xc8: {  	[sflag:s15] =	ssyncset.done $0x0  }
0xc9: {  	s29 =	simm.s32 $0x4A00;
	[sflag:s15] =	ssyncadd.s32 $0xFFFFE000  }
0xca: {  	[spmem:s3] =	stream.indirect.scatter.add.f32 [tilespmem:s11], [sflag:$0x5], $0x10, s29, s9, $0xb8;
	[tilespmem:$0x12000] =	vst v63  }
0xcb: {  	_ =	swait.ge [sflag:s5], $0x2000  }
0xcc: {  	[sflag:s5] =	ssyncset.done $0x0  }
0xcd: {  	[sflag:s5] =	ssyncadd.s32 $0xFFFFE000  }
0xce: {  	_ =	swait.ge [sflag:s16], $0x2000  }
0xcf: {  	[sflag:s16] =	ssyncset.done $0x0  }
0xd0: {  	s30 =	simm.s32 $0x4C00;
	[sflag:s16] =	ssyncadd.s32 $0xFFFFE000  }
0xd1: {  	[spmem:s3] =	stream.indirect.scatter.add.f32 [tilespmem:s12], [sflag:$0x5], $0x10, s30, s9, $0xb8;
	[tilespmem:$0x12000] =	vst v63  }
0xd2: {  	_ =	swait.ge [sflag:s5], $0x2000  }
0xd3: {  	[sflag:s5] =	ssyncset.done $0x0  }
0xd4: {  	s1 =	ssub.s32 $0x2, s1;
	[sflag:s5] =	ssyncadd.s32 $0xFFFFE000  }
0xd5: {  	s0 =	sshrl.u32 s1, $0x1;
	_ =	swait.ge [sflag:s17], $0x2000  }
0xd6: {  	s0 =	ssub.s32 s1, s0;
	[sflag:s17] =	ssyncset.done $0x0  }
0xd7: {  	s31 =	simm.s32 $0x4E00;
	s0 =	smax.u32 s0, $0x1;
	[sflag:s17] =	ssyncadd.s32 $0xFFFFE000  }
0xd8: {  	[spmem:s3] =	stream.indirect.scatter.add.f32 [tilespmem:s13], [sflag:$0x5], $0x10, s31, s9, $0xb8;
	[tilespmem:$0x12000] =	vst v63  }
0xd9: {  	p0 =	sne.s32 s0, $0x1;
	_ =	swait.ge [sflag:s5], $0x2000  }
.Ltmp0:
0xda: {  	[sflag:s5] =	ssyncset.done $0x0;
	(pc) =	sbr.rel @!p0 .LBB2_2-.Ltmp0, $4  }
0xdb: {  	[sflag:s5] =	ssyncadd.s32 $0xFFFFE000  }
0xdc: {  	[bflag:$0x0] =	sbarrier.arrive $0xFFFF  }
0xdd: {  	s1 =	sadd.s32 $0xFFFFFFFF, s0;
	s18 =	rddreg [dreg:$0x8]  }
0xde: {  	[hbm:s18], [sflag:s7] =	dma.local [spmem:s8], $0x500  }
.LBB2_1:
0xdf: {  	_ =	swait.ge [sflag:s5], $0x500  }
0xe0: {  	[sflag:s5] =	ssyncset.done $0x0  }
0xe1: {  	s0 =	rddreg [dreg:$0x4];
	[sflag:s5] =	ssyncadd.s32 $0xFFFFFB00  }
0xe2: {  	[tilespmem:s4], [sflag:$0x5] =	stream.linear.gather [hbm4b:s0+s4], $0x2800, $0x38;
	[tilespmem:$0x12000] =	vst v63  }
0xe3: {  	_ =	swait.ge [sflag:s5], $0x2800  }
0xe4: {  	[sflag:s5] =	ssyncset.done $0x0  }
0xe5: {  	s18 =	rddreg [dreg:$0x5];
	[sflag:s5] =	ssyncadd.s32 $0xFFFFD800  }
0xe6: {  	[tilespmem:s6], [sflag:$0x5] =	stream.linear.gather [hbm4b:s18+s4], $0x2800, $0x38;
	[tilespmem:$0x12000] =	vst v63  }
0xe7: {  	_ =	swait.ge [sflag:s5], $0x2800  }
0xe8: {  	[sflag:s5] =	ssyncset.done $0x0;
	s0 =	rddreg [dreg:$0x6]  }
0xe9: {  	s18 =	rddreg [dreg:$0x9];
	[sflag:s5] =	ssyncadd.s32 $0xFFFFD800  }
0xea: {  	[spmem:s18], [sflag:s7] =	dma.local [hbm:s0], $0x500  }
0xeb: {  	_ =	swait.ge [sflag:s5], $0x500  }
0xec: {  	[sflag:s5] =	ssyncset.done $0x0  }
0xed: {  	s18 =	rddreg [dreg:$0x7];
	[sflag:s5] =	ssyncadd.s32 $0xFFFFFB00  }
0xee: {  	[spmem:s8], [sflag:s7] =	dma.local [hbm:s18], $0x500  }
0xef: {  	_ =	swait.ge [sflag:s5], $0x500  }
0xf0: {  	[sflag:s5] =	ssyncset.done $0x0  }
0xf1: {  	[sflag:s5] =	ssyncadd.s32 $0xFFFFFB00  }
0xf2: {  	[bflag:$0x0] =	sbarrier.arrive $0xFFFF  }
0xf3: {  	[tilespmem:s10], [sflag:$0x1] =	stream.indirect.gather [spmem:s2], $0x10, s4, s9, $0xb8;
	[tilespmem:$0x12000] =	vst v63  }
0xf4: {  	_ = 	snop  }
0xf5: {  	[tilespmem:s11], [sflag:$0x2] =	stream.indirect.gather [spmem:s2], $0x10, s9, s9, $0xb8;
	[tilespmem:$0x12000] =	vst v63  }
0xf6: {  	s0 =	rddreg [dreg:$0xa]  }
0xf7: {  	[tilespmem:s12], [sflag:$0x3] =	stream.indirect.gather [spmem:s2], $0x10, s0, s9, $0xb8;
	[tilespmem:$0x12000] =	vst v63  }
0xf8: {  	s18 =	rddreg [dreg:$0xb]  }
0xf9: {  	[tilespmem:s13], [sflag:$0x4] =	stream.indirect.gather [spmem:s2], $0x10, s18, s9, $0xb8;
	[tilespmem:$0x12000] =	vst v63  }
0xfa: {  	_ =	swait.ge [sflag:s14], $0x2000  }
0xfb: {  	[sflag:s14] =	ssyncset.done $0x0  }
0xfc: {  	[sflag:s14] =	ssyncadd.s32 $0xFFFFE000  }
0xfd: {  	[spmem:s3] =	stream.indirect.scatter.add.f32 [tilespmem:s10], [sflag:$0x5], $0x10, s6, s9, $0xb8;
	[tilespmem:$0x12000] =	vst v63  }
0xfe: {  	_ =	swait.ge [sflag:s5], $0x2000  }
0xff: {  	[sflag:s5] =	ssyncset.done $0x0  }
0x100: {  	s18 =	rddreg [dreg:$0xc];
	[sflag:s5] =	ssyncadd.s32 $0xFFFFE000  }
0x101: {  	[tilespmem:s10], [sflag:$0x1] =	stream.indirect.gather [spmem:s2], $0x10, s18, s9, $0xb8;
	[tilespmem:$0x12000] =	vst v63  }
0x102: {  	_ =	swait.ge [sflag:s15], $0x2000  }
0x103: {  	[sflag:s15] =	ssyncset.done $0x0  }
0x104: {  	s18 =	rddreg [dreg:$0xd];
	[sflag:s15] =	ssyncadd.s32 $0xFFFFE000  }
0x105: {  	[spmem:s3] =	stream.indirect.scatter.add.f32 [tilespmem:s11], [sflag:$0x5], $0x10, s18, s9, $0xb8;
	[tilespmem:$0x12000] =	vst v63  }
0x106: {  	_ =	swait.ge [sflag:s5], $0x2000  }
0x107: {  	[sflag:s5] =	ssyncset.done $0x0  }
0x108: {  	s18 =	rddreg [dreg:$0xe];
	[sflag:s5] =	ssyncadd.s32 $0xFFFFE000  }
0x109: {  	[tilespmem:s11], [sflag:$0x2] =	stream.indirect.gather [spmem:s2], $0x10, s18, s9, $0xb8;
	[tilespmem:$0x12000] =	vst v63  }
0x10a: {  	_ =	swait.ge [sflag:s16], $0x2000  }
0x10b: {  	[sflag:s16] =	ssyncset.done $0x0  }
0x10c: {  	s18 =	rddreg [dreg:$0xf];
	[sflag:s16] =	ssyncadd.s32 $0xFFFFE000  }
0x10d: {  	[spmem:s3] =	stream.indirect.scatter.add.f32 [tilespmem:s12], [sflag:$0x5], $0x10, s18, s9, $0xb8;
	[tilespmem:$0x12000] =	vst v63  }
0x10e: {  	_ =	swait.ge [sflag:s5], $0x2000  }
0x10f: {  	[sflag:s5] =	ssyncset.done $0x0  }
0x110: {  	s18 =	rddreg [dreg:$0x10];
	[sflag:s5] =	ssyncadd.s32 $0xFFFFE000  }
0x111: {  	[tilespmem:s12], [sflag:$0x3] =	stream.indirect.gather [spmem:s2], $0x10, s18, s9, $0xb8;
	[tilespmem:$0x12000] =	vst v63  }
0x112: {  	_ =	swait.ge [sflag:s17], $0x2000  }
0x113: {  	[sflag:s17] =	ssyncset.done $0x0  }
0x114: {  	s18 =	rddreg [dreg:$0x11];
	[sflag:s17] =	ssyncadd.s32 $0xFFFFE000  }
0x115: {  	[spmem:s3] =	stream.indirect.scatter.add.f32 [tilespmem:s13], [sflag:$0x5], $0x10, s18, s9, $0xb8;
	[tilespmem:$0x12000] =	vst v63  }
0x116: {  	_ =	swait.ge [sflag:s5], $0x2000  }
0x117: {  	[sflag:s5] =	ssyncset.done $0x0  }
0x118: {  	s18 =	rddreg [dreg:$0x12];
	[sflag:s5] =	ssyncadd.s32 $0xFFFFE000  }
0x119: {  	[tilespmem:s13], [sflag:$0x4] =	stream.indirect.gather [spmem:s2], $0x10, s18, s9, $0xb8;
	[tilespmem:$0x12000] =	vst v63  }
0x11a: {  	_ =	swait.ge [sflag:s14], $0x2000  }
0x11b: {  	[sflag:s14] =	ssyncset.done $0x0  }
0x11c: {  	s18 =	rddreg [dreg:$0x13];
	[sflag:s14] =	ssyncadd.s32 $0xFFFFE000  }
0x11d: {  	[spmem:s3] =	stream.indirect.scatter.add.f32 [tilespmem:s10], [sflag:$0x5], $0x10, s18, s9, $0xb8;
	[tilespmem:$0x12000] =	vst v63  }
0x11e: {  	_ =	swait.ge [sflag:s5], $0x2000  }
0x11f: {  	[sflag:s5] =	ssyncset.done $0x0  }
0x120: {  	s18 =	rddreg [dreg:$0x14];
	[sflag:s5] =	ssyncadd.s32 $0xFFFFE000  }
0x121: {  	[tilespmem:s10], [sflag:$0x1] =	stream.indirect.gather [spmem:s2], $0x10, s18, s9, $0xb8;
	[tilespmem:$0x12000] =	vst v63  }
0x122: {  	_ =	swait.ge [sflag:s15], $0x2000  }
0x123: {  	[sflag:s15] =	ssyncset.done $0x0  }
0x124: {  	s18 =	rddreg [dreg:$0x15];
	[sflag:s15] =	ssyncadd.s32 $0xFFFFE000  }
0x125: {  	[spmem:s3] =	stream.indirect.scatter.add.f32 [tilespmem:s11], [sflag:$0x5], $0x10, s18, s9, $0xb8;
	[tilespmem:$0x12000] =	vst v63  }
0x126: {  	_ =	swait.ge [sflag:s5], $0x2000  }
0x127: {  	[sflag:s5] =	ssyncset.done $0x0  }
0x128: {  	s18 =	rddreg [dreg:$0x16];
	[sflag:s5] =	ssyncadd.s32 $0xFFFFE000  }
0x129: {  	[tilespmem:s11], [sflag:$0x2] =	stream.indirect.gather [spmem:s2], $0x10, s18, s9, $0xb8;
	[tilespmem:$0x12000] =	vst v63  }
0x12a: {  	_ =	swait.ge [sflag:s16], $0x2000  }
0x12b: {  	[sflag:s16] =	ssyncset.done $0x0  }
0x12c: {  	s18 =	rddreg [dreg:$0x17];
	[sflag:s16] =	ssyncadd.s32 $0xFFFFE000  }
0x12d: {  	[spmem:s3] =	stream.indirect.scatter.add.f32 [tilespmem:s12], [sflag:$0x5], $0x10, s18, s9, $0xb8;
	[tilespmem:$0x12000] =	vst v63  }
0x12e: {  	_ =	swait.ge [sflag:s5], $0x2000  }
0x12f: {  	[sflag:s5] =	ssyncset.done $0x0  }
0x130: {  	s18 =	rddreg [dreg:$0x18];
	[sflag:s5] =	ssyncadd.s32 $0xFFFFE000  }
0x131: {  	[tilespmem:s12], [sflag:$0x3] =	stream.indirect.gather [spmem:s2], $0x10, s18, s9, $0xb8;
	[tilespmem:$0x12000] =	vst v63  }
0x132: {  	_ =	swait.ge [sflag:s17], $0x2000  }
0x133: {  	[sflag:s17] =	ssyncset.done $0x0  }
0x134: {  	s18 =	rddreg [dreg:$0x19];
	[sflag:s17] =	ssyncadd.s32 $0xFFFFE000  }
0x135: {  	[spmem:s3] =	stream.indirect.scatter.add.f32 [tilespmem:s13], [sflag:$0x5], $0x10, s18, s9, $0xb8;
	[tilespmem:$0x12000] =	vst v63  }
0x136: {  	_ =	swait.ge [sflag:s5], $0x2000  }
0x137: {  	[sflag:s5] =	ssyncset.done $0x0  }
0x138: {  	s18 =	rddreg [dreg:$0x1a];
	[sflag:s5] =	ssyncadd.s32 $0xFFFFE000  }
0x139: {  	[tilespmem:s13], [sflag:$0x4] =	stream.indirect.gather [spmem:s2], $0x10, s18, s9, $0xb8;
	[tilespmem:$0x12000] =	vst v63  }
0x13a: {  	_ =	swait.ge [sflag:s14], $0x2000  }
0x13b: {  	[sflag:s14] =	ssyncset.done $0x0  }
0x13c: {  	s18 =	rddreg [dreg:$0x1b];
	[sflag:s14] =	ssyncadd.s32 $0xFFFFE000  }
0x13d: {  	[spmem:s3] =	stream.indirect.scatter.add.f32 [tilespmem:s10], [sflag:$0x5], $0x10, s18, s9, $0xb8;
	[tilespmem:$0x12000] =	vst v63  }
0x13e: {  	_ =	swait.ge [sflag:s5], $0x2000  }
0x13f: {  	[sflag:s5] =	ssyncset.done $0x0  }
0x140: {  	s18 =	rddreg [dreg:$0x1c];
	[sflag:s5] =	ssyncadd.s32 $0xFFFFE000  }
0x141: {  	[tilespmem:s10], [sflag:$0x1] =	stream.indirect.gather [spmem:s2], $0x10, s18, s9, $0xb8;
	[tilespmem:$0x12000] =	vst v63  }
0x142: {  	_ =	swait.ge [sflag:s15], $0x2000  }
0x143: {  	[sflag:s15] =	ssyncset.done $0x0  }
0x144: {  	s18 =	rddreg [dreg:$0x1d];
	[sflag:s15] =	ssyncadd.s32 $0xFFFFE000  }
0x145: {  	[spmem:s3] =	stream.indirect.scatter.add.f32 [tilespmem:s11], [sflag:$0x5], $0x10, s18, s9, $0xb8;
	[tilespmem:$0x12000] =	vst v63  }
0x146: {  	_ =	swait.ge [sflag:s5], $0x2000  }
0x147: {  	[sflag:s5] =	ssyncset.done $0x0  }
0x148: {  	s18 =	rddreg [dreg:$0x1e];
	[sflag:s5] =	ssyncadd.s32 $0xFFFFE000  }
0x149: {  	[tilespmem:s11], [sflag:$0x2] =	stream.indirect.gather [spmem:s2], $0x10, s18, s9, $0xb8;
	[tilespmem:$0x12000] =	vst v63  }
0x14a: {  	_ =	swait.ge [sflag:s16], $0x2000  }
0x14b: {  	[sflag:s16] =	ssyncset.done $0x0  }
0x14c: {  	s18 =	rddreg [dreg:$0x1f];
	[sflag:s16] =	ssyncadd.s32 $0xFFFFE000  }
0x14d: {  	[spmem:s3] =	stream.indirect.scatter.add.f32 [tilespmem:s12], [sflag:$0x5], $0x10, s18, s9, $0xb8;
	[tilespmem:$0x12000] =	vst v63  }
0x14e: {  	_ =	swait.ge [sflag:s5], $0x2000  }
0x14f: {  	s18 =	sld [smem:$0x7FC]  }
0x150: {  	[sflag:s5] =	ssyncset.done $0x0  }
0x151: {  	[sflag:s5] =	ssyncadd.s32 $0xFFFFE000  }
0x152: {  	[tilespmem:s12], [sflag:$0x3] =	stream.indirect.gather [spmem:s2], $0x10, s18, s9, $0xb8;
	[tilespmem:$0x12000] =	vst v63  }
0x153: {  	_ =	swait.ge [sflag:s17], $0x2000  }
0x154: {  	s18 =	sld [smem:$0x7FD]  }
0x155: {  	[sflag:s17] =	ssyncset.done $0x0  }
0x156: {  	[sflag:s17] =	ssyncadd.s32 $0xFFFFE000  }
0x157: {  	[spmem:s3] =	stream.indirect.scatter.add.f32 [tilespmem:s13], [sflag:$0x5], $0x10, s18, s9, $0xb8;
	[tilespmem:$0x12000] =	vst v63  }
0x158: {  	_ =	swait.ge [sflag:s5], $0x2000  }
0x159: {  	[sflag:s5] =	ssyncset.done $0x0  }
0x15a: {  	s18 =	simm.s32 $0x1E00;
	[sflag:s5] =	ssyncadd.s32 $0xFFFFE000  }
0x15b: {  	[tilespmem:s13], [sflag:$0x4] =	stream.indirect.gather [spmem:s2], $0x10, s18, s9, $0xb8;
	[tilespmem:$0x12000] =	vst v63  }
0x15c: {  	_ =	swait.ge [sflag:s14], $0x2000  }
0x15d: {  	[sflag:s14] =	ssyncset.done $0x0  }
0x15e: {  	[sflag:s14] =	ssyncadd.s32 $0xFFFFE000  }
0x15f: {  	[spmem:s3] =	stream.indirect.scatter.add.f32 [tilespmem:s10], [sflag:$0x5], $0x10, s19, s9, $0xb8;
	[tilespmem:$0x12000] =	vst v63  }
0x160: {  	_ =	swait.ge [sflag:s5], $0x2000  }
0x161: {  	[sflag:s5] =	ssyncset.done $0x0  }
0x162: {  	[sflag:s5] =	ssyncadd.s32 $0xFFFFE000  }
0x163: {  	[tilespmem:s10], [sflag:$0x1] =	stream.indirect.gather [spmem:s2], $0x10, s20, s9, $0xb8;
	[tilespmem:$0x12000] =	vst v63  }
0x164: {  	_ =	swait.ge [sflag:s15], $0x2000  }
0x165: {  	[sflag:s15] =	ssyncset.done $0x0  }
0x166: {  	[sflag:s15] =	ssyncadd.s32 $0xFFFFE000  }
0x167: {  	[spmem:s3] =	stream.indirect.scatter.add.f32 [tilespmem:s11], [sflag:$0x5], $0x10, s21, s9, $0xb8;
	[tilespmem:$0x12000] =	vst v63  }
0x168: {  	_ =	swait.ge [sflag:s5], $0x2000  }
0x169: {  	[sflag:s5] =	ssyncset.done $0x0  }
0x16a: {  	[sflag:s5] =	ssyncadd.s32 $0xFFFFE000  }
0x16b: {  	[tilespmem:s11], [sflag:$0x2] =	stream.indirect.gather [spmem:s2], $0x10, s22, s9, $0xb8;
	[tilespmem:$0x12000] =	vst v63  }
0x16c: {  	_ =	swait.ge [sflag:s16], $0x2000  }
0x16d: {  	[sflag:s16] =	ssyncset.done $0x0  }
0x16e: {  	[sflag:s16] =	ssyncadd.s32 $0xFFFFE000  }
0x16f: {  	[spmem:s3] =	stream.indirect.scatter.add.f32 [tilespmem:s12], [sflag:$0x5], $0x10, s23, s9, $0xb8;
	[tilespmem:$0x12000] =	vst v63  }
0x170: {  	_ =	swait.ge [sflag:s5], $0x2000  }
0x171: {  	[sflag:s5] =	ssyncset.done $0x0  }
0x172: {  	[sflag:s5] =	ssyncadd.s32 $0xFFFFE000  }
0x173: {  	[tilespmem:s12], [sflag:$0x3] =	stream.indirect.gather [spmem:s2], $0x10, s24, s9, $0xb8;
	[tilespmem:$0x12000] =	vst v63  }
0x174: {  	_ =	swait.ge [sflag:s17], $0x2000  }
0x175: {  	[sflag:s17] =	ssyncset.done $0x0  }
0x176: {  	[sflag:s17] =	ssyncadd.s32 $0xFFFFE000  }
0x177: {  	[spmem:s3] =	stream.indirect.scatter.add.f32 [tilespmem:s13], [sflag:$0x5], $0x10, s25, s9, $0xb8;
	[tilespmem:$0x12000] =	vst v63  }
0x178: {  	_ =	swait.ge [sflag:s5], $0x2000  }
0x179: {  	[sflag:s5] =	ssyncset.done $0x0  }
0x17a: {  	[sflag:s5] =	ssyncadd.s32 $0xFFFFE000  }
0x17b: {  	[tilespmem:s13], [sflag:$0x4] =	stream.indirect.gather [spmem:s2], $0x10, s26, s9, $0xb8;
	[tilespmem:$0x12000] =	vst v63  }
0x17c: {  	_ =	swait.ge [sflag:s14], $0x2000  }
0x17d: {  	[sflag:s14] =	ssyncset.done $0x0  }
0x17e: {  	[sflag:s14] =	ssyncadd.s32 $0xFFFFE000  }
0x17f: {  	[spmem:s3] =	stream.indirect.scatter.add.f32 [tilespmem:s10], [sflag:$0x5], $0x10, s28, s9, $0xb8;
	[tilespmem:$0x12000] =	vst v63  }
0x180: {  	_ =	swait.ge [sflag:s5], $0x2000  }
0x181: {  	[sflag:s5] =	ssyncset.done $0x0  }
0x182: {  	[sflag:s5] =	ssyncadd.s32 $0xFFFFE000  }
0x183: {  	_ =	swait.ge [sflag:s15], $0x2000  }
0x184: {  	[sflag:s15] =	ssyncset.done $0x0  }
0x185: {  	[sflag:s15] =	ssyncadd.s32 $0xFFFFE000  }
0x186: {  	[spmem:s3] =	stream.indirect.scatter.add.f32 [tilespmem:s11], [sflag:$0x5], $0x10, s29, s9, $0xb8;
	[tilespmem:$0x12000] =	vst v63  }
0x187: {  	_ =	swait.ge [sflag:s5], $0x2000  }
0x188: {  	[sflag:s5] =	ssyncset.done $0x0  }
0x189: {  	[sflag:s5] =	ssyncadd.s32 $0xFFFFE000  }
0x18a: {  	_ =	swait.ge [sflag:s16], $0x2000  }
0x18b: {  	[sflag:s16] =	ssyncset.done $0x0  }
0x18c: {  	[sflag:s16] =	ssyncadd.s32 $0xFFFFE000  }
0x18d: {  	[spmem:s3] =	stream.indirect.scatter.add.f32 [tilespmem:s12], [sflag:$0x5], $0x10, s30, s9, $0xb8;
	[tilespmem:$0x12000] =	vst v63  }
0x18e: {  	_ =	swait.ge [sflag:s5], $0x2000  }
0x18f: {  	[sflag:s5] =	ssyncset.done $0x0  }
0x190: {  	[sflag:s5] =	ssyncadd.s32 $0xFFFFE000  }
0x191: {  	_ =	swait.ge [sflag:s17], $0x2000  }
0x192: {  	[sflag:s17] =	ssyncset.done $0x0  }
0x193: {  	[sflag:s17] =	ssyncadd.s32 $0xFFFFE000  }
0x194: {  	[spmem:s3] =	stream.indirect.scatter.add.f32 [tilespmem:s13], [sflag:$0x5], $0x10, s31, s9, $0xb8;
	[tilespmem:$0x12000] =	vst v63  }
0x195: {  	p0 =	sne.s32 s1, $0x1;
	_ =	swait.ge [sflag:s5], $0x2000  }
.Ltmp1:
0x196: {  	[sflag:s5] =	ssyncset.done $0x0;
	(pc) =	sbr.rel @p0 .LBB2_1-.Ltmp1, $4  }
0x197: {  	[sflag:s5] =	ssyncadd.s32 $0xFFFFE000  }
0x198: {  	[bflag:$0x0] =	sbarrier.arrive $0xFFFF  }
0x199: {  	s1 =	sadd.s32 $0xFFFFFFFF, s1;
	s18 =	rddreg [dreg:$0x8]  }
0x19a: {  	[hbm:s18], [sflag:s7] =	dma.local [spmem:s8], $0x500  }
.LBB2_2:
0x19b: {  	_ =	swait.ge [sflag:s5], $0x500  }
0x19c: {  	[sflag:s5] =	ssyncset.done $0x0  }
0x19d: {  	[sflag:s5] =	ssyncadd.s32 $0xFFFFFB00  }
0x19e: {  	_ =	sfence.sel $0x180000  }
0x19f: {  	[bflag:$0x0] =	sbarrier.arrive $0xFFFF  }
0x1a0: {  	_ =	strace $0x9000004D  }
0x1a1: {  	s0 =	stileid.u32;
	[bflag:$0x2] =	sbarrier.arrive $0xFFFF  }
0x1a2: {  	p0 =	sne.s32 s0, $0x0;
	s0 =	rddreg [dreg:$0x3]  }
0x1a3: {  	s0 =	sadd.s32 @!p0 $0x100000, s0  }
0x1a4: {  	[sflag:s0] =	ssyncadd.tile.s32 @!p0 $0x1;
	_ =	shalt  }
.Lfunc_end2:
_tile_overlayer_lowered:
.L_overlay_start_2:
0x1a5: {  	(tag) =	ssettag $0x2  }
0x1a6: {  	s0 =	rddreg [dreg:$0x0];
	s2 =	stileid.u32  }
0x1a7: {  	s1 =	rddreg [dreg:$0x1];
	p0 =	sne.s32 s2, $0x0  }
0x1a8: {  	s3 =	rddreg [dreg:$0x2];
	[bflag:$0x3] =	sbarrier.arrive $0xFFFF;
	s2 =	simm.s32 @!p0 $0x1C05  }
0x1a9: {  	[timem:s3], [sflag:s2] =	dma.local @!p0 [hbm:s0], s1  }
0x1aa: {  	s0 =	simm.s32 @!p0 $0x5  }
0x1ab: {  	_ =	swait.ge @!p0 [sflag:s0], s1  }
0x1ac: {  	s1 =	ssub.s32 @!p0 $0x0, s1;
	[sflag:s0] =	ssyncset.done @!p0 $0x0  }
0x1ad: {  	[sflag:s0] =	ssyncadd.s32 @!p0 s1  }
0x1ae: {  	[bflag:$0x3] =	sbarrier.arrive $0xFFFF  }
0x1af: {  	_ =	shalt  }

// kernel: kernel.20.cloned.1.call-start
scs
__scs_entry_jumppad:
0x0: {  	(pc) =	sbr.rel $0x88, $3  }
0x1: {  	(tag) =	ssettag $0x0;
	lr =	simm.s32 $0x1  }
0x2: {  	[smem:$0x3F92] =	sst lr;
	_ =	strace $0xD0000000  }
0x3: {  	_ = 	snop  }
0x4: {  	_ = 	snop  }
0x5: {  	_ = 	snop  }
0x6: {  	_ = 	snop  }
0x7: {  	_ = 	snop  }
__scs_overlays_trampoline_lowered:
0x8: {  	[smem:$0x3FA1] =	sst s0  }
0x9: {  	[smem:$0x3FA2] =	sst s1  }
0xa: {  	[smem:$0x3FA3] =	sst s2  }
0xb: {  	[smem:$0x3FA4] =	sst s3  }
0xc: {  	[smem:$0x3FA5] =	sst s4  }
0xd: {  	[smem:$0x3FA6] =	sst s5  }
0xe: {  	[smem:$0x3FA7] =	sst s6  }
0xf: {  	[smem:$0x3FA8] =	sst s7  }
0x10: {  	[smem:$0x3FA9] =	sst s8  }
0x11: {  	[smem:$0x3FAA] =	sst s9;
	s0 =	simm.s32 @!p0 $0x0  }
0x12: {  	s1 =	sld [smem:$0x3F90];
	s0 =	simm.s32 @p0 $0x1  }
0x13: {  	[smem:$0x3FAB] =	sst s0;
	s0 =	simm.s32 @!p1 $0x0  }
0x14: {  	s2 =	sld [smem:$0x3F8F];
	s0 =	simm.s32 @p1 $0x1  }
0x15: {  	[smem:$0x3FAC] =	sst s0;
	s0 =	simm.s32 @!p2 $0x0  }
0x16: {  	s3 =	sld [smem:$0x3FDB];
	s0 =	simm.s32 @p2 $0x1  }
0x17: {  	s4 =	simm.s32 $0x1BF5;
	[smem:$0x3FAE] =	sst s0  }
0x18: {  	s0 =	sld [smem:$0x3F91];
	_ =	swait.ge [sflag:s4], $0x0  }
0x19: {  	s7 =	sld [smem:$0x3F92]  }
0x1a: {  	s8 =	sadd.s32 $0xFFFFE003, lr  }
0x1b: {  	s9 =	sadd.s32 $0xFFFFFEF7, lr;
	s5 =	simm.s32 $0xFFFFFFFF;
	p2 =	slt.u32 s8, $0xFFFFF086  }
0x1c: {  	p1 =	slt.u32 s9, $0xF7A;
	s5 =	simm.s32 @!p2 $0x0  }
0x1d: {  	s5 =	simm.s32 @p1 $0x1;
	p0 =	seq.s32 s7, s2  }
0x1e: {  	s7 =	smul.u32 @!p0 $0xF7A, s2;
	p2 =	seq.s32 @!p0 s5, $0x0  }
0x1f: {  	s9 =	smul.u32 $0xF7A, s1;
	s8 =	simm.s32 @!p0 $0x1BF5;
	p2 =	por !p2, p0  }
0x20: {  	[sflag:s8] =	ssyncset.s32 @!p0 $0xFFFFF086;
	s6 =	sadd.s32 @!p0 s3, s7;
	s7 =	simm.s32 @!p0 $0x108  }
0x21: {  	s3 =	sadd.s32 s3, s9;
	s6 =	sadd.s32 @!p0 $0x88, s6;
	s7 =	simm.s32 @p2 $0x1082  }
0x22: {  	[simem:s7], [sflag:s8] =	dma.local @!p0 [hbm:s6], $0xF7A  }
0x23: {  	s9 =	sor.u32 $0xD0000000, s2;
	s6 =	simm.s32 $0x108;
	_ =	swait.ge @!p0 [sflag:s8], $0x0  }
0x24: {  	s3 =	sadd.s32 $0x88, s3;
	s6 =	simm.s32 @!p1 $0x1082;
	[sflag:s4] =	ssyncset.s32 $0xFFFFF086  }
0x25: {  	[simem:s6], [sflag:s4] =	dma.local [hbm:s3], $0xF7A  }
0x26: {  	[smem:$0x3F92] =	sst s1;
	(tag) =	ssettag s2;
	_ =	strace s9  }
0x27: {  	s1 =	sld [smem:$0x3FA2]  }
0x28: {  	s2 =	sld [smem:$0x3FA3]  }
0x29: {  	s4 =	sld [smem:$0x3FA5]  }
0x2a: {  	p0 =	seq.s32 s5, $0x0;
	s5 =	sld [smem:$0x3FA6]  }
0x2b: {  	s6 =	sld [smem:$0x3FA7]  }
0x2c: {  	s7 =	sld [smem:$0x3FA8]  }
0x2d: {  	s3 =	simm.s32 $0x108;
	s8 =	sld [smem:$0x3FA9]  }
0x2e: {  	s3 =	simm.s32 @!p0 $0x1082;
	s9 =	sld [smem:$0x3FAA]  }
0x2f: {  	lr =	sadd.s32 s0, s3;
	s0 =	sld [smem:$0x3FA1]  }
0x30: {  	s3 =	sld [smem:$0x3FA4]  }
0x31: {  	[smem:$0x3FAD] =	sst s10  }
0x32: {  	s10 =	sld [smem:$0x3FAB];
	_ =	sdelay $0x3  }
0x33: {  	p0 =	seq.s32 s10, $0x1;
	s10 =	sld [smem:$0x3FAD];
	_ =	sdelay $0x3  }
0x34: {  	[smem:$0x3FAD] =	sst s10  }
0x35: {  	s10 =	sld [smem:$0x3FAC];
	_ =	sdelay $0x3  }
0x36: {  	p1 =	seq.s32 s10, $0x1;
	s10 =	sld [smem:$0x3FAD];
	_ =	sdelay $0x3  }
0x37: {  	[smem:$0x3FAD] =	sst s10  }
0x38: {  	s10 =	sld [smem:$0x3FAE]  }
0x39: {  	_ = 	snop;
	(pc) =	sbr.ind lr, $3  }
0x3a: {  	_ = 	snop  }
0x3b: {  	_ = 	snop  }
0x3c: {  	p2 =	seq.s32 s10, $0x1;
	s10 =	sld [smem:$0x3FAD]  }
0x3d: {  	_ =	shalt  }
0x3e: {  	_ =	shalt  }
0x3f: {  	_ =	shalt  }
0x40: {  	_ =	shalt  }
0x41: {  	_ =	shalt  }
0x42: {  	_ =	shalt  }
0x43: {  	_ =	shalt  }
0x44: {  	_ =	shalt  }
0x45: {  	_ =	shalt  }
0x46: {  	_ =	shalt  }
0x47: {  	_ =	shalt  }
0x48: {  	_ =	shalt  }
0x49: {  	_ =	shalt  }
0x4a: {  	_ =	shalt  }
0x4b: {  	_ =	shalt  }
0x4c: {  	_ =	shalt  }
0x4d: {  	_ =	shalt  }
0x4e: {  	_ =	shalt  }
0x4f: {  	_ =	shalt  }
0x50: {  	_ =	shalt  }
0x51: {  	_ =	shalt  }
0x52: {  	_ =	shalt  }
0x53: {  	_ =	shalt  }
0x54: {  	_ =	shalt  }
0x55: {  	_ =	shalt  }
0x56: {  	_ =	shalt  }
0x57: {  	_ =	shalt  }
0x58: {  	_ =	shalt  }
0x59: {  	_ =	shalt  }
0x5a: {  	_ =	shalt  }
0x5b: {  	_ =	shalt  }
0x5c: {  	_ =	shalt  }
0x5d: {  	_ =	shalt  }
0x5e: {  	_ =	shalt  }
0x5f: {  	_ =	shalt  }
0x60: {  	_ =	shalt  }
0x61: {  	_ =	shalt  }
0x62: {  	_ =	shalt  }
0x63: {  	_ =	shalt  }
0x64: {  	_ =	shalt  }
0x65: {  	_ =	shalt  }
0x66: {  	_ =	shalt  }
0x67: {  	_ =	shalt  }
0x68: {  	_ =	shalt  }
0x69: {  	_ =	shalt  }
0x6a: {  	_ =	shalt  }
0x6b: {  	_ =	shalt  }
0x6c: {  	_ =	shalt  }
0x6d: {  	_ =	shalt  }
0x6e: {  	_ =	shalt  }
0x6f: {  	_ =	shalt  }
0x70: {  	_ =	shalt  }
0x71: {  	_ =	shalt  }
0x72: {  	_ =	shalt  }
0x73: {  	_ =	shalt  }
0x74: {  	_ =	shalt  }
0x75: {  	_ =	shalt  }
0x76: {  	_ =	shalt  }
0x77: {  	_ =	shalt  }
0x78: {  	_ =	shalt  }
0x79: {  	_ =	shalt  }
0x7a: {  	_ =	shalt  }
0x7b: {  	_ =	shalt  }
0x7c: {  	_ =	shalt  }
0x7d: {  	_ =	shalt  }
0x7e: {  	_ =	shalt  }
0x7f: {  	_ =	shalt  }
0x80: {  	_ =	shalt  }
0x81: {  	_ =	shalt  }
0x82: {  	_ =	shalt  }
0x83: {  	_ =	shalt  }
0x84: {  	_ =	shalt  }
0x85: {  	_ =	shalt  }
0x86: {  	_ =	shalt  }
0x87: {  	_ =	shalt  }
.Lfunc_end0:
.L_simem_size_0:
called_computation.3_lowered:
.L_overlay_start_0:
0x88: {  	s2 =	sld [smem:$0x3FD9]  }
0x89: {  	s3 =	sld [smem:$0x3FFE];
	_ =	sdelay $0x1  }
0x8a: {  	s1 =	srdreg.scid  }
0x8b: {  	s0 =	sand.u32 $0x1, s1  }
0x8c: {  	s17 =	sshll.u32 s0, $0xA;
	s2 =	sadd.s32 s3, s2  }
0x8d: {  	s2 =	sadd.s32 s2, s17  }
0x8e: {  	[smem:$0x3FB9] =	sst s2  }
0x8f: {  	_ = 	snop  }
0x90: {  	s2 =	sld [smem:$0x3FC7];
	(tm) =	ssettm $0x1  }
0x91: {  	s18 =	sld [smem:$0x3FFB];
	_ =	sdelay $0x3  }
0x92: {  	_ =	strace s18  }
0x93: {  	s3 =	sld [smem:$0x3FFC];
	_ =	sdelay $0x3  }
0x94: {  	_ =	strace s3  }
0x95: {  	s3 =	sld [smem:$0x3FFD];
	_ =	sdelay $0x3  }
0x96: {  	_ =	strace s3  }
0x97: {  	_ =	strace $0x8FFFFFFF  }
0x98: {  	s19 =	sld [smem:$0x3FDB];
	_ =	sdelay $0x1  }
0x99: {  	s4 =	simm.s32 $_scs_section_size  }
0x9a: {  	s5 =	simm.s32 $_size__tile_overlayer_lowered;
	s6 =	simm.s32 $_tile_overlayer_lowered  }
0x9b: {  	s22 =	simm.s32 $0x1BFF;
	s21 =	sshll.u32 s6, $0x1;
	s3 =	sadd.s32 s4, s19  }
0x9c: {  	s7 =	simm.s32 $0x0;
	s20 =	sshll.u32 s5, $0x1;
	s5 =	sadd.s32 s21, s3  }
0x9d: {  	[timem:s7], [sflag:s22] =	dma.local [hbm:s5], s20  }
0x9e: {  	_ =	swait.ge [sflag:s22], s20  }
0x9f: {  	s4 =	ssub.s32 $0x0, s20;
	[sflag:s22] =	ssyncset.done $0x0  }
0xa0: {  	[sflag:s22] =	ssyncadd.s32 s4;
	_ =	sdelay $0x1  }
0xa1: {  	s23 =	simm.s32 $0x1B8B  }
0xa2: {  	_ =	swait.ge [sflag:s23], $0x1  }
0xa3: {  	[sflag:s23] =	ssyncset.done $0x0  }
0xa4: {  	s25 =	simm.s32 $0x1B8E;
	s24 =	sld [smem:$0x3FFE];
	[sflag:s23] =	ssyncadd.s32 $0xFFFFFFFF  }
0xa5: {  	s26 =	simm.s32 $execute0_lowered;
	[smem:$0x3FD2] =	sst s25  }
0xa6: {  	s5 =	sshll.u32 s26, $0x1;
	_ =	strace $0x8000004F;
	[dreg:$0x1] =	wrdreg $0xFFFFFFFF  }
0xa7: {  	s28 =	simm.s32 $_size_execute0_lowered;
	s3 =	sadd.s32 s3, s5;
	[dreg:$0x0] =	wrdreg $0x0  }
0xa8: {  	s5 =	sshll.u32 s28, $0x1;
	[dreg:$0x2] =	wrdreg s3  }
0xa9: {  	[dreg:$0x3] =	wrdreg s5  }
0xaa: {  	[dreg:$0x4] =	wrdreg $0xC0  }
0xab: {  	_ =	task [dreg:s7], $0x5FFFF  }
0xac: {  	[dreg:$0x1] =	wrdreg $0xFFFFFFFF  }
0xad: {  	[dreg:$0x0] =	wrdreg $0x60  }
0xae: {  	[dreg:$0x2] =	wrdreg s24  }
0xaf: {  	[dreg:$0x3] =	wrdreg s2  }
0xb0: {  	[dreg:$0x4] =	wrdreg $0x9  }
0xb1: {  	_ =	task.clear_ibuf [dreg:s7], $0x5FFFF;
	_ =	strace $0x9000004F  }
0xb2: {  	s29 =	simm.s32 $0x9;
	_ =	strace $0x80000051  }
0xb3: {  	_ =	swait.ge [sflag:s29], $0x1  }
0xb4: {  	[sflag:s29] =	ssyncadd.s32 $0xFFFFFFFF  }
0xb5: {  	_ =	strace $0x90000051  }
0xb6: {  	_ =	sfence  }
0xb7: {  	s30 =	sld [smem:$0x0];
	_ =	sdelay $0x2  }
0xb8: {  	s31 =	sshll.u32 s1, $0xD;
	s1 =	sshrl.u32 s1, $0x2  }
0xb9: {  	s3 =	sand.u32 $0x4000, s31;
	s1 =	sadd.s32 s1, s30  }
0xba: {  	s0 =	sor.u32 s3, s0;
	s1 =	sshll.u32 s1, $0x11  }
0xbb: {  	s0 =	sor.u32 s1, s0  }
0xbc: {  	s0 =	sadd.s32 $0x8F2B, s0  }
0xbd: {  	[sflag:s0] =	ssyncadd.remote.s32 $0x1  }
0xbe: {  	_ =	sfence.sel $0xFFFF  }
0xbf: {  	[dreg:$0x0] =	wrdreg $0xFFFFFFFF;
	(pc) =	sbr.abs _section_cstart, $3  }
0xc0: {  	[dreg:$0x1] =	wrdreg $0xFFFFFFFF  }
0xc1: {  	_ =	task.clear_ibuf [dreg:s7], $0x2FFFF;
	_ =	strace $0x9FFFFFFF  }
0xc2: {  	(tm) =	ssettm $0x7FFFFFFF  }
0xc3: {  	_ =	shalt  }
tec
execute0_lowered:
.L_overlay_start_1:
0x0: {  	(tag) =	ssettag $0x1  }
0x1: {  	s1 =	srdreg.scid  }
0x2: {  	s8 =	rddreg [dreg:$0x0];
	s0 =	stileid.u32  }
0x3: {  	s3 =	rddreg [dreg:$0x1];
	s2 =	simm.s32 $0x0;
	s6 =	sand.u32 $0x1, s1  }
0x4: {  	s4 =	sshll.u32 s0, $0x7;
	s1 =	rddreg [dreg:$0x2];
	s5 =	sshll.u32 s6, $0x6  }
0x5: {  	s7 =	simm.s32 $0x1;
	[smem:$0x7FF] =	sst s2;
	s9 =	sor.u32 s5, s4  }
0x6: {  	_ =	strace $0x80000050;
	s10 =	ssub.s32 $0x2, s6;
	s4 =	sshrl.u32 s9, $0x3  }
0x7: {  	s6 =	simm.s32 $0x40;
	s4 =	sadd.s32 s3, s4;
	s3 =	simm.s32 $0x2  }
0x8: {  	[tilespmem:s2], [sflag:$0x2] =	stream.linear.gather [hbm4b:s4+s2], $0x40, $0x38;
	[tilespmem:$0x440] =	vst v63  }
0x9: {  	s5 =	sadd.s32 $0x3800, s8;
	s11 =	sshrl.u32 s10, $0x1;
	_ =	swait.ge [sflag:s3], $0x40  }
0xa: {  	s9 =	sshll.u32 s9, $0x1;
	s31 =	ssub.s32 s10, s11;
	[sflag:s3] =	ssyncset.done $0x0  }
0xb: {  	s8 =	sadd.s32 s9, s8;
	s9 =	smax.u32 s31, $0x1;
	[sflag:s3] =	ssyncadd.s32 $0xFFFFFFC0  }
0xc: {  	[tilespmem:s6], [sflag:$0x1] =	stream.indirect.gather [hbm4b:s5+s6], $0x10, s2, s6, $0xb8;
	[tilespmem:$0x440] =	vst v63  }
0xd: {  	p0 =	sne.s32 s9, $0x1;
	_ =	swait.ge [sflag:s7], $0x400  }
.Ltmp0:
0xe: {  	[sflag:s7] =	ssyncset.done $0x0;
	(pc) =	sbr.rel @!p0 .LBB2_2-.Ltmp0, $4  }
0xf: {  	s8 =	sadd.s32 $0x8800, s8;
	[sflag:s7] =	ssyncadd.s32 $0xFFFFFC00  }
0x10: {  	[hbm4b:s8+s2] =	stream.linear.scatter [tilespmem:s6], [sflag:$0x2], $0x400, $0x38;
	[tilespmem:$0x440] =	vst v63  }
0x11: {  	_ =	swait.ge [sflag:s3], $0x400  }
0x12: {  	s9 =	sadd.s32 $0xFFFFFFFF, s9;
	[sflag:s3] =	ssyncset.done $0x0  }
.LBB2_1:
0x13: {  	p0 =	sne.s32 s9, $0x1;
	s9 =	sadd.s32 $0xFFFFFFFF, s9;
	[sflag:s3] =	ssyncadd.s32 $0xFFFFFC00  }
0x14: {  	[tilespmem:s2], [sflag:$0x2] =	stream.linear.gather [hbm4b:s4+s2], $0x40, $0x38;
	[tilespmem:$0x440] =	vst v63  }
0x15: {  	_ =	swait.ge [sflag:s3], $0x40  }
0x16: {  	[sflag:s3] =	ssyncset.done $0x0  }
0x17: {  	[sflag:s3] =	ssyncadd.s32 $0xFFFFFFC0  }
0x18: {  	[tilespmem:s6], [sflag:$0x1] =	stream.indirect.gather [hbm4b:s5+s6], $0x10, s2, s6, $0xb8;
	[tilespmem:$0x440] =	vst v63  }
0x19: {  	_ =	swait.ge [sflag:s7], $0x400  }
.Ltmp1:
0x1a: {  	[sflag:s7] =	ssyncset.done $0x0;
	(pc) =	sbr.rel @p0 .LBB2_1-.Ltmp1, $4  }
0x1b: {  	[sflag:s7] =	ssyncadd.s32 $0xFFFFFC00  }
0x1c: {  	[hbm4b:s8+s2] =	stream.linear.scatter [tilespmem:s6], [sflag:$0x2], $0x400, $0x38;
	[tilespmem:$0x440] =	vst v63  }
0x1d: {  	_ =	swait.ge [sflag:s3], $0x400  }
0x1e: {  	[sflag:s3] =	ssyncset.done $0x0  }
.LBB2_2:
0x1f: {  	[sflag:s3] =	ssyncadd.s32 $0xFFFFFC00  }
0x20: {  	_ =	sfence.sel $0x180000  }
0x21: {  	[bflag:$0x0] =	sbarrier.arrive $0xFFFF  }
0x22: {  	p0 =	sne.s32 s0, $0x0;
	_ =	strace $0x90000050  }
0x23: {  	s0 =	sadd.s32 @!p0 $0x100000, s1;
	[bflag:$0x2] =	sbarrier.arrive $0xFFFF  }
0x24: {  	[sflag:s0] =	ssyncadd.tile.s32 @!p0 $0x1;
	_ =	shalt  }
.Lfunc_end2:
_tile_overlayer_lowered:
.L_overlay_start_2:
0x25: {  	(tag) =	ssettag $0x2  }
0x26: {  	s0 =	rddreg [dreg:$0x0];
	s2 =	stileid.u32  }
0x27: {  	s1 =	rddreg [dreg:$0x1];
	p0 =	sne.s32 s2, $0x0  }
0x28: {  	s3 =	rddreg [dreg:$0x2];
	[bflag:$0x3] =	sbarrier.arrive $0xFFFF;
	s2 =	simm.s32 @!p0 $0x1C02  }
0x29: {  	[timem:s3], [sflag:s2] =	dma.local @!p0 [hbm:s0], s1  }
0x2a: {  	s0 =	simm.s32 @!p0 $0x2  }
0x2b: {  	_ =	swait.ge @!p0 [sflag:s0], s1  }
0x2c: {  	s1 =	ssub.s32 @!p0 $0x0, s1;
	[sflag:s0] =	ssyncset.done @!p0 $0x0  }
0x2d: {  	[sflag:s0] =	ssyncadd.s32 @!p0 s1  }
0x2e: {  	[bflag:$0x3] =	sbarrier.arrive $0xFFFF  }
0x2f: {  	_ =	shalt  }

</sc_bundles>
